<compile_context>
chip_gen: v7x
topology: tpu7x:2x2x1
jax: 0.10.2.dev20260603
libtpu: 0.0.44.dev20260713+nightly
codegen_flags: <defaults>
</compile_context>

<pallas_src>
import functools

import jax
import jax.numpy as jnp
from jax import lax
from jax.experimental import pallas as pl
from jax.experimental.pallas import tpu as pltpu
from jax.experimental.pallas import tpu_sc as plsc

F32 = jnp.float32
N = 4096
E = 131072
D_NODE = 128
D_EDGE = 16
H = 64
OUT = 64
EMB = 2


def _dot(a, b):
    return lax.dot_general(
        a, b, (((a.ndim - 1,), (0,)), ((), ())),
        precision=lax.Precision.HIGHEST, preferred_element_type=F32)


def _blockdiag(w, k):
    return jax.scipy.linalg.block_diag(*([w] * k))



NC = 2
NS = 16
NW = NC * NS
EPW = E // NW
CH = 64
NCHUNK = EPW // CH
NSTRIPE = N // NS


def _sc_edge_body(pq_hbm, r_hbm, ei_hbm,
                  relu_out, spart_out,
                  rowi, coli, rows_s, pqr, pqc, rbuf, hbuf64, hbuf,
                  sem_i, sem_p0, sem_p1, sem_q0, sem_q1, sem_r0, sem_r1,
                  sem_s0, sem_s1, sem_o0, sem_o1, s_sh):
    sems_p = (sem_p0, sem_p1)
    sems_q = (sem_q0, sem_q1)
    sems_r = (sem_r0, sem_r1)
    sems_s = (sem_s0, sem_s1)
    sems_o = (sem_o0, sem_o1)
    cid = lax.axis_index("c")
    sid = lax.axis_index("s")
    wid = sid * NC + cid

    def _zrow(i, _):
        for k in range(8):
            hbuf[0, i, pl.ds(k * 16, 16)] = jnp.zeros((16,), F32)
        return 0
    lax.fori_loop(0, CH, _zrow, 0)
    base_n = sid * NSTRIPE
    for z in range(NSTRIPE // CH):
        pltpu.sync_copy(hbuf.at[0], s_sh.at[pl.ds(base_n + z * CH, CH)])

    def _orow(i, _):
        hbuf[0, i, pl.ds(H, 16)] = jnp.ones((16,), F32)
        hbuf[1, i, pl.ds(H, 16)] = jnp.ones((16,), F32)
        for k in range(5, 8):
            hbuf[1, i, pl.ds(k * 16, 16)] = jnp.zeros((16,), F32)
        return 0
    lax.fori_loop(0, CH, _orow, 0)
    plsc.subcore_barrier()

    ebase = wid * EPW

    def _idx_copy(c, b):
        base = ebase + c * CH
        pltpu.async_copy(ei_hbm.at[0, pl.ds(base, CH)], rowi.at[b], sem_i)
        pltpu.async_copy(ei_hbm.at[1, pl.ds(base, CH)], coli.at[b], sem_i)

    def _gathers(c, b):
        base = ebase + c * CH
        pltpu.async_copy(pq_hbm.at[rowi.at[b]], pqr.at[b], sems_p[b])
        pltpu.async_copy(pq_hbm.at[coli.at[b]], pqc.at[b], sems_q[b])
        pltpu.async_copy(
            r_hbm.at[pl.ds(pl.multiple_of(base // 8, 8), CH // 8)],
            rbuf.at[b], sems_r[b])

    def _wait_gathers(b):
        pltpu.make_async_copy(
            pq_hbm.at[rowi.at[b]], pqr.at[b], sems_p[b]).wait()
        pltpu.make_async_copy(
            pq_hbm.at[coli.at[b]], pqc.at[b], sems_q[b]).wait()
        pltpu.make_async_copy(
            r_hbm.at[pl.ds(0, CH // 8)], rbuf.at[b], sems_r[b]).wait()

    def _wait_stores(b):
        pltpu.make_async_copy(
            hbuf.at[b], s_sh.at[rows_s.at[b]], sems_s[b]).wait()
        pltpu.make_async_copy(
            hbuf64.at[b], relu_out.at[pl.ds(0, CH // 8)], sems_o[b]).wait()

    _idx_copy(0, 0)
    _idx_copy(1, 1)
    pltpu.make_async_copy(ei_hbm.at[0, pl.ds(0, CH)], rowi.at[0], sem_i).wait()
    pltpu.make_async_copy(ei_hbm.at[0, pl.ds(0, CH)], coli.at[0], sem_i).wait()
    pltpu.make_async_copy(ei_hbm.at[0, pl.ds(0, CH)], rowi.at[1], sem_i).wait()
    pltpu.make_async_copy(ei_hbm.at[0, pl.ds(0, CH)], coli.at[1], sem_i).wait()
    _gathers(0, 0)
    _gathers(1, 1)

    def _pair(t, _):
        for b in range(2):
            c = 2 * t + b
            base = ebase + c * CH

            @pl.when(t > 0)
            def _():
                _wait_stores(b)

            _wait_gathers(b)

            for i2 in range(CH // 16):
                sl16 = pl.ds(i2 * 16, 16)
                rows_s[b, sl16] = rowi[b, sl16]

            @pl.when(t < NCHUNK // 2 - 1)
            def _():
                _idx_copy(c + 2, b)

            def _crow(ip, _2):
                for io in range(8):
                    i = ip * 8 + io
                    for k in range(4):
                        sl = pl.ds(k * 16, 16)
                        slp = pl.ds(io * H + k * 16, 16)
                        v = jnp.maximum(
                            pqr[b, i, sl] + pqc[b, i, pl.ds(H + k * 16, 16)]
                            + rbuf[b, ip, slp], 0.0)
                        hbuf[b, i, sl] = v
                        hbuf64[b, ip, slp] = v
                return 0
            lax.fori_loop(0, CH // 8, _crow, 0)

            pltpu.async_copy(hbuf.at[b], s_sh.at[rows_s.at[b]], sems_s[b],
                             add=True)
            pltpu.async_copy(
                hbuf64.at[b],
                relu_out.at[pl.ds(pl.multiple_of(base // 8, 8), CH // 8)],
                sems_o[b])

            @pl.when(t < NCHUNK // 2 - 1)
            def _():
                pltpu.make_async_copy(ei_hbm.at[0, pl.ds(0, CH)],
                                      rowi.at[b], sem_i).wait()
                pltpu.make_async_copy(ei_hbm.at[0, pl.ds(0, CH)],
                                      coli.at[b], sem_i).wait()
                _gathers(c + 2, b)
        return 0
    lax.fori_loop(0, NCHUNK // 2, _pair, 0)

    _wait_stores(0)
    _wait_stores(1)
    plsc.subcore_barrier()
    pltpu.sync_copy(s_sh.at[pl.ds(base_n, NSTRIPE)],
                    spart_out.at[cid, pl.ds(base_n, NSTRIPE)])


def _sc_edge(pq, r, edge_index):
    mesh = plsc.VectorSubcoreMesh(core_axis_name="c", subcore_axis_name="s")
    fn = functools.partial(
        pl.kernel,
        mesh=mesh,
        out_type=[jax.ShapeDtypeStruct((E // 8, 8 * H), F32),
                  jax.ShapeDtypeStruct((NC, N, 2 * H), F32)],
        scratch_types=[
            pltpu.VMEM((2, CH), jnp.int32),
            pltpu.VMEM((2, CH), jnp.int32),
            pltpu.VMEM((2, CH), jnp.int32),
            pltpu.VMEM((2, CH, 2 * H), F32),
            pltpu.VMEM((2, CH, 2 * H), F32),
            pltpu.VMEM((2, CH // 8, 8 * H), F32),
            pltpu.VMEM((2, CH // 8, 8 * H), F32),
            pltpu.VMEM((2, CH, 2 * H), F32),
        ] + [pltpu.SemaphoreType.DMA] * 11 + [
            pltpu.VMEM_SHARED((N, 2 * H), F32),
        ],
    )(_sc_edge_body)
    return fn(pq, r, edge_index)



def _pre_body(nf_ref, w1eab_ref, pq_ref):
    pq_ref[...] = _dot(nf_ref[...], w1eab_ref[...])


def _r_body(ea_ref, w_ref, b_ref, r_ref):
    r_ref[...] = _dot(ea_ref[...], w_ref[...]) + b_ref[...]


def _epost_body(h_ref, wemb_ref, bemb_ref, wrec_ref, brec_ref,
                emb_ref, rec_ref):
    emb = _dot(h_ref[...], wemb_ref[...]) + bemb_ref[...]
    emb_ref[...] = emb
    rec_ref[...] = _dot(emb, wrec_ref[...]) + brec_ref[...]


def _node_body(sp_ref, nf_ref, w2e_ref, b2e_ref, w1n_ref, b1n_ref,
               w2n_ref, b2n_ref, wne_ref, bne_ref, wdn_ref, bdn_ref,
               emb_ref, rec_ref):
    sp = sp_ref[...]
    sboth = sp[0] + sp[1]
    s = sboth[:, :H]
    cnt = sboth[:, H:H + 1]
    agg = _dot(s, w2e_ref[...]) + cnt * b2e_ref[...]
    node_in = jnp.concatenate([nf_ref[...], agg], axis=1)
    hidden = jnp.maximum(_dot(node_in, w1n_ref[...]) + b1n_ref[...], 0.0)
    node_out = _dot(hidden, w2n_ref[...]) + b2n_ref[...]
    emb = _dot(node_out, wne_ref[...]) + bne_ref[...]
    emb_ref[...] = emb
    rec_ref[...] = _dot(emb, wdn_ref[...]) + bdn_ref[...]


def _adj_body(emb_ref, embt_ref, o_ref, *, bm):
    i = pl.program_id(0)
    a = emb_ref[...]
    bt = embt_ref[...]
    d0 = a[:, 0:1] - bt[0:1, :]
    d1 = a[:, 1:2] - bt[1:2, :]
    s = jax.nn.sigmoid(3.0 * (d0 * d0 + d1 * d1) - 1.0)
    rows = lax.broadcasted_iota(jnp.int32, (bm, N), 0) + i * bm
    cols = lax.broadcasted_iota(jnp.int32, (bm, N), 1)
    o_ref[...] = jnp.where(rows == cols, 0.0, s)



def kernel(node_feats, edge_index, edge_attr, W1e, b1e, W2e, b2e,
           W1n, b1n, W2n, b2n, Wne, bne, Wee, bee, Wdn, bdn, Wde, bde):
    w1ea = W1e[:D_NODE]
    w1eb = W1e[D_NODE:2 * D_NODE]
    w1ec = W1e[2 * D_NODE:]

    pq = pl.pallas_call(
        _pre_body,
        out_shape=jax.ShapeDtypeStruct((N, 2 * H), F32),
    )(node_feats, jnp.concatenate([w1ea, w1eb], axis=1))

    ea_packed = edge_attr.reshape(E // 8, 8 * D_EDGE)
    BR = 4096
    r = pl.pallas_call(
        _r_body,
        grid=(E // 8 // BR,),
        in_specs=[pl.BlockSpec((BR, 8 * D_EDGE), lambda i: (i, 0)),
                  pl.BlockSpec((8 * D_EDGE, 8 * H), lambda i: (0, 0)),
                  pl.BlockSpec((1, 8 * H), lambda i: (0, 0))],
        out_specs=pl.BlockSpec((BR, 8 * H), lambda i: (i, 0)),
        out_shape=jax.ShapeDtypeStruct((E // 8, 8 * H), F32),
    )(ea_packed, _blockdiag(w1ec, 8), jnp.tile(b1e, 8).reshape(1, 8 * H))

    relu_h, sp = _sc_edge(pq, r, edge_index)

    we2 = lax.dot_general(W2e, Wee, (((1,), (0,)), ((), ())),
                          precision=lax.Precision.HIGHEST,
                          preferred_element_type=F32)
    be2 = b2e @ Wee + bee

    BP = 2048
    emb_pk, rec_pk = pl.pallas_call(
        _epost_body,
        grid=(E // 8 // BP,),
        in_specs=[pl.BlockSpec((BP, 8 * H), lambda i: (i, 0)),
                  pl.BlockSpec((8 * H, 8 * EMB), lambda i: (0, 0)),
                  pl.BlockSpec((1, 8 * EMB), lambda i: (0, 0)),
                  pl.BlockSpec((8 * EMB, 8 * D_EDGE), lambda i: (0, 0)),
                  pl.BlockSpec((1, 8 * D_EDGE), lambda i: (0, 0))],
        out_specs=[pl.BlockSpec((BP, 8 * EMB), lambda i: (i, 0)),
                   pl.BlockSpec((BP, 8 * D_EDGE), lambda i: (i, 0))],
        out_shape=[jax.ShapeDtypeStruct((E // 8, 8 * EMB), F32),
                   jax.ShapeDtypeStruct((E // 8, 8 * D_EDGE), F32)],
    )(relu_h, _blockdiag(we2, 8),
      jnp.tile(be2, 8).reshape(1, 8 * EMB), _blockdiag(Wde, 8),
      jnp.tile(bde, 8).reshape(1, 8 * D_EDGE))
    edge_emb = emb_pk.reshape(E, EMB)
    recon_edge = rec_pk.reshape(E, D_EDGE)

    node_emb, recon_node = pl.pallas_call(
        _node_body,
        out_shape=[jax.ShapeDtypeStruct((N, EMB), F32),
                   jax.ShapeDtypeStruct((N, D_NODE), F32)],
    )(sp, node_feats, W2e, b2e.reshape(1, OUT), W1n, b1n.reshape(1, H),
      W2n, b2n.reshape(1, OUT), Wne, bne.reshape(1, EMB),
      Wdn, bdn.reshape(1, D_NODE))

    BM = 512
    adj = pl.pallas_call(
        functools.partial(_adj_body, bm=BM),
        grid=(N // BM,),
        in_specs=[pl.BlockSpec((BM, EMB), lambda i: (i, 0)),
                  pl.BlockSpec((EMB, N), lambda i: (0, 0))],
        out_specs=pl.BlockSpec((BM, N), lambda i: (i, 0)),
        out_shape=jax.ShapeDtypeStruct((N, N), F32),
    )(node_emb, node_emb.T)

    return (node_emb, edge_emb, recon_node, recon_edge, adj)

# --- scband reference (transcript-rebuilt; emitter-appended) ---
"""Pipeline reference for scband-node-edge-ae-90975997264164 (READ-ONLY COPY).

The authoritative reference and input builder live on the scoring server;
editing this copy changes nothing except your own understanding.
"""

import jax, jax.numpy as jnp
import numpy as np

N, E = 4096, 131072
D_NODE, D_EDGE, H, OUT, EMB = 128, 16, 64, 64, 2

def _w(k, i, o):
    return jax.random.normal(k, (i, o), jnp.float32) / np.sqrt(i)

def setup_inputs(seed: int = 0) -> dict:
    key = jax.random.key(seed)
    ks = jax.random.split(key, 16)
    inp = {}
    inp['node_feats'] = jax.random.normal(ks[0], (N, D_NODE), jnp.float32)
    inp['edge_index'] = jax.random.randint(ks[1], (2, E), 0, N, jnp.int32)
    inp['edge_attr'] = jax.random.normal(ks[2], (E, D_EDGE), jnp.float32)
    # edge_mlp: Linear(2*D_NODE + D_EDGE -> H), ReLU, Linear(H -> OUT)
    inp['W1e'] = _w(ks[3], 2 * D_NODE + D_EDGE, H); inp['b1e'] = jnp.zeros((H,), jnp.float32)
    inp['W2e'] = _w(ks[4], H, OUT); inp['b2e'] = jnp.zeros((OUT,), jnp.float32)
    # node_mlp: Linear(D_NODE + OUT -> H), ReLU, Linear(H -> OUT)
    inp['W1n'] = _w(ks[5], D_NODE + OUT, H); inp['b1n'] = jnp.zeros((H,), jnp.float32)
    inp['W2n'] = _w(ks[6], H, OUT); inp['b2n'] = jnp.zeros((OUT,), jnp.float32)
    # embedding heads
    inp['Wne'] = _w(ks[7], OUT, EMB); inp['bne'] = jnp.zeros((EMB,), jnp.float32)
    inp['Wee'] = _w(ks[8], OUT, EMB); inp['bee'] = jnp.zeros((EMB,), jnp.float32)
    # decoders (in torch these are freshly-initialized Linears inside forward; here materialized as params)
    inp['Wdn'] = _w(ks[9], EMB, D_NODE); inp['bdn'] = jnp.zeros((D_NODE,), jnp.float32)
    inp['Wde'] = _w(ks[10], EMB, D_EDGE); inp['bde'] = jnp.zeros((D_EDGE,), jnp.float32)
    return inp

def reference(node_feats, edge_index, edge_attr, W1e, b1e, W2e, b2e, W1n, b1n, W2n, b2n, Wne, bne, Wee, bee, Wdn, bdn, Wde, bde):
    row = edge_index[0]
    col = edge_index[1]
    # edge_model: gather endpoint feats, concat with edge_attr, MLP
    edge_in = jnp.concatenate([node_feats[row], node_feats[col], edge_attr], axis=1)
    edge_out = jax.nn.relu(edge_in @ W1e + b1e) @ W2e + b2e
    # node_model: unsorted_segment_sum of edge_out by row (scatter-add), concat, MLP
    agg = jnp.zeros((node_feats.shape[0], edge_out.shape[1]), edge_out.dtype).at[row].add(edge_out)
    node_in = jnp.concatenate([node_feats, agg], axis=1)
    node_out = jax.nn.relu(node_in @ W1n + b1n) @ W2n + b2n
    # encode embeddings
    node_emb = node_out @ Wne + bne
    edge_emb = edge_out @ Wee + bee
    # decode feature reconstructions
    recon_node_fs = node_emb @ Wdn + bdn
    recon_edge_fs = edge_emb @ Wde + bde
    # decode_to_adj: pairwise squared diffs, sum over emb dim, sigmoid(W*X + b), zero diag
    n = node_emb.shape[0]
    X = (node_emb[None, :, :] - node_emb[:, None, :]) ** 2
    X = X.reshape(n * n, -1)
    X = jax.nn.sigmoid(3.0 * jnp.sum(X, axis=1) - 1.0)
    adj_pred = X.reshape(n, n)
    adj_pred = adj_pred * (1.0 - jnp.eye(n, dtype=adj_pred.dtype))
    return (node_emb, edge_emb, recon_node_fs, recon_edge_fs, adj_pred)

if __name__ == "__main__":
    import jax
    _d = setup_inputs()
    print(jax.jit(kernel)(*tuple(_d.values())))

</pallas_src>

<mosaic_0001>
#map = affine_map<(d0, d1) -> (0, 0)>
#map1 = affine_map<(d0, d1) -> (0, 0, 0)>
module attributes {stable_mosaic.version = 14 : i64} {
  func.func @_sc_edge_body(%arg0: i32, %arg1: i32, %arg2: memref<4096x128xf32, #tpu.memory_space<hbm>>, %arg3: memref<16384x512xf32, #tpu.memory_space<hbm>>, %arg4: memref<2x131072xi32, #tpu.memory_space<hbm>>, %arg5: memref<16384x512xf32, #tpu.memory_space<hbm>>, %arg6: memref<2x4096x128xf32, #tpu.memory_space<hbm>>, %arg7: memref<2x64xi32, #tpu.memory_space<vmem>>, %arg8: memref<2x64xi32, #tpu.memory_space<vmem>>, %arg9: memref<2x64xi32, #tpu.memory_space<vmem>>, %arg10: memref<2x64x128xf32, #tpu.memory_space<vmem>>, %arg11: memref<2x64x128xf32, #tpu.memory_space<vmem>>, %arg12: memref<2x8x512xf32, #tpu.memory_space<vmem>>, %arg13: memref<2x8x512xf32, #tpu.memory_space<vmem>>, %arg14: memref<2x64x128xf32, #tpu.memory_space<vmem>>, %arg15: memref<!tpu.dma_semaphore, #tpu.memory_space<semaphore_mem>>, %arg16: memref<!tpu.dma_semaphore, #tpu.memory_space<semaphore_mem>>, %arg17: memref<!tpu.dma_semaphore, #tpu.memory_space<semaphore_mem>>, %arg18: memref<!tpu.dma_semaphore, #tpu.memory_space<semaphore_mem>>, %arg19: memref<!tpu.dma_semaphore, #tpu.memory_space<semaphore_mem>>, %arg20: memref<!tpu.dma_semaphore, #tpu.memory_space<semaphore_mem>>, %arg21: memref<!tpu.dma_semaphore, #tpu.memory_space<semaphore_mem>>, %arg22: memref<!tpu.dma_semaphore, #tpu.memory_space<semaphore_mem>>, %arg23: memref<!tpu.dma_semaphore, #tpu.memory_space<semaphore_mem>>, %arg24: memref<!tpu.dma_semaphore, #tpu.memory_space<semaphore_mem>>, %arg25: memref<!tpu.dma_semaphore, #tpu.memory_space<semaphore_mem>>, %arg26: memref<4096x128xf32, #tpu.memory_space<vmem_shared>>) attributes {dimension_semantics = [#tpu.dimension_semantics<core_parallel>, #tpu.dimension_semantics<subcore_parallel>], iteration_bounds = array<i64: 2, 16>, scalar_prefetch = 0 : i64, scratch_operands = 20 : i64, tpu.core_type = #tpu.core_type<sc_vector_subcore>, window_params = [{transform_indices = #map}, {transform_indices = #map}, {transform_indices = #map}, {transform_indices = #map}, {transform_indices = #map1}]} {
    %mul3A = arith.constant 2 : i32
    %mul3A_0 = arith.muli %arg1, %mul3A : i32
    %add3A = arith.addi %mul3A_0, %arg0 : i32
    %scan3A = arith.constant 0 : i32
    %scan3A_1 = arith.constant 0 : i32
    %scan3A_2 = arith.constant 64 : i32
    %scan3A_3 = arith.addi %scan3A_1, %scan3A_2 : i32
    %scan3A_4 = arith.constant 1 : i32
    %scan3A_5 = scf.for %scan3A_316 = %scan3A_1 to %scan3A_3 step %scan3A_4 iter_args(%scan3A_317 = %scan3A) -> (i32)  : i32 {
      %broadcast_in_dim3A = arith.constant 0.000000e+00 : f32
      %broadcast_in_dim3A_318 = vector.broadcast %broadcast_in_dim3A : f32 to vector<16xf32>
      %swap3A = arith.constant 0 : i32
      %swap3A_319 = arith.index_cast %swap3A : i32 to index
      %swap3A_320 = arith.index_cast %scan3A_316 : i32 to index
      %swap3A_321 = arith.constant 0 : index
      %swap3A_322 = tpu.vector_load %arg14[%swap3A_319, %swap3A_320, %swap3A_321] {strides = array<i32>} : memref<2x64x128xf32, #tpu.memory_space<vmem>>, vector<1x1x16xf32>,
      %swap3A_323 = vector.shape_cast %swap3A_322 : vector<1x1x16xf32> to vector<16xf32>
      %swap3A_324 = vector.shape_cast %broadcast_in_dim3A_318 : vector<16xf32> to vector<1x1x16xf32>
      tpu.vector_store %arg14[%swap3A_319, %swap3A_320, %swap3A_321], %swap3A_324 {strides = array<i32>} : memref<2x64x128xf32, #tpu.memory_space<vmem>>, vector<1x1x16xf32>,
      %broadcast_in_dim3A_325 = arith.constant 0.000000e+00 : f32
      %broadcast_in_dim3A_326 = vector.broadcast %broadcast_in_dim3A_325 : f32 to vector<16xf32>
      %swap3A_327 = arith.constant 0 : i32
      %swap3A_328 = arith.index_cast %swap3A_327 : i32 to index
      %swap3A_329 = arith.index_cast %scan3A_316 : i32 to index
      %swap3A_330 = arith.constant 16 : index
      %swap3A_331 = tpu.vector_load %arg14[%swap3A_328, %swap3A_329, %swap3A_330] {strides = array<i32>} : memref<2x64x128xf32, #tpu.memory_space<vmem>>, vector<1x1x16xf32>,
      %swap3A_332 = vector.shape_cast %swap3A_331 : vector<1x1x16xf32> to vector<16xf32>
      %swap3A_333 = vector.shape_cast %broadcast_in_dim3A_326 : vector<16xf32> to vector<1x1x16xf32>
      tpu.vector_store %arg14[%swap3A_328, %swap3A_329, %swap3A_330], %swap3A_333 {strides = array<i32>} : memref<2x64x128xf32, #tpu.memory_space<vmem>>, vector<1x1x16xf32>,
      %broadcast_in_dim3A_334 = arith.constant 0.000000e+00 : f32
      %broadcast_in_dim3A_335 = vector.broadcast %broadcast_in_dim3A_334 : f32 to vector<16xf32>
      %swap3A_336 = arith.constant 0 : i32
      %swap3A_337 = arith.index_cast %swap3A_336 : i32 to index
      %swap3A_338 = arith.index_cast %scan3A_316 : i32 to index
      %swap3A_339 = arith.constant 32 : index
      %swap3A_340 = tpu.vector_load %arg14[%swap3A_337, %swap3A_338, %swap3A_339] {strides = array<i32>} : memref<2x64x128xf32, #tpu.memory_space<vmem>>, vector<1x1x16xf32>,
      %swap3A_341 = vector.shape_cast %swap3A_340 : vector<1x1x16xf32> to vector<16xf32>
      %swap3A_342 = vector.shape_cast %broadcast_in_dim3A_335 : vector<16xf32> to vector<1x1x16xf32>
      tpu.vector_store %arg14[%swap3A_337, %swap3A_338, %swap3A_339], %swap3A_342 {strides = array<i32>} : memref<2x64x128xf32, #tpu.memory_space<vmem>>, vector<1x1x16xf32>,
      %broadcast_in_dim3A_343 = arith.constant 0.000000e+00 : f32
      %broadcast_in_dim3A_344 = vector.broadcast %broadcast_in_dim3A_343 : f32 to vector<16xf32>
      %swap3A_345 = arith.constant 0 : i32
      %swap3A_346 = arith.index_cast %swap3A_345 : i32 to index
      %swap3A_347 = arith.index_cast %scan3A_316 : i32 to index
      %swap3A_348 = arith.constant 48 : index
      %swap3A_349 = tpu.vector_load %arg14[%swap3A_346, %swap3A_347, %swap3A_348] {strides = array<i32>} : memref<2x64x128xf32, #tpu.memory_space<vmem>>, vector<1x1x16xf32>,
      %swap3A_350 = vector.shape_cast %swap3A_349 : vector<1x1x16xf32> to vector<16xf32>
      %swap3A_351 = vector.shape_cast %broadcast_in_dim3A_344 : vector<16xf32> to vector<1x1x16xf32>
      tpu.vector_store %arg14[%swap3A_346, %swap3A_347, %swap3A_348], %swap3A_351 {strides = array<i32>} : memref<2x64x128xf32, #tpu.memory_space<vmem>>, vector<1x1x16xf32>,
      %broadcast_in_dim3A_352 = arith.constant 0.000000e+00 : f32
      %broadcast_in_dim3A_353 = vector.broadcast %broadcast_in_dim3A_352 : f32 to vector<16xf32>
      %swap3A_354 = arith.constant 0 : i32
      %swap3A_355 = arith.index_cast %swap3A_354 : i32 to index
      %swap3A_356 = arith.index_cast %scan3A_316 : i32 to index
      %swap3A_357 = arith.constant 64 : index
      %swap3A_358 = tpu.vector_load %arg14[%swap3A_355, %swap3A_356, %swap3A_357] {strides = array<i32>} : memref<2x64x128xf32, #tpu.memory_space<vmem>>, vector<1x1x16xf32>,
      %swap3A_359 = vector.shape_cast %swap3A_358 : vector<1x1x16xf32> to vector<16xf32>
      %swap3A_360 = vector.shape_cast %broadcast_in_dim3A_353 : vector<16xf32> to vector<1x1x16xf32>
      tpu.vector_store %arg14[%swap3A_355, %swap3A_356, %swap3A_357], %swap3A_360 {strides = array<i32>} : memref<2x64x128xf32, #tpu.memory_space<vmem>>, vector<1x1x16xf32>,
      %broadcast_in_dim3A_361 = arith.constant 0.000000e+00 : f32
      %broadcast_in_dim3A_362 = vector.broadcast %broadcast_in_dim3A_361 : f32 to vector<16xf32>
      %swap3A_363 = arith.constant 0 : i32
      %swap3A_364 = arith.index_cast %swap3A_363 : i32 to index
      %swap3A_365 = arith.index_cast %scan3A_316 : i32 to index
      %swap3A_366 = arith.constant 80 : index
      %swap3A_367 = tpu.vector_load %arg14[%swap3A_364, %swap3A_365, %swap3A_366] {strides = array<i32>} : memref<2x64x128xf32, #tpu.memory_space<vmem>>, vector<1x1x16xf32>,
      %swap3A_368 = vector.shape_cast %swap3A_367 : vector<1x1x16xf32> to vector<16xf32>
      %swap3A_369 = vector.shape_cast %broadcast_in_dim3A_362 : vector<16xf32> to vector<1x1x16xf32>
      tpu.vector_store %arg14[%swap3A_364, %swap3A_365, %swap3A_366], %swap3A_369 {strides = array<i32>} : memref<2x64x128xf32, #tpu.memory_space<vmem>>, vector<1x1x16xf32>,
      %broadcast_in_dim3A_370 = arith.constant 0.000000e+00 : f32
      %broadcast_in_dim3A_371 = vector.broadcast %broadcast_in_dim3A_370 : f32 to vector<16xf32>
      %swap3A_372 = arith.constant 0 : i32
      %swap3A_373 = arith.index_cast %swap3A_372 : i32 to index
      %swap3A_374 = arith.index_cast %scan3A_316 : i32 to index
      %swap3A_375 = arith.constant 96 : index
      %swap3A_376 = tpu.vector_load %arg14[%swap3A_373, %swap3A_374, %swap3A_375] {strides = array<i32>} : memref<2x64x128xf32, #tpu.memory_space<vmem>>, vector<1x1x16xf32>,
      %swap3A_377 = vector.shape_cast %swap3A_376 : vector<1x1x16xf32> to vector<16xf32>
      %swap3A_378 = vector.shape_cast %broadcast_in_dim3A_371 : vector<16xf32> to vector<1x1x16xf32>
      tpu.vector_store %arg14[%swap3A_373, %swap3A_374, %swap3A_375], %swap3A_378 {strides = array<i32>} : memref<2x64x128xf32, #tpu.memory_space<vmem>>, vector<1x1x16xf32>,
      %broadcast_in_dim3A_379 = arith.constant 0.000000e+00 : f32
      %broadcast_in_dim3A_380 = vector.broadcast %broadcast_in_dim3A_379 : f32 to vector<16xf32>
      %swap3A_381 = arith.constant 0 : i32
      %swap3A_382 = arith.index_cast %swap3A_381 : i32 to index
      %swap3A_383 = arith.index_cast %scan3A_316 : i32 to index
      %swap3A_384 = arith.constant 112 : index
      %swap3A_385 = tpu.vector_load %arg14[%swap3A_382, %swap3A_383, %swap3A_384] {strides = array<i32>} : memref<2x64x128xf32, #tpu.memory_space<vmem>>, vector<1x1x16xf32>,
      %swap3A_386 = vector.shape_cast %swap3A_385 : vector<1x1x16xf32> to vector<16xf32>
      %swap3A_387 = vector.shape_cast %broadcast_in_dim3A_380 : vector<16xf32> to vector<1x1x16xf32>
      tpu.vector_store %arg14[%swap3A_382, %swap3A_383, %swap3A_384], %swap3A_387 {strides = array<i32>} : memref<2x64x128xf32, #tpu.memory_space<vmem>>, vector<1x1x16xf32>,
      %scan3A_388 = arith.constant 0 : i32
      scf.yield %scan3A_388 : i32
    }
    %scan3A_6 = arith.constant 64 : i32
    %mul3A_7 = arith.constant 256 : i32
    %mul3A_8 = arith.muli %arg1, %mul3A_7 : i32
    %add3A_9 = arith.constant 0 : i32
    %add3A_10 = arith.addi %mul3A_8, %add3A_9 : i32
    %run_scoped3A = arith.constant 0 : i32
    "tpu.region"() ({
      %run_scoped3A_316 = tpu.sem_alloc : memref<!tpu.dma_semaphore, #tpu.memory_space<semaphore_mem>>
      %dma_start3A_317 = arith.constant 0 : i32
      %dma_start3A_318 = arith.constant 0 : i32
      %dma_start3A_319 = tpu.memref_slice %arg14[%run_scoped3A, %dma_start3A_317, %dma_start3A_318] : memref<2x64x128xf32, #tpu.memory_space<vmem>> -> memref<1x64x128xf32, #tpu.memory_space<vmem>>
      %dma_start3A_320 = tpu.memref_squeeze %dma_start3A_319 : memref<1x64x128xf32, #tpu.memory_space<vmem>> -> memref<64x128xf32, #tpu.memory_space<vmem>>
      %dma_start3A_321 = arith.constant 0 : i32
      %dma_start3A_322 = tpu.memref_slice %arg26[%add3A_10, %dma_start3A_321] : memref<4096x128xf32, #tpu.memory_space<vmem_shared>> -> memref<64x128xf32, #tpu.memory_space<vmem_shared>>
      %dma_start3A_323 = arith.constant 0 : i32
      %dma_start3A_324 = tpu.memref_slice %arg26[%add3A_10, %dma_start3A_323] : memref<4096x128xf32, #tpu.memory_space<vmem_shared>> -> memref<64x128xf32, #tpu.memory_space<vmem_shared>>
      %dma_start3A_325 = arith.constant 0 : i32
      %dma_start3A_326 = arith.constant 0 : i32
      %dma_start3A_327 = tpu.memref_slice %arg14[%run_scoped3A, %dma_start3A_325, %dma_start3A_326] : memref<2x64x128xf32, #tpu.memory_space<vmem>> -> memref<1x64x128xf32, #tpu.memory_space<vmem>>
      %dma_start3A_328 = tpu.memref_squeeze %dma_start3A_327 : memref<1x64x128xf32, #tpu.memory_space<vmem>> -> memref<64x128xf32, #tpu.memory_space<vmem>>
      tpu.enqueue_dma source(%dma_start3A_328 : memref<64x128xf32, #tpu.memory_space<vmem>>) target(%dma_start3A_324 : memref<64x128xf32, #tpu.memory_space<vmem_shared>>) target_semaphore(%run_scoped3A_316 : memref<!tpu.dma_semaphore, #tpu.memory_space<semaphore_mem>>)
      %dma_wait3A_329 = arith.constant 0 : i32
      %dma_wait3A_330 = arith.constant 0 : i32
      %dma_wait3A_331 = tpu.memref_slice %arg14[%run_scoped3A, %dma_wait3A_329, %dma_wait3A_330] : memref<2x64x128xf32, #tpu.memory_space<vmem>> -> memref<1x64x128xf32, #tpu.memory_space<vmem>>
      %dma_wait3A_332 = tpu.memref_squeeze %dma_wait3A_331 : memref<1x64x128xf32, #tpu.memory_space<vmem>> -> memref<64x128xf32, #tpu.memory_space<vmem>>
      %dma_wait3A_333 = arith.constant 0 : i32
      %dma_wait3A_334 = tpu.memref_slice %arg26[%add3A_10, %dma_wait3A_333] : memref<4096x128xf32, #tpu.memory_space<vmem_shared>> -> memref<64x128xf32, #tpu.memory_space<vmem_shared>>
      %dma_wait3A_335 = arith.constant 0 : i32
      %dma_wait3A_336 = tpu.memref_slice %arg26[%add3A_10, %dma_wait3A_335] : memref<4096x128xf32, #tpu.memory_space<vmem_shared>> -> memref<64x128xf32, #tpu.memory_space<vmem_shared>>
      %dma_wait3A_337 = arith.constant 0 : i32
      %dma_wait3A_338 = arith.constant 0 : i32
      %dma_wait3A_339 = tpu.memref_slice %arg14[%run_scoped3A, %dma_wait3A_337, %dma_wait3A_338] : memref<2x64x128xf32, #tpu.memory_space<vmem>> -> memref<1x64x128xf32, #tpu.memory_space<vmem>>
      %dma_wait3A_340 = tpu.memref_squeeze %dma_wait3A_339 : memref<1x64x128xf32, #tpu.memory_space<vmem>> -> memref<64x128xf32, #tpu.memory_space<vmem>>
      tpu.wait_dma2 semaphore(%run_scoped3A_316 : memref<!tpu.dma_semaphore, #tpu.memory_space<semaphore_mem>>) src(%dma_wait3A_340 : memref<64x128xf32, #tpu.memory_space<vmem>>) dst(%dma_wait3A_336 : memref<64x128xf32, #tpu.memory_space<vmem_shared>>)
      tpu.yield
    }) : () -> ()
    %add3A_11 = arith.constant 64 : i32
    %add3A_12 = arith.addi %mul3A_8, %add3A_11 : i32
    %run_scoped3A_13 = arith.constant 0 : i32
    "tpu.region"() ({
      %run_scoped3A_316 = tpu.sem_alloc : memref<!tpu.dma_semaphore, #tpu.memory_space<semaphore_mem>>
      %dma_start3A_317 = arith.constant 0 : i32
      %dma_start3A_318 = arith.constant 0 : i32
      %dma_start3A_319 = tpu.memref_slice %arg14[%run_scoped3A_13, %dma_start3A_317, %dma_start3A_318] : memref<2x64x128xf32, #tpu.memory_space<vmem>> -> memref<1x64x128xf32, #tpu.memory_space<vmem>>
      %dma_start3A_320 = tpu.memref_squeeze %dma_start3A_319 : memref<1x64x128xf32, #tpu.memory_space<vmem>> -> memref<64x128xf32, #tpu.memory_space<vmem>>
      %dma_start3A_321 = arith.constant 0 : i32
      %dma_start3A_322 = tpu.memref_slice %arg26[%add3A_12, %dma_start3A_321] : memref<4096x128xf32, #tpu.memory_space<vmem_shared>> -> memref<64x128xf32, #tpu.memory_space<vmem_shared>>
      %dma_start3A_323 = arith.constant 0 : i32
      %dma_start3A_324 = tpu.memref_slice %arg26[%add3A_12, %dma_start3A_323] : memref<4096x128xf32, #tpu.memory_space<vmem_shared>> -> memref<64x128xf32, #tpu.memory_space<vmem_shared>>
      %dma_start3A_325 = arith.constant 0 : i32
      %dma_start3A_326 = arith.constant 0 : i32
      %dma_start3A_327 = tpu.memref_slice %arg14[%run_scoped3A_13, %dma_start3A_325, %dma_start3A_326] : memref<2x64x128xf32, #tpu.memory_space<vmem>> -> memref<1x64x128xf32, #tpu.memory_space<vmem>>
      %dma_start3A_328 = tpu.memref_squeeze %dma_start3A_327 : memref<1x64x128xf32, #tpu.memory_space<vmem>> -> memref<64x128xf32, #tpu.memory_space<vmem>>
      tpu.enqueue_dma source(%dma_start3A_328 : memref<64x128xf32, #tpu.memory_space<vmem>>) target(%dma_start3A_324 : memref<64x128xf32, #tpu.memory_space<vmem_shared>>) target_semaphore(%run_scoped3A_316 : memref<!tpu.dma_semaphore, #tpu.memory_space<semaphore_mem>>)
      %dma_wait3A_329 = arith.constant 0 : i32
      %dma_wait3A_330 = arith.constant 0 : i32
      %dma_wait3A_331 = tpu.memref_slice %arg14[%run_scoped3A_13, %dma_wait3A_329, %dma_wait3A_330] : memref<2x64x128xf32, #tpu.memory_space<vmem>> -> memref<1x64x128xf32, #tpu.memory_space<vmem>>
      %dma_wait3A_332 = tpu.memref_squeeze %dma_wait3A_331 : memref<1x64x128xf32, #tpu.memory_space<vmem>> -> memref<64x128xf32, #tpu.memory_space<vmem>>
      %dma_wait3A_333 = arith.constant 0 : i32
      %dma_wait3A_334 = tpu.memref_slice %arg26[%add3A_12, %dma_wait3A_333] : memref<4096x128xf32, #tpu.memory_space<vmem_shared>> -> memref<64x128xf32, #tpu.memory_space<vmem_shared>>
      %dma_wait3A_335 = arith.constant 0 : i32
      %dma_wait3A_336 = tpu.memref_slice %arg26[%add3A_12, %dma_wait3A_335] : memref<4096x128xf32, #tpu.memory_space<vmem_shared>> -> memref<64x128xf32, #tpu.memory_space<vmem_shared>>
      %dma_wait3A_337 = arith.constant 0 : i32
      %dma_wait3A_338 = arith.constant 0 : i32
      %dma_wait3A_339 = tpu.memref_slice %arg14[%run_scoped3A_13, %dma_wait3A_337, %dma_wait3A_338] : memref<2x64x128xf32, #tpu.memory_space<vmem>> -> memref<1x64x128xf32, #tpu.memory_space<vmem>>
      %dma_wait3A_340 = tpu.memref_squeeze %dma_wait3A_339 : memref<1x64x128xf32, #tpu.memory_space<vmem>> -> memref<64x128xf32, #tpu.memory_space<vmem>>
      tpu.wait_dma2 semaphore(%run_scoped3A_316 : memref<!tpu.dma_semaphore, #tpu.memory_space<semaphore_mem>>) src(%dma_wait3A_340 : memref<64x128xf32, #tpu.memory_space<vmem>>) dst(%dma_wait3A_336 : memref<64x128xf32, #tpu.memory_space<vmem_shared>>)
      tpu.yield
    }) : () -> ()
    %add3A_14 = arith.constant 128 : i32
    %add3A_15 = arith.addi %mul3A_8, %add3A_14 : i32
    %run_scoped3A_16 = arith.constant 0 : i32
    "tpu.region"() ({
      %run_scoped3A_316 = tpu.sem_alloc : memref<!tpu.dma_semaphore, #tpu.memory_space<semaphore_mem>>
      %dma_start3A_317 = arith.constant 0 : i32
      %dma_start3A_318 = arith.constant 0 : i32
      %dma_start3A_319 = tpu.memref_slice %arg14[%run_scoped3A_16, %dma_start3A_317, %dma_start3A_318] : memref<2x64x128xf32, #tpu.memory_space<vmem>> -> memref<1x64x128xf32, #tpu.memory_space<vmem>>
      %dma_start3A_320 = tpu.memref_squeeze %dma_start3A_319 : memref<1x64x128xf32, #tpu.memory_space<vmem>> -> memref<64x128xf32, #tpu.memory_space<vmem>>
      %dma_start3A_321 = arith.constant 0 : i32
      %dma_start3A_322 = tpu.memref_slice %arg26[%add3A_15, %dma_start3A_321] : memref<4096x128xf32, #tpu.memory_space<vmem_shared>> -> memref<64x128xf32, #tpu.memory_space<vmem_shared>>
      %dma_start3A_323 = arith.constant 0 : i32
      %dma_start3A_324 = tpu.memref_slice %arg26[%add3A_15, %dma_start3A_323] : memref<4096x128xf32, #tpu.memory_space<vmem_shared>> -> memref<64x128xf32, #tpu.memory_space<vmem_shared>>
      %dma_start3A_325 = arith.constant 0 : i32
      %dma_start3A_326 = arith.constant 0 : i32
      %dma_start3A_327 = tpu.memref_slice %arg14[%run_scoped3A_16, %dma_start3A_325, %dma_start3A_326] : memref<2x64x128xf32, #tpu.memory_space<vmem>> -> memref<1x64x128xf32, #tpu.memory_space<vmem>>
      %dma_start3A_328 = tpu.memref_squeeze %dma_start3A_327 : memref<1x64x128xf32, #tpu.memory_space<vmem>> -> memref<64x128xf32, #tpu.memory_space<vmem>>
      tpu.enqueue_dma source(%dma_start3A_328 : memref<64x128xf32, #tpu.memory_space<vmem>>) target(%dma_start3A_324 : memref<64x128xf32, #tpu.memory_space<vmem_shared>>) target_semaphore(%run_scoped3A_316 : memref<!tpu.dma_semaphore, #tpu.memory_space<semaphore_mem>>)
      %dma_wait3A_329 = arith.constant 0 : i32
      %dma_wait3A_330 = arith.constant 0 : i32
      %dma_wait3A_331 = tpu.memref_slice %arg14[%run_scoped3A_16, %dma_wait3A_329, %dma_wait3A_330] : memref<2x64x128xf32, #tpu.memory_space<vmem>> -> memref<1x64x128xf32, #tpu.memory_space<vmem>>
      %dma_wait3A_332 = tpu.memref_squeeze %dma_wait3A_331 : memref<1x64x128xf32, #tpu.memory_space<vmem>> -> memref<64x128xf32, #tpu.memory_space<vmem>>
      %dma_wait3A_333 = arith.constant 0 : i32
      %dma_wait3A_334 = tpu.memref_slice %arg26[%add3A_15, %dma_wait3A_333] : memref<4096x128xf32, #tpu.memory_space<vmem_shared>> -> memref<64x128xf32, #tpu.memory_space<vmem_shared>>
      %dma_wait3A_335 = arith.constant 0 : i32
      %dma_wait3A_336 = tpu.memref_slice %arg26[%add3A_15, %dma_wait3A_335] : memref<4096x128xf32, #tpu.memory_space<vmem_shared>> -> memref<64x128xf32, #tpu.memory_space<vmem_shared>>
      %dma_wait3A_337 = arith.constant 0 : i32
      %dma_wait3A_338 = arith.constant 0 : i32
      %dma_wait3A_339 = tpu.memref_slice %arg14[%run_scoped3A_16, %dma_wait3A_337, %dma_wait3A_338] : memref<2x64x128xf32, #tpu.memory_space<vmem>> -> memref<1x64x128xf32, #tpu.memory_space<vmem>>
      %dma_wait3A_340 = tpu.memref_squeeze %dma_wait3A_339 : memref<1x64x128xf32, #tpu.memory_space<vmem>> -> memref<64x128xf32, #tpu.memory_space<vmem>>
      tpu.wait_dma2 semaphore(%run_scoped3A_316 : memref<!tpu.dma_semaphore, #tpu.memory_space<semaphore_mem>>) src(%dma_wait3A_340 : memref<64x128xf32, #tpu.memory_space<vmem>>) dst(%dma_wait3A_336 : memref<64x128xf32, #tpu.memory_space<vmem_shared>>)
      tpu.yield
    }) : () -> ()
    %add3A_17 = arith.constant 192 : i32
    %add3A_18 = arith.addi %mul3A_8, %add3A_17 : i32
    %run_scoped3A_19 = arith.constant 0 : i32
    "tpu.region"() ({
      %run_scoped3A_316 = tpu.sem_alloc : memref<!tpu.dma_semaphore, #tpu.memory_space<semaphore_mem>>
      %dma_start3A_317 = arith.constant 0 : i32
      %dma_start3A_318 = arith.constant 0 : i32
      %dma_start3A_319 = tpu.memref_slice %arg14[%run_scoped3A_19, %dma_start3A_317, %dma_start3A_318] : memref<2x64x128xf32, #tpu.memory_space<vmem>> -> memref<1x64x128xf32, #tpu.memory_space<vmem>>
      %dma_start3A_320 = tpu.memref_squeeze %dma_start3A_319 : memref<1x64x128xf32, #tpu.memory_space<vmem>> -> memref<64x128xf32, #tpu.memory_space<vmem>>
      %dma_start3A_321 = arith.constant 0 : i32
      %dma_start3A_322 = tpu.memref_slice %arg26[%add3A_18, %dma_start3A_321] : memref<4096x128xf32, #tpu.memory_space<vmem_shared>> -> memref<64x128xf32, #tpu.memory_space<vmem_shared>>
      %dma_start3A_323 = arith.constant 0 : i32
      %dma_start3A_324 = tpu.memref_slice %arg26[%add3A_18, %dma_start3A_323] : memref<4096x128xf32, #tpu.memory_space<vmem_shared>> -> memref<64x128xf32, #tpu.memory_space<vmem_shared>>
      %dma_start3A_325 = arith.constant 0 : i32
      %dma_start3A_326 = arith.constant 0 : i32
      %dma_start3A_327 = tpu.memref_slice %arg14[%run_scoped3A_19, %dma_start3A_325, %dma_start3A_326] : memref<2x64x128xf32, #tpu.memory_space<vmem>> -> memref<1x64x128xf32, #tpu.memory_space<vmem>>
      %dma_start3A_328 = tpu.memref_squeeze %dma_start3A_327 : memref<1x64x128xf32, #tpu.memory_space<vmem>> -> memref<64x128xf32, #tpu.memory_space<vmem>>
      tpu.enqueue_dma source(%dma_start3A_328 : memref<64x128xf32, #tpu.memory_space<vmem>>) target(%dma_start3A_324 : memref<64x128xf32, #tpu.memory_space<vmem_shared>>) target_semaphore(%run_scoped3A_316 : memref<!tpu.dma_semaphore, #tpu.memory_space<semaphore_mem>>)
      %dma_wait3A_329 = arith.constant 0 : i32
      %dma_wait3A_330 = arith.constant 0 : i32
      %dma_wait3A_331 = tpu.memref_slice %arg14[%run_scoped3A_19, %dma_wait3A_329, %dma_wait3A_330] : memref<2x64x128xf32, #tpu.memory_space<vmem>> -> memref<1x64x128xf32, #tpu.memory_space<vmem>>
      %dma_wait3A_332 = tpu.memref_squeeze %dma_wait3A_331 : memref<1x64x128xf32, #tpu.memory_space<vmem>> -> memref<64x128xf32, #tpu.memory_space<vmem>>
      %dma_wait3A_333 = arith.constant 0 : i32
      %dma_wait3A_334 = tpu.memref_slice %arg26[%add3A_18, %dma_wait3A_333] : memref<4096x128xf32, #tpu.memory_space<vmem_shared>> -> memref<64x128xf32, #tpu.memory_space<vmem_shared>>
      %dma_wait3A_335 = arith.constant 0 : i32
      %dma_wait3A_336 = tpu.memref_slice %arg26[%add3A_18, %dma_wait3A_335] : memref<4096x128xf32, #tpu.memory_space<vmem_shared>> -> memref<64x128xf32, #tpu.memory_space<vmem_shared>>
      %dma_wait3A_337 = arith.constant 0 : i32
      %dma_wait3A_338 = arith.constant 0 : i32
      %dma_wait3A_339 = tpu.memref_slice %arg14[%run_scoped3A_19, %dma_wait3A_337, %dma_wait3A_338] : memref<2x64x128xf32, #tpu.memory_space<vmem>> -> memref<1x64x128xf32, #tpu.memory_space<vmem>>
      %dma_wait3A_340 = tpu.memref_squeeze %dma_wait3A_339 : memref<1x64x128xf32, #tpu.memory_space<vmem>> -> memref<64x128xf32, #tpu.memory_space<vmem>>
      tpu.wait_dma2 semaphore(%run_scoped3A_316 : memref<!tpu.dma_semaphore, #tpu.memory_space<semaphore_mem>>) src(%dma_wait3A_340 : memref<64x128xf32, #tpu.memory_space<vmem>>) dst(%dma_wait3A_336 : memref<64x128xf32, #tpu.memory_space<vmem_shared>>)
      tpu.yield
    }) : () -> ()
    %scan3A_20 = arith.constant 0 : i32
    %scan3A_21 = arith.constant 0 : i32
    %scan3A_22 = arith.constant 64 : i32
    %scan3A_23 = arith.addi %scan3A_21, %scan3A_22 : i32
    %scan3A_24 = arith.constant 1 : i32
    %scan3A_25 = scf.for %scan3A_316 = %scan3A_21 to %scan3A_23 step %scan3A_24 iter_args(%scan3A_317 = %scan3A_20) -> (i32)  : i32 {
      %broadcast_in_dim3A = arith.constant 1.000000e+00 : f32
      %broadcast_in_dim3A_318 = vector.broadcast %broadcast_in_dim3A : f32 to vector<16xf32>
      %swap3A = arith.constant 0 : i32
      %swap3A_319 = arith.index_cast %swap3A : i32 to index
      %swap3A_320 = arith.index_cast %scan3A_316 : i32 to index
      %swap3A_321 = arith.constant 64 : index
      %swap3A_322 = tpu.vector_load %arg14[%swap3A_319, %swap3A_320, %swap3A_321] {strides = array<i32>} : memref<2x64x128xf32, #tpu.memory_space<vmem>>, vector<1x1x16xf32>,
      %swap3A_323 = vector.shape_cast %swap3A_322 : vector<1x1x16xf32> to vector<16xf32>
      %swap3A_324 = vector.shape_cast %broadcast_in_dim3A_318 : vector<16xf32> to vector<1x1x16xf32>
      tpu.vector_store %arg14[%swap3A_319, %swap3A_320, %swap3A_321], %swap3A_324 {strides = array<i32>} : memref<2x64x128xf32, #tpu.memory_space<vmem>>, vector<1x1x16xf32>,
      %broadcast_in_dim3A_325 = arith.constant 1.000000e+00 : f32
      %broadcast_in_dim3A_326 = vector.broadcast %broadcast_in_dim3A_325 : f32 to vector<16xf32>
      %swap3A_327 = arith.constant 1 : i32
      %swap3A_328 = arith.index_cast %swap3A_327 : i32 to index
      %swap3A_329 = arith.index_cast %scan3A_316 : i32 to index
      %swap3A_330 = arith.constant 64 : index
      %swap3A_331 = tpu.vector_load %arg14[%swap3A_328, %swap3A_329, %swap3A_330] {strides = array<i32>} : memref<2x64x128xf32, #tpu.memory_space<vmem>>, vector<1x1x16xf32>,
      %swap3A_332 = vector.shape_cast %swap3A_331 : vector<1x1x16xf32> to vector<16xf32>
      %swap3A_333 = vector.shape_cast %broadcast_in_dim3A_326 : vector<16xf32> to vector<1x1x16xf32>
      tpu.vector_store %arg14[%swap3A_328, %swap3A_329, %swap3A_330], %swap3A_333 {strides = array<i32>} : memref<2x64x128xf32, #tpu.memory_space<vmem>>, vector<1x1x16xf32>,
      %broadcast_in_dim3A_334 = arith.constant 0.000000e+00 : f32
      %broadcast_in_dim3A_335 = vector.broadcast %broadcast_in_dim3A_334 : f32 to vector<16xf32>
      %swap3A_336 = arith.constant 1 : i32
      %swap3A_337 = arith.index_cast %swap3A_336 : i32 to index
      %swap3A_338 = arith.index_cast %scan3A_316 : i32 to index
      %swap3A_339 = arith.constant 80 : index
      %swap3A_340 = tpu.vector_load %arg14[%swap3A_337, %swap3A_338, %swap3A_339] {strides = array<i32>} : memref<2x64x128xf32, #tpu.memory_space<vmem>>, vector<1x1x16xf32>,
      %swap3A_341 = vector.shape_cast %swap3A_340 : vector<1x1x16xf32> to vector<16xf32>
      %swap3A_342 = vector.shape_cast %broadcast_in_dim3A_335 : vector<16xf32> to vector<1x1x16xf32>
      tpu.vector_store %arg14[%swap3A_337, %swap3A_338, %swap3A_339], %swap3A_342 {strides = array<i32>} : memref<2x64x128xf32, #tpu.memory_space<vmem>>, vector<1x1x16xf32>,
      %broadcast_in_dim3A_343 = arith.constant 0.000000e+00 : f32
      %broadcast_in_dim3A_344 = vector.broadcast %broadcast_in_dim3A_343 : f32 to vector<16xf32>
      %swap3A_345 = arith.constant 1 : i32
      %swap3A_346 = arith.index_cast %swap3A_345 : i32 to index
      %swap3A_347 = arith.index_cast %scan3A_316 : i32 to index
      %swap3A_348 = arith.constant 96 : index
      %swap3A_349 = tpu.vector_load %arg14[%swap3A_346, %swap3A_347, %swap3A_348] {strides = array<i32>} : memref<2x64x128xf32, #tpu.memory_space<vmem>>, vector<1x1x16xf32>,
      %swap3A_350 = vector.shape_cast %swap3A_349 : vector<1x1x16xf32> to vector<16xf32>
      %swap3A_351 = vector.shape_cast %broadcast_in_dim3A_344 : vector<16xf32> to vector<1x1x16xf32>
      tpu.vector_store %arg14[%swap3A_346, %swap3A_347, %swap3A_348], %swap3A_351 {strides = array<i32>} : memref<2x64x128xf32, #tpu.memory_space<vmem>>, vector<1x1x16xf32>,
      %broadcast_in_dim3A_352 = arith.constant 0.000000e+00 : f32
      %broadcast_in_dim3A_353 = vector.broadcast %broadcast_in_dim3A_352 : f32 to vector<16xf32>
      %swap3A_354 = arith.constant 1 : i32
      %swap3A_355 = arith.index_cast %swap3A_354 : i32 to index
      %swap3A_356 = arith.index_cast %scan3A_316 : i32 to index
      %swap3A_357 = arith.constant 112 : index
      %swap3A_358 = tpu.vector_load %arg14[%swap3A_355, %swap3A_356, %swap3A_357] {strides = array<i32>} : memref<2x64x128xf32, #tpu.memory_space<vmem>>, vector<1x1x16xf32>,
      %swap3A_359 = vector.shape_cast %swap3A_358 : vector<1x1x16xf32> to vector<16xf32>
      %swap3A_360 = vector.shape_cast %broadcast_in_dim3A_353 : vector<16xf32> to vector<1x1x16xf32>
      tpu.vector_store %arg14[%swap3A_355, %swap3A_356, %swap3A_357], %swap3A_360 {strides = array<i32>} : memref<2x64x128xf32, #tpu.memory_space<vmem>>, vector<1x1x16xf32>,
      %scan3A_361 = arith.constant 0 : i32
      scf.yield %scan3A_361 : i32
    }
    %scan3A_26 = arith.constant 64 : i32
    %barrier3A = arith.constant 0 : index
    tpu.barrier barrier_id(%barrier3A)
    %mul3A_27 = arith.constant 4096 : i32
    %mul3A_28 = arith.muli %add3A, %mul3A_27 : i32
    %add3A_29 = arith.constant 0 : i32
    %add3A_30 = arith.addi %mul3A_28, %add3A_29 : i32
    %dma_start3A = arith.constant 0 : i32
    %dma_start3A_31 = arith.constant 0 : i32
    %dma_start3A_32 = arith.constant 0 : i32
    %dma_start3A_33 = tpu.memref_slice %arg7[%dma_start3A_31, %dma_start3A_32] : memref<2x64xi32, #tpu.memory_space<vmem>> -> memref<1x64xi32, #tpu.memory_space<vmem>>
    %dma_start3A_34 = tpu.memref_squeeze %dma_start3A_33 : memref<1x64xi32, #tpu.memory_space<vmem>> -> memref<64xi32, #tpu.memory_space<vmem>>
    %dma_start3A_35 = tpu.memref_slice %arg4[%dma_start3A, %add3A_30] : memref<2x131072xi32, #tpu.memory_space<hbm>> -> memref<1x64xi32, #tpu.memory_space<hbm>>
    %dma_start3A_36 = tpu.memref_squeeze %dma_start3A_35 : memref<1x64xi32, #tpu.memory_space<hbm>> -> memref<64xi32, #tpu.memory_space<hbm>>
    %dma_start3A_37 = arith.constant 0 : i32
    %dma_start3A_38 = tpu.memref_slice %arg7[%dma_start3A_31, %dma_start3A_37] : memref<2x64xi32, #tpu.memory_space<vmem>> -> memref<1x64xi32, #tpu.memory_space<vmem>>
    %dma_start3A_39 = tpu.memref_squeeze %dma_start3A_38 : memref<1x64xi32, #tpu.memory_space<vmem>> -> memref<64xi32, #tpu.memory_space<vmem>>
    %dma_start3A_40 = tpu.memref_slice %arg4[%dma_start3A, %add3A_30] : memref<2x131072xi32, #tpu.memory_space<hbm>> -> memref<1x64xi32, #tpu.memory_space<hbm>>
    %dma_start3A_41 = tpu.memref_squeeze %dma_start3A_40 : memref<1x64xi32, #tpu.memory_space<hbm>> -> memref<64xi32, #tpu.memory_space<hbm>>
    tpu.enqueue_dma source(%dma_start3A_41 : memref<64xi32, #tpu.memory_space<hbm>>) target(%dma_start3A_39 : memref<64xi32, #tpu.memory_space<vmem>>) target_semaphore(%arg15 : memref<!tpu.dma_semaphore, #tpu.memory_space<semaphore_mem>>)
    %dma_start3A_42 = arith.constant 1 : i32
    %dma_start3A_43 = arith.constant 0 : i32
    %dma_start3A_44 = arith.constant 0 : i32
    %dma_start3A_45 = tpu.memref_slice %arg8[%dma_start3A_43, %dma_start3A_44] : memref<2x64xi32, #tpu.memory_space<vmem>> -> memref<1x64xi32, #tpu.memory_space<vmem>>
    %dma_start3A_46 = tpu.memref_squeeze %dma_start3A_45 : memref<1x64xi32, #tpu.memory_space<vmem>> -> memref<64xi32, #tpu.memory_space<vmem>>
    %dma_start3A_47 = tpu.memref_slice %arg4[%dma_start3A_42, %add3A_30] : memref<2x131072xi32, #tpu.memory_space<hbm>> -> memref<1x64xi32, #tpu.memory_space<hbm>>
    %dma_start3A_48 = tpu.memref_squeeze %dma_start3A_47 : memref<1x64xi32, #tpu.memory_space<hbm>> -> memref<64xi32, #tpu.memory_space<hbm>>
    %dma_start3A_49 = arith.constant 0 : i32
    %dma_start3A_50 = tpu.memref_slice %arg8[%dma_start3A_43, %dma_start3A_49] : memref<2x64xi32, #tpu.memory_space<vmem>> -> memref<1x64xi32, #tpu.memory_space<vmem>>
    %dma_start3A_51 = tpu.memref_squeeze %dma_start3A_50 : memref<1x64xi32, #tpu.memory_space<vmem>> -> memref<64xi32, #tpu.memory_space<vmem>>
    %dma_start3A_52 = tpu.memref_slice %arg4[%dma_start3A_42, %add3A_30] : memref<2x131072xi32, #tpu.memory_space<hbm>> -> memref<1x64xi32, #tpu.memory_space<hbm>>
    %dma_start3A_53 = tpu.memref_squeeze %dma_start3A_52 : memref<1x64xi32, #tpu.memory_space<hbm>> -> memref<64xi32, #tpu.memory_space<hbm>>
    tpu.enqueue_dma source(%dma_start3A_53 : memref<64xi32, #tpu.memory_space<hbm>>) target(%dma_start3A_51 : memref<64xi32, #tpu.memory_space<vmem>>) target_semaphore(%arg15 : memref<!tpu.dma_semaphore, #tpu.memory_space<semaphore_mem>>)
    %add3A_54 = arith.constant 64 : i32
    %add3A_55 = arith.addi %mul3A_28, %add3A_54 : i32
    %dma_start3A_56 = arith.constant 0 : i32
    %dma_start3A_57 = arith.constant 1 : i32
    %dma_start3A_58 = arith.constant 0 : i32
    %dma_start3A_59 = tpu.memref_slice %arg7[%dma_start3A_57, %dma_start3A_58] : memref<2x64xi32, #tpu.memory_space<vmem>> -> memref<1x64xi32, #tpu.memory_space<vmem>>
    %dma_start3A_60 = tpu.memref_squeeze %dma_start3A_59 : memref<1x64xi32, #tpu.memory_space<vmem>> -> memref<64xi32, #tpu.memory_space<vmem>>
    %dma_start3A_61 = tpu.memref_slice %arg4[%dma_start3A_56, %add3A_55] : memref<2x131072xi32, #tpu.memory_space<hbm>> -> memref<1x64xi32, #tpu.memory_space<hbm>>
    %dma_start3A_62 = tpu.memref_squeeze %dma_start3A_61 : memref<1x64xi32, #tpu.memory_space<hbm>> -> memref<64xi32, #tpu.memory_space<hbm>>
    %dma_start3A_63 = arith.constant 0 : i32
    %dma_start3A_64 = tpu.memref_slice %arg7[%dma_start3A_57, %dma_start3A_63] : memref<2x64xi32, #tpu.memory_space<vmem>> -> memref<1x64xi32, #tpu.memory_space<vmem>>
    %dma_start3A_65 = tpu.memref_squeeze %dma_start3A_64 : memref<1x64xi32, #tpu.memory_space<vmem>> -> memref<64xi32, #tpu.memory_space<vmem>>
    %dma_start3A_66 = tpu.memref_slice %arg4[%dma_start3A_56, %add3A_55] : memref<2x131072xi32, #tpu.memory_space<hbm>> -> memref<1x64xi32, #tpu.memory_space<hbm>>
    %dma_start3A_67 = tpu.memref_squeeze %dma_start3A_66 : memref<1x64xi32, #tpu.memory_space<hbm>> -> memref<64xi32, #tpu.memory_space<hbm>>
    tpu.enqueue_dma source(%dma_start3A_67 : memref<64xi32, #tpu.memory_space<hbm>>) target(%dma_start3A_65 : memref<64xi32, #tpu.memory_space<vmem>>) target_semaphore(%arg15 : memref<!tpu.dma_semaphore, #tpu.memory_space<semaphore_mem>>)
    %dma_start3A_68 = arith.constant 1 : i32
    %dma_start3A_69 = arith.constant 1 : i32
    %dma_start3A_70 = arith.constant 0 : i32
    %dma_start3A_71 = tpu.memref_slice %arg8[%dma_start3A_69, %dma_start3A_70] : memref<2x64xi32, #tpu.memory_space<vmem>> -> memref<1x64xi32, #tpu.memory_space<vmem>>
    %dma_start3A_72 = tpu.memref_squeeze %dma_start3A_71 : memref<1x64xi32, #tpu.memory_space<vmem>> -> memref<64xi32, #tpu.memory_space<vmem>>
    %dma_start3A_73 = tpu.memref_slice %arg4[%dma_start3A_68, %add3A_55] : memref<2x131072xi32, #tpu.memory_space<hbm>> -> memref<1x64xi32, #tpu.memory_space<hbm>>
    %dma_start3A_74 = tpu.memref_squeeze %dma_start3A_73 : memref<1x64xi32, #tpu.memory_space<hbm>> -> memref<64xi32, #tpu.memory_space<hbm>>
    %dma_start3A_75 = arith.constant 0 : i32
    %dma_start3A_76 = tpu.memref_slice %arg8[%dma_start3A_69, %dma_start3A_75] : memref<2x64xi32, #tpu.memory_space<vmem>> -> memref<1x64xi32, #tpu.memory_space<vmem>>
    %dma_start3A_77 = tpu.memref_squeeze %dma_start3A_76 : memref<1x64xi32, #tpu.memory_space<vmem>> -> memref<64xi32, #tpu.memory_space<vmem>>
    %dma_start3A_78 = tpu.memref_slice %arg4[%dma_start3A_68, %add3A_55] : memref<2x131072xi32, #tpu.memory_space<hbm>> -> memref<1x64xi32, #tpu.memory_space<hbm>>
    %dma_start3A_79 = tpu.memref_squeeze %dma_start3A_78 : memref<1x64xi32, #tpu.memory_space<hbm>> -> memref<64xi32, #tpu.memory_space<hbm>>
    tpu.enqueue_dma source(%dma_start3A_79 : memref<64xi32, #tpu.memory_space<hbm>>) target(%dma_start3A_77 : memref<64xi32, #tpu.memory_space<vmem>>) target_semaphore(%arg15 : memref<!tpu.dma_semaphore, #tpu.memory_space<semaphore_mem>>)
    %dma_wait3A = arith.constant 0 : i32
    %dma_wait3A_80 = arith.constant 0 : i32
    %dma_wait3A_81 = arith.constant 0 : i32
    %dma_wait3A_82 = tpu.memref_slice %arg7[%dma_wait3A_80, %dma_wait3A_81] : memref<2x64xi32, #tpu.memory_space<vmem>> -> memref<1x64xi32, #tpu.memory_space<vmem>>
    %dma_wait3A_83 = tpu.memref_squeeze %dma_wait3A_82 : memref<1x64xi32, #tpu.memory_space<vmem>> -> memref<64xi32, #tpu.memory_space<vmem>>
    %dma_wait3A_84 = arith.constant 0 : i32
    %dma_wait3A_85 = tpu.memref_slice %arg4[%dma_wait3A, %dma_wait3A_84] : memref<2x131072xi32, #tpu.memory_space<hbm>> -> memref<1x64xi32, #tpu.memory_space<hbm>>
    %dma_wait3A_86 = tpu.memref_squeeze %dma_wait3A_85 : memref<1x64xi32, #tpu.memory_space<hbm>> -> memref<64xi32, #tpu.memory_space<hbm>>
    %dma_wait3A_87 = arith.constant 0 : i32
    %dma_wait3A_88 = tpu.memref_slice %arg7[%dma_wait3A_80, %dma_wait3A_87] : memref<2x64xi32, #tpu.memory_space<vmem>> -> memref<1x64xi32, #tpu.memory_space<vmem>>
    %dma_wait3A_89 = tpu.memref_squeeze %dma_wait3A_88 : memref<1x64xi32, #tpu.memory_space<vmem>> -> memref<64xi32, #tpu.memory_space<vmem>>
    %dma_wait3A_90 = arith.constant 0 : i32
    %dma_wait3A_91 = tpu.memref_slice %arg4[%dma_wait3A, %dma_wait3A_90] : memref<2x131072xi32, #tpu.memory_space<hbm>> -> memref<1x64xi32, #tpu.memory_space<hbm>>
    %dma_wait3A_92 = tpu.memref_squeeze %dma_wait3A_91 : memref<1x64xi32, #tpu.memory_space<hbm>> -> memref<64xi32, #tpu.memory_space<hbm>>
    tpu.wait_dma2 semaphore(%arg15 : memref<!tpu.dma_semaphore, #tpu.memory_space<semaphore_mem>>) src(%dma_wait3A_92 : memref<64xi32, #tpu.memory_space<hbm>>) dst(%dma_wait3A_89 : memref<64xi32, #tpu.memory_space<vmem>>)
    %dma_wait3A_93 = arith.constant 0 : i32
    %dma_wait3A_94 = arith.constant 0 : i32
    %dma_wait3A_95 = arith.constant 0 : i32
    %dma_wait3A_96 = tpu.memref_slice %arg8[%dma_wait3A_94, %dma_wait3A_95] : memref<2x64xi32, #tpu.memory_space<vmem>> -> memref<1x64xi32, #tpu.memory_space<vmem>>
    %dma_wait3A_97 = tpu.memref_squeeze %dma_wait3A_96 : memref<1x64xi32, #tpu.memory_space<vmem>> -> memref<64xi32, #tpu.memory_space<vmem>>
    %dma_wait3A_98 = arith.constant 0 : i32
    %dma_wait3A_99 = tpu.memref_slice %arg4[%dma_wait3A_93, %dma_wait3A_98] : memref<2x131072xi32, #tpu.memory_space<hbm>> -> memref<1x64xi32, #tpu.memory_space<hbm>>
    %dma_wait3A_100 = tpu.memref_squeeze %dma_wait3A_99 : memref<1x64xi32, #tpu.memory_space<hbm>> -> memref<64xi32, #tpu.memory_space<hbm>>
    %dma_wait3A_101 = arith.constant 0 : i32
    %dma_wait3A_102 = tpu.memref_slice %arg8[%dma_wait3A_94, %dma_wait3A_101] : memref<2x64xi32, #tpu.memory_space<vmem>> -> memref<1x64xi32, #tpu.memory_space<vmem>>
    %dma_wait3A_103 = tpu.memref_squeeze %dma_wait3A_102 : memref<1x64xi32, #tpu.memory_space<vmem>> -> memref<64xi32, #tpu.memory_space<vmem>>
    %dma_wait3A_104 = arith.constant 0 : i32
    %dma_wait3A_105 = tpu.memref_slice %arg4[%dma_wait3A_93, %dma_wait3A_104] : memref<2x131072xi32, #tpu.memory_space<hbm>> -> memref<1x64xi32, #tpu.memory_space<hbm>>
    %dma_wait3A_106 = tpu.memref_squeeze %dma_wait3A_105 : memref<1x64xi32, #tpu.memory_space<hbm>> -> memref<64xi32, #tpu.memory_space<hbm>>
    tpu.wait_dma2 semaphore(%arg15 : memref<!tpu.dma_semaphore, #tpu.memory_space<semaphore_mem>>) src(%dma_wait3A_106 : memref<64xi32, #tpu.memory_space<hbm>>) dst(%dma_wait3A_103 : memref<64xi32, #tpu.memory_space<vmem>>)
    %dma_wait3A_107 = arith.constant 0 : i32
    %dma_wait3A_108 = arith.constant 1 : i32
    %dma_wait3A_109 = arith.constant 0 : i32
    %dma_wait3A_110 = tpu.memref_slice %arg7[%dma_wait3A_108, %dma_wait3A_109] : memref<2x64xi32, #tpu.memory_space<vmem>> -> memref<1x64xi32, #tpu.memory_space<vmem>>
    %dma_wait3A_111 = tpu.memref_squeeze %dma_wait3A_110 : memref<1x64xi32, #tpu.memory_space<vmem>> -> memref<64xi32, #tpu.memory_space<vmem>>
    %dma_wait3A_112 = arith.constant 0 : i32
    %dma_wait3A_113 = tpu.memref_slice %arg4[%dma_wait3A_107, %dma_wait3A_112] : memref<2x131072xi32, #tpu.memory_space<hbm>> -> memref<1x64xi32, #tpu.memory_space<hbm>>
    %dma_wait3A_114 = tpu.memref_squeeze %dma_wait3A_113 : memref<1x64xi32, #tpu.memory_space<hbm>> -> memref<64xi32, #tpu.memory_space<hbm>>
    %dma_wait3A_115 = arith.constant 0 : i32
    %dma_wait3A_116 = tpu.memref_slice %arg7[%dma_wait3A_108, %dma_wait3A_115] : memref<2x64xi32, #tpu.memory_space<vmem>> -> memref<1x64xi32, #tpu.memory_space<vmem>>
    %dma_wait3A_117 = tpu.memref_squeeze %dma_wait3A_116 : memref<1x64xi32, #tpu.memory_space<vmem>> -> memref<64xi32, #tpu.memory_space<vmem>>
    %dma_wait3A_118 = arith.constant 0 : i32
    %dma_wait3A_119 = tpu.memref_slice %arg4[%dma_wait3A_107, %dma_wait3A_118] : memref<2x131072xi32, #tpu.memory_space<hbm>> -> memref<1x64xi32, #tpu.memory_space<hbm>>
    %dma_wait3A_120 = tpu.memref_squeeze %dma_wait3A_119 : memref<1x64xi32, #tpu.memory_space<hbm>> -> memref<64xi32, #tpu.memory_space<hbm>>
    tpu.wait_dma2 semaphore(%arg15 : memref<!tpu.dma_semaphore, #tpu.memory_space<semaphore_mem>>) src(%dma_wait3A_120 : memref<64xi32, #tpu.memory_space<hbm>>) dst(%dma_wait3A_117 : memref<64xi32, #tpu.memory_space<vmem>>)
    %dma_wait3A_121 = arith.constant 0 : i32
    %dma_wait3A_122 = arith.constant 1 : i32
    %dma_wait3A_123 = arith.constant 0 : i32
    %dma_wait3A_124 = tpu.memref_slice %arg8[%dma_wait3A_122, %dma_wait3A_123] : memref<2x64xi32, #tpu.memory_space<vmem>> -> memref<1x64xi32, #tpu.memory_space<vmem>>
    %dma_wait3A_125 = tpu.memref_squeeze %dma_wait3A_124 : memref<1x64xi32, #tpu.memory_space<vmem>> -> memref<64xi32, #tpu.memory_space<vmem>>
    %dma_wait3A_126 = arith.constant 0 : i32
    %dma_wait3A_127 = tpu.memref_slice %arg4[%dma_wait3A_121, %dma_wait3A_126] : memref<2x131072xi32, #tpu.memory_space<hbm>> -> memref<1x64xi32, #tpu.memory_space<hbm>>
    %dma_wait3A_128 = tpu.memref_squeeze %dma_wait3A_127 : memref<1x64xi32, #tpu.memory_space<hbm>> -> memref<64xi32, #tpu.memory_space<hbm>>
    %dma_wait3A_129 = arith.constant 0 : i32
    %dma_wait3A_130 = tpu.memref_slice %arg8[%dma_wait3A_122, %dma_wait3A_129] : memref<2x64xi32, #tpu.memory_space<vmem>> -> memref<1x64xi32, #tpu.memory_space<vmem>>
    %dma_wait3A_131 = tpu.memref_squeeze %dma_wait3A_130 : memref<1x64xi32, #tpu.memory_space<vmem>> -> memref<64xi32, #tpu.memory_space<vmem>>
    %dma_wait3A_132 = arith.constant 0 : i32
    %dma_wait3A_133 = tpu.memref_slice %arg4[%dma_wait3A_121, %dma_wait3A_132] : memref<2x131072xi32, #tpu.memory_space<hbm>> -> memref<1x64xi32, #tpu.memory_space<hbm>>
    %dma_wait3A_134 = tpu.memref_squeeze %dma_wait3A_133 : memref<1x64xi32, #tpu.memory_space<hbm>> -> memref<64xi32, #tpu.memory_space<hbm>>
    tpu.wait_dma2 semaphore(%arg15 : memref<!tpu.dma_semaphore, #tpu.memory_space<semaphore_mem>>) src(%dma_wait3A_134 : memref<64xi32, #tpu.memory_space<hbm>>) dst(%dma_wait3A_131 : memref<64xi32, #tpu.memory_space<vmem>>)
    %add3A_135 = arith.constant 0 : i32
    %add3A_136 = arith.addi %mul3A_28, %add3A_135 : i32
    %dma_start3A_137 = arith.constant 0 : i32
    %dma_start3A_138 = arith.constant 0 : i32
    %dma_start3A_139 = arith.constant 0 : i32
    %dma_start3A_140 = arith.constant 0 : i32
    %dma_start3A_141 = tpu.memref_slice %arg10[%dma_start3A_138, %dma_start3A_139, %dma_start3A_140] : memref<2x64x128xf32, #tpu.memory_space<vmem>> -> memref<1x64x128xf32, #tpu.memory_space<vmem>>
    %dma_start3A_142 = tpu.memref_squeeze %dma_start3A_141 : memref<1x64x128xf32, #tpu.memory_space<vmem>> -> memref<64x128xf32, #tpu.memory_space<vmem>>
    %dma_start3A_143 = arith.constant 0 : i32
    %dma_start3A_144 = tpu.memref_slice %arg7[%dma_start3A_137, %dma_start3A_143] : memref<2x64xi32, #tpu.memory_space<vmem>> -> memref<1x64xi32, #tpu.memory_space<vmem>>
    %dma_start3A_145 = tpu.memref_squeeze %dma_start3A_144 : memref<1x64xi32, #tpu.memory_space<vmem>> -> memref<64xi32, #tpu.memory_space<vmem>>
    %dma_start3A_146 = arith.constant 0 : i32
    %dma_start3A_147 = arith.constant 0 : i32
    %dma_start3A_148 = tpu.memref_slice %arg2[%dma_start3A_146, %dma_start3A_147] : memref<4096x128xf32, #tpu.memory_space<hbm>> -> memref<4096x128xf32, #tpu.memory_space<hbm>>
    tpu.enqueue_indirect_dma source(%dma_start3A_148 : memref<4096x128xf32, #tpu.memory_space<hbm>>) target(%dma_start3A_142 : memref<64x128xf32, #tpu.memory_space<vmem>>) offsets(%dma_start3A_145 : memref<64xi32, #tpu.memory_space<vmem>>) semaphore(%arg16 : memref<!tpu.dma_semaphore, #tpu.memory_space<semaphore_mem>>)
    %dma_start3A_149 = arith.constant 0 : i32
    %dma_start3A_150 = arith.constant 0 : i32
    %dma_start3A_151 = arith.constant 0 : i32
    %dma_start3A_152 = arith.constant 0 : i32
    %dma_start3A_153 = tpu.memref_slice %arg11[%dma_start3A_150, %dma_start3A_151, %dma_start3A_152] : memref<2x64x128xf32, #tpu.memory_space<vmem>> -> memref<1x64x128xf32, #tpu.memory_space<vmem>>
    %dma_start3A_154 = tpu.memref_squeeze %dma_start3A_153 : memref<1x64x128xf32, #tpu.memory_space<vmem>> -> memref<64x128xf32, #tpu.memory_space<vmem>>
    %dma_start3A_155 = arith.constant 0 : i32
    %dma_start3A_156 = tpu.memref_slice %arg8[%dma_start3A_149, %dma_start3A_155] : memref<2x64xi32, #tpu.memory_space<vmem>> -> memref<1x64xi32, #tpu.memory_space<vmem>>
    %dma_start3A_157 = tpu.memref_squeeze %dma_start3A_156 : memref<1x64xi32, #tpu.memory_space<vmem>> -> memref<64xi32, #tpu.memory_space<vmem>>
    %dma_start3A_158 = arith.constant 0 : i32
    %dma_start3A_159 = arith.constant 0 : i32
    %dma_start3A_160 = tpu.memref_slice %arg2[%dma_start3A_158, %dma_start3A_159] : memref<4096x128xf32, #tpu.memory_space<hbm>> -> memref<4096x128xf32, #tpu.memory_space<hbm>>
    tpu.enqueue_indirect_dma source(%dma_start3A_160 : memref<4096x128xf32, #tpu.memory_space<hbm>>) target(%dma_start3A_154 : memref<64x128xf32, #tpu.memory_space<vmem>>) offsets(%dma_start3A_157 : memref<64xi32, #tpu.memory_space<vmem>>) semaphore(%arg18 : memref<!tpu.dma_semaphore, #tpu.memory_space<semaphore_mem>>)
    %jit3A = arith.constant 8 : i32
    %div3A = arith.divsi %add3A_136, %jit3A : i32
    %sign3A = arith.constant 0 : i32
    %sign3A_161 = arith.cmpi sgt, %add3A_136, %sign3A : i32
    %sign3A_162 = arith.extui %sign3A_161 : i1 to i32
    %sign3A_163 = arith.constant 0 : i32
    %sign3A_164 = arith.cmpi slt, %add3A_136, %sign3A_163 : i32
    %sign3A_165 = arith.extui %sign3A_164 : i1 to i32
    %sign3A_166 = arith.subi %sign3A_162, %sign3A_165 : i32
    %sign3A_167 = arith.constant 0 : i32
    %sign3A_168 = arith.cmpi sgt, %jit3A, %sign3A_167 : i32
    %sign3A_169 = arith.extui %sign3A_168 : i1 to i32
    %sign3A_170 = arith.constant 0 : i32
    %sign3A_171 = arith.cmpi slt, %jit3A, %sign3A_170 : i32
    %sign3A_172 = arith.extui %sign3A_171 : i1 to i32
    %sign3A_173 = arith.subi %sign3A_169, %sign3A_172 : i32
    %ne3A = arith.cmpi ne, %sign3A_166, %sign3A_173 : i32
    %rem3A = arith.remsi %add3A_136, %jit3A : i32
    %ne3A_174 = arith.constant 0 : i32
    %ne3A_175 = arith.cmpi ne, %rem3A, %ne3A_174 : i32
    %and3A = arith.andi %ne3A, %ne3A_175 : i1
    %sub3A = arith.constant 1 : i32
    %sub3A_176 = arith.subi %div3A, %sub3A : i32
    %select_n3A = arith.select %and3A, %sub3A_176, %div3A : i32
    %multiple_of3A = tpu.assume_multiple %select_n3A, 8 : i32
    %dma_start3A_177 = arith.constant 0 : i32
    %dma_start3A_178 = arith.constant 0 : i32
    %dma_start3A_179 = arith.constant 0 : i32
    %dma_start3A_180 = tpu.memref_slice %arg12[%dma_start3A_177, %dma_start3A_178, %dma_start3A_179] : memref<2x8x512xf32, #tpu.memory_space<vmem>> -> memref<1x8x512xf32, #tpu.memory_space<vmem>>
    %dma_start3A_181 = tpu.memref_squeeze %dma_start3A_180 : memref<1x8x512xf32, #tpu.memory_space<vmem>> -> memref<8x512xf32, #tpu.memory_space<vmem>>
    %dma_start3A_182 = arith.constant 0 : i32
    %dma_start3A_183 = tpu.memref_slice %arg3[%multiple_of3A, %dma_start3A_182] : memref<16384x512xf32, #tpu.memory_space<hbm>> -> memref<8x512xf32, #tpu.memory_space<hbm>>
    %dma_start3A_184 = arith.constant 0 : i32
    %dma_start3A_185 = arith.constant 0 : i32
    %dma_start3A_186 = tpu.memref_slice %arg12[%dma_start3A_177, %dma_start3A_184, %dma_start3A_185] : memref<2x8x512xf32, #tpu.memory_space<vmem>> -> memref<1x8x512xf32, #tpu.memory_space<vmem>>
    %dma_start3A_187 = tpu.memref_squeeze %dma_start3A_186 : memref<1x8x512xf32, #tpu.memory_space<vmem>> -> memref<8x512xf32, #tpu.memory_space<vmem>>
    %dma_start3A_188 = arith.constant 0 : i32
    %dma_start3A_189 = tpu.memref_slice %arg3[%multiple_of3A, %dma_start3A_188] : memref<16384x512xf32, #tpu.memory_space<hbm>> -> memref<8x512xf32, #tpu.memory_space<hbm>>
    tpu.enqueue_dma source(%dma_start3A_189 : memref<8x512xf32, #tpu.memory_space<hbm>>) target(%dma_start3A_187 : memref<8x512xf32, #tpu.memory_space<vmem>>) target_semaphore(%arg20 : memref<!tpu.dma_semaphore, #tpu.memory_space<semaphore_mem>>)
    %add3A_190 = arith.constant 64 : i32
    %add3A_191 = arith.addi %mul3A_28, %add3A_190 : i32
    %dma_start3A_192 = arith.constant 1 : i32
    %dma_start3A_193 = arith.constant 1 : i32
    %dma_start3A_194 = arith.constant 0 : i32
    %dma_start3A_195 = arith.constant 0 : i32
    %dma_start3A_196 = tpu.memref_slice %arg10[%dma_start3A_193, %dma_start3A_194, %dma_start3A_195] : memref<2x64x128xf32, #tpu.memory_space<vmem>> -> memref<1x64x128xf32, #tpu.memory_space<vmem>>
    %dma_start3A_197 = tpu.memref_squeeze %dma_start3A_196 : memref<1x64x128xf32, #tpu.memory_space<vmem>> -> memref<64x128xf32, #tpu.memory_space<vmem>>
    %dma_start3A_198 = arith.constant 0 : i32
    %dma_start3A_199 = tpu.memref_slice %arg7[%dma_start3A_192, %dma_start3A_198] : memref<2x64xi32, #tpu.memory_space<vmem>> -> memref<1x64xi32, #tpu.memory_space<vmem>>
    %dma_start3A_200 = tpu.memref_squeeze %dma_start3A_199 : memref<1x64xi32, #tpu.memory_space<vmem>> -> memref<64xi32, #tpu.memory_space<vmem>>
    %dma_start3A_201 = arith.constant 0 : i32
    %dma_start3A_202 = arith.constant 0 : i32
    %dma_start3A_203 = tpu.memref_slice %arg2[%dma_start3A_201, %dma_start3A_202] : memref<4096x128xf32, #tpu.memory_space<hbm>> -> memref<4096x128xf32, #tpu.memory_space<hbm>>
    tpu.enqueue_indirect_dma source(%dma_start3A_203 : memref<4096x128xf32, #tpu.memory_space<hbm>>) target(%dma_start3A_197 : memref<64x128xf32, #tpu.memory_space<vmem>>) offsets(%dma_start3A_200 : memref<64xi32, #tpu.memory_space<vmem>>) semaphore(%arg17 : memref<!tpu.dma_semaphore, #tpu.memory_space<semaphore_mem>>)
    %dma_start3A_204 = arith.constant 1 : i32
    %dma_start3A_205 = arith.constant 1 : i32
    %dma_start3A_206 = arith.constant 0 : i32
    %dma_start3A_207 = arith.constant 0 : i32
    %dma_start3A_208 = tpu.memref_slice %arg11[%dma_start3A_205, %dma_start3A_206, %dma_start3A_207] : memref<2x64x128xf32, #tpu.memory_space<vmem>> -> memref<1x64x128xf32, #tpu.memory_space<vmem>>
    %dma_start3A_209 = tpu.memref_squeeze %dma_start3A_208 : memref<1x64x128xf32, #tpu.memory_space<vmem>> -> memref<64x128xf32, #tpu.memory_space<vmem>>
    %dma_start3A_210 = arith.constant 0 : i32
    %dma_start3A_211 = tpu.memref_slice %arg8[%dma_start3A_204, %dma_start3A_210] : memref<2x64xi32, #tpu.memory_space<vmem>> -> memref<1x64xi32, #tpu.memory_space<vmem>>
    %dma_start3A_212 = tpu.memref_squeeze %dma_start3A_211 : memref<1x64xi32, #tpu.memory_space<vmem>> -> memref<64xi32, #tpu.memory_space<vmem>>
    %dma_start3A_213 = arith.constant 0 : i32
    %dma_start3A_214 = arith.constant 0 : i32
    %dma_start3A_215 = tpu.memref_slice %arg2[%dma_start3A_213, %dma_start3A_214] : memref<4096x128xf32, #tpu.memory_space<hbm>> -> memref<4096x128xf32, #tpu.memory_space<hbm>>
    tpu.enqueue_indirect_dma source(%dma_start3A_215 : memref<4096x128xf32, #tpu.memory_space<hbm>>) target(%dma_start3A_209 : memref<64x128xf32, #tpu.memory_space<vmem>>) offsets(%dma_start3A_212 : memref<64xi32, #tpu.memory_space<vmem>>) semaphore(%arg19 : memref<!tpu.dma_semaphore, #tpu.memory_space<semaphore_mem>>)
    %jit3A_216 = arith.constant 8 : i32
    %div3A_217 = arith.divsi %add3A_191, %jit3A_216 : i32
    %sign3A_218 = arith.constant 0 : i32
    %sign3A_219 = arith.cmpi sgt, %add3A_191, %sign3A_218 : i32
    %sign3A_220 = arith.extui %sign3A_219 : i1 to i32
    %sign3A_221 = arith.constant 0 : i32
    %sign3A_222 = arith.cmpi slt, %add3A_191, %sign3A_221 : i32
    %sign3A_223 = arith.extui %sign3A_222 : i1 to i32
    %sign3A_224 = arith.subi %sign3A_220, %sign3A_223 : i32
    %sign3A_225 = arith.constant 0 : i32
    %sign3A_226 = arith.cmpi sgt, %jit3A_216, %sign3A_225 : i32
    %sign3A_227 = arith.extui %sign3A_226 : i1 to i32
    %sign3A_228 = arith.constant 0 : i32
    %sign3A_229 = arith.cmpi slt, %jit3A_216, %sign3A_228 : i32
    %sign3A_230 = arith.extui %sign3A_229 : i1 to i32
    %sign3A_231 = arith.subi %sign3A_227, %sign3A_230 : i32
    %ne3A_232 = arith.cmpi ne, %sign3A_224, %sign3A_231 : i32
    %rem3A_233 = arith.remsi %add3A_191, %jit3A_216 : i32
    %ne3A_234 = arith.constant 0 : i32
    %ne3A_235 = arith.cmpi ne, %rem3A_233, %ne3A_234 : i32
    %and3A_236 = arith.andi %ne3A_232, %ne3A_235 : i1
    %sub3A_237 = arith.constant 1 : i32
    %sub3A_238 = arith.subi %div3A_217, %sub3A_237 : i32
    %select_n3A_239 = arith.select %and3A_236, %sub3A_238, %div3A_217 : i32
    %multiple_of3A_240 = tpu.assume_multiple %select_n3A_239, 8 : i32
    %dma_start3A_241 = arith.constant 1 : i32
    %dma_start3A_242 = arith.constant 0 : i32
    %dma_start3A_243 = arith.constant 0 : i32
    %dma_start3A_244 = tpu.memref_slice %arg12[%dma_start3A_241, %dma_start3A_242, %dma_start3A_243] : memref<2x8x512xf32, #tpu.memory_space<vmem>> -> memref<1x8x512xf32, #tpu.memory_space<vmem>>
    %dma_start3A_245 = tpu.memref_squeeze %dma_start3A_244 : memref<1x8x512xf32, #tpu.memory_space<vmem>> -> memref<8x512xf32, #tpu.memory_space<vmem>>
    %dma_start3A_246 = arith.constant 0 : i32
    %dma_start3A_247 = tpu.memref_slice %arg3[%multiple_of3A_240, %dma_start3A_246] : memref<16384x512xf32, #tpu.memory_space<hbm>> -> memref<8x512xf32, #tpu.memory_space<hbm>>
    %dma_start3A_248 = arith.constant 0 : i32
    %dma_start3A_249 = arith.constant 0 : i32
    %dma_start3A_250 = tpu.memref_slice %arg12[%dma_start3A_241, %dma_start3A_248, %dma_start3A_249] : memref<2x8x512xf32, #tpu.memory_space<vmem>> -> memref<1x8x512xf32, #tpu.memory_space<vmem>>
    %dma_start3A_251 = tpu.memref_squeeze %dma_start3A_250 : memref<1x8x512xf32, #tpu.memory_space<vmem>> -> memref<8x512xf32, #tpu.memory_space<vmem>>
    %dma_start3A_252 = arith.constant 0 : i32
    %dma_start3A_253 = tpu.memref_slice %arg3[%multiple_of3A_240, %dma_start3A_252] : memref<16384x512xf32, #tpu.memory_space<hbm>> -> memref<8x512xf32, #tpu.memory_space<hbm>>
    tpu.enqueue_dma source(%dma_start3A_253 : memref<8x512xf32, #tpu.memory_space<hbm>>) target(%dma_start3A_251 : memref<8x512xf32, #tpu.memory_space<vmem>>) target_semaphore(%arg21 : memref<!tpu.dma_semaphore, #tpu.memory_space<semaphore_mem>>)
    %scan3A_254 = arith.constant 0 : i32
    %scan3A_255 = arith.constant 0 : i32
    %scan3A_256 = arith.constant 32 : i32
    %scan3A_257 = arith.addi %scan3A_255, %scan3A_256 : i32
    %scan3A_258 = arith.constant 1 : i32
    %scan3A_259 = scf.for %scan3A_316 = %scan3A_255 to %scan3A_257 step %scan3A_258 iter_args(%scan3A_317 = %scan3A_254) -> (i32)  : i32 {
      %mul3A_318 = arith.constant 2 : i32
      %mul3A_319 = arith.muli %mul3A_318, %scan3A_316 : i32
      %add3A_320 = arith.constant 0 : i32
      %add3A_321 = arith.addi %mul3A_319, %add3A_320 : i32
      %mul3A_322 = arith.constant 64 : i32
      %mul3A_323 = arith.muli %add3A_321, %mul3A_322 : i32
      %add3A_324 = arith.addi %mul3A_28, %mul3A_323 : i32
      %gt3A = arith.constant 0 : i32
      %gt3A_325 = arith.cmpi sgt, %scan3A_316, %gt3A : i32
      %convert_element_type3A = arith.extui %gt3A_325 : i1 to i32
      %cond3A = arith.constant 0 : i32
      %cond3A_326 = arith.cmpi ne, %convert_element_type3A, %cond3A : i32
      scf.if %cond3A_326 {
        %dma_wait3A_637 = arith.constant 0 : i32
        %dma_wait3A_638 = arith.constant 0 : i32
        %dma_wait3A_639 = arith.constant 0 : i32
        %dma_wait3A_640 = arith.constant 0 : i32
        %dma_wait3A_641 = tpu.memref_slice %arg14[%dma_wait3A_637, %dma_wait3A_639, %dma_wait3A_640] : memref<2x64x128xf32, #tpu.memory_space<vmem>> -> memref<1x64x128xf32, #tpu.memory_space<vmem>>
        %dma_wait3A_642 = tpu.memref_squeeze %dma_wait3A_641 : memref<1x64x128xf32, #tpu.memory_space<vmem>> -> memref<64x128xf32, #tpu.memory_space<vmem>>
        %dma_wait3A_643 = arith.constant 0 : i32
        %dma_wait3A_644 = tpu.memref_slice %arg9[%dma_wait3A_638, %dma_wait3A_643] : memref<2x64xi32, #tpu.memory_space<vmem>> -> memref<1x64xi32, #tpu.memory_space<vmem>>
        %dma_wait3A_645 = tpu.memref_squeeze %dma_wait3A_644 : memref<1x64xi32, #tpu.memory_space<vmem>> -> memref<64xi32, #tpu.memory_space<vmem>>
        %dma_wait3A_646 = arith.constant 0 : i32
        %dma_wait3A_647 = arith.constant 0 : i32
        %dma_wait3A_648 = tpu.memref_slice %arg26[%dma_wait3A_646, %dma_wait3A_647] : memref<4096x128xf32, #tpu.memory_space<vmem_shared>> -> memref<4096x128xf32, #tpu.memory_space<vmem_shared>>
        tpu.wait_indirect_dma semaphore(%arg22 : memref<!tpu.dma_semaphore, #tpu.memory_space<semaphore_mem>>) src(%dma_wait3A_642 : memref<64x128xf32, #tpu.memory_space<vmem>>) dst(%dma_wait3A_648 : memref<4096x128xf32, #tpu.memory_space<vmem_shared>>)
        %dma_wait3A_649 = arith.constant 0 : i32
        %dma_wait3A_650 = arith.constant 0 : i32
        %dma_wait3A_651 = arith.constant 0 : i32
        %dma_wait3A_652 = tpu.memref_slice %arg13[%dma_wait3A_649, %dma_wait3A_650, %dma_wait3A_651] : memref<2x8x512xf32, #tpu.memory_space<vmem>> -> memref<1x8x512xf32, #tpu.memory_space<vmem>>
        %dma_wait3A_653 = tpu.memref_squeeze %dma_wait3A_652 : memref<1x8x512xf32, #tpu.memory_space<vmem>> -> memref<8x512xf32, #tpu.memory_space<vmem>>
        %dma_wait3A_654 = arith.constant 0 : i32
        %dma_wait3A_655 = arith.constant 0 : i32
        %dma_wait3A_656 = tpu.memref_slice %arg5[%dma_wait3A_654, %dma_wait3A_655] : memref<16384x512xf32, #tpu.memory_space<hbm>> -> memref<8x512xf32, #tpu.memory_space<hbm>>
        %dma_wait3A_657 = arith.constant 0 : i32
        %dma_wait3A_658 = arith.constant 0 : i32
        %dma_wait3A_659 = tpu.memref_slice %arg5[%dma_wait3A_657, %dma_wait3A_658] : memref<16384x512xf32, #tpu.memory_space<hbm>> -> memref<8x512xf32, #tpu.memory_space<hbm>>
        %dma_wait3A_660 = arith.constant 0 : i32
        %dma_wait3A_661 = arith.constant 0 : i32
        %dma_wait3A_662 = tpu.memref_slice %arg13[%dma_wait3A_649, %dma_wait3A_660, %dma_wait3A_661] : memref<2x8x512xf32, #tpu.memory_space<vmem>> -> memref<1x8x512xf32, #tpu.memory_space<vmem>>
        %dma_wait3A_663 = tpu.memref_squeeze %dma_wait3A_662 : memref<1x8x512xf32, #tpu.memory_space<vmem>> -> memref<8x512xf32, #tpu.memory_space<vmem>>
        tpu.wait_dma2 semaphore(%arg24 : memref<!tpu.dma_semaphore, #tpu.memory_space<semaphore_mem>>) src(%dma_wait3A_663 : memref<8x512xf32, #tpu.memory_space<vmem>>) dst(%dma_wait3A_659 : memref<8x512xf32, #tpu.memory_space<hbm>>)
      } else {
      }
      %dma_wait3A_327 = arith.constant 0 : i32
      %dma_wait3A_328 = arith.constant 0 : i32
      %dma_wait3A_329 = arith.constant 0 : i32
      %dma_wait3A_330 = arith.constant 0 : i32
      %dma_wait3A_331 = tpu.memref_slice %arg10[%dma_wait3A_328, %dma_wait3A_329, %dma_wait3A_330] : memref<2x64x128xf32, #tpu.memory_space<vmem>> -> memref<1x64x128xf32, #tpu.memory_space<vmem>>
      %dma_wait3A_332 = tpu.memref_squeeze %dma_wait3A_331 : memref<1x64x128xf32, #tpu.memory_space<vmem>> -> memref<64x128xf32, #tpu.memory_space<vmem>>
      %dma_wait3A_333 = arith.constant 0 : i32
      %dma_wait3A_334 = tpu.memref_slice %arg7[%dma_wait3A_327, %dma_wait3A_333] : memref<2x64xi32, #tpu.memory_space<vmem>> -> memref<1x64xi32, #tpu.memory_space<vmem>>
      %dma_wait3A_335 = tpu.memref_squeeze %dma_wait3A_334 : memref<1x64xi32, #tpu.memory_space<vmem>> -> memref<64xi32, #tpu.memory_space<vmem>>
      %dma_wait3A_336 = arith.constant 0 : i32
      %dma_wait3A_337 = arith.constant 0 : i32
      %dma_wait3A_338 = tpu.memref_slice %arg2[%dma_wait3A_336, %dma_wait3A_337] : memref<4096x128xf32, #tpu.memory_space<hbm>> -> memref<4096x128xf32, #tpu.memory_space<hbm>>
      tpu.wait_indirect_dma semaphore(%arg16 : memref<!tpu.dma_semaphore, #tpu.memory_space<semaphore_mem>>) src(%dma_wait3A_338 : memref<4096x128xf32, #tpu.memory_space<hbm>>) dst(%dma_wait3A_332 : memref<64x128xf32, #tpu.memory_space<vmem>>)
      %dma_wait3A_339 = arith.constant 0 : i32
      %dma_wait3A_340 = arith.constant 0 : i32
      %dma_wait3A_341 = arith.constant 0 : i32
      %dma_wait3A_342 = arith.constant 0 : i32
      %dma_wait3A_343 = tpu.memref_slice %arg11[%dma_wait3A_340, %dma_wait3A_341, %dma_wait3A_342] : memref<2x64x128xf32, #tpu.memory_space<vmem>> -> memref<1x64x128xf32, #tpu.memory_space<vmem>>
      %dma_wait3A_344 = tpu.memref_squeeze %dma_wait3A_343 : memref<1x64x128xf32, #tpu.memory_space<vmem>> -> memref<64x128xf32, #tpu.memory_space<vmem>>
      %dma_wait3A_345 = arith.constant 0 : i32
      %dma_wait3A_346 = tpu.memref_slice %arg8[%dma_wait3A_339, %dma_wait3A_345] : memref<2x64xi32, #tpu.memory_space<vmem>> -> memref<1x64xi32, #tpu.memory_space<vmem>>
      %dma_wait3A_347 = tpu.memref_squeeze %dma_wait3A_346 : memref<1x64xi32, #tpu.memory_space<vmem>> -> memref<64xi32, #tpu.memory_space<vmem>>
      %dma_wait3A_348 = arith.constant 0 : i32
      %dma_wait3A_349 = arith.constant 0 : i32
      %dma_wait3A_350 = tpu.memref_slice %arg2[%dma_wait3A_348, %dma_wait3A_349] : memref<4096x128xf32, #tpu.memory_space<hbm>> -> memref<4096x128xf32, #tpu.memory_space<hbm>>
      tpu.wait_indirect_dma semaphore(%arg18 : memref<!tpu.dma_semaphore, #tpu.memory_space<semaphore_mem>>) src(%dma_wait3A_350 : memref<4096x128xf32, #tpu.memory_space<hbm>>) dst(%dma_wait3A_344 : memref<64x128xf32, #tpu.memory_space<vmem>>)
      %dma_wait3A_351 = arith.constant 0 : i32
      %dma_wait3A_352 = arith.constant 0 : i32
      %dma_wait3A_353 = arith.constant 0 : i32
      %dma_wait3A_354 = tpu.memref_slice %arg12[%dma_wait3A_351, %dma_wait3A_352, %dma_wait3A_353] : memref<2x8x512xf32, #tpu.memory_space<vmem>> -> memref<1x8x512xf32, #tpu.memory_space<vmem>>
      %dma_wait3A_355 = tpu.memref_squeeze %dma_wait3A_354 : memref<1x8x512xf32, #tpu.memory_space<vmem>> -> memref<8x512xf32, #tpu.memory_space<vmem>>
      %dma_wait3A_356 = arith.constant 0 : i32
      %dma_wait3A_357 = arith.constant 0 : i32
      %dma_wait3A_358 = tpu.memref_slice %arg3[%dma_wait3A_356, %dma_wait3A_357] : memref<16384x512xf32, #tpu.memory_space<hbm>> -> memref<8x512xf32, #tpu.memory_space<hbm>>
      %dma_wait3A_359 = arith.constant 0 : i32
      %dma_wait3A_360 = arith.constant 0 : i32
      %dma_wait3A_361 = tpu.memref_slice %arg12[%dma_wait3A_351, %dma_wait3A_359, %dma_wait3A_360] : memref<2x8x512xf32, #tpu.memory_space<vmem>> -> memref<1x8x512xf32, #tpu.memory_space<vmem>>
      %dma_wait3A_362 = tpu.memref_squeeze %dma_wait3A_361 : memref<1x8x512xf32, #tpu.memory_space<vmem>> -> memref<8x512xf32, #tpu.memory_space<vmem>>
      %dma_wait3A_363 = arith.constant 0 : i32
      %dma_wait3A_364 = arith.constant 0 : i32
      %dma_wait3A_365 = tpu.memref_slice %arg3[%dma_wait3A_363, %dma_wait3A_364] : memref<16384x512xf32, #tpu.memory_space<hbm>> -> memref<8x512xf32, #tpu.memory_space<hbm>>
      tpu.wait_dma2 semaphore(%arg20 : memref<!tpu.dma_semaphore, #tpu.memory_space<semaphore_mem>>) src(%dma_wait3A_365 : memref<8x512xf32, #tpu.memory_space<hbm>>) dst(%dma_wait3A_362 : memref<8x512xf32, #tpu.memory_space<vmem>>)
      %get3A = arith.constant 0 : i32
      %get3A_366 = arith.index_cast %get3A : i32 to index
      %get3A_367 = arith.constant 0 : index
      %get3A_368 = tpu.vector_load %arg7[%get3A_366, %get3A_367] {strides = array<i32>} : memref<2x64xi32, #tpu.memory_space<vmem>>, vector<1x16xi32>,
      %get3A_369 = vector.shape_cast %get3A_368 : vector<1x16xi32> to vector<16xi32>
      %swap3A = arith.constant 0 : i32
      %swap3A_370 = arith.index_cast %swap3A : i32 to index
      %swap3A_371 = arith.constant 0 : index
      %swap3A_372 = tpu.vector_load %arg9[%swap3A_370, %swap3A_371] {strides = array<i32>} : memref<2x64xi32, #tpu.memory_space<vmem>>, vector<1x16xi32>,
      %swap3A_373 = vector.shape_cast %swap3A_372 : vector<1x16xi32> to vector<16xi32>
      %swap3A_374 = vector.shape_cast %get3A_369 : vector<16xi32> to vector<1x16xi32>
      tpu.vector_store %arg9[%swap3A_370, %swap3A_371], %swap3A_374 {strides = array<i32>} : memref<2x64xi32, #tpu.memory_space<vmem>>, vector<1x16xi32>,
      %get3A_375 = arith.constant 0 : i32
      %get3A_376 = arith.index_cast %get3A_375 : i32 to index
      %get3A_377 = arith.constant 16 : index
      %get3A_378 = tpu.vector_load %arg7[%get3A_376, %get3A_377] {strides = array<i32>} : memref<2x64xi32, #tpu.memory_space<vmem>>, vector<1x16xi32>,
      %get3A_379 = vector.shape_cast %get3A_378 : vector<1x16xi32> to vector<16xi32>
      %swap3A_380 = arith.constant 0 : i32
      %swap3A_381 = arith.index_cast %swap3A_380 : i32 to index
      %swap3A_382 = arith.constant 16 : index
      %swap3A_383 = tpu.vector_load %arg9[%swap3A_381, %swap3A_382] {strides = array<i32>} : memref<2x64xi32, #tpu.memory_space<vmem>>, vector<1x16xi32>,
      %swap3A_384 = vector.shape_cast %swap3A_383 : vector<1x16xi32> to vector<16xi32>
      %swap3A_385 = vector.shape_cast %get3A_379 : vector<16xi32> to vector<1x16xi32>
      tpu.vector_store %arg9[%swap3A_381, %swap3A_382], %swap3A_385 {strides = array<i32>} : memref<2x64xi32, #tpu.memory_space<vmem>>, vector<1x16xi32>,
      %get3A_386 = arith.constant 0 : i32
      %get3A_387 = arith.index_cast %get3A_386 : i32 to index
      %get3A_388 = arith.constant 32 : index
      %get3A_389 = tpu.vector_load %arg7[%get3A_387, %get3A_388] {strides = array<i32>} : memref<2x64xi32, #tpu.memory_space<vmem>>, vector<1x16xi32>,
      %get3A_390 = vector.shape_cast %get3A_389 : vector<1x16xi32> to vector<16xi32>
      %swap3A_391 = arith.constant 0 : i32
      %swap3A_392 = arith.index_cast %swap3A_391 : i32 to index
      %swap3A_393 = arith.constant 32 : index
      %swap3A_394 = tpu.vector_load %arg9[%swap3A_392, %swap3A_393] {strides = array<i32>} : memref<2x64xi32, #tpu.memory_space<vmem>>, vector<1x16xi32>,
      %swap3A_395 = vector.shape_cast %swap3A_394 : vector<1x16xi32> to vector<16xi32>
      %swap3A_396 = vector.shape_cast %get3A_390 : vector<16xi32> to vector<1x16xi32>
      tpu.vector_store %arg9[%swap3A_392, %swap3A_393], %swap3A_396 {strides = array<i32>} : memref<2x64xi32, #tpu.memory_space<vmem>>, vector<1x16xi32>,
      %get3A_397 = arith.constant 0 : i32
      %get3A_398 = arith.index_cast %get3A_397 : i32 to index
      %get3A_399 = arith.constant 48 : index
      %get3A_400 = tpu.vector_load %arg7[%get3A_398, %get3A_399] {strides = array<i32>} : memref<2x64xi32, #tpu.memory_space<vmem>>, vector<1x16xi32>,
      %get3A_401 = vector.shape_cast %get3A_400 : vector<1x16xi32> to vector<16xi32>
      %swap3A_402 = arith.constant 0 : i32
      %swap3A_403 = arith.index_cast %swap3A_402 : i32 to index
      %swap3A_404 = arith.constant 48 : index
      %swap3A_405 = tpu.vector_load %arg9[%swap3A_403, %swap3A_404] {strides = array<i32>} : memref<2x64xi32, #tpu.memory_space<vmem>>, vector<1x16xi32>,
      %swap3A_406 = vector.shape_cast %swap3A_405 : vector<1x16xi32> to vector<16xi32>
      %swap3A_407 = vector.shape_cast %get3A_401 : vector<16xi32> to vector<1x16xi32>
      tpu.vector_store %arg9[%swap3A_403, %swap3A_404], %swap3A_407 {strides = array<i32>} : memref<2x64xi32, #tpu.memory_space<vmem>>, vector<1x16xi32>,
      %lt3A = arith.constant 31 : i32
      %lt3A_408 = arith.cmpi slt, %scan3A_316, %lt3A : i32
      %convert_element_type3A_409 = arith.extui %lt3A_408 : i1 to i32
      %cond3A_410 = arith.constant 0 : i32
      %cond3A_411 = arith.cmpi ne, %convert_element_type3A_409, %cond3A_410 : i32
      scf.if %cond3A_411 {
        %add3A_637 = arith.constant 2 : i32
        %add3A_638 = arith.addi %add3A_321, %add3A_637 : i32
        %mul3A_639 = arith.constant 64 : i32
        %mul3A_640 = arith.muli %add3A_638, %mul3A_639 : i32
        %add3A_641 = arith.addi %mul3A_28, %mul3A_640 : i32
        %dma_start3A_642 = arith.constant 0 : i32
        %dma_start3A_643 = arith.constant 0 : i32
        %dma_start3A_644 = arith.constant 0 : i32
        %dma_start3A_645 = tpu.memref_slice %arg7[%dma_start3A_643, %dma_start3A_644] : memref<2x64xi32, #tpu.memory_space<vmem>> -> memref<1x64xi32, #tpu.memory_space<vmem>>
        %dma_start3A_646 = tpu.memref_squeeze %dma_start3A_645 : memref<1x64xi32, #tpu.memory_space<vmem>> -> memref<64xi32, #tpu.memory_space<vmem>>
        %dma_start3A_647 = tpu.memref_slice %arg4[%dma_start3A_642, %add3A_641] : memref<2x131072xi32, #tpu.memory_space<hbm>> -> memref<1x64xi32, #tpu.memory_space<hbm>>
        %dma_start3A_648 = tpu.memref_squeeze %dma_start3A_647 : memref<1x64xi32, #tpu.memory_space<hbm>> -> memref<64xi32, #tpu.memory_space<hbm>>
        %dma_start3A_649 = arith.constant 0 : i32
        %dma_start3A_650 = tpu.memref_slice %arg7[%dma_start3A_643, %dma_start3A_649] : memref<2x64xi32, #tpu.memory_space<vmem>> -> memref<1x64xi32, #tpu.memory_space<vmem>>
        %dma_start3A_651 = tpu.memref_squeeze %dma_start3A_650 : memref<1x64xi32, #tpu.memory_space<vmem>> -> memref<64xi32, #tpu.memory_space<vmem>>
        %dma_start3A_652 = tpu.memref_slice %arg4[%dma_start3A_642, %add3A_641] : memref<2x131072xi32, #tpu.memory_space<hbm>> -> memref<1x64xi32, #tpu.memory_space<hbm>>
        %dma_start3A_653 = tpu.memref_squeeze %dma_start3A_652 : memref<1x64xi32, #tpu.memory_space<hbm>> -> memref<64xi32, #tpu.memory_space<hbm>>
        tpu.enqueue_dma source(%dma_start3A_653 : memref<64xi32, #tpu.memory_space<hbm>>) target(%dma_start3A_651 : memref<64xi32, #tpu.memory_space<vmem>>) target_semaphore(%arg15 : memref<!tpu.dma_semaphore, #tpu.memory_space<semaphore_mem>>)
        %dma_start3A_654 = arith.constant 1 : i32
        %dma_start3A_655 = arith.constant 0 : i32
        %dma_start3A_656 = arith.constant 0 : i32
        %dma_start3A_657 = tpu.memref_slice %arg8[%dma_start3A_655, %dma_start3A_656] : memref<2x64xi32, #tpu.memory_space<vmem>> -> memref<1x64xi32, #tpu.memory_space<vmem>>
        %dma_start3A_658 = tpu.memref_squeeze %dma_start3A_657 : memref<1x64xi32, #tpu.memory_space<vmem>> -> memref<64xi32, #tpu.memory_space<vmem>>
        %dma_start3A_659 = tpu.memref_slice %arg4[%dma_start3A_654, %add3A_641] : memref<2x131072xi32, #tpu.memory_space<hbm>> -> memref<1x64xi32, #tpu.memory_space<hbm>>
        %dma_start3A_660 = tpu.memref_squeeze %dma_start3A_659 : memref<1x64xi32, #tpu.memory_space<hbm>> -> memref<64xi32, #tpu.memory_space<hbm>>
        %dma_start3A_661 = arith.constant 0 : i32
        %dma_start3A_662 = tpu.memref_slice %arg8[%dma_start3A_655, %dma_start3A_661] : memref<2x64xi32, #tpu.memory_space<vmem>> -> memref<1x64xi32, #tpu.memory_space<vmem>>
        %dma_start3A_663 = tpu.memref_squeeze %dma_start3A_662 : memref<1x64xi32, #tpu.memory_space<vmem>> -> memref<64xi32, #tpu.memory_space<vmem>>
        %dma_start3A_664 = tpu.memref_slice %arg4[%dma_start3A_654, %add3A_641] : memref<2x131072xi32, #tpu.memory_space<hbm>> -> memref<1x64xi32, #tpu.memory_space<hbm>>
        %dma_start3A_665 = tpu.memref_squeeze %dma_start3A_664 : memref<1x64xi32, #tpu.memory_space<hbm>> -> memref<64xi32, #tpu.memory_space<hbm>>
        tpu.enqueue_dma source(%dma_start3A_665 : memref<64xi32, #tpu.memory_space<hbm>>) target(%dma_start3A_663 : memref<64xi32, #tpu.memory_space<vmem>>) target_semaphore(%arg15 : memref<!tpu.dma_semaphore, #tpu.memory_space<semaphore_mem>>)
      } else {
      }
      %scan3A_412 = arith.constant 0 : i32
      %scan3A_413 = arith.constant 0 : i32
      %scan3A_414 = arith.constant 8 : i32
      %scan3A_415 = arith.addi %scan3A_413, %scan3A_414 : i32
      %scan3A_416 = arith.constant 1 : i32
      %scan3A_417 = scf.for %scan3A_637 = %scan3A_413 to %scan3A_415 step %scan3A_416 iter_args(%scan3A_638 = %scan3A_412) -> (i32)  : i32 {
        %mul3A_639 = arith.constant 8 : i32
        %mul3A_640 = arith.muli %scan3A_637, %mul3A_639 : i32
        %add3A_641 = arith.constant 0 : i32
        %add3A_642 = arith.addi %mul3A_640, %add3A_641 : i32
        %get3A_643 = arith.constant 0 : i32
        %get3A_644 = arith.index_cast %get3A_643 : i32 to index
        %get3A_645 = arith.index_cast %add3A_642 : i32 to index
        %get3A_646 = arith.constant 0 : index
        %get3A_647 = tpu.vector_load %arg10[%get3A_644, %get3A_645, %get3A_646] {strides = array<i32>} : memref<2x64x128xf32, #tpu.memory_space<vmem>>, vector<1x1x16xf32>,
        %get3A_648 = vector.shape_cast %get3A_647 : vector<1x1x16xf32> to vector<16xf32>
        %get3A_649 = arith.constant 0 : i32
        %get3A_650 = arith.index_cast %get3A_649 : i32 to index
        %get3A_651 = arith.index_cast %add3A_642 : i32 to index
        %get3A_652 = arith.constant 64 : index
        %get3A_653 = tpu.vector_load %arg11[%get3A_650, %get3A_651, %get3A_652] {strides = array<i32>} : memref<2x64x128xf32, #tpu.memory_space<vmem>>, vector<1x1x16xf32>,
        %get3A_654 = vector.shape_cast %get3A_653 : vector<1x1x16xf32> to vector<16xf32>
        %add3A_655 = arith.addf %get3A_648, %get3A_654 : vector<16xf32>
        %get3A_656 = arith.constant 0 : i32
        %get3A_657 = arith.index_cast %get3A_656 : i32 to index
        %get3A_658 = arith.index_cast %scan3A_637 : i32 to index
        %get3A_659 = arith.constant 0 : index
        %get3A_660 = tpu.vector_load %arg12[%get3A_657, %get3A_658, %get3A_659] {strides = array<i32>} : memref<2x8x512xf32, #tpu.memory_space<vmem>>, vector<1x1x16xf32>,
        %get3A_661 = vector.shape_cast %get3A_660 : vector<1x1x16xf32> to vector<16xf32>
        %add3A_662 = arith.addf %add3A_655, %get3A_661 : vector<16xf32>
        %max3A = arith.constant 0.000000e+00 : f32
        %max3A_663 = vector.broadcast %max3A : f32 to vector<16xf32>
        %max3A_664 = arith.maximumf %add3A_662, %max3A_663 : vector<16xf32>
        %swap3A_665 = arith.constant 0 : i32
        %swap3A_666 = arith.index_cast %swap3A_665 : i32 to index
        %swap3A_667 = arith.index_cast %add3A_642 : i32 to index
        %swap3A_668 = arith.constant 0 : index
        %swap3A_669 = tpu.vector_load %arg14[%swap3A_666, %swap3A_667, %swap3A_668] {strides = array<i32>} : memref<2x64x128xf32, #tpu.memory_space<vmem>>, vector<1x1x16xf32>,
        %swap3A_670 = vector.shape_cast %swap3A_669 : vector<1x1x16xf32> to vector<16xf32>
        %swap3A_671 = vector.shape_cast %max3A_664 : vector<16xf32> to vector<1x1x16xf32>
        tpu.vector_store %arg14[%swap3A_666, %swap3A_667, %swap3A_668], %swap3A_671 {strides = array<i32>} : memref<2x64x128xf32, #tpu.memory_space<vmem>>, vector<1x1x16xf32>,
        %swap3A_672 = arith.constant 0 : i32
        %swap3A_673 = arith.index_cast %swap3A_672 : i32 to index
        %swap3A_674 = arith.index_cast %scan3A_637 : i32 to index
        %swap3A_675 = arith.constant 0 : index
        %swap3A_676 = tpu.vector_load %arg13[%swap3A_673, %swap3A_674, %swap3A_675] {strides = array<i32>} : memref<2x8x512xf32, #tpu.memory_space<vmem>>, vector<1x1x16xf32>,
        %swap3A_677 = vector.shape_cast %swap3A_676 : vector<1x1x16xf32> to vector<16xf32>
        %swap3A_678 = vector.shape_cast %max3A_664 : vector<16xf32> to vector<1x1x16xf32>
        tpu.vector_store %arg13[%swap3A_673, %swap3A_674, %swap3A_675], %swap3A_678 {strides = array<i32>} : memref<2x8x512xf32, #tpu.memory_space<vmem>>, vector<1x1x16xf32>,
        %get3A_679 = arith.constant 0 : i32
        %get3A_680 = arith.index_cast %get3A_679 : i32 to index
        %get3A_681 = arith.index_cast %add3A_642 : i32 to index
        %get3A_682 = arith.constant 16 : index
        %get3A_683 = tpu.vector_load %arg10[%get3A_680, %get3A_681, %get3A_682] {strides = array<i32>} : memref<2x64x128xf32, #tpu.memory_space<vmem>>, vector<1x1x16xf32>,
        %get3A_684 = vector.shape_cast %get3A_683 : vector<1x1x16xf32> to vector<16xf32>
        %get3A_685 = arith.constant 0 : i32
        %get3A_686 = arith.index_cast %get3A_685 : i32 to index
        %get3A_687 = arith.index_cast %add3A_642 : i32 to index
        %get3A_688 = arith.constant 80 : index
        %get3A_689 = tpu.vector_load %arg11[%get3A_686, %get3A_687, %get3A_688] {strides = array<i32>} : memref<2x64x128xf32, #tpu.memory_space<vmem>>, vector<1x1x16xf32>,
        %get3A_690 = vector.shape_cast %get3A_689 : vector<1x1x16xf32> to vector<16xf32>
        %add3A_691 = arith.addf %get3A_684, %get3A_690 : vector<16xf32>
        %get3A_692 = arith.constant 0 : i32
        %get3A_693 = arith.index_cast %get3A_692 : i32 to index
        %get3A_694 = arith.index_cast %scan3A_637 : i32 to index
        %get3A_695 = arith.constant 16 : index
        %get3A_696 = tpu.vector_load %arg12[%get3A_693, %get3A_694, %get3A_695] {strides = array<i32>} : memref<2x8x512xf32, #tpu.memory_space<vmem>>, vector<1x1x16xf32>,
        %get3A_697 = vector.shape_cast %get3A_696 : vector<1x1x16xf32> to vector<16xf32>
        %add3A_698 = arith.addf %add3A_691, %get3A_697 : vector<16xf32>
        %max3A_699 = arith.constant 0.000000e+00 : f32
        %max3A_700 = vector.broadcast %max3A_699 : f32 to vector<16xf32>
        %max3A_701 = arith.maximumf %add3A_698, %max3A_700 : vector<16xf32>
        %swap3A_702 = arith.constant 0 : i32
        %swap3A_703 = arith.index_cast %swap3A_702 : i32 to index
        %swap3A_704 = arith.index_cast %add3A_642 : i32 to index
        %swap3A_705 = arith.constant 16 : index
        %swap3A_706 = tpu.vector_load %arg14[%swap3A_703, %swap3A_704, %swap3A_705] {strides = array<i32>} : memref<2x64x128xf32, #tpu.memory_space<vmem>>, vector<1x1x16xf32>,
        %swap3A_707 = vector.shape_cast %swap3A_706 : vector<1x1x16xf32> to vector<16xf32>
        %swap3A_708 = vector.shape_cast %max3A_701 : vector<16xf32> to vector<1x1x16xf32>
        tpu.vector_store %arg14[%swap3A_703, %swap3A_704, %swap3A_705], %swap3A_708 {strides = array<i32>} : memref<2x64x128xf32, #tpu.memory_space<vmem>>, vector<1x1x16xf32>,
        %swap3A_709 = arith.constant 0 : i32
        %swap3A_710 = arith.index_cast %swap3A_709 : i32 to index
        %swap3A_711 = arith.index_cast %scan3A_637 : i32 to index
        %swap3A_712 = arith.constant 16 : index
        %swap3A_713 = tpu.vector_load %arg13[%swap3A_710, %swap3A_711, %swap3A_712] {strides = array<i32>} : memref<2x8x512xf32, #tpu.memory_space<vmem>>, vector<1x1x16xf32>,
        %swap3A_714 = vector.shape_cast %swap3A_713 : vector<1x1x16xf32> to vector<16xf32>
        %swap3A_715 = vector.shape_cast %max3A_701 : vector<16xf32> to vector<1x1x16xf32>
        tpu.vector_store %arg13[%swap3A_710, %swap3A_711, %swap3A_712], %swap3A_715 {strides = array<i32>} : memref<2x8x512xf32, #tpu.memory_space<vmem>>, vector<1x1x16xf32>,
        %get3A_716 = arith.constant 0 : i32
        %get3A_717 = arith.index_cast %get3A_716 : i32 to index
        %get3A_718 = arith.index_cast %add3A_642 : i32 to index
        %get3A_719 = arith.constant 32 : index
        %get3A_720 = tpu.vector_load %arg10[%get3A_717, %get3A_718, %get3A_719] {strides = array<i32>} : memref<2x64x128xf32, #tpu.memory_space<vmem>>, vector<1x1x16xf32>,
        %get3A_721 = vector.shape_cast %get3A_720 : vector<1x1x16xf32> to vector<16xf32>
        %get3A_722 = arith.constant 0 : i32
        %get3A_723 = arith.index_cast %get3A_722 : i32 to index
        %get3A_724 = arith.index_cast %add3A_642 : i32 to index
        %get3A_725 = arith.constant 96 : index
        %get3A_726 = tpu.vector_load %arg11[%get3A_723, %get3A_724, %get3A_725] {strides = array<i32>} : memref<2x64x128xf32, #tpu.memory_space<vmem>>, vector<1x1x16xf32>,
        %get3A_727 = vector.shape_cast %get3A_726 : vector<1x1x16xf32> to vector<16xf32>
        %add3A_728 = arith.addf %get3A_721, %get3A_727 : vector<16xf32>
        %get3A_729 = arith.constant 0 : i32
        %get3A_730 = arith.index_cast %get3A_729 : i32 to index
        %get3A_731 = arith.index_cast %scan3A_637 : i32 to index
        %get3A_732 = arith.constant 32 : index
        %get3A_733 = tpu.vector_load %arg12[%get3A_730, %get3A_731, %get3A_732] {strides = array<i32>} : memref<2x8x512xf32, #tpu.memory_space<vmem>>, vector<1x1x16xf32>,
        %get3A_734 = vector.shape_cast %get3A_733 : vector<1x1x16xf32> to vector<16xf32>
        %add3A_735 = arith.addf %add3A_728, %get3A_734 : vector<16xf32>
        %max3A_736 = arith.constant 0.000000e+00 : f32
        %max3A_737 = vector.broadcast %max3A_736 : f32 to vector<16xf32>
        %max3A_738 = arith.maximumf %add3A_735, %max3A_737 : vector<16xf32>
        %swap3A_739 = arith.constant 0 : i32
        %swap3A_740 = arith.index_cast %swap3A_739 : i32 to index
        %swap3A_741 = arith.index_cast %add3A_642 : i32 to index
        %swap3A_742 = arith.constant 32 : index
        %swap3A_743 = tpu.vector_load %arg14[%swap3A_740, %swap3A_741, %swap3A_742] {strides = array<i32>} : memref<2x64x128xf32, #tpu.memory_space<vmem>>, vector<1x1x16xf32>,
        %swap3A_744 = vector.shape_cast %swap3A_743 : vector<1x1x16xf32> to vector<16xf32>
        %swap3A_745 = vector.shape_cast %max3A_738 : vector<16xf32> to vector<1x1x16xf32>
        tpu.vector_store %arg14[%swap3A_740, %swap3A_741, %swap3A_742], %swap3A_745 {strides = array<i32>} : memref<2x64x128xf32, #tpu.memory_space<vmem>>, vector<1x1x16xf32>,
        %swap3A_746 = arith.constant 0 : i32
        %swap3A_747 = arith.index_cast %swap3A_746 : i32 to index
        %swap3A_748 = arith.index_cast %scan3A_637 : i32 to index
        %swap3A_749 = arith.constant 32 : index
        %swap3A_750 = tpu.vector_load %arg13[%swap3A_747, %swap3A_748, %swap3A_749] {strides = array<i32>} : memref<2x8x512xf32, #tpu.memory_space<vmem>>, vector<1x1x16xf32>,
        %swap3A_751 = vector.shape_cast %swap3A_750 : vector<1x1x16xf32> to vector<16xf32>
        %swap3A_752 = vector.shape_cast %max3A_738 : vector<16xf32> to vector<1x1x16xf32>
        tpu.vector_store %arg13[%swap3A_747, %swap3A_748, %swap3A_749], %swap3A_752 {strides = array<i32>} : memref<2x8x512xf32, #tpu.memory_space<vmem>>, vector<1x1x16xf32>,
        %get3A_753 = arith.constant 0 : i32
        %get3A_754 = arith.index_cast %get3A_753 : i32 to index
        %get3A_755 = arith.index_cast %add3A_642 : i32 to index
        %get3A_756 = arith.constant 48 : index
        %get3A_757 = tpu.vector_load %arg10[%get3A_754, %get3A_755, %get3A_756] {strides = array<i32>} : memref<2x64x128xf32, #tpu.memory_space<vmem>>, vector<1x1x16xf32>,
        %get3A_758 = vector.shape_cast %get3A_757 : vector<1x1x16xf32> to vector<16xf32>
        %get3A_759 = arith.constant 0 : i32
        %get3A_760 = arith.index_cast %get3A_759 : i32 to index
        %get3A_761 = arith.index_cast %add3A_642 : i32 to index
        %get3A_762 = arith.constant 112 : index
        %get3A_763 = tpu.vector_load %arg11[%get3A_760, %get3A_761, %get3A_762] {strides = array<i32>} : memref<2x64x128xf32, #tpu.memory_space<vmem>>, vector<1x1x16xf32>,
        %get3A_764 = vector.shape_cast %get3A_763 : vector<1x1x16xf32> to vector<16xf32>
        %add3A_765 = arith.addf %get3A_758, %get3A_764 : vector<16xf32>
        %get3A_766 = arith.constant 0 : i32
        %get3A_767 = arith.index_cast %get3A_766 : i32 to index
        %get3A_768 = arith.index_cast %scan3A_637 : i32 to index
        %get3A_769 = arith.constant 48 : index
        %get3A_770 = tpu.vector_load %arg12[%get3A_767, %get3A_768, %get3A_769] {strides = array<i32>} : memref<2x8x512xf32, #tpu.memory_space<vmem>>, vector<1x1x16xf32>,
        %get3A_771 = vector.shape_cast %get3A_770 : vector<1x1x16xf32> to vector<16xf32>
        %add3A_772 = arith.addf %add3A_765, %get3A_771 : vector<16xf32>
        %max3A_773 = arith.constant 0.000000e+00 : f32
        %max3A_774 = vector.broadcast %max3A_773 : f32 to vector<16xf32>
        %max3A_775 = arith.maximumf %add3A_772, %max3A_774 : vector<16xf32>
        %swap3A_776 = arith.constant 0 : i32
        %swap3A_777 = arith.index_cast %swap3A_776 : i32 to index
        %swap3A_778 = arith.index_cast %add3A_642 : i32 to index
        %swap3A_779 = arith.constant 48 : index
        %swap3A_780 = tpu.vector_load %arg14[%swap3A_777, %swap3A_778, %swap3A_779] {strides = array<i32>} : memref<2x64x128xf32, #tpu.memory_space<vmem>>, vector<1x1x16xf32>,
        %swap3A_781 = vector.shape_cast %swap3A_780 : vector<1x1x16xf32> to vector<16xf32>
        %swap3A_782 = vector.shape_cast %max3A_775 : vector<16xf32> to vector<1x1x16xf32>
        tpu.vector_store %arg14[%swap3A_777, %swap3A_778, %swap3A_779], %swap3A_782 {strides = array<i32>} : memref<2x64x128xf32, #tpu.memory_space<vmem>>, vector<1x1x16xf32>,
        %swap3A_783 = arith.constant 0 : i32
        %swap3A_784 = arith.index_cast %swap3A_783 : i32 to index
        %swap3A_785 = arith.index_cast %scan3A_637 : i32 to index
        %swap3A_786 = arith.constant 48 : index
        %swap3A_787 = tpu.vector_load %arg13[%swap3A_784, %swap3A_785, %swap3A_786] {strides = array<i32>} : memref<2x8x512xf32, #tpu.memory_space<vmem>>, vector<1x1x16xf32>,
        %swap3A_788 = vector.shape_cast %swap3A_787 : vector<1x1x16xf32> to vector<16xf32>
        %swap3A_789 = vector.shape_cast %max3A_775 : vector<16xf32> to vector<1x1x16xf32>
        tpu.vector_store %arg13[%swap3A_784, %swap3A_785, %swap3A_786], %swap3A_789 {strides = array<i32>} : memref<2x8x512xf32, #tpu.memory_space<vmem>>, vector<1x1x16xf32>,
        %mul3A_790 = arith.constant 8 : i32
        %mul3A_791 = arith.muli %scan3A_637, %mul3A_790 : i32
        %add3A_792 = arith.constant 1 : i32
        %add3A_793 = arith.addi %mul3A_791, %add3A_792 : i32
        %get3A_794 = arith.constant 0 : i32
        %get3A_795 = arith.index_cast %get3A_794 : i32 to index
        %get3A_796 = arith.index_cast %add3A_793 : i32 to index
        %get3A_797 = arith.constant 0 : index
        %get3A_798 = tpu.vector_load %arg10[%get3A_795, %get3A_796, %get3A_797] {strides = array<i32>} : memref<2x64x128xf32, #tpu.memory_space<vmem>>, vector<1x1x16xf32>,
        %get3A_799 = vector.shape_cast %get3A_798 : vector<1x1x16xf32> to vector<16xf32>
        %get3A_800 = arith.constant 0 : i32
        %get3A_801 = arith.index_cast %get3A_800 : i32 to index
        %get3A_802 = arith.index_cast %add3A_793 : i32 to index
        %get3A_803 = arith.constant 64 : index
        %get3A_804 = tpu.vector_load %arg11[%get3A_801, %get3A_802, %get3A_803] {strides = array<i32>} : memref<2x64x128xf32, #tpu.memory_space<vmem>>, vector<1x1x16xf32>,
        %get3A_805 = vector.shape_cast %get3A_804 : vector<1x1x16xf32> to vector<16xf32>
        %add3A_806 = arith.addf %get3A_799, %get3A_805 : vector<16xf32>
        %get3A_807 = arith.constant 0 : i32
        %get3A_808 = arith.index_cast %get3A_807 : i32 to index
        %get3A_809 = arith.index_cast %scan3A_637 : i32 to index
        %get3A_810 = arith.constant 64 : index
        %get3A_811 = tpu.vector_load %arg12[%get3A_808, %get3A_809, %get3A_810] {strides = array<i32>} : memref<2x8x512xf32, #tpu.memory_space<vmem>>, vector<1x1x16xf32>,
        %get3A_812 = vector.shape_cast %get3A_811 : vector<1x1x16xf32> to vector<16xf32>
        %add3A_813 = arith.addf %add3A_806, %get3A_812 : vector<16xf32>
        %max3A_814 = arith.constant 0.000000e+00 : f32
        %max3A_815 = vector.broadcast %max3A_814 : f32 to vector<16xf32>
        %max3A_816 = arith.maximumf %add3A_813, %max3A_815 : vector<16xf32>
        %swap3A_817 = arith.constant 0 : i32
        %swap3A_818 = arith.index_cast %swap3A_817 : i32 to index
        %swap3A_819 = arith.index_cast %add3A_793 : i32 to index
        %swap3A_820 = arith.constant 0 : index
        %swap3A_821 = tpu.vector_load %arg14[%swap3A_818, %swap3A_819, %swap3A_820] {strides = array<i32>} : memref<2x64x128xf32, #tpu.memory_space<vmem>>, vector<1x1x16xf32>,
        %swap3A_822 = vector.shape_cast %swap3A_821 : vector<1x1x16xf32> to vector<16xf32>
        %swap3A_823 = vector.shape_cast %max3A_816 : vector<16xf32> to vector<1x1x16xf32>
        tpu.vector_store %arg14[%swap3A_818, %swap3A_819, %swap3A_820], %swap3A_823 {strides = array<i32>} : memref<2x64x128xf32, #tpu.memory_space<vmem>>, vector<1x1x16xf32>,
        %swap3A_824 = arith.constant 0 : i32
        %swap3A_825 = arith.index_cast %swap3A_824 : i32 to index
        %swap3A_826 = arith.index_cast %scan3A_637 : i32 to index
        %swap3A_827 = arith.constant 64 : index
        %swap3A_828 = tpu.vector_load %arg13[%swap3A_825, %swap3A_826, %swap3A_827] {strides = array<i32>} : memref<2x8x512xf32, #tpu.memory_space<vmem>>, vector<1x1x16xf32>,
        %swap3A_829 = vector.shape_cast %swap3A_828 : vector<1x1x16xf32> to vector<16xf32>
        %swap3A_830 = vector.shape_cast %max3A_816 : vector<16xf32> to vector<1x1x16xf32>
        tpu.vector_store %arg13[%swap3A_825, %swap3A_826, %swap3A_827], %swap3A_830 {strides = array<i32>} : memref<2x8x512xf32, #tpu.memory_space<vmem>>, vector<1x1x16xf32>,
        %get3A_831 = arith.constant 0 : i32
        %get3A_832 = arith.index_cast %get3A_831 : i32 to index
        %get3A_833 = arith.index_cast %add3A_793 : i32 to index
        %get3A_834 = arith.constant 16 : index
        %get3A_835 = tpu.vector_load %arg10[%get3A_832, %get3A_833, %get3A_834] {strides = array<i32>} : memref<2x64x128xf32, #tpu.memory_space<vmem>>, vector<1x1x16xf32>,
        %get3A_836 = vector.shape_cast %get3A_835 : vector<1x1x16xf32> to vector<16xf32>
        %get3A_837 = arith.constant 0 : i32
        %get3A_838 = arith.index_cast %get3A_837 : i32 to index
        %get3A_839 = arith.index_cast %add3A_793 : i32 to index
        %get3A_840 = arith.constant 80 : index
        %get3A_841 = tpu.vector_load %arg11[%get3A_838, %get3A_839, %get3A_840] {strides = array<i32>} : memref<2x64x128xf32, #tpu.memory_space<vmem>>, vector<1x1x16xf32>,
        %get3A_842 = vector.shape_cast %get3A_841 : vector<1x1x16xf32> to vector<16xf32>
        %add3A_843 = arith.addf %get3A_836, %get3A_842 : vector<16xf32>
        %get3A_844 = arith.constant 0 : i32
        %get3A_845 = arith.index_cast %get3A_844 : i32 to index
        %get3A_846 = arith.index_cast %scan3A_637 : i32 to index
        %get3A_847 = arith.constant 80 : index
        %get3A_848 = tpu.vector_load %arg12[%get3A_845, %get3A_846, %get3A_847] {strides = array<i32>} : memref<2x8x512xf32, #tpu.memory_space<vmem>>, vector<1x1x16xf32>,
        %get3A_849 = vector.shape_cast %get3A_848 : vector<1x1x16xf32> to vector<16xf32>
        %add3A_850 = arith.addf %add3A_843, %get3A_849 : vector<16xf32>
        %max3A_851 = arith.constant 0.000000e+00 : f32
        %max3A_852 = vector.broadcast %max3A_851 : f32 to vector<16xf32>
        %max3A_853 = arith.maximumf %add3A_850, %max3A_852 : vector<16xf32>
        %swap3A_854 = arith.constant 0 : i32
        %swap3A_855 = arith.index_cast %swap3A_854 : i32 to index
        %swap3A_856 = arith.index_cast %add3A_793 : i32 to index
        %swap3A_857 = arith.constant 16 : index
        %swap3A_858 = tpu.vector_load %arg14[%swap3A_855, %swap3A_856, %swap3A_857] {strides = array<i32>} : memref<2x64x128xf32, #tpu.memory_space<vmem>>, vector<1x1x16xf32>,
        %swap3A_859 = vector.shape_cast %swap3A_858 : vector<1x1x16xf32> to vector<16xf32>
        %swap3A_860 = vector.shape_cast %max3A_853 : vector<16xf32> to vector<1x1x16xf32>
        tpu.vector_store %arg14[%swap3A_855, %swap3A_856, %swap3A_857], %swap3A_860 {strides = array<i32>} : memref<2x64x128xf32, #tpu.memory_space<vmem>>, vector<1x1x16xf32>,
        %swap3A_861 = arith.constant 0 : i32
        %swap3A_862 = arith.index_cast %swap3A_861 : i32 to index
        %swap3A_863 = arith.index_cast %scan3A_637 : i32 to index
        %swap3A_864 = arith.constant 80 : index
        %swap3A_865 = tpu.vector_load %arg13[%swap3A_862, %swap3A_863, %swap3A_864] {strides = array<i32>} : memref<2x8x512xf32, #tpu.memory_space<vmem>>, vector<1x1x16xf32>,
        %swap3A_866 = vector.shape_cast %swap3A_865 : vector<1x1x16xf32> to vector<16xf32>
        %swap3A_867 = vector.shape_cast %max3A_853 : vector<16xf32> to vector<1x1x16xf32>
        tpu.vector_store %arg13[%swap3A_862, %swap3A_863, %swap3A_864], %swap3A_867 {strides = array<i32>} : memref<2x8x512xf32, #tpu.memory_space<vmem>>, vector<1x1x16xf32>,
        %get3A_868 = arith.constant 0 : i32
        %get3A_869 = arith.index_cast %get3A_868 : i32 to index
        %get3A_870 = arith.index_cast %add3A_793 : i32 to index
        %get3A_871 = arith.constant 32 : index
        %get3A_872 = tpu.vector_load %arg10[%get3A_869, %get3A_870, %get3A_871] {strides = array<i32>} : memref<2x64x128xf32, #tpu.memory_space<vmem>>, vector<1x1x16xf32>,
        %get3A_873 = vector.shape_cast %get3A_872 : vector<1x1x16xf32> to vector<16xf32>
        %get3A_874 = arith.constant 0 : i32
        %get3A_875 = arith.index_cast %get3A_874 : i32 to index
        %get3A_876 = arith.index_cast %add3A_793 : i32 to index
        %get3A_877 = arith.constant 96 : index
        %get3A_878 = tpu.vector_load %arg11[%get3A_875, %get3A_876, %get3A_877] {strides = array<i32>} : memref<2x64x128xf32, #tpu.memory_space<vmem>>, vector<1x1x16xf32>,
        %get3A_879 = vector.shape_cast %get3A_878 : vector<1x1x16xf32> to vector<16xf32>
        %add3A_880 = arith.addf %get3A_873, %get3A_879 : vector<16xf32>
        %get3A_881 = arith.constant 0 : i32
        %get3A_882 = arith.index_cast %get3A_881 : i32 to index
        %get3A_883 = arith.index_cast %scan3A_637 : i32 to index
        %get3A_884 = arith.constant 96 : index
        %get3A_885 = tpu.vector_load %arg12[%get3A_882, %get3A_883, %get3A_884] {strides = array<i32>} : memref<2x8x512xf32, #tpu.memory_space<vmem>>, vector<1x1x16xf32>,
        %get3A_886 = vector.shape_cast %get3A_885 : vector<1x1x16xf32> to vector<16xf32>
        %add3A_887 = arith.addf %add3A_880, %get3A_886 : vector<16xf32>
        %max3A_888 = arith.constant 0.000000e+00 : f32
        %max3A_889 = vector.broadcast %max3A_888 : f32 to vector<16xf32>
        %max3A_890 = arith.maximumf %add3A_887, %max3A_889 : vector<16xf32>
        %swap3A_891 = arith.constant 0 : i32
        %swap3A_892 = arith.index_cast %swap3A_891 : i32 to index
        %swap3A_893 = arith.index_cast %add3A_793 : i32 to index
        %swap3A_894 = arith.constant 32 : index
        %swap3A_895 = tpu.vector_load %arg14[%swap3A_892, %swap3A_893, %swap3A_894] {strides = array<i32>} : memref<2x64x128xf32, #tpu.memory_space<vmem>>, vector<1x1x16xf32>,
        %swap3A_896 = vector.shape_cast %swap3A_895 : vector<1x1x16xf32> to vector<16xf32>
        %swap3A_897 = vector.shape_cast %max3A_890 : vector<16xf32> to vector<1x1x16xf32>
        tpu.vector_store %arg14[%swap3A_892, %swap3A_893, %swap3A_894], %swap3A_897 {strides = array<i32>} : memref<2x64x128xf32, #tpu.memory_space<vmem>>, vector<1x1x16xf32>,
        %swap3A_898 = arith.constant 0 : i32
        %swap3A_899 = arith.index_cast %swap3A_898 : i32 to index
        %swap3A_900 = arith.index_cast %scan3A_637 : i32 to index
        %swap3A_901 = arith.constant 96 : index
        %swap3A_902 = tpu.vector_load %arg13[%swap3A_899, %swap3A_900, %swap3A_901] {strides = array<i32>} : memref<2x8x512xf32, #tpu.memory_space<vmem>>, vector<1x1x16xf32>,
        %swap3A_903 = vector.shape_cast %swap3A_902 : vector<1x1x16xf32> to vector<16xf32>
        %swap3A_904 = vector.shape_cast %max3A_890 : vector<16xf32> to vector<1x1x16xf32>
        tpu.vector_store %arg13[%swap3A_899, %swap3A_900, %swap3A_901], %swap3A_904 {strides = array<i32>} : memref<2x8x512xf32, #tpu.memory_space<vmem>>, vector<1x1x16xf32>,
        %get3A_905 = arith.constant 0 : i32
        %get3A_906 = arith.index_cast %get3A_905 : i32 to index
        %get3A_907 = arith.index_cast %add3A_793 : i32 to index
        %get3A_908 = arith.constant 48 : index
        %get3A_909 = tpu.vector_load %arg10[%get3A_906, %get3A_907, %get3A_908] {strides = array<i32>} : memref<2x64x128xf32, #tpu.memory_space<vmem>>, vector<1x1x16xf32>,
        %get3A_910 = vector.shape_cast %get3A_909 : vector<1x1x16xf32> to vector<16xf32>
        %get3A_911 = arith.constant 0 : i32
        %get3A_912 = arith.index_cast %get3A_911 : i32 to index
        %get3A_913 = arith.index_cast %add3A_793 : i32 to index
        %get3A_914 = arith.constant 112 : index
        %get3A_915 = tpu.vector_load %arg11[%get3A_912, %get3A_913, %get3A_914] {strides = array<i32>} : memref<2x64x128xf32, #tpu.memory_space<vmem>>, vector<1x1x16xf32>,
        %get3A_916 = vector.shape_cast %get3A_915 : vector<1x1x16xf32> to vector<16xf32>
        %add3A_917 = arith.addf %get3A_910, %get3A_916 : vector<16xf32>
        %get3A_918 = arith.constant 0 : i32
        %get3A_919 = arith.index_cast %get3A_918 : i32 to index
        %get3A_920 = arith.index_cast %scan3A_637 : i32 to index
        %get3A_921 = arith.constant 112 : index
        %get3A_922 = tpu.vector_load %arg12[%get3A_919, %get3A_920, %get3A_921] {strides = array<i32>} : memref<2x8x512xf32, #tpu.memory_space<vmem>>, vector<1x1x16xf32>,
        %get3A_923 = vector.shape_cast %get3A_922 : vector<1x1x16xf32> to vector<16xf32>
        %add3A_924 = arith.addf %add3A_917, %get3A_923 : vector<16xf32>
        %max3A_925 = arith.constant 0.000000e+00 : f32
        %max3A_926 = vector.broadcast %max3A_925 : f32 to vector<16xf32>
        %max3A_927 = arith.maximumf %add3A_924, %max3A_926 : vector<16xf32>
        %swap3A_928 = arith.constant 0 : i32
        %swap3A_929 = arith.index_cast %swap3A_928 : i32 to index
        %swap3A_930 = arith.index_cast %add3A_793 : i32 to index
        %swap3A_931 = arith.constant 48 : index
        %swap3A_932 = tpu.vector_load %arg14[%swap3A_929, %swap3A_930, %swap3A_931] {strides = array<i32>} : memref<2x64x128xf32, #tpu.memory_space<vmem>>, vector<1x1x16xf32>,
        %swap3A_933 = vector.shape_cast %swap3A_932 : vector<1x1x16xf32> to vector<16xf32>
        %swap3A_934 = vector.shape_cast %max3A_927 : vector<16xf32> to vector<1x1x16xf32>
        tpu.vector_store %arg14[%swap3A_929, %swap3A_930, %swap3A_931], %swap3A_934 {strides = array<i32>} : memref<2x64x128xf32, #tpu.memory_space<vmem>>, vector<1x1x16xf32>,
        %swap3A_935 = arith.constant 0 : i32
        %swap3A_936 = arith.index_cast %swap3A_935 : i32 to index
        %swap3A_937 = arith.index_cast %scan3A_637 : i32 to index
        %swap3A_938 = arith.constant 112 : index
        %swap3A_939 = tpu.vector_load %arg13[%swap3A_936, %swap3A_937, %swap3A_938] {strides = array<i32>} : memref<2x8x512xf32, #tpu.memory_space<vmem>>, vector<1x1x16xf32>,
        %swap3A_940 = vector.shape_cast %swap3A_939 : vector<1x1x16xf32> to vector<16xf32>
        %swap3A_941 = vector.shape_cast %max3A_927 : vector<16xf32> to vector<1x1x16xf32>
        tpu.vector_store %arg13[%swap3A_936, %swap3A_937, %swap3A_938], %swap3A_941 {strides = array<i32>} : memref<2x8x512xf32, #tpu.memory_space<vmem>>, vector<1x1x16xf32>,
        %mul3A_942 = arith.constant 8 : i32
        %mul3A_943 = arith.muli %scan3A_637, %mul3A_942 : i32
        %add3A_944 = arith.constant 2 : i32
        %add3A_945 = arith.addi %mul3A_943, %add3A_944 : i32
        %get3A_946 = arith.constant 0 : i32
        %get3A_947 = arith.index_cast %get3A_946 : i32 to index
        %get3A_948 = arith.index_cast %add3A_945 : i32 to index
        %get3A_949 = arith.constant 0 : index
        %get3A_950 = tpu.vector_load %arg10[%get3A_947, %get3A_948, %get3A_949] {strides = array<i32>} : memref<2x64x128xf32, #tpu.memory_space<vmem>>, vector<1x1x16xf32>,
        %get3A_951 = vector.shape_cast %get3A_950 : vector<1x1x16xf32> to vector<16xf32>
        %get3A_952 = arith.constant 0 : i32
        %get3A_953 = arith.index_cast %get3A_952 : i32 to index
        %get3A_954 = arith.index_cast %add3A_945 : i32 to index
        %get3A_955 = arith.constant 64 : index
        %get3A_956 = tpu.vector_load %arg11[%get3A_953, %get3A_954, %get3A_955] {strides = array<i32>} : memref<2x64x128xf32, #tpu.memory_space<vmem>>, vector<1x1x16xf32>,
        %get3A_957 = vector.shape_cast %get3A_956 : vector<1x1x16xf32> to vector<16xf32>
        %add3A_958 = arith.addf %get3A_951, %get3A_957 : vector<16xf32>
        %get3A_959 = arith.constant 0 : i32
        %get3A_960 = arith.index_cast %get3A_959 : i32 to index
        %get3A_961 = arith.index_cast %scan3A_637 : i32 to index
        %get3A_962 = arith.constant 128 : index
        %get3A_963 = tpu.vector_load %arg12[%get3A_960, %get3A_961, %get3A_962] {strides = array<i32>} : memref<2x8x512xf32, #tpu.memory_space<vmem>>, vector<1x1x16xf32>,
        %get3A_964 = vector.shape_cast %get3A_963 : vector<1x1x16xf32> to vector<16xf32>
        %add3A_965 = arith.addf %add3A_958, %get3A_964 : vector<16xf32>
        %max3A_966 = arith.constant 0.000000e+00 : f32
        %max3A_967 = vector.broadcast %max3A_966 : f32 to vector<16xf32>
        %max3A_968 = arith.maximumf %add3A_965, %max3A_967 : vector<16xf32>
        %swap3A_969 = arith.constant 0 : i32
        %swap3A_970 = arith.index_cast %swap3A_969 : i32 to index
        %swap3A_971 = arith.index_cast %add3A_945 : i32 to index
        %swap3A_972 = arith.constant 0 : index
        %swap3A_973 = tpu.vector_load %arg14[%swap3A_970, %swap3A_971, %swap3A_972] {strides = array<i32>} : memref<2x64x128xf32, #tpu.memory_space<vmem>>, vector<1x1x16xf32>,
        %swap3A_974 = vector.shape_cast %swap3A_973 : vector<1x1x16xf32> to vector<16xf32>
        %swap3A_975 = vector.shape_cast %max3A_968 : vector<16xf32> to vector<1x1x16xf32>
        tpu.vector_store %arg14[%swap3A_970, %swap3A_971, %swap3A_972], %swap3A_975 {strides = array<i32>} : memref<2x64x128xf32, #tpu.memory_space<vmem>>, vector<1x1x16xf32>,
        %swap3A_976 = arith.constant 0 : i32
        %swap3A_977 = arith.index_cast %swap3A_976 : i32 to index
        %swap3A_978 = arith.index_cast %scan3A_637 : i32 to index
        %swap3A_979 = arith.constant 128 : index
        %swap3A_980 = tpu.vector_load %arg13[%swap3A_977, %swap3A_978, %swap3A_979] {strides = array<i32>} : memref<2x8x512xf32, #tpu.memory_space<vmem>>, vector<1x1x16xf32>,
        %swap3A_981 = vector.shape_cast %swap3A_980 : vector<1x1x16xf32> to vector<16xf32>
        %swap3A_982 = vector.shape_cast %max3A_968 : vector<16xf32> to vector<1x1x16xf32>
        tpu.vector_store %arg13[%swap3A_977, %swap3A_978, %swap3A_979], %swap3A_982 {strides = array<i32>} : memref<2x8x512xf32, #tpu.memory_space<vmem>>, vector<1x1x16xf32>,
        %get3A_983 = arith.constant 0 : i32
        %get3A_984 = arith.index_cast %get3A_983 : i32 to index
        %get3A_985 = arith.index_cast %add3A_945 : i32 to index
        %get3A_986 = arith.constant 16 : index
        %get3A_987 = tpu.vector_load %arg10[%get3A_984, %get3A_985, %get3A_986] {strides = array<i32>} : memref<2x64x128xf32, #tpu.memory_space<vmem>>, vector<1x1x16xf32>,
        %get3A_988 = vector.shape_cast %get3A_987 : vector<1x1x16xf32> to vector<16xf32>
        %get3A_989 = arith.constant 0 : i32
        %get3A_990 = arith.index_cast %get3A_989 : i32 to index
        %get3A_991 = arith.index_cast %add3A_945 : i32 to index
        %get3A_992 = arith.constant 80 : index
        %get3A_993 = tpu.vector_load %arg11[%get3A_990, %get3A_991, %get3A_992] {strides = array<i32>} : memref<2x64x128xf32, #tpu.memory_space<vmem>>, vector<1x1x16xf32>,
        %get3A_994 = vector.shape_cast %get3A_993 : vector<1x1x16xf32> to vector<16xf32>
        %add3A_995 = arith.addf %get3A_988, %get3A_994 : vector<16xf32>
        %get3A_996 = arith.constant 0 : i32
        %get3A_997 = arith.index_cast %get3A_996 : i32 to index
        %get3A_998 = arith.index_cast %scan3A_637 : i32 to index
        %get3A_999 = arith.constant 144 : index
        %get3A_1000 = tpu.vector_load %arg12[%get3A_997, %get3A_998, %get3A_999] {strides = array<i32>} : memref<2x8x512xf32, #tpu.memory_space<vmem>>, vector<1x1x16xf32>,
        %get3A_1001 = vector.shape_cast %get3A_1000 : vector<1x1x16xf32> to vector<16xf32>
        %add3A_1002 = arith.addf %add3A_995, %get3A_1001 : vector<16xf32>
        %max3A_1003 = arith.constant 0.000000e+00 : f32
        %max3A_1004 = vector.broadcast %max3A_1003 : f32 to vector<16xf32>
        %max3A_1005 = arith.maximumf %add3A_1002, %max3A_1004 : vector<16xf32>
        %swap3A_1006 = arith.constant 0 : i32
        %swap3A_1007 = arith.index_cast %swap3A_1006 : i32 to index
        %swap3A_1008 = arith.index_cast %add3A_945 : i32 to index
        %swap3A_1009 = arith.constant 16 : index
        %swap3A_1010 = tpu.vector_load %arg14[%swap3A_1007, %swap3A_1008, %swap3A_1009] {strides = array<i32>} : memref<2x64x128xf32, #tpu.memory_space<vmem>>, vector<1x1x16xf32>,
        %swap3A_1011 = vector.shape_cast %swap3A_1010 : vector<1x1x16xf32> to vector<16xf32>
        %swap3A_1012 = vector.shape_cast %max3A_1005 : vector<16xf32> to vector<1x1x16xf32>
        tpu.vector_store %arg14[%swap3A_1007, %swap3A_1008, %swap3A_1009], %swap3A_1012 {strides = array<i32>} : memref<2x64x128xf32, #tpu.memory_space<vmem>>, vector<1x1x16xf32>,
        %swap3A_1013 = arith.constant 0 : i32
        %swap3A_1014 = arith.index_cast %swap3A_1013 : i32 to index
        %swap3A_1015 = arith.index_cast %scan3A_637 : i32 to index
        %swap3A_1016 = arith.constant 144 : index
        %swap3A_1017 = tpu.vector_load %arg13[%swap3A_1014, %swap3A_1015, %swap3A_1016] {strides = array<i32>} : memref<2x8x512xf32, #tpu.memory_space<vmem>>, vector<1x1x16xf32>,
        %swap3A_1018 = vector.shape_cast %swap3A_1017 : vector<1x1x16xf32> to vector<16xf32>
        %swap3A_1019 = vector.shape_cast %max3A_1005 : vector<16xf32> to vector<1x1x16xf32>
        tpu.vector_store %arg13[%swap3A_1014, %swap3A_1015, %swap3A_1016], %swap3A_1019 {strides = array<i32>} : memref<2x8x512xf32, #tpu.memory_space<vmem>>, vector<1x1x16xf32>,
        %get3A_1020 = arith.constant 0 : i32
        %get3A_1021 = arith.index_cast %get3A_1020 : i32 to index
        %get3A_1022 = arith.index_cast %add3A_945 : i32 to index
        %get3A_1023 = arith.constant 32 : index
        %get3A_1024 = tpu.vector_load %arg10[%get3A_1021, %get3A_1022, %get3A_1023] {strides = array<i32>} : memref<2x64x128xf32, #tpu.memory_space<vmem>>, vector<1x1x16xf32>,
        %get3A_1025 = vector.shape_cast %get3A_1024 : vector<1x1x16xf32> to vector<16xf32>
        %get3A_1026 = arith.constant 0 : i32
        %get3A_1027 = arith.index_cast %get3A_1026 : i32 to index
        %get3A_1028 = arith.index_cast %add3A_945 : i32 to index
        %get3A_1029 = arith.constant 96 : index
        %get3A_1030 = tpu.vector_load %arg11[%get3A_1027, %get3A_1028, %get3A_1029] {strides = array<i32>} : memref<2x64x128xf32, #tpu.memory_space<vmem>>, vector<1x1x16xf32>,
        %get3A_1031 = vector.shape_cast %get3A_1030 : vector<1x1x16xf32> to vector<16xf32>
        %add3A_1032 = arith.addf %get3A_1025, %get3A_1031 : vector<16xf32>
        %get3A_1033 = arith.constant 0 : i32
        %get3A_1034 = arith.index_cast %get3A_1033 : i32 to index
        %get3A_1035 = arith.index_cast %scan3A_637 : i32 to index
        %get3A_1036 = arith.constant 160 : index
        %get3A_1037 = tpu.vector_load %arg12[%get3A_1034, %get3A_1035, %get3A_1036] {strides = array<i32>} : memref<2x8x512xf32, #tpu.memory_space<vmem>>, vector<1x1x16xf32>,
        %get3A_1038 = vector.shape_cast %get3A_1037 : vector<1x1x16xf32> to vector<16xf32>
        %add3A_1039 = arith.addf %add3A_1032, %get3A_1038 : vector<16xf32>
        %max3A_1040 = arith.constant 0.000000e+00 : f32
        %max3A_1041 = vector.broadcast %max3A_1040 : f32 to vector<16xf32>
        %max3A_1042 = arith.maximumf %add3A_1039, %max3A_1041 : vector<16xf32>
        %swap3A_1043 = arith.constant 0 : i32
        %swap3A_1044 = arith.index_cast %swap3A_1043 : i32 to index
        %swap3A_1045 = arith.index_cast %add3A_945 : i32 to index
        %swap3A_1046 = arith.constant 32 : index
        %swap3A_1047 = tpu.vector_load %arg14[%swap3A_1044, %swap3A_1045, %swap3A_1046] {strides = array<i32>} : memref<2x64x128xf32, #tpu.memory_space<vmem>>, vector<1x1x16xf32>,
        %swap3A_1048 = vector.shape_cast %swap3A_1047 : vector<1x1x16xf32> to vector<16xf32>
        %swap3A_1049 = vector.shape_cast %max3A_1042 : vector<16xf32> to vector<1x1x16xf32>
        tpu.vector_store %arg14[%swap3A_1044, %swap3A_1045, %swap3A_1046], %swap3A_1049 {strides = array<i32>} : memref<2x64x128xf32, #tpu.memory_space<vmem>>, vector<1x1x16xf32>,
        %swap3A_1050 = arith.constant 0 : i32
        %swap3A_1051 = arith.index_cast %swap3A_1050 : i32 to index
        %swap3A_1052 = arith.index_cast %scan3A_637 : i32 to index
        %swap3A_1053 = arith.constant 160 : index
        %swap3A_1054 = tpu.vector_load %arg13[%swap3A_1051, %swap3A_1052, %swap3A_1053] {strides = array<i32>} : memref<2x8x512xf32, #tpu.memory_space<vmem>>, vector<1x1x16xf32>,
        %swap3A_1055 = vector.shape_cast %swap3A_1054 : vector<1x1x16xf32> to vector<16xf32>
        %swap3A_1056 = vector.shape_cast %max3A_1042 : vector<16xf32> to vector<1x1x16xf32>
        tpu.vector_store %arg13[%swap3A_1051, %swap3A_1052, %swap3A_1053], %swap3A_1056 {strides = array<i32>} : memref<2x8x512xf32, #tpu.memory_space<vmem>>, vector<1x1x16xf32>,
        %get3A_1057 = arith.constant 0 : i32
        %get3A_1058 = arith.index_cast %get3A_1057 : i32 to index
        %get3A_1059 = arith.index_cast %add3A_945 : i32 to index
        %get3A_1060 = arith.constant 48 : index
        %get3A_1061 = tpu.vector_load %arg10[%get3A_1058, %get3A_1059, %get3A_1060] {strides = array<i32>} : memref<2x64x128xf32, #tpu.memory_space<vmem>>, vector<1x1x16xf32>,
        %get3A_1062 = vector.shape_cast %get3A_1061 : vector<1x1x16xf32> to vector<16xf32>
        %get3A_1063 = arith.constant 0 : i32
        %get3A_1064 = arith.index_cast %get3A_1063 : i32 to index
        %get3A_1065 = arith.index_cast %add3A_945 : i32 to index
        %get3A_1066 = arith.constant 112 : index
        %get3A_1067 = tpu.vector_load %arg11[%get3A_1064, %get3A_1065, %get3A_1066] {strides = array<i32>} : memref<2x64x128xf32, #tpu.memory_space<vmem>>, vector<1x1x16xf32>,
        %get3A_1068 = vector.shape_cast %get3A_1067 : vector<1x1x16xf32> to vector<16xf32>
        %add3A_1069 = arith.addf %get3A_1062, %get3A_1068 : vector<16xf32>
        %get3A_1070 = arith.constant 0 : i32
        %get3A_1071 = arith.index_cast %get3A_1070 : i32 to index
        %get3A_1072 = arith.index_cast %scan3A_637 : i32 to index
        %get3A_1073 = arith.constant 176 : index
        %get3A_1074 = tpu.vector_load %arg12[%get3A_1071, %get3A_1072, %get3A_1073] {strides = array<i32>} : memref<2x8x512xf32, #tpu.memory_space<vmem>>, vector<1x1x16xf32>,
        %get3A_1075 = vector.shape_cast %get3A_1074 : vector<1x1x16xf32> to vector<16xf32>
        %add3A_1076 = arith.addf %add3A_1069, %get3A_1075 : vector<16xf32>
        %max3A_1077 = arith.constant 0.000000e+00 : f32
        %max3A_1078 = vector.broadcast %max3A_1077 : f32 to vector<16xf32>
        %max3A_1079 = arith.maximumf %add3A_1076, %max3A_1078 : vector<16xf32>
        %swap3A_1080 = arith.constant 0 : i32
        %swap3A_1081 = arith.index_cast %swap3A_1080 : i32 to index
        %swap3A_1082 = arith.index_cast %add3A_945 : i32 to index
        %swap3A_1083 = arith.constant 48 : index
        %swap3A_1084 = tpu.vector_load %arg14[%swap3A_1081, %swap3A_1082, %swap3A_1083] {strides = array<i32>} : memref<2x64x128xf32, #tpu.memory_space<vmem>>, vector<1x1x16xf32>,
        %swap3A_1085 = vector.shape_cast %swap3A_1084 : vector<1x1x16xf32> to vector<16xf32>
        %swap3A_1086 = vector.shape_cast %max3A_1079 : vector<16xf32> to vector<1x1x16xf32>
        tpu.vector_store %arg14[%swap3A_1081, %swap3A_1082, %swap3A_1083], %swap3A_1086 {strides = array<i32>} : memref<2x64x128xf32, #tpu.memory_space<vmem>>, vector<1x1x16xf32>,
        %swap3A_1087 = arith.constant 0 : i32
        %swap3A_1088 = arith.index_cast %swap3A_1087 : i32 to index
        %swap3A_1089 = arith.index_cast %scan3A_637 : i32 to index
        %swap3A_1090 = arith.constant 176 : index
        %swap3A_1091 = tpu.vector_load %arg13[%swap3A_1088, %swap3A_1089, %swap3A_1090] {strides = array<i32>} : memref<2x8x512xf32, #tpu.memory_space<vmem>>, vector<1x1x16xf32>,
        %swap3A_1092 = vector.shape_cast %swap3A_1091 : vector<1x1x16xf32> to vector<16xf32>
        %swap3A_1093 = vector.shape_cast %max3A_1079 : vector<16xf32> to vector<1x1x16xf32>
        tpu.vector_store %arg13[%swap3A_1088, %swap3A_1089, %swap3A_1090], %swap3A_1093 {strides = array<i32>} : memref<2x8x512xf32, #tpu.memory_space<vmem>>, vector<1x1x16xf32>,
        %mul3A_1094 = arith.constant 8 : i32
        %mul3A_1095 = arith.muli %scan3A_637, %mul3A_1094 : i32
        %add3A_1096 = arith.constant 3 : i32
        %add3A_1097 = arith.addi %mul3A_1095, %add3A_1096 : i32
        %get3A_1098 = arith.constant 0 : i32
        %get3A_1099 = arith.index_cast %get3A_1098 : i32 to index
        %get3A_1100 = arith.index_cast %add3A_1097 : i32 to index
        %get3A_1101 = arith.constant 0 : index
        %get3A_1102 = tpu.vector_load %arg10[%get3A_1099, %get3A_1100, %get3A_1101] {strides = array<i32>} : memref<2x64x128xf32, #tpu.memory_space<vmem>>, vector<1x1x16xf32>,
        %get3A_1103 = vector.shape_cast %get3A_1102 : vector<1x1x16xf32> to vector<16xf32>
        %get3A_1104 = arith.constant 0 : i32
        %get3A_1105 = arith.index_cast %get3A_1104 : i32 to index
        %get3A_1106 = arith.index_cast %add3A_1097 : i32 to index
        %get3A_1107 = arith.constant 64 : index
        %get3A_1108 = tpu.vector_load %arg11[%get3A_1105, %get3A_1106, %get3A_1107] {strides = array<i32>} : memref<2x64x128xf32, #tpu.memory_space<vmem>>, vector<1x1x16xf32>,
        %get3A_1109 = vector.shape_cast %get3A_1108 : vector<1x1x16xf32> to vector<16xf32>
        %add3A_1110 = arith.addf %get3A_1103, %get3A_1109 : vector<16xf32>
        %get3A_1111 = arith.constant 0 : i32
        %get3A_1112 = arith.index_cast %get3A_1111 : i32 to index
        %get3A_1113 = arith.index_cast %scan3A_637 : i32 to index
        %get3A_1114 = arith.constant 192 : index
        %get3A_1115 = tpu.vector_load %arg12[%get3A_1112, %get3A_1113, %get3A_1114] {strides = array<i32>} : memref<2x8x512xf32, #tpu.memory_space<vmem>>, vector<1x1x16xf32>,
        %get3A_1116 = vector.shape_cast %get3A_1115 : vector<1x1x16xf32> to vector<16xf32>
        %add3A_1117 = arith.addf %add3A_1110, %get3A_1116 : vector<16xf32>
        %max3A_1118 = arith.constant 0.000000e+00 : f32
        %max3A_1119 = vector.broadcast %max3A_1118 : f32 to vector<16xf32>
        %max3A_1120 = arith.maximumf %add3A_1117, %max3A_1119 : vector<16xf32>
        %swap3A_1121 = arith.constant 0 : i32
        %swap3A_1122 = arith.index_cast %swap3A_1121 : i32 to index
        %swap3A_1123 = arith.index_cast %add3A_1097 : i32 to index
        %swap3A_1124 = arith.constant 0 : index
        %swap3A_1125 = tpu.vector_load %arg14[%swap3A_1122, %swap3A_1123, %swap3A_1124] {strides = array<i32>} : memref<2x64x128xf32, #tpu.memory_space<vmem>>, vector<1x1x16xf32>,
        %swap3A_1126 = vector.shape_cast %swap3A_1125 : vector<1x1x16xf32> to vector<16xf32>
        %swap3A_1127 = vector.shape_cast %max3A_1120 : vector<16xf32> to vector<1x1x16xf32>
        tpu.vector_store %arg14[%swap3A_1122, %swap3A_1123, %swap3A_1124], %swap3A_1127 {strides = array<i32>} : memref<2x64x128xf32, #tpu.memory_space<vmem>>, vector<1x1x16xf32>,
        %swap3A_1128 = arith.constant 0 : i32
        %swap3A_1129 = arith.index_cast %swap3A_1128 : i32 to index
        %swap3A_1130 = arith.index_cast %scan3A_637 : i32 to index
        %swap3A_1131 = arith.constant 192 : index
        %swap3A_1132 = tpu.vector_load %arg13[%swap3A_1129, %swap3A_1130, %swap3A_1131] {strides = array<i32>} : memref<2x8x512xf32, #tpu.memory_space<vmem>>, vector<1x1x16xf32>,
        %swap3A_1133 = vector.shape_cast %swap3A_1132 : vector<1x1x16xf32> to vector<16xf32>
        %swap3A_1134 = vector.shape_cast %max3A_1120 : vector<16xf32> to vector<1x1x16xf32>
        tpu.vector_store %arg13[%swap3A_1129, %swap3A_1130, %swap3A_1131], %swap3A_1134 {strides = array<i32>} : memref<2x8x512xf32, #tpu.memory_space<vmem>>, vector<1x1x16xf32>,
        %get3A_1135 = arith.constant 0 : i32
        %get3A_1136 = arith.index_cast %get3A_1135 : i32 to index
        %get3A_1137 = arith.index_cast %add3A_1097 : i32 to index
        %get3A_1138 = arith.constant 16 : index
        %get3A_1139 = tpu.vector_load %arg10[%get3A_1136, %get3A_1137, %get3A_1138] {strides = array<i32>} : memref<2x64x128xf32, #tpu.memory_space<vmem>>, vector<1x1x16xf32>,
        %get3A_1140 = vector.shape_cast %get3A_1139 : vector<1x1x16xf32> to vector<16xf32>
        %get3A_1141 = arith.constant 0 : i32
        %get3A_1142 = arith.index_cast %get3A_1141 : i32 to index
        %get3A_1143 = arith.index_cast %add3A_1097 : i32 to index
        %get3A_1144 = arith.constant 80 : index
        %get3A_1145 = tpu.vector_load %arg11[%get3A_1142, %get3A_1143, %get3A_1144] {strides = array<i32>} : memref<2x64x128xf32, #tpu.memory_space<vmem>>, vector<1x1x16xf32>,
        %get3A_1146 = vector.shape_cast %get3A_1145 : vector<1x1x16xf32> to vector<16xf32>
        %add3A_1147 = arith.addf %get3A_1140, %get3A_1146 : vector<16xf32>
        %get3A_1148 = arith.constant 0 : i32
        %get3A_1149 = arith.index_cast %get3A_1148 : i32 to index
        %get3A_1150 = arith.index_cast %scan3A_637 : i32 to index
        %get3A_1151 = arith.constant 208 : index
        %get3A_1152 = tpu.vector_load %arg12[%get3A_1149, %get3A_1150, %get3A_1151] {strides = array<i32>} : memref<2x8x512xf32, #tpu.memory_space<vmem>>, vector<1x1x16xf32>,
        %get3A_1153 = vector.shape_cast %get3A_1152 : vector<1x1x16xf32> to vector<16xf32>
        %add3A_1154 = arith.addf %add3A_1147, %get3A_1153 : vector<16xf32>
        %max3A_1155 = arith.constant 0.000000e+00 : f32
        %max3A_1156 = vector.broadcast %max3A_1155 : f32 to vector<16xf32>
        %max3A_1157 = arith.maximumf %add3A_1154, %max3A_1156 : vector<16xf32>
        %swap3A_1158 = arith.constant 0 : i32
        %swap3A_1159 = arith.index_cast %swap3A_1158 : i32 to index
        %swap3A_1160 = arith.index_cast %add3A_1097 : i32 to index
        %swap3A_1161 = arith.constant 16 : index
        %swap3A_1162 = tpu.vector_load %arg14[%swap3A_1159, %swap3A_1160, %swap3A_1161] {strides = array<i32>} : memref<2x64x128xf32, #tpu.memory_space<vmem>>, vector<1x1x16xf32>,
        %swap3A_1163 = vector.shape_cast %swap3A_1162 : vector<1x1x16xf32> to vector<16xf32>
        %swap3A_1164 = vector.shape_cast %max3A_1157 : vector<16xf32> to vector<1x1x16xf32>
        tpu.vector_store %arg14[%swap3A_1159, %swap3A_1160, %swap3A_1161], %swap3A_1164 {strides = array<i32>} : memref<2x64x128xf32, #tpu.memory_space<vmem>>, vector<1x1x16xf32>,
        %swap3A_1165 = arith.constant 0 : i32
        %swap3A_1166 = arith.index_cast %swap3A_1165 : i32 to index
        %swap3A_1167 = arith.index_cast %scan3A_637 : i32 to index
        %swap3A_1168 = arith.constant 208 : index
        %swap3A_1169 = tpu.vector_load %arg13[%swap3A_1166, %swap3A_1167, %swap3A_1168] {strides = array<i32>} : memref<2x8x512xf32, #tpu.memory_space<vmem>>, vector<1x1x16xf32>,
        %swap3A_1170 = vector.shape_cast %swap3A_1169 : vector<1x1x16xf32> to vector<16xf32>
        %swap3A_1171 = vector.shape_cast %max3A_1157 : vector<16xf32> to vector<1x1x16xf32>
        tpu.vector_store %arg13[%swap3A_1166, %swap3A_1167, %swap3A_1168], %swap3A_1171 {strides = array<i32>} : memref<2x8x512xf32, #tpu.memory_space<vmem>>, vector<1x1x16xf32>,
        %get3A_1172 = arith.constant 0 : i32
        %get3A_1173 = arith.index_cast %get3A_1172 : i32 to index
        %get3A_1174 = arith.index_cast %add3A_1097 : i32 to index
        %get3A_1175 = arith.constant 32 : index
        %get3A_1176 = tpu.vector_load %arg10[%get3A_1173, %get3A_1174, %get3A_1175] {strides = array<i32>} : memref<2x64x128xf32, #tpu.memory_space<vmem>>, vector<1x1x16xf32>,
        %get3A_1177 = vector.shape_cast %get3A_1176 : vector<1x1x16xf32> to vector<16xf32>
        %get3A_1178 = arith.constant 0 : i32
        %get3A_1179 = arith.index_cast %get3A_1178 : i32 to index
        %get3A_1180 = arith.index_cast %add3A_1097 : i32 to index
        %get3A_1181 = arith.constant 96 : index
        %get3A_1182 = tpu.vector_load %arg11[%get3A_1179, %get3A_1180, %get3A_1181] {strides = array<i32>} : memref<2x64x128xf32, #tpu.memory_space<vmem>>, vector<1x1x16xf32>,
        %get3A_1183 = vector.shape_cast %get3A_1182 : vector<1x1x16xf32> to vector<16xf32>
        %add3A_1184 = arith.addf %get3A_1177, %get3A_1183 : vector<16xf32>
        %get3A_1185 = arith.constant 0 : i32
        %get3A_1186 = arith.index_cast %get3A_1185 : i32 to index
        %get3A_1187 = arith.index_cast %scan3A_637 : i32 to index
        %get3A_1188 = arith.constant 224 : index
        %get3A_1189 = tpu.vector_load %arg12[%get3A_1186, %get3A_1187, %get3A_1188] {strides = array<i32>} : memref<2x8x512xf32, #tpu.memory_space<vmem>>, vector<1x1x16xf32>,
        %get3A_1190 = vector.shape_cast %get3A_1189 : vector<1x1x16xf32> to vector<16xf32>
        %add3A_1191 = arith.addf %add3A_1184, %get3A_1190 : vector<16xf32>
        %max3A_1192 = arith.constant 0.000000e+00 : f32
        %max3A_1193 = vector.broadcast %max3A_1192 : f32 to vector<16xf32>
        %max3A_1194 = arith.maximumf %add3A_1191, %max3A_1193 : vector<16xf32>
        %swap3A_1195 = arith.constant 0 : i32
        %swap3A_1196 = arith.index_cast %swap3A_1195 : i32 to index
        %swap3A_1197 = arith.index_cast %add3A_1097 : i32 to index
        %swap3A_1198 = arith.constant 32 : index
        %swap3A_1199 = tpu.vector_load %arg14[%swap3A_1196, %swap3A_1197, %swap3A_1198] {strides = array<i32>} : memref<2x64x128xf32, #tpu.memory_space<vmem>>, vector<1x1x16xf32>,
        %swap3A_1200 = vector.shape_cast %swap3A_1199 : vector<1x1x16xf32> to vector<16xf32>
        %swap3A_1201 = vector.shape_cast %max3A_1194 : vector<16xf32> to vector<1x1x16xf32>
        tpu.vector_store %arg14[%swap3A_1196, %swap3A_1197, %swap3A_1198], %swap3A_1201 {strides = array<i32>} : memref<2x64x128xf32, #tpu.memory_space<vmem>>, vector<1x1x16xf32>,
        %swap3A_1202 = arith.constant 0 : i32
        %swap3A_1203 = arith.index_cast %swap3A_1202 : i32 to index
        %swap3A_1204 = arith.index_cast %scan3A_637 : i32 to index
        %swap3A_1205 = arith.constant 224 : index
        %swap3A_1206 = tpu.vector_load %arg13[%swap3A_1203, %swap3A_1204, %swap3A_1205] {strides = array<i32>} : memref<2x8x512xf32, #tpu.memory_space<vmem>>, vector<1x1x16xf32>,
        %swap3A_1207 = vector.shape_cast %swap3A_1206 : vector<1x1x16xf32> to vector<16xf32>
        %swap3A_1208 = vector.shape_cast %max3A_1194 : vector<16xf32> to vector<1x1x16xf32>
        tpu.vector_store %arg13[%swap3A_1203, %swap3A_1204, %swap3A_1205], %swap3A_1208 {strides = array<i32>} : memref<2x8x512xf32, #tpu.memory_space<vmem>>, vector<1x1x16xf32>,
        %get3A_1209 = arith.constant 0 : i32
        %get3A_1210 = arith.index_cast %get3A_1209 : i32 to index
        %get3A_1211 = arith.index_cast %add3A_1097 : i32 to index
        %get3A_1212 = arith.constant 48 : index
        %get3A_1213 = tpu.vector_load %arg10[%get3A_1210, %get3A_1211, %get3A_1212] {strides = array<i32>} : memref<2x64x128xf32, #tpu.memory_space<vmem>>, vector<1x1x16xf32>,
        %get3A_1214 = vector.shape_cast %get3A_1213 : vector<1x1x16xf32> to vector<16xf32>
        %get3A_1215 = arith.constant 0 : i32
        %get3A_1216 = arith.index_cast %get3A_1215 : i32 to index
        %get3A_1217 = arith.index_cast %add3A_1097 : i32 to index
        %get3A_1218 = arith.constant 112 : index
        %get3A_1219 = tpu.vector_load %arg11[%get3A_1216, %get3A_1217, %get3A_1218] {strides = array<i32>} : memref<2x64x128xf32, #tpu.memory_space<vmem>>, vector<1x1x16xf32>,
        %get3A_1220 = vector.shape_cast %get3A_1219 : vector<1x1x16xf32> to vector<16xf32>
        %add3A_1221 = arith.addf %get3A_1214, %get3A_1220 : vector<16xf32>
        %get3A_1222 = arith.constant 0 : i32
        %get3A_1223 = arith.index_cast %get3A_1222 : i32 to index
        %get3A_1224 = arith.index_cast %scan3A_637 : i32 to index
        %get3A_1225 = arith.constant 240 : index
        %get3A_1226 = tpu.vector_load %arg12[%get3A_1223, %get3A_1224, %get3A_1225] {strides = array<i32>} : memref<2x8x512xf32, #tpu.memory_space<vmem>>, vector<1x1x16xf32>,
        %get3A_1227 = vector.shape_cast %get3A_1226 : vector<1x1x16xf32> to vector<16xf32>
        %add3A_1228 = arith.addf %add3A_1221, %get3A_1227 : vector<16xf32>
        %max3A_1229 = arith.constant 0.000000e+00 : f32
        %max3A_1230 = vector.broadcast %max3A_1229 : f32 to vector<16xf32>
        %max3A_1231 = arith.maximumf %add3A_1228, %max3A_1230 : vector<16xf32>
        %swap3A_1232 = arith.constant 0 : i32
        %swap3A_1233 = arith.index_cast %swap3A_1232 : i32 to index
        %swap3A_1234 = arith.index_cast %add3A_1097 : i32 to index
        %swap3A_1235 = arith.constant 48 : index
        %swap3A_1236 = tpu.vector_load %arg14[%swap3A_1233, %swap3A_1234, %swap3A_1235] {strides = array<i32>} : memref<2x64x128xf32, #tpu.memory_space<vmem>>, vector<1x1x16xf32>,
        %swap3A_1237 = vector.shape_cast %swap3A_1236 : vector<1x1x16xf32> to vector<16xf32>
        %swap3A_1238 = vector.shape_cast %max3A_1231 : vector<16xf32> to vector<1x1x16xf32>
        tpu.vector_store %arg14[%swap3A_1233, %swap3A_1234, %swap3A_1235], %swap3A_1238 {strides = array<i32>} : memref<2x64x128xf32, #tpu.memory_space<vmem>>, vector<1x1x16xf32>,
        %swap3A_1239 = arith.constant 0 : i32
        %swap3A_1240 = arith.index_cast %swap3A_1239 : i32 to index
        %swap3A_1241 = arith.index_cast %scan3A_637 : i32 to index
        %swap3A_1242 = arith.constant 240 : index
        %swap3A_1243 = tpu.vector_load %arg13[%swap3A_1240, %swap3A_1241, %swap3A_1242] {strides = array<i32>} : memref<2x8x512xf32, #tpu.memory_space<vmem>>, vector<1x1x16xf32>,
        %swap3A_1244 = vector.shape_cast %swap3A_1243 : vector<1x1x16xf32> to vector<16xf32>
        %swap3A_1245 = vector.shape_cast %max3A_1231 : vector<16xf32> to vector<1x1x16xf32>
        tpu.vector_store %arg13[%swap3A_1240, %swap3A_1241, %swap3A_1242], %swap3A_1245 {strides = array<i32>} : memref<2x8x512xf32, #tpu.memory_space<vmem>>, vector<1x1x16xf32>,
        %mul3A_1246 = arith.constant 8 : i32
        %mul3A_1247 = arith.muli %scan3A_637, %mul3A_1246 : i32
        %add3A_1248 = arith.constant 4 : i32
        %add3A_1249 = arith.addi %mul3A_1247, %add3A_1248 : i32
        %get3A_1250 = arith.constant 0 : i32
        %get3A_1251 = arith.index_cast %get3A_1250 : i32 to index
        %get3A_1252 = arith.index_cast %add3A_1249 : i32 to index
        %get3A_1253 = arith.constant 0 : index
        %get3A_1254 = tpu.vector_load %arg10[%get3A_1251, %get3A_1252, %get3A_1253] {strides = array<i32>} : memref<2x64x128xf32, #tpu.memory_space<vmem>>, vector<1x1x16xf32>,
        %get3A_1255 = vector.shape_cast %get3A_1254 : vector<1x1x16xf32> to vector<16xf32>
        %get3A_1256 = arith.constant 0 : i32
        %get3A_1257 = arith.index_cast %get3A_1256 : i32 to index
        %get3A_1258 = arith.index_cast %add3A_1249 : i32 to index
        %get3A_1259 = arith.constant 64 : index
        %get3A_1260 = tpu.vector_load %arg11[%get3A_1257, %get3A_1258, %get3A_1259] {strides = array<i32>} : memref<2x64x128xf32, #tpu.memory_space<vmem>>, vector<1x1x16xf32>,
        %get3A_1261 = vector.shape_cast %get3A_1260 : vector<1x1x16xf32> to vector<16xf32>
        %add3A_1262 = arith.addf %get3A_1255, %get3A_1261 : vector<16xf32>
        %get3A_1263 = arith.constant 0 : i32
        %get3A_1264 = arith.index_cast %get3A_1263 : i32 to index
        %get3A_1265 = arith.index_cast %scan3A_637 : i32 to index
        %get3A_1266 = arith.constant 256 : index
        %get3A_1267 = tpu.vector_load %arg12[%get3A_1264, %get3A_1265, %get3A_1266] {strides = array<i32>} : memref<2x8x512xf32, #tpu.memory_space<vmem>>, vector<1x1x16xf32>,
        %get3A_1268 = vector.shape_cast %get3A_1267 : vector<1x1x16xf32> to vector<16xf32>
        %add3A_1269 = arith.addf %add3A_1262, %get3A_1268 : vector<16xf32>
        %max3A_1270 = arith.constant 0.000000e+00 : f32
        %max3A_1271 = vector.broadcast %max3A_1270 : f32 to vector<16xf32>
        %max3A_1272 = arith.maximumf %add3A_1269, %max3A_1271 : vector<16xf32>
        %swap3A_1273 = arith.constant 0 : i32
        %swap3A_1274 = arith.index_cast %swap3A_1273 : i32 to index
        %swap3A_1275 = arith.index_cast %add3A_1249 : i32 to index
        %swap3A_1276 = arith.constant 0 : index
        %swap3A_1277 = tpu.vector_load %arg14[%swap3A_1274, %swap3A_1275, %swap3A_1276] {strides = array<i32>} : memref<2x64x128xf32, #tpu.memory_space<vmem>>, vector<1x1x16xf32>,
        %swap3A_1278 = vector.shape_cast %swap3A_1277 : vector<1x1x16xf32> to vector<16xf32>
        %swap3A_1279 = vector.shape_cast %max3A_1272 : vector<16xf32> to vector<1x1x16xf32>
        tpu.vector_store %arg14[%swap3A_1274, %swap3A_1275, %swap3A_1276], %swap3A_1279 {strides = array<i32>} : memref<2x64x128xf32, #tpu.memory_space<vmem>>, vector<1x1x16xf32>,
        %swap3A_1280 = arith.constant 0 : i32
        %swap3A_1281 = arith.index_cast %swap3A_1280 : i32 to index
        %swap3A_1282 = arith.index_cast %scan3A_637 : i32 to index
        %swap3A_1283 = arith.constant 256 : index
        %swap3A_1284 = tpu.vector_load %arg13[%swap3A_1281, %swap3A_1282, %swap3A_1283] {strides = array<i32>} : memref<2x8x512xf32, #tpu.memory_space<vmem>>, vector<1x1x16xf32>,
        %swap3A_1285 = vector.shape_cast %swap3A_1284 : vector<1x1x16xf32> to vector<16xf32>
        %swap3A_1286 = vector.shape_cast %max3A_1272 : vector<16xf32> to vector<1x1x16xf32>
        tpu.vector_store %arg13[%swap3A_1281, %swap3A_1282, %swap3A_1283], %swap3A_1286 {strides = array<i32>} : memref<2x8x512xf32, #tpu.memory_space<vmem>>, vector<1x1x16xf32>,
        %get3A_1287 = arith.constant 0 : i32
        %get3A_1288 = arith.index_cast %get3A_1287 : i32 to index
        %get3A_1289 = arith.index_cast %add3A_1249 : i32 to index
        %get3A_1290 = arith.constant 16 : index
        %get3A_1291 = tpu.vector_load %arg10[%get3A_1288, %get3A_1289, %get3A_1290] {strides = array<i32>} : memref<2x64x128xf32, #tpu.memory_space<vmem>>, vector<1x1x16xf32>,
        %get3A_1292 = vector.shape_cast %get3A_1291 : vector<1x1x16xf32> to vector<16xf32>
        %get3A_1293 = arith.constant 0 : i32
        %get3A_1294 = arith.index_cast %get3A_1293 : i32 to index
        %get3A_1295 = arith.index_cast %add3A_1249 : i32 to index
        %get3A_1296 = arith.constant 80 : index
        %get3A_1297 = tpu.vector_load %arg11[%get3A_1294, %get3A_1295, %get3A_1296] {strides = array<i32>} : memref<2x64x128xf32, #tpu.memory_space<vmem>>, vector<1x1x16xf32>,
        %get3A_1298 = vector.shape_cast %get3A_1297 : vector<1x1x16xf32> to vector<16xf32>
        %add3A_1299 = arith.addf %get3A_1292, %get3A_1298 : vector<16xf32>
        %get3A_1300 = arith.constant 0 : i32
        %get3A_1301 = arith.index_cast %get3A_1300 : i32 to index
        %get3A_1302 = arith.index_cast %scan3A_637 : i32 to index
        %get3A_1303 = arith.constant 272 : index
        %get3A_1304 = tpu.vector_load %arg12[%get3A_1301, %get3A_1302, %get3A_1303] {strides = array<i32>} : memref<2x8x512xf32, #tpu.memory_space<vmem>>, vector<1x1x16xf32>,
        %get3A_1305 = vector.shape_cast %get3A_1304 : vector<1x1x16xf32> to vector<16xf32>
        %add3A_1306 = arith.addf %add3A_1299, %get3A_1305 : vector<16xf32>
        %max3A_1307 = arith.constant 0.000000e+00 : f32
        %max3A_1308 = vector.broadcast %max3A_1307 : f32 to vector<16xf32>
        %max3A_1309 = arith.maximumf %add3A_1306, %max3A_1308 : vector<16xf32>
        %swap3A_1310 = arith.constant 0 : i32
        %swap3A_1311 = arith.index_cast %swap3A_1310 : i32 to index
        %swap3A_1312 = arith.index_cast %add3A_1249 : i32 to index
        %swap3A_1313 = arith.constant 16 : index
        %swap3A_1314 = tpu.vector_load %arg14[%swap3A_1311, %swap3A_1312, %swap3A_1313] {strides = array<i32>} : memref<2x64x128xf32, #tpu.memory_space<vmem>>, vector<1x1x16xf32>,
        %swap3A_1315 = vector.shape_cast %swap3A_1314 : vector<1x1x16xf32> to vector<16xf32>
        %swap3A_1316 = vector.shape_cast %max3A_1309 : vector<16xf32> to vector<1x1x16xf32>
        tpu.vector_store %arg14[%swap3A_1311, %swap3A_1312, %swap3A_1313], %swap3A_1316 {strides = array<i32>} : memref<2x64x128xf32, #tpu.memory_space<vmem>>, vector<1x1x16xf32>,
        %swap3A_1317 = arith.constant 0 : i32
        %swap3A_1318 = arith.index_cast %swap3A_1317 : i32 to index
        %swap3A_1319 = arith.index_cast %scan3A_637 : i32 to index
        %swap3A_1320 = arith.constant 272 : index
        %swap3A_1321 = tpu.vector_load %arg13[%swap3A_1318, %swap3A_1319, %swap3A_1320] {strides = array<i32>} : memref<2x8x512xf32, #tpu.memory_space<vmem>>, vector<1x1x16xf32>,
        %swap3A_1322 = vector.shape_cast %swap3A_1321 : vector<1x1x16xf32> to vector<16xf32>
        %swap3A_1323 = vector.shape_cast %max3A_1309 : vector<16xf32> to vector<1x1x16xf32>
        tpu.vector_store %arg13[%swap3A_1318, %swap3A_1319, %swap3A_1320], %swap3A_1323 {strides = array<i32>} : memref<2x8x512xf32, #tpu.memory_space<vmem>>, vector<1x1x16xf32>,
        %get3A_1324 = arith.constant 0 : i32
        %get3A_1325 = arith.index_cast %get3A_1324 : i32 to index
        %get3A_1326 = arith.index_cast %add3A_1249 : i32 to index
        %get3A_1327 = arith.constant 32 : index
        %get3A_1328 = tpu.vector_load %arg10[%get3A_1325, %get3A_1326, %get3A_1327] {strides = array<i32>} : memref<2x64x128xf32, #tpu.memory_space<vmem>>, vector<1x1x16xf32>,
        %get3A_1329 = vector.shape_cast %get3A_1328 : vector<1x1x16xf32> to vector<16xf32>
        %get3A_1330 = arith.constant 0 : i32
        %get3A_1331 = arith.index_cast %get3A_1330 : i32 to index
        %get3A_1332 = arith.index_cast %add3A_1249 : i32 to index
        %get3A_1333 = arith.constant 96 : index
        %get3A_1334 = tpu.vector_load %arg11[%get3A_1331, %get3A_1332, %get3A_1333] {strides = array<i32>} : memref<2x64x128xf32, #tpu.memory_space<vmem>>, vector<1x1x16xf32>,
        %get3A_1335 = vector.shape_cast %get3A_1334 : vector<1x1x16xf32> to vector<16xf32>
        %add3A_1336 = arith.addf %get3A_1329, %get3A_1335 : vector<16xf32>
        %get3A_1337 = arith.constant 0 : i32
        %get3A_1338 = arith.index_cast %get3A_1337 : i32 to index
        %get3A_1339 = arith.index_cast %scan3A_637 : i32 to index
        %get3A_1340 = arith.constant 288 : index
        %get3A_1341 = tpu.vector_load %arg12[%get3A_1338, %get3A_1339, %get3A_1340] {strides = array<i32>} : memref<2x8x512xf32, #tpu.memory_space<vmem>>, vector<1x1x16xf32>,
        %get3A_1342 = vector.shape_cast %get3A_1341 : vector<1x1x16xf32> to vector<16xf32>
        %add3A_1343 = arith.addf %add3A_1336, %get3A_1342 : vector<16xf32>
        %max3A_1344 = arith.constant 0.000000e+00 : f32
        %max3A_1345 = vector.broadcast %max3A_1344 : f32 to vector<16xf32>
        %max3A_1346 = arith.maximumf %add3A_1343, %max3A_1345 : vector<16xf32>
        %swap3A_1347 = arith.constant 0 : i32
        %swap3A_1348 = arith.index_cast %swap3A_1347 : i32 to index
        %swap3A_1349 = arith.index_cast %add3A_1249 : i32 to index
        %swap3A_1350 = arith.constant 32 : index
        %swap3A_1351 = tpu.vector_load %arg14[%swap3A_1348, %swap3A_1349, %swap3A_1350] {strides = array<i32>} : memref<2x64x128xf32, #tpu.memory_space<vmem>>, vector<1x1x16xf32>,
        %swap3A_1352 = vector.shape_cast %swap3A_1351 : vector<1x1x16xf32> to vector<16xf32>
        %swap3A_1353 = vector.shape_cast %max3A_1346 : vector<16xf32> to vector<1x1x16xf32>
        tpu.vector_store %arg14[%swap3A_1348, %swap3A_1349, %swap3A_1350], %swap3A_1353 {strides = array<i32>} : memref<2x64x128xf32, #tpu.memory_space<vmem>>, vector<1x1x16xf32>,
        %swap3A_1354 = arith.constant 0 : i32
        %swap3A_1355 = arith.index_cast %swap3A_1354 : i32 to index
        %swap3A_1356 = arith.index_cast %scan3A_637 : i32 to index
        %swap3A_1357 = arith.constant 288 : index
        %swap3A_1358 = tpu.vector_load %arg13[%swap3A_1355, %swap3A_1356, %swap3A_1357] {strides = array<i32>} : memref<2x8x512xf32, #tpu.memory_space<vmem>>, vector<1x1x16xf32>,
        %swap3A_1359 = vector.shape_cast %swap3A_1358 : vector<1x1x16xf32> to vector<16xf32>
        %swap3A_1360 = vector.shape_cast %max3A_1346 : vector<16xf32> to vector<1x1x16xf32>
        tpu.vector_store %arg13[%swap3A_1355, %swap3A_1356, %swap3A_1357], %swap3A_1360 {strides = array<i32>} : memref<2x8x512xf32, #tpu.memory_space<vmem>>, vector<1x1x16xf32>,
        %get3A_1361 = arith.constant 0 : i32
        %get3A_1362 = arith.index_cast %get3A_1361 : i32 to index
        %get3A_1363 = arith.index_cast %add3A_1249 : i32 to index
        %get3A_1364 = arith.constant 48 : index
        %get3A_1365 = tpu.vector_load %arg10[%get3A_1362, %get3A_1363, %get3A_1364] {strides = array<i32>} : memref<2x64x128xf32, #tpu.memory_space<vmem>>, vector<1x1x16xf32>,
        %get3A_1366 = vector.shape_cast %get3A_1365 : vector<1x1x16xf32> to vector<16xf32>
        %get3A_1367 = arith.constant 0 : i32
        %get3A_1368 = arith.index_cast %get3A_1367 : i32 to index
        %get3A_1369 = arith.index_cast %add3A_1249 : i32 to index
        %get3A_1370 = arith.constant 112 : index
        %get3A_1371 = tpu.vector_load %arg11[%get3A_1368, %get3A_1369, %get3A_1370] {strides = array<i32>} : memref<2x64x128xf32, #tpu.memory_space<vmem>>, vector<1x1x16xf32>,
        %get3A_1372 = vector.shape_cast %get3A_1371 : vector<1x1x16xf32> to vector<16xf32>
        %add3A_1373 = arith.addf %get3A_1366, %get3A_1372 : vector<16xf32>
        %get3A_1374 = arith.constant 0 : i32
        %get3A_1375 = arith.index_cast %get3A_1374 : i32 to index
        %get3A_1376 = arith.index_cast %scan3A_637 : i32 to index
        %get3A_1377 = arith.constant 304 : index
        %get3A_1378 = tpu.vector_load %arg12[%get3A_1375, %get3A_1376, %get3A_1377] {strides = array<i32>} : memref<2x8x512xf32, #tpu.memory_space<vmem>>, vector<1x1x16xf32>,
        %get3A_1379 = vector.shape_cast %get3A_1378 : vector<1x1x16xf32> to vector<16xf32>
        %add3A_1380 = arith.addf %add3A_1373, %get3A_1379 : vector<16xf32>
        %max3A_1381 = arith.constant 0.000000e+00 : f32
        %max3A_1382 = vector.broadcast %max3A_1381 : f32 to vector<16xf32>
        %max3A_1383 = arith.maximumf %add3A_1380, %max3A_1382 : vector<16xf32>
        %swap3A_1384 = arith.constant 0 : i32
        %swap3A_1385 = arith.index_cast %swap3A_1384 : i32 to index
        %swap3A_1386 = arith.index_cast %add3A_1249 : i32 to index
        %swap3A_1387 = arith.constant 48 : index
        %swap3A_1388 = tpu.vector_load %arg14[%swap3A_1385, %swap3A_1386, %swap3A_1387] {strides = array<i32>} : memref<2x64x128xf32, #tpu.memory_space<vmem>>, vector<1x1x16xf32>,
        %swap3A_1389 = vector.shape_cast %swap3A_1388 : vector<1x1x16xf32> to vector<16xf32>
        %swap3A_1390 = vector.shape_cast %max3A_1383 : vector<16xf32> to vector<1x1x16xf32>
        tpu.vector_store %arg14[%swap3A_1385, %swap3A_1386, %swap3A_1387], %swap3A_1390 {strides = array<i32>} : memref<2x64x128xf32, #tpu.memory_space<vmem>>, vector<1x1x16xf32>,
        %swap3A_1391 = arith.constant 0 : i32
        %swap3A_1392 = arith.index_cast %swap3A_1391 : i32 to index
        %swap3A_1393 = arith.index_cast %scan3A_637 : i32 to index
        %swap3A_1394 = arith.constant 304 : index
        %swap3A_1395 = tpu.vector_load %arg13[%swap3A_1392, %swap3A_1393, %swap3A_1394] {strides = array<i32>} : memref<2x8x512xf32, #tpu.memory_space<vmem>>, vector<1x1x16xf32>,
        %swap3A_1396 = vector.shape_cast %swap3A_1395 : vector<1x1x16xf32> to vector<16xf32>
        %swap3A_1397 = vector.shape_cast %max3A_1383 : vector<16xf32> to vector<1x1x16xf32>
        tpu.vector_store %arg13[%swap3A_1392, %swap3A_1393, %swap3A_1394], %swap3A_1397 {strides = array<i32>} : memref<2x8x512xf32, #tpu.memory_space<vmem>>, vector<1x1x16xf32>,
        %mul3A_1398 = arith.constant 8 : i32
        %mul3A_1399 = arith.muli %scan3A_637, %mul3A_1398 : i32
        %add3A_1400 = arith.constant 5 : i32
        %add3A_1401 = arith.addi %mul3A_1399, %add3A_1400 : i32
        %get3A_1402 = arith.constant 0 : i32
        %get3A_1403 = arith.index_cast %get3A_1402 : i32 to index
        %get3A_1404 = arith.index_cast %add3A_1401 : i32 to index
        %get3A_1405 = arith.constant 0 : index
        %get3A_1406 = tpu.vector_load %arg10[%get3A_1403, %get3A_1404, %get3A_1405] {strides = array<i32>} : memref<2x64x128xf32, #tpu.memory_space<vmem>>, vector<1x1x16xf32>,
        %get3A_1407 = vector.shape_cast %get3A_1406 : vector<1x1x16xf32> to vector<16xf32>
        %get3A_1408 = arith.constant 0 : i32
        %get3A_1409 = arith.index_cast %get3A_1408 : i32 to index
        %get3A_1410 = arith.index_cast %add3A_1401 : i32 to index
        %get3A_1411 = arith.constant 64 : index
        %get3A_1412 = tpu.vector_load %arg11[%get3A_1409, %get3A_1410, %get3A_1411] {strides = array<i32>} : memref<2x64x128xf32, #tpu.memory_space<vmem>>, vector<1x1x16xf32>,
        %get3A_1413 = vector.shape_cast %get3A_1412 : vector<1x1x16xf32> to vector<16xf32>
        %add3A_1414 = arith.addf %get3A_1407, %get3A_1413 : vector<16xf32>
        %get3A_1415 = arith.constant 0 : i32
        %get3A_1416 = arith.index_cast %get3A_1415 : i32 to index
        %get3A_1417 = arith.index_cast %scan3A_637 : i32 to index
        %get3A_1418 = arith.constant 320 : index
        %get3A_1419 = tpu.vector_load %arg12[%get3A_1416, %get3A_1417, %get3A_1418] {strides = array<i32>} : memref<2x8x512xf32, #tpu.memory_space<vmem>>, vector<1x1x16xf32>,
        %get3A_1420 = vector.shape_cast %get3A_1419 : vector<1x1x16xf32> to vector<16xf32>
        %add3A_1421 = arith.addf %add3A_1414, %get3A_1420 : vector<16xf32>
        %max3A_1422 = arith.constant 0.000000e+00 : f32
        %max3A_1423 = vector.broadcast %max3A_1422 : f32 to vector<16xf32>
        %max3A_1424 = arith.maximumf %add3A_1421, %max3A_1423 : vector<16xf32>
        %swap3A_1425 = arith.constant 0 : i32
        %swap3A_1426 = arith.index_cast %swap3A_1425 : i32 to index
        %swap3A_1427 = arith.index_cast %add3A_1401 : i32 to index
        %swap3A_1428 = arith.constant 0 : index
        %swap3A_1429 = tpu.vector_load %arg14[%swap3A_1426, %swap3A_1427, %swap3A_1428] {strides = array<i32>} : memref<2x64x128xf32, #tpu.memory_space<vmem>>, vector<1x1x16xf32>,
        %swap3A_1430 = vector.shape_cast %swap3A_1429 : vector<1x1x16xf32> to vector<16xf32>
        %swap3A_1431 = vector.shape_cast %max3A_1424 : vector<16xf32> to vector<1x1x16xf32>
        tpu.vector_store %arg14[%swap3A_1426, %swap3A_1427, %swap3A_1428], %swap3A_1431 {strides = array<i32>} : memref<2x64x128xf32, #tpu.memory_space<vmem>>, vector<1x1x16xf32>,
        %swap3A_1432 = arith.constant 0 : i32
        %swap3A_1433 = arith.index_cast %swap3A_1432 : i32 to index
        %swap3A_1434 = arith.index_cast %scan3A_637 : i32 to index
        %swap3A_1435 = arith.constant 320 : index
        %swap3A_1436 = tpu.vector_load %arg13[%swap3A_1433, %swap3A_1434, %swap3A_1435] {strides = array<i32>} : memref<2x8x512xf32, #tpu.memory_space<vmem>>, vector<1x1x16xf32>,
        %swap3A_1437 = vector.shape_cast %swap3A_1436 : vector<1x1x16xf32> to vector<16xf32>
        %swap3A_1438 = vector.shape_cast %max3A_1424 : vector<16xf32> to vector<1x1x16xf32>
        tpu.vector_store %arg13[%swap3A_1433, %swap3A_1434, %swap3A_1435], %swap3A_1438 {strides = array<i32>} : memref<2x8x512xf32, #tpu.memory_space<vmem>>, vector<1x1x16xf32>,
        %get3A_1439 = arith.constant 0 : i32
        %get3A_1440 = arith.index_cast %get3A_1439 : i32 to index
        %get3A_1441 = arith.index_cast %add3A_1401 : i32 to index
        %get3A_1442 = arith.constant 16 : index
        %get3A_1443 = tpu.vector_load %arg10[%get3A_1440, %get3A_1441, %get3A_1442] {strides = array<i32>} : memref<2x64x128xf32, #tpu.memory_space<vmem>>, vector<1x1x16xf32>,
        %get3A_1444 = vector.shape_cast %get3A_1443 : vector<1x1x16xf32> to vector<16xf32>
        %get3A_1445 = arith.constant 0 : i32
        %get3A_1446 = arith.index_cast %get3A_1445 : i32 to index
        %get3A_1447 = arith.index_cast %add3A_1401 : i32 to index
        %get3A_1448 = arith.constant 80 : index
        %get3A_1449 = tpu.vector_load %arg11[%get3A_1446, %get3A_1447, %get3A_1448] {strides = array<i32>} : memref<2x64x128xf32, #tpu.memory_space<vmem>>, vector<1x1x16xf32>,
        %get3A_1450 = vector.shape_cast %get3A_1449 : vector<1x1x16xf32> to vector<16xf32>
        %add3A_1451 = arith.addf %get3A_1444, %get3A_1450 : vector<16xf32>
        %get3A_1452 = arith.constant 0 : i32
        %get3A_1453 = arith.index_cast %get3A_1452 : i32 to index
        %get3A_1454 = arith.index_cast %scan3A_637 : i32 to index
        %get3A_1455 = arith.constant 336 : index
        %get3A_1456 = tpu.vector_load %arg12[%get3A_1453, %get3A_1454, %get3A_1455] {strides = array<i32>} : memref<2x8x512xf32, #tpu.memory_space<vmem>>, vector<1x1x16xf32>,
        %get3A_1457 = vector.shape_cast %get3A_1456 : vector<1x1x16xf32> to vector<16xf32>
        %add3A_1458 = arith.addf %add3A_1451, %get3A_1457 : vector<16xf32>
        %max3A_1459 = arith.constant 0.000000e+00 : f32
        %max3A_1460 = vector.broadcast %max3A_1459 : f32 to vector<16xf32>
        %max3A_1461 = arith.maximumf %add3A_1458, %max3A_1460 : vector<16xf32>
        %swap3A_1462 = arith.constant 0 : i32
        %swap3A_1463 = arith.index_cast %swap3A_1462 : i32 to index
        %swap3A_1464 = arith.index_cast %add3A_1401 : i32 to index
        %swap3A_1465 = arith.constant 16 : index
        %swap3A_1466 = tpu.vector_load %arg14[%swap3A_1463, %swap3A_1464, %swap3A_1465] {strides = array<i32>} : memref<2x64x128xf32, #tpu.memory_space<vmem>>, vector<1x1x16xf32>,
        %swap3A_1467 = vector.shape_cast %swap3A_1466 : vector<1x1x16xf32> to vector<16xf32>
        %swap3A_1468 = vector.shape_cast %max3A_1461 : vector<16xf32> to vector<1x1x16xf32>
        tpu.vector_store %arg14[%swap3A_1463, %swap3A_1464, %swap3A_1465], %swap3A_1468 {strides = array<i32>} : memref<2x64x128xf32, #tpu.memory_space<vmem>>, vector<1x1x16xf32>,
        %swap3A_1469 = arith.constant 0 : i32
        %swap3A_1470 = arith.index_cast %swap3A_1469 : i32 to index
        %swap3A_1471 = arith.index_cast %scan3A_637 : i32 to index
        %swap3A_1472 = arith.constant 336 : index
        %swap3A_1473 = tpu.vector_load %arg13[%swap3A_1470, %swap3A_1471, %swap3A_1472] {strides = array<i32>} : memref<2x8x512xf32, #tpu.memory_space<vmem>>, vector<1x1x16xf32>,
        %swap3A_1474 = vector.shape_cast %swap3A_1473 : vector<1x1x16xf32> to vector<16xf32>
        %swap3A_1475 = vector.shape_cast %max3A_1461 : vector<16xf32> to vector<1x1x16xf32>
        tpu.vector_store %arg13[%swap3A_1470, %swap3A_1471, %swap3A_1472], %swap3A_1475 {strides = array<i32>} : memref<2x8x512xf32, #tpu.memory_space<vmem>>, vector<1x1x16xf32>,
        %get3A_1476 = arith.constant 0 : i32
        %get3A_1477 = arith.index_cast %get3A_1476 : i32 to index
        %get3A_1478 = arith.index_cast %add3A_1401 : i32 to index
        %get3A_1479 = arith.constant 32 : index
        %get3A_1480 = tpu.vector_load %arg10[%get3A_1477, %get3A_1478, %get3A_1479] {strides = array<i32>} : memref<2x64x128xf32, #tpu.memory_space<vmem>>, vector<1x1x16xf32>,
        %get3A_1481 = vector.shape_cast %get3A_1480 : vector<1x1x16xf32> to vector<16xf32>
        %get3A_1482 = arith.constant 0 : i32
        %get3A_1483 = arith.index_cast %get3A_1482 : i32 to index
        %get3A_1484 = arith.index_cast %add3A_1401 : i32 to index
        %get3A_1485 = arith.constant 96 : index
        %get3A_1486 = tpu.vector_load %arg11[%get3A_1483, %get3A_1484, %get3A_1485] {strides = array<i32>} : memref<2x64x128xf32, #tpu.memory_space<vmem>>, vector<1x1x16xf32>,
        %get3A_1487 = vector.shape_cast %get3A_1486 : vector<1x1x16xf32> to vector<16xf32>
        %add3A_1488 = arith.addf %get3A_1481, %get3A_1487 : vector<16xf32>
        %get3A_1489 = arith.constant 0 : i32
        %get3A_1490 = arith.index_cast %get3A_1489 : i32 to index
        %get3A_1491 = arith.index_cast %scan3A_637 : i32 to index
        %get3A_1492 = arith.constant 352 : index
        %get3A_1493 = tpu.vector_load %arg12[%get3A_1490, %get3A_1491, %get3A_1492] {strides = array<i32>} : memref<2x8x512xf32, #tpu.memory_space<vmem>>, vector<1x1x16xf32>,
        %get3A_1494 = vector.shape_cast %get3A_1493 : vector<1x1x16xf32> to vector<16xf32>
        %add3A_1495 = arith.addf %add3A_1488, %get3A_1494 : vector<16xf32>
        %max3A_1496 = arith.constant 0.000000e+00 : f32
        %max3A_1497 = vector.broadcast %max3A_1496 : f32 to vector<16xf32>
        %max3A_1498 = arith.maximumf %add3A_1495, %max3A_1497 : vector<16xf32>
        %swap3A_1499 = arith.constant 0 : i32
        %swap3A_1500 = arith.index_cast %swap3A_1499 : i32 to index
        %swap3A_1501 = arith.index_cast %add3A_1401 : i32 to index
        %swap3A_1502 = arith.constant 32 : index
        %swap3A_1503 = tpu.vector_load %arg14[%swap3A_1500, %swap3A_1501, %swap3A_1502] {strides = array<i32>} : memref<2x64x128xf32, #tpu.memory_space<vmem>>, vector<1x1x16xf32>,
        %swap3A_1504 = vector.shape_cast %swap3A_1503 : vector<1x1x16xf32> to vector<16xf32>
        %swap3A_1505 = vector.shape_cast %max3A_1498 : vector<16xf32> to vector<1x1x16xf32>
        tpu.vector_store %arg14[%swap3A_1500, %swap3A_1501, %swap3A_1502], %swap3A_1505 {strides = array<i32>} : memref<2x64x128xf32, #tpu.memory_space<vmem>>, vector<1x1x16xf32>,
        %swap3A_1506 = arith.constant 0 : i32
        %swap3A_1507 = arith.index_cast %swap3A_1506 : i32 to index
        %swap3A_1508 = arith.index_cast %scan3A_637 : i32 to index
        %swap3A_1509 = arith.constant 352 : index
        %swap3A_1510 = tpu.vector_load %arg13[%swap3A_1507, %swap3A_1508, %swap3A_1509] {strides = array<i32>} : memref<2x8x512xf32, #tpu.memory_space<vmem>>, vector<1x1x16xf32>,
        %swap3A_1511 = vector.shape_cast %swap3A_1510 : vector<1x1x16xf32> to vector<16xf32>
        %swap3A_1512 = vector.shape_cast %max3A_1498 : vector<16xf32> to vector<1x1x16xf32>
        tpu.vector_store %arg13[%swap3A_1507, %swap3A_1508, %swap3A_1509], %swap3A_1512 {strides = array<i32>} : memref<2x8x512xf32, #tpu.memory_space<vmem>>, vector<1x1x16xf32>,
        %get3A_1513 = arith.constant 0 : i32
        %get3A_1514 = arith.index_cast %get3A_1513 : i32 to index
        %get3A_1515 = arith.index_cast %add3A_1401 : i32 to index
        %get3A_1516 = arith.constant 48 : index
        %get3A_1517 = tpu.vector_load %arg10[%get3A_1514, %get3A_1515, %get3A_1516] {strides = array<i32>} : memref<2x64x128xf32, #tpu.memory_space<vmem>>, vector<1x1x16xf32>,
        %get3A_1518 = vector.shape_cast %get3A_1517 : vector<1x1x16xf32> to vector<16xf32>
        %get3A_1519 = arith.constant 0 : i32
        %get3A_1520 = arith.index_cast %get3A_1519 : i32 to index
        %get3A_1521 = arith.index_cast %add3A_1401 : i32 to index
        %get3A_1522 = arith.constant 112 : index
        %get3A_1523 = tpu.vector_load %arg11[%get3A_1520, %get3A_1521, %get3A_1522] {strides = array<i32>} : memref<2x64x128xf32, #tpu.memory_space<vmem>>, vector<1x1x16xf32>,
        %get3A_1524 = vector.shape_cast %get3A_1523 : vector<1x1x16xf32> to vector<16xf32>
        %add3A_1525 = arith.addf %get3A_1518, %get3A_1524 : vector<16xf32>
        %get3A_1526 = arith.constant 0 : i32
        %get3A_1527 = arith.index_cast %get3A_1526 : i32 to index
        %get3A_1528 = arith.index_cast %scan3A_637 : i32 to index
        %get3A_1529 = arith.constant 368 : index
        %get3A_1530 = tpu.vector_load %arg12[%get3A_1527, %get3A_1528, %get3A_1529] {strides = array<i32>} : memref<2x8x512xf32, #tpu.memory_space<vmem>>, vector<1x1x16xf32>,
        %get3A_1531 = vector.shape_cast %get3A_1530 : vector<1x1x16xf32> to vector<16xf32>
        %add3A_1532 = arith.addf %add3A_1525, %get3A_1531 : vector<16xf32>
        %max3A_1533 = arith.constant 0.000000e+00 : f32
        %max3A_1534 = vector.broadcast %max3A_1533 : f32 to vector<16xf32>
        %max3A_1535 = arith.maximumf %add3A_1532, %max3A_1534 : vector<16xf32>
        %swap3A_1536 = arith.constant 0 : i32
        %swap3A_1537 = arith.index_cast %swap3A_1536 : i32 to index
        %swap3A_1538 = arith.index_cast %add3A_1401 : i32 to index
        %swap3A_1539 = arith.constant 48 : index
        %swap3A_1540 = tpu.vector_load %arg14[%swap3A_1537, %swap3A_1538, %swap3A_1539] {strides = array<i32>} : memref<2x64x128xf32, #tpu.memory_space<vmem>>, vector<1x1x16xf32>,
        %swap3A_1541 = vector.shape_cast %swap3A_1540 : vector<1x1x16xf32> to vector<16xf32>
        %swap3A_1542 = vector.shape_cast %max3A_1535 : vector<16xf32> to vector<1x1x16xf32>
        tpu.vector_store %arg14[%swap3A_1537, %swap3A_1538, %swap3A_1539], %swap3A_1542 {strides = array<i32>} : memref<2x64x128xf32, #tpu.memory_space<vmem>>, vector<1x1x16xf32>,
        %swap3A_1543 = arith.constant 0 : i32
        %swap3A_1544 = arith.index_cast %swap3A_1543 : i32 to index
        %swap3A_1545 = arith.index_cast %scan3A_637 : i32 to index
        %swap3A_1546 = arith.constant 368 : index
        %swap3A_1547 = tpu.vector_load %arg13[%swap3A_1544, %swap3A_1545, %swap3A_1546] {strides = array<i32>} : memref<2x8x512xf32, #tpu.memory_space<vmem>>, vector<1x1x16xf32>,
        %swap3A_1548 = vector.shape_cast %swap3A_1547 : vector<1x1x16xf32> to vector<16xf32>
        %swap3A_1549 = vector.shape_cast %max3A_1535 : vector<16xf32> to vector<1x1x16xf32>
        tpu.vector_store %arg13[%swap3A_1544, %swap3A_1545, %swap3A_1546], %swap3A_1549 {strides = array<i32>} : memref<2x8x512xf32, #tpu.memory_space<vmem>>, vector<1x1x16xf32>,
        %mul3A_1550 = arith.constant 8 : i32
        %mul3A_1551 = arith.muli %scan3A_637, %mul3A_1550 : i32
        %add3A_1552 = arith.constant 6 : i32
        %add3A_1553 = arith.addi %mul3A_1551, %add3A_1552 : i32
        %get3A_1554 = arith.constant 0 : i32
        %get3A_1555 = arith.index_cast %get3A_1554 : i32 to index
        %get3A_1556 = arith.index_cast %add3A_1553 : i32 to index
        %get3A_1557 = arith.constant 0 : index
        %get3A_1558 = tpu.vector_load %arg10[%get3A_1555, %get3A_1556, %get3A_1557] {strides = array<i32>} : memref<2x64x128xf32, #tpu.memory_space<vmem>>, vector<1x1x16xf32>,
        %get3A_1559 = vector.shape_cast %get3A_1558 : vector<1x1x16xf32> to vector<16xf32>
        %get3A_1560 = arith.constant 0 : i32
        %get3A_1561 = arith.index_cast %get3A_1560 : i32 to index
        %get3A_1562 = arith.index_cast %add3A_1553 : i32 to index
        %get3A_1563 = arith.constant 64 : index
        %get3A_1564 = tpu.vector_load %arg11[%get3A_1561, %get3A_1562, %get3A_1563] {strides = array<i32>} : memref<2x64x128xf32, #tpu.memory_space<vmem>>, vector<1x1x16xf32>,
        %get3A_1565 = vector.shape_cast %get3A_1564 : vector<1x1x16xf32> to vector<16xf32>
        %add3A_1566 = arith.addf %get3A_1559, %get3A_1565 : vector<16xf32>
        %get3A_1567 = arith.constant 0 : i32
        %get3A_1568 = arith.index_cast %get3A_1567 : i32 to index
        %get3A_1569 = arith.index_cast %scan3A_637 : i32 to index
        %get3A_1570 = arith.constant 384 : index
        %get3A_1571 = tpu.vector_load %arg12[%get3A_1568, %get3A_1569, %get3A_1570] {strides = array<i32>} : memref<2x8x512xf32, #tpu.memory_space<vmem>>, vector<1x1x16xf32>,
        %get3A_1572 = vector.shape_cast %get3A_1571 : vector<1x1x16xf32> to vector<16xf32>
        %add3A_1573 = arith.addf %add3A_1566, %get3A_1572 : vector<16xf32>
        %max3A_1574 = arith.constant 0.000000e+00 : f32
        %max3A_1575 = vector.broadcast %max3A_1574 : f32 to vector<16xf32>
        %max3A_1576 = arith.maximumf %add3A_1573, %max3A_1575 : vector<16xf32>
        %swap3A_1577 = arith.constant 0 : i32
        %swap3A_1578 = arith.index_cast %swap3A_1577 : i32 to index
        %swap3A_1579 = arith.index_cast %add3A_1553 : i32 to index
        %swap3A_1580 = arith.constant 0 : index
        %swap3A_1581 = tpu.vector_load %arg14[%swap3A_1578, %swap3A_1579, %swap3A_1580] {strides = array<i32>} : memref<2x64x128xf32, #tpu.memory_space<vmem>>, vector<1x1x16xf32>,
        %swap3A_1582 = vector.shape_cast %swap3A_1581 : vector<1x1x16xf32> to vector<16xf32>
        %swap3A_1583 = vector.shape_cast %max3A_1576 : vector<16xf32> to vector<1x1x16xf32>
        tpu.vector_store %arg14[%swap3A_1578, %swap3A_1579, %swap3A_1580], %swap3A_1583 {strides = array<i32>} : memref<2x64x128xf32, #tpu.memory_space<vmem>>, vector<1x1x16xf32>,
        %swap3A_1584 = arith.constant 0 : i32
        %swap3A_1585 = arith.index_cast %swap3A_1584 : i32 to index
        %swap3A_1586 = arith.index_cast %scan3A_637 : i32 to index
        %swap3A_1587 = arith.constant 384 : index
        %swap3A_1588 = tpu.vector_load %arg13[%swap3A_1585, %swap3A_1586, %swap3A_1587] {strides = array<i32>} : memref<2x8x512xf32, #tpu.memory_space<vmem>>, vector<1x1x16xf32>,
        %swap3A_1589 = vector.shape_cast %swap3A_1588 : vector<1x1x16xf32> to vector<16xf32>
        %swap3A_1590 = vector.shape_cast %max3A_1576 : vector<16xf32> to vector<1x1x16xf32>
        tpu.vector_store %arg13[%swap3A_1585, %swap3A_1586, %swap3A_1587], %swap3A_1590 {strides = array<i32>} : memref<2x8x512xf32, #tpu.memory_space<vmem>>, vector<1x1x16xf32>,
        %get3A_1591 = arith.constant 0 : i32
        %get3A_1592 = arith.index_cast %get3A_1591 : i32 to index
        %get3A_1593 = arith.index_cast %add3A_1553 : i32 to index
        %get3A_1594 = arith.constant 16 : index
        %get3A_1595 = tpu.vector_load %arg10[%get3A_1592, %get3A_1593, %get3A_1594] {strides = array<i32>} : memref<2x64x128xf32, #tpu.memory_space<vmem>>, vector<1x1x16xf32>,
        %get3A_1596 = vector.shape_cast %get3A_1595 : vector<1x1x16xf32> to vector<16xf32>
        %get3A_1597 = arith.constant 0 : i32
        %get3A_1598 = arith.index_cast %get3A_1597 : i32 to index
        %get3A_1599 = arith.index_cast %add3A_1553 : i32 to index
        %get3A_1600 = arith.constant 80 : index
        %get3A_1601 = tpu.vector_load %arg11[%get3A_1598, %get3A_1599, %get3A_1600] {strides = array<i32>} : memref<2x64x128xf32, #tpu.memory_space<vmem>>, vector<1x1x16xf32>,
        %get3A_1602 = vector.shape_cast %get3A_1601 : vector<1x1x16xf32> to vector<16xf32>
        %add3A_1603 = arith.addf %get3A_1596, %get3A_1602 : vector<16xf32>
        %get3A_1604 = arith.constant 0 : i32
        %get3A_1605 = arith.index_cast %get3A_1604 : i32 to index
        %get3A_1606 = arith.index_cast %scan3A_637 : i32 to index
        %get3A_1607 = arith.constant 400 : index
        %get3A_1608 = tpu.vector_load %arg12[%get3A_1605, %get3A_1606, %get3A_1607] {strides = array<i32>} : memref<2x8x512xf32, #tpu.memory_space<vmem>>, vector<1x1x16xf32>,
        %get3A_1609 = vector.shape_cast %get3A_1608 : vector<1x1x16xf32> to vector<16xf32>
        %add3A_1610 = arith.addf %add3A_1603, %get3A_1609 : vector<16xf32>
        %max3A_1611 = arith.constant 0.000000e+00 : f32
        %max3A_1612 = vector.broadcast %max3A_1611 : f32 to vector<16xf32>
        %max3A_1613 = arith.maximumf %add3A_1610, %max3A_1612 : vector<16xf32>
        %swap3A_1614 = arith.constant 0 : i32
        %swap3A_1615 = arith.index_cast %swap3A_1614 : i32 to index
        %swap3A_1616 = arith.index_cast %add3A_1553 : i32 to index
        %swap3A_1617 = arith.constant 16 : index
        %swap3A_1618 = tpu.vector_load %arg14[%swap3A_1615, %swap3A_1616, %swap3A_1617] {strides = array<i32>} : memref<2x64x128xf32, #tpu.memory_space<vmem>>, vector<1x1x16xf32>,
        %swap3A_1619 = vector.shape_cast %swap3A_1618 : vector<1x1x16xf32> to vector<16xf32>
        %swap3A_1620 = vector.shape_cast %max3A_1613 : vector<16xf32> to vector<1x1x16xf32>
        tpu.vector_store %arg14[%swap3A_1615, %swap3A_1616, %swap3A_1617], %swap3A_1620 {strides = array<i32>} : memref<2x64x128xf32, #tpu.memory_space<vmem>>, vector<1x1x16xf32>,
        %swap3A_1621 = arith.constant 0 : i32
        %swap3A_1622 = arith.index_cast %swap3A_1621 : i32 to index
        %swap3A_1623 = arith.index_cast %scan3A_637 : i32 to index
        %swap3A_1624 = arith.constant 400 : index
        %swap3A_1625 = tpu.vector_load %arg13[%swap3A_1622, %swap3A_1623, %swap3A_1624] {strides = array<i32>} : memref<2x8x512xf32, #tpu.memory_space<vmem>>, vector<1x1x16xf32>,
        %swap3A_1626 = vector.shape_cast %swap3A_1625 : vector<1x1x16xf32> to vector<16xf32>
        %swap3A_1627 = vector.shape_cast %max3A_1613 : vector<16xf32> to vector<1x1x16xf32>
        tpu.vector_store %arg13[%swap3A_1622, %swap3A_1623, %swap3A_1624], %swap3A_1627 {strides = array<i32>} : memref<2x8x512xf32, #tpu.memory_space<vmem>>, vector<1x1x16xf32>,
        %get3A_1628 = arith.constant 0 : i32
        %get3A_1629 = arith.index_cast %get3A_1628 : i32 to index
        %get3A_1630 = arith.index_cast %add3A_1553 : i32 to index
        %get3A_1631 = arith.constant 32 : index
        %get3A_1632 = tpu.vector_load %arg10[%get3A_1629, %get3A_1630, %get3A_1631] {strides = array<i32>} : memref<2x64x128xf32, #tpu.memory_space<vmem>>, vector<1x1x16xf32>,
        %get3A_1633 = vector.shape_cast %get3A_1632 : vector<1x1x16xf32> to vector<16xf32>
        %get3A_1634 = arith.constant 0 : i32
        %get3A_1635 = arith.index_cast %get3A_1634 : i32 to index
        %get3A_1636 = arith.index_cast %add3A_1553 : i32 to index
        %get3A_1637 = arith.constant 96 : index
        %get3A_1638 = tpu.vector_load %arg11[%get3A_1635, %get3A_1636, %get3A_1637] {strides = array<i32>} : memref<2x64x128xf32, #tpu.memory_space<vmem>>, vector<1x1x16xf32>,
        %get3A_1639 = vector.shape_cast %get3A_1638 : vector<1x1x16xf32> to vector<16xf32>
        %add3A_1640 = arith.addf %get3A_1633, %get3A_1639 : vector<16xf32>
        %get3A_1641 = arith.constant 0 : i32
        %get3A_1642 = arith.index_cast %get3A_1641 : i32 to index
        %get3A_1643 = arith.index_cast %scan3A_637 : i32 to index
        %get3A_1644 = arith.constant 416 : index
        %get3A_1645 = tpu.vector_load %arg12[%get3A_1642, %get3A_1643, %get3A_1644] {strides = array<i32>} : memref<2x8x512xf32, #tpu.memory_space<vmem>>, vector<1x1x16xf32>,
        %get3A_1646 = vector.shape_cast %get3A_1645 : vector<1x1x16xf32> to vector<16xf32>
        %add3A_1647 = arith.addf %add3A_1640, %get3A_1646 : vector<16xf32>
        %max3A_1648 = arith.constant 0.000000e+00 : f32
        %max3A_1649 = vector.broadcast %max3A_1648 : f32 to vector<16xf32>
        %max3A_1650 = arith.maximumf %add3A_1647, %max3A_1649 : vector<16xf32>
        %swap3A_1651 = arith.constant 0 : i32
        %swap3A_1652 = arith.index_cast %swap3A_1651 : i32 to index
        %swap3A_1653 = arith.index_cast %add3A_1553 : i32 to index
        %swap3A_1654 = arith.constant 32 : index
        %swap3A_1655 = tpu.vector_load %arg14[%swap3A_1652, %swap3A_1653, %swap3A_1654] {strides = array<i32>} : memref<2x64x128xf32, #tpu.memory_space<vmem>>, vector<1x1x16xf32>,
        %swap3A_1656 = vector.shape_cast %swap3A_1655 : vector<1x1x16xf32> to vector<16xf32>
        %swap3A_1657 = vector.shape_cast %max3A_1650 : vector<16xf32> to vector<1x1x16xf32>
        tpu.vector_store %arg14[%swap3A_1652, %swap3A_1653, %swap3A_1654], %swap3A_1657 {strides = array<i32>} : memref<2x64x128xf32, #tpu.memory_space<vmem>>, vector<1x1x16xf32>,
        %swap3A_1658 = arith.constant 0 : i32
        %swap3A_1659 = arith.index_cast %swap3A_1658 : i32 to index
        %swap3A_1660 = arith.index_cast %scan3A_637 : i32 to index
        %swap3A_1661 = arith.constant 416 : index
        %swap3A_1662 = tpu.vector_load %arg13[%swap3A_1659, %swap3A_1660, %swap3A_1661] {strides = array<i32>} : memref<2x8x512xf32, #tpu.memory_space<vmem>>, vector<1x1x16xf32>,
        %swap3A_1663 = vector.shape_cast %swap3A_1662 : vector<1x1x16xf32> to vector<16xf32>
        %swap3A_1664 = vector.shape_cast %max3A_1650 : vector<16xf32> to vector<1x1x16xf32>
        tpu.vector_store %arg13[%swap3A_1659, %swap3A_1660, %swap3A_1661], %swap3A_1664 {strides = array<i32>} : memref<2x8x512xf32, #tpu.memory_space<vmem>>, vector<1x1x16xf32>,
        %get3A_1665 = arith.constant 0 : i32
        %get3A_1666 = arith.index_cast %get3A_1665 : i32 to index
        %get3A_1667 = arith.index_cast %add3A_1553 : i32 to index
        %get3A_1668 = arith.constant 48 : index
        %get3A_1669 = tpu.vector_load %arg10[%get3A_1666, %get3A_1667, %get3A_1668] {strides = array<i32>} : memref<2x64x128xf32, #tpu.memory_space<vmem>>, vector<1x1x16xf32>,
        %get3A_1670 = vector.shape_cast %get3A_1669 : vector<1x1x16xf32> to vector<16xf32>
        %get3A_1671 = arith.constant 0 : i32
        %get3A_1672 = arith.index_cast %get3A_1671 : i32 to index
        %get3A_1673 = arith.index_cast %add3A_1553 : i32 to index
        %get3A_1674 = arith.constant 112 : index
        %get3A_1675 = tpu.vector_load %arg11[%get3A_1672, %get3A_1673, %get3A_1674] {strides = array<i32>} : memref<2x64x128xf32, #tpu.memory_space<vmem>>, vector<1x1x16xf32>,
        %get3A_1676 = vector.shape_cast %get3A_1675 : vector<1x1x16xf32> to vector<16xf32>
        %add3A_1677 = arith.addf %get3A_1670, %get3A_1676 : vector<16xf32>
        %get3A_1678 = arith.constant 0 : i32
        %get3A_1679 = arith.index_cast %get3A_1678 : i32 to index
        %get3A_1680 = arith.index_cast %scan3A_637 : i32 to index
        %get3A_1681 = arith.constant 432 : index
        %get3A_1682 = tpu.vector_load %arg12[%get3A_1679, %get3A_1680, %get3A_1681] {strides = array<i32>} : memref<2x8x512xf32, #tpu.memory_space<vmem>>, vector<1x1x16xf32>,
        %get3A_1683 = vector.shape_cast %get3A_1682 : vector<1x1x16xf32> to vector<16xf32>
        %add3A_1684 = arith.addf %add3A_1677, %get3A_1683 : vector<16xf32>
        %max3A_1685 = arith.constant 0.000000e+00 : f32
        %max3A_1686 = vector.broadcast %max3A_1685 : f32 to vector<16xf32>
        %max3A_1687 = arith.maximumf %add3A_1684, %max3A_1686 : vector<16xf32>
        %swap3A_1688 = arith.constant 0 : i32
        %swap3A_1689 = arith.index_cast %swap3A_1688 : i32 to index
        %swap3A_1690 = arith.index_cast %add3A_1553 : i32 to index
        %swap3A_1691 = arith.constant 48 : index
        %swap3A_1692 = tpu.vector_load %arg14[%swap3A_1689, %swap3A_1690, %swap3A_1691] {strides = array<i32>} : memref<2x64x128xf32, #tpu.memory_space<vmem>>, vector<1x1x16xf32>,
        %swap3A_1693 = vector.shape_cast %swap3A_1692 : vector<1x1x16xf32> to vector<16xf32>
        %swap3A_1694 = vector.shape_cast %max3A_1687 : vector<16xf32> to vector<1x1x16xf32>
        tpu.vector_store %arg14[%swap3A_1689, %swap3A_1690, %swap3A_1691], %swap3A_1694 {strides = array<i32>} : memref<2x64x128xf32, #tpu.memory_space<vmem>>, vector<1x1x16xf32>,
        %swap3A_1695 = arith.constant 0 : i32
        %swap3A_1696 = arith.index_cast %swap3A_1695 : i32 to index
        %swap3A_1697 = arith.index_cast %scan3A_637 : i32 to index
        %swap3A_1698 = arith.constant 432 : index
        %swap3A_1699 = tpu.vector_load %arg13[%swap3A_1696, %swap3A_1697, %swap3A_1698] {strides = array<i32>} : memref<2x8x512xf32, #tpu.memory_space<vmem>>, vector<1x1x16xf32>,
        %swap3A_1700 = vector.shape_cast %swap3A_1699 : vector<1x1x16xf32> to vector<16xf32>
        %swap3A_1701 = vector.shape_cast %max3A_1687 : vector<16xf32> to vector<1x1x16xf32>
        tpu.vector_store %arg13[%swap3A_1696, %swap3A_1697, %swap3A_1698], %swap3A_1701 {strides = array<i32>} : memref<2x8x512xf32, #tpu.memory_space<vmem>>, vector<1x1x16xf32>,
        %mul3A_1702 = arith.constant 8 : i32
        %mul3A_1703 = arith.muli %scan3A_637, %mul3A_1702 : i32
        %add3A_1704 = arith.constant 7 : i32
        %add3A_1705 = arith.addi %mul3A_1703, %add3A_1704 : i32
        %get3A_1706 = arith.constant 0 : i32
        %get3A_1707 = arith.index_cast %get3A_1706 : i32 to index
        %get3A_1708 = arith.index_cast %add3A_1705 : i32 to index
        %get3A_1709 = arith.constant 0 : index
        %get3A_1710 = tpu.vector_load %arg10[%get3A_1707, %get3A_1708, %get3A_1709] {strides = array<i32>} : memref<2x64x128xf32, #tpu.memory_space<vmem>>, vector<1x1x16xf32>,
        %get3A_1711 = vector.shape_cast %get3A_1710 : vector<1x1x16xf32> to vector<16xf32>
        %get3A_1712 = arith.constant 0 : i32
        %get3A_1713 = arith.index_cast %get3A_1712 : i32 to index
        %get3A_1714 = arith.index_cast %add3A_1705 : i32 to index
        %get3A_1715 = arith.constant 64 : index
        %get3A_1716 = tpu.vector_load %arg11[%get3A_1713, %get3A_1714, %get3A_1715] {strides = array<i32>} : memref<2x64x128xf32, #tpu.memory_space<vmem>>, vector<1x1x16xf32>,
        %get3A_1717 = vector.shape_cast %get3A_1716 : vector<1x1x16xf32> to vector<16xf32>
        %add3A_1718 = arith.addf %get3A_1711, %get3A_1717 : vector<16xf32>
        %get3A_1719 = arith.constant 0 : i32
        %get3A_1720 = arith.index_cast %get3A_1719 : i32 to index
        %get3A_1721 = arith.index_cast %scan3A_637 : i32 to index
        %get3A_1722 = arith.constant 448 : index
        %get3A_1723 = tpu.vector_load %arg12[%get3A_1720, %get3A_1721, %get3A_1722] {strides = array<i32>} : memref<2x8x512xf32, #tpu.memory_space<vmem>>, vector<1x1x16xf32>,
        %get3A_1724 = vector.shape_cast %get3A_1723 : vector<1x1x16xf32> to vector<16xf32>
        %add3A_1725 = arith.addf %add3A_1718, %get3A_1724 : vector<16xf32>
        %max3A_1726 = arith.constant 0.000000e+00 : f32
        %max3A_1727 = vector.broadcast %max3A_1726 : f32 to vector<16xf32>
        %max3A_1728 = arith.maximumf %add3A_1725, %max3A_1727 : vector<16xf32>
        %swap3A_1729 = arith.constant 0 : i32
        %swap3A_1730 = arith.index_cast %swap3A_1729 : i32 to index
        %swap3A_1731 = arith.index_cast %add3A_1705 : i32 to index
        %swap3A_1732 = arith.constant 0 : index
        %swap3A_1733 = tpu.vector_load %arg14[%swap3A_1730, %swap3A_1731, %swap3A_1732] {strides = array<i32>} : memref<2x64x128xf32, #tpu.memory_space<vmem>>, vector<1x1x16xf32>,
        %swap3A_1734 = vector.shape_cast %swap3A_1733 : vector<1x1x16xf32> to vector<16xf32>
        %swap3A_1735 = vector.shape_cast %max3A_1728 : vector<16xf32> to vector<1x1x16xf32>
        tpu.vector_store %arg14[%swap3A_1730, %swap3A_1731, %swap3A_1732], %swap3A_1735 {strides = array<i32>} : memref<2x64x128xf32, #tpu.memory_space<vmem>>, vector<1x1x16xf32>,
        %swap3A_1736 = arith.constant 0 : i32
        %swap3A_1737 = arith.index_cast %swap3A_1736 : i32 to index
        %swap3A_1738 = arith.index_cast %scan3A_637 : i32 to index
        %swap3A_1739 = arith.constant 448 : index
        %swap3A_1740 = tpu.vector_load %arg13[%swap3A_1737, %swap3A_1738, %swap3A_1739] {strides = array<i32>} : memref<2x8x512xf32, #tpu.memory_space<vmem>>, vector<1x1x16xf32>,
        %swap3A_1741 = vector.shape_cast %swap3A_1740 : vector<1x1x16xf32> to vector<16xf32>
        %swap3A_1742 = vector.shape_cast %max3A_1728 : vector<16xf32> to vector<1x1x16xf32>
        tpu.vector_store %arg13[%swap3A_1737, %swap3A_1738, %swap3A_1739], %swap3A_1742 {strides = array<i32>} : memref<2x8x512xf32, #tpu.memory_space<vmem>>, vector<1x1x16xf32>,
        %get3A_1743 = arith.constant 0 : i32
        %get3A_1744 = arith.index_cast %get3A_1743 : i32 to index
        %get3A_1745 = arith.index_cast %add3A_1705 : i32 to index
        %get3A_1746 = arith.constant 16 : index
        %get3A_1747 = tpu.vector_load %arg10[%get3A_1744, %get3A_1745, %get3A_1746] {strides = array<i32>} : memref<2x64x128xf32, #tpu.memory_space<vmem>>, vector<1x1x16xf32>,
        %get3A_1748 = vector.shape_cast %get3A_1747 : vector<1x1x16xf32> to vector<16xf32>
        %get3A_1749 = arith.constant 0 : i32
        %get3A_1750 = arith.index_cast %get3A_1749 : i32 to index
        %get3A_1751 = arith.index_cast %add3A_1705 : i32 to index
        %get3A_1752 = arith.constant 80 : index
        %get3A_1753 = tpu.vector_load %arg11[%get3A_1750, %get3A_1751, %get3A_1752] {strides = array<i32>} : memref<2x64x128xf32, #tpu.memory_space<vmem>>, vector<1x1x16xf32>,
        %get3A_1754 = vector.shape_cast %get3A_1753 : vector<1x1x16xf32> to vector<16xf32>
        %add3A_1755 = arith.addf %get3A_1748, %get3A_1754 : vector<16xf32>
        %get3A_1756 = arith.constant 0 : i32
        %get3A_1757 = arith.index_cast %get3A_1756 : i32 to index
        %get3A_1758 = arith.index_cast %scan3A_637 : i32 to index
        %get3A_1759 = arith.constant 464 : index
        %get3A_1760 = tpu.vector_load %arg12[%get3A_1757, %get3A_1758, %get3A_1759] {strides = array<i32>} : memref<2x8x512xf32, #tpu.memory_space<vmem>>, vector<1x1x16xf32>,
        %get3A_1761 = vector.shape_cast %get3A_1760 : vector<1x1x16xf32> to vector<16xf32>
        %add3A_1762 = arith.addf %add3A_1755, %get3A_1761 : vector<16xf32>
        %max3A_1763 = arith.constant 0.000000e+00 : f32
        %max3A_1764 = vector.broadcast %max3A_1763 : f32 to vector<16xf32>
        %max3A_1765 = arith.maximumf %add3A_1762, %max3A_1764 : vector<16xf32>
        %swap3A_1766 = arith.constant 0 : i32
        %swap3A_1767 = arith.index_cast %swap3A_1766 : i32 to index
        %swap3A_1768 = arith.index_cast %add3A_1705 : i32 to index
        %swap3A_1769 = arith.constant 16 : index
        %swap3A_1770 = tpu.vector_load %arg14[%swap3A_1767, %swap3A_1768, %swap3A_1769] {strides = array<i32>} : memref<2x64x128xf32, #tpu.memory_space<vmem>>, vector<1x1x16xf32>,
        %swap3A_1771 = vector.shape_cast %swap3A_1770 : vector<1x1x16xf32> to vector<16xf32>
        %swap3A_1772 = vector.shape_cast %max3A_1765 : vector<16xf32> to vector<1x1x16xf32>
        tpu.vector_store %arg14[%swap3A_1767, %swap3A_1768, %swap3A_1769], %swap3A_1772 {strides = array<i32>} : memref<2x64x128xf32, #tpu.memory_space<vmem>>, vector<1x1x16xf32>,
        %swap3A_1773 = arith.constant 0 : i32
        %swap3A_1774 = arith.index_cast %swap3A_1773 : i32 to index
        %swap3A_1775 = arith.index_cast %scan3A_637 : i32 to index
        %swap3A_1776 = arith.constant 464 : index
        %swap3A_1777 = tpu.vector_load %arg13[%swap3A_1774, %swap3A_1775, %swap3A_1776] {strides = array<i32>} : memref<2x8x512xf32, #tpu.memory_space<vmem>>, vector<1x1x16xf32>,
        %swap3A_1778 = vector.shape_cast %swap3A_1777 : vector<1x1x16xf32> to vector<16xf32>
        %swap3A_1779 = vector.shape_cast %max3A_1765 : vector<16xf32> to vector<1x1x16xf32>
        tpu.vector_store %arg13[%swap3A_1774, %swap3A_1775, %swap3A_1776], %swap3A_1779 {strides = array<i32>} : memref<2x8x512xf32, #tpu.memory_space<vmem>>, vector<1x1x16xf32>,
        %get3A_1780 = arith.constant 0 : i32
        %get3A_1781 = arith.index_cast %get3A_1780 : i32 to index
        %get3A_1782 = arith.index_cast %add3A_1705 : i32 to index
        %get3A_1783 = arith.constant 32 : index
        %get3A_1784 = tpu.vector_load %arg10[%get3A_1781, %get3A_1782, %get3A_1783] {strides = array<i32>} : memref<2x64x128xf32, #tpu.memory_space<vmem>>, vector<1x1x16xf32>,
        %get3A_1785 = vector.shape_cast %get3A_1784 : vector<1x1x16xf32> to vector<16xf32>
        %get3A_1786 = arith.constant 0 : i32
        %get3A_1787 = arith.index_cast %get3A_1786 : i32 to index
        %get3A_1788 = arith.index_cast %add3A_1705 : i32 to index
        %get3A_1789 = arith.constant 96 : index
        %get3A_1790 = tpu.vector_load %arg11[%get3A_1787, %get3A_1788, %get3A_1789] {strides = array<i32>} : memref<2x64x128xf32, #tpu.memory_space<vmem>>, vector<1x1x16xf32>,
        %get3A_1791 = vector.shape_cast %get3A_1790 : vector<1x1x16xf32> to vector<16xf32>
        %add3A_1792 = arith.addf %get3A_1785, %get3A_1791 : vector<16xf32>
        %get3A_1793 = arith.constant 0 : i32
        %get3A_1794 = arith.index_cast %get3A_1793 : i32 to index
        %get3A_1795 = arith.index_cast %scan3A_637 : i32 to index
        %get3A_1796 = arith.constant 480 : index
        %get3A_1797 = tpu.vector_load %arg12[%get3A_1794, %get3A_1795, %get3A_1796] {strides = array<i32>} : memref<2x8x512xf32, #tpu.memory_space<vmem>>, vector<1x1x16xf32>,
        %get3A_1798 = vector.shape_cast %get3A_1797 : vector<1x1x16xf32> to vector<16xf32>
        %add3A_1799 = arith.addf %add3A_1792, %get3A_1798 : vector<16xf32>
        %max3A_1800 = arith.constant 0.000000e+00 : f32
        %max3A_1801 = vector.broadcast %max3A_1800 : f32 to vector<16xf32>
        %max3A_1802 = arith.maximumf %add3A_1799, %max3A_1801 : vector<16xf32>
        %swap3A_1803 = arith.constant 0 : i32
        %swap3A_1804 = arith.index_cast %swap3A_1803 : i32 to index
        %swap3A_1805 = arith.index_cast %add3A_1705 : i32 to index
        %swap3A_1806 = arith.constant 32 : index
        %swap3A_1807 = tpu.vector_load %arg14[%swap3A_1804, %swap3A_1805, %swap3A_1806] {strides = array<i32>} : memref<2x64x128xf32, #tpu.memory_space<vmem>>, vector<1x1x16xf32>,
        %swap3A_1808 = vector.shape_cast %swap3A_1807 : vector<1x1x16xf32> to vector<16xf32>
        %swap3A_1809 = vector.shape_cast %max3A_1802 : vector<16xf32> to vector<1x1x16xf32>
        tpu.vector_store %arg14[%swap3A_1804, %swap3A_1805, %swap3A_1806], %swap3A_1809 {strides = array<i32>} : memref<2x64x128xf32, #tpu.memory_space<vmem>>, vector<1x1x16xf32>,
        %swap3A_1810 = arith.constant 0 : i32
        %swap3A_1811 = arith.index_cast %swap3A_1810 : i32 to index
        %swap3A_1812 = arith.index_cast %scan3A_637 : i32 to index
        %swap3A_1813 = arith.constant 480 : index
        %swap3A_1814 = tpu.vector_load %arg13[%swap3A_1811, %swap3A_1812, %swap3A_1813] {strides = array<i32>} : memref<2x8x512xf32, #tpu.memory_space<vmem>>, vector<1x1x16xf32>,
        %swap3A_1815 = vector.shape_cast %swap3A_1814 : vector<1x1x16xf32> to vector<16xf32>
        %swap3A_1816 = vector.shape_cast %max3A_1802 : vector<16xf32> to vector<1x1x16xf32>
        tpu.vector_store %arg13[%swap3A_1811, %swap3A_1812, %swap3A_1813], %swap3A_1816 {strides = array<i32>} : memref<2x8x512xf32, #tpu.memory_space<vmem>>, vector<1x1x16xf32>,
        %get3A_1817 = arith.constant 0 : i32
        %get3A_1818 = arith.index_cast %get3A_1817 : i32 to index
        %get3A_1819 = arith.index_cast %add3A_1705 : i32 to index
        %get3A_1820 = arith.constant 48 : index
        %get3A_1821 = tpu.vector_load %arg10[%get3A_1818, %get3A_1819, %get3A_1820] {strides = array<i32>} : memref<2x64x128xf32, #tpu.memory_space<vmem>>, vector<1x1x16xf32>,
        %get3A_1822 = vector.shape_cast %get3A_1821 : vector<1x1x16xf32> to vector<16xf32>
        %get3A_1823 = arith.constant 0 : i32
        %get3A_1824 = arith.index_cast %get3A_1823 : i32 to index
        %get3A_1825 = arith.index_cast %add3A_1705 : i32 to index
        %get3A_1826 = arith.constant 112 : index
        %get3A_1827 = tpu.vector_load %arg11[%get3A_1824, %get3A_1825, %get3A_1826] {strides = array<i32>} : memref<2x64x128xf32, #tpu.memory_space<vmem>>, vector<1x1x16xf32>,
        %get3A_1828 = vector.shape_cast %get3A_1827 : vector<1x1x16xf32> to vector<16xf32>
        %add3A_1829 = arith.addf %get3A_1822, %get3A_1828 : vector<16xf32>
        %get3A_1830 = arith.constant 0 : i32
        %get3A_1831 = arith.index_cast %get3A_1830 : i32 to index
        %get3A_1832 = arith.index_cast %scan3A_637 : i32 to index
        %get3A_1833 = arith.constant 496 : index
        %get3A_1834 = tpu.vector_load %arg12[%get3A_1831, %get3A_1832, %get3A_1833] {strides = array<i32>} : memref<2x8x512xf32, #tpu.memory_space<vmem>>, vector<1x1x16xf32>,
        %get3A_1835 = vector.shape_cast %get3A_1834 : vector<1x1x16xf32> to vector<16xf32>
        %add3A_1836 = arith.addf %add3A_1829, %get3A_1835 : vector<16xf32>
        %max3A_1837 = arith.constant 0.000000e+00 : f32
        %max3A_1838 = vector.broadcast %max3A_1837 : f32 to vector<16xf32>
        %max3A_1839 = arith.maximumf %add3A_1836, %max3A_1838 : vector<16xf32>
        %swap3A_1840 = arith.constant 0 : i32
        %swap3A_1841 = arith.index_cast %swap3A_1840 : i32 to index
        %swap3A_1842 = arith.index_cast %add3A_1705 : i32 to index
        %swap3A_1843 = arith.constant 48 : index
        %swap3A_1844 = tpu.vector_load %arg14[%swap3A_1841, %swap3A_1842, %swap3A_1843] {strides = array<i32>} : memref<2x64x128xf32, #tpu.memory_space<vmem>>, vector<1x1x16xf32>,
        %swap3A_1845 = vector.shape_cast %swap3A_1844 : vector<1x1x16xf32> to vector<16xf32>
        %swap3A_1846 = vector.shape_cast %max3A_1839 : vector<16xf32> to vector<1x1x16xf32>
        tpu.vector_store %arg14[%swap3A_1841, %swap3A_1842, %swap3A_1843], %swap3A_1846 {strides = array<i32>} : memref<2x64x128xf32, #tpu.memory_space<vmem>>, vector<1x1x16xf32>,
        %swap3A_1847 = arith.constant 0 : i32
        %swap3A_1848 = arith.index_cast %swap3A_1847 : i32 to index
        %swap3A_1849 = arith.index_cast %scan3A_637 : i32 to index
        %swap3A_1850 = arith.constant 496 : index
        %swap3A_1851 = tpu.vector_load %arg13[%swap3A_1848, %swap3A_1849, %swap3A_1850] {strides = array<i32>} : memref<2x8x512xf32, #tpu.memory_space<vmem>>, vector<1x1x16xf32>,
        %swap3A_1852 = vector.shape_cast %swap3A_1851 : vector<1x1x16xf32> to vector<16xf32>
        %swap3A_1853 = vector.shape_cast %max3A_1839 : vector<16xf32> to vector<1x1x16xf32>
        tpu.vector_store %arg13[%swap3A_1848, %swap3A_1849, %swap3A_1850], %swap3A_1853 {strides = array<i32>} : memref<2x8x512xf32, #tpu.memory_space<vmem>>, vector<1x1x16xf32>,
        %scan3A_1854 = arith.constant 0 : i32
        scf.yield %scan3A_1854 : i32
      }
      %scan3A_418 = arith.constant 8 : i32
      %dma_start3A_419 = arith.constant 0 : i32
      %dma_start3A_420 = arith.constant 0 : i32
      %dma_start3A_421 = arith.constant 0 : i32
      %dma_start3A_422 = arith.constant 0 : i32
      %dma_start3A_423 = tpu.memref_slice %arg14[%dma_start3A_419, %dma_start3A_421, %dma_start3A_422] : memref<2x64x128xf32, #tpu.memory_space<vmem>> -> memref<1x64x128xf32, #tpu.memory_space<vmem>>
      %dma_start3A_424 = tpu.memref_squeeze %dma_start3A_423 : memref<1x64x128xf32, #tpu.memory_space<vmem>> -> memref<64x128xf32, #tpu.memory_space<vmem>>
      %dma_start3A_425 = arith.constant 0 : i32
      %dma_start3A_426 = tpu.memref_slice %arg9[%dma_start3A_420, %dma_start3A_425] : memref<2x64xi32, #tpu.memory_space<vmem>> -> memref<1x64xi32, #tpu.memory_space<vmem>>
      %dma_start3A_427 = tpu.memref_squeeze %dma_start3A_426 : memref<1x64xi32, #tpu.memory_space<vmem>> -> memref<64xi32, #tpu.memory_space<vmem>>
      %dma_start3A_428 = arith.constant 0 : i32
      %dma_start3A_429 = arith.constant 0 : i32
      %dma_start3A_430 = tpu.memref_slice %arg26[%dma_start3A_428, %dma_start3A_429] : memref<4096x128xf32, #tpu.memory_space<vmem_shared>> -> memref<4096x128xf32, #tpu.memory_space<vmem_shared>>
      tpu.enqueue_indirect_dma source(%dma_start3A_424 : memref<64x128xf32, #tpu.memory_space<vmem>>) target(%dma_start3A_430 : memref<4096x128xf32, #tpu.memory_space<vmem_shared>>) offsets(%dma_start3A_427 : memref<64xi32, #tpu.memory_space<vmem>>) semaphore(%arg22 : memref<!tpu.dma_semaphore, #tpu.memory_space<semaphore_mem>>) {add = true}
      %jit3A_431 = arith.constant 8 : i32
      %div3A_432 = arith.divsi %add3A_324, %jit3A_431 : i32
      %sign3A_433 = arith.constant 0 : i32
      %sign3A_434 = arith.cmpi sgt, %add3A_324, %sign3A_433 : i32
      %sign3A_435 = arith.extui %sign3A_434 : i1 to i32
      %sign3A_436 = arith.constant 0 : i32
      %sign3A_437 = arith.cmpi slt, %add3A_324, %sign3A_436 : i32
      %sign3A_438 = arith.extui %sign3A_437 : i1 to i32
      %sign3A_439 = arith.subi %sign3A_435, %sign3A_438 : i32
      %sign3A_440 = arith.constant 0 : i32
      %sign3A_441 = arith.cmpi sgt, %jit3A_431, %sign3A_440 : i32
      %sign3A_442 = arith.extui %sign3A_441 : i1 to i32
      %sign3A_443 = arith.constant 0 : i32
      %sign3A_444 = arith.cmpi slt, %jit3A_431, %sign3A_443 : i32
      %sign3A_445 = arith.extui %sign3A_444 : i1 to i32
      %sign3A_446 = arith.subi %sign3A_442, %sign3A_445 : i32
      %ne3A_447 = arith.cmpi ne, %sign3A_439, %sign3A_446 : i32
      %rem3A_448 = arith.remsi %add3A_324, %jit3A_431 : i32
      %ne3A_449 = arith.constant 0 : i32
      %ne3A_450 = arith.cmpi ne, %rem3A_448, %ne3A_449 : i32
      %and3A_451 = arith.andi %ne3A_447, %ne3A_450 : i1
      %sub3A_452 = arith.constant 1 : i32
      %sub3A_453 = arith.subi %div3A_432, %sub3A_452 : i32
      %select_n3A_454 = arith.select %and3A_451, %sub3A_453, %div3A_432 : i32
      %multiple_of3A_455 = tpu.assume_multiple %select_n3A_454, 8 : i32
      %dma_start3A_456 = arith.constant 0 : i32
      %dma_start3A_457 = arith.constant 0 : i32
      %dma_start3A_458 = arith.constant 0 : i32
      %dma_start3A_459 = tpu.memref_slice %arg13[%dma_start3A_456, %dma_start3A_457, %dma_start3A_458] : memref<2x8x512xf32, #tpu.memory_space<vmem>> -> memref<1x8x512xf32, #tpu.memory_space<vmem>>
      %dma_start3A_460 = tpu.memref_squeeze %dma_start3A_459 : memref<1x8x512xf32, #tpu.memory_space<vmem>> -> memref<8x512xf32, #tpu.memory_space<vmem>>
      %dma_start3A_461 = arith.constant 0 : i32
      %dma_start3A_462 = tpu.memref_slice %arg5[%multiple_of3A_455, %dma_start3A_461] : memref<16384x512xf32, #tpu.memory_space<hbm>> -> memref<8x512xf32, #tpu.memory_space<hbm>>
      %dma_start3A_463 = arith.constant 0 : i32
      %dma_start3A_464 = tpu.memref_slice %arg5[%multiple_of3A_455, %dma_start3A_463] : memref<16384x512xf32, #tpu.memory_space<hbm>> -> memref<8x512xf32, #tpu.memory_space<hbm>>
      %dma_start3A_465 = arith.constant 0 : i32
      %dma_start3A_466 = arith.constant 0 : i32
      %dma_start3A_467 = tpu.memref_slice %arg13[%dma_start3A_456, %dma_start3A_465, %dma_start3A_466] : memref<2x8x512xf32, #tpu.memory_space<vmem>> -> memref<1x8x512xf32, #tpu.memory_space<vmem>>
      %dma_start3A_468 = tpu.memref_squeeze %dma_start3A_467 : memref<1x8x512xf32, #tpu.memory_space<vmem>> -> memref<8x512xf32, #tpu.memory_space<vmem>>
      tpu.enqueue_dma source(%dma_start3A_468 : memref<8x512xf32, #tpu.memory_space<vmem>>) target(%dma_start3A_464 : memref<8x512xf32, #tpu.memory_space<hbm>>) target_semaphore(%arg24 : memref<!tpu.dma_semaphore, #tpu.memory_space<semaphore_mem>>)
      %lt3A_469 = arith.constant 31 : i32
      %lt3A_470 = arith.cmpi slt, %scan3A_316, %lt3A_469 : i32
      %convert_element_type3A_471 = arith.extui %lt3A_470 : i1 to i32
      %cond3A_472 = arith.constant 0 : i32
      %cond3A_473 = arith.cmpi ne, %convert_element_type3A_471, %cond3A_472 : i32
      scf.if %cond3A_473 {
        %dma_wait3A_637 = arith.constant 0 : i32
        %dma_wait3A_638 = arith.constant 0 : i32
        %dma_wait3A_639 = arith.constant 0 : i32
        %dma_wait3A_640 = tpu.memref_slice %arg7[%dma_wait3A_638, %dma_wait3A_639] : memref<2x64xi32, #tpu.memory_space<vmem>> -> memref<1x64xi32, #tpu.memory_space<vmem>>
        %dma_wait3A_641 = tpu.memref_squeeze %dma_wait3A_640 : memref<1x64xi32, #tpu.memory_space<vmem>> -> memref<64xi32, #tpu.memory_space<vmem>>
        %dma_wait3A_642 = arith.constant 0 : i32
        %dma_wait3A_643 = tpu.memref_slice %arg4[%dma_wait3A_637, %dma_wait3A_642] : memref<2x131072xi32, #tpu.memory_space<hbm>> -> memref<1x64xi32, #tpu.memory_space<hbm>>
        %dma_wait3A_644 = tpu.memref_squeeze %dma_wait3A_643 : memref<1x64xi32, #tpu.memory_space<hbm>> -> memref<64xi32, #tpu.memory_space<hbm>>
        %dma_wait3A_645 = arith.constant 0 : i32
        %dma_wait3A_646 = tpu.memref_slice %arg7[%dma_wait3A_638, %dma_wait3A_645] : memref<2x64xi32, #tpu.memory_space<vmem>> -> memref<1x64xi32, #tpu.memory_space<vmem>>
        %dma_wait3A_647 = tpu.memref_squeeze %dma_wait3A_646 : memref<1x64xi32, #tpu.memory_space<vmem>> -> memref<64xi32, #tpu.memory_space<vmem>>
        %dma_wait3A_648 = arith.constant 0 : i32
        %dma_wait3A_649 = tpu.memref_slice %arg4[%dma_wait3A_637, %dma_wait3A_648] : memref<2x131072xi32, #tpu.memory_space<hbm>> -> memref<1x64xi32, #tpu.memory_space<hbm>>
        %dma_wait3A_650 = tpu.memref_squeeze %dma_wait3A_649 : memref<1x64xi32, #tpu.memory_space<hbm>> -> memref<64xi32, #tpu.memory_space<hbm>>
        tpu.wait_dma2 semaphore(%arg15 : memref<!tpu.dma_semaphore, #tpu.memory_space<semaphore_mem>>) src(%dma_wait3A_650 : memref<64xi32, #tpu.memory_space<hbm>>) dst(%dma_wait3A_647 : memref<64xi32, #tpu.memory_space<vmem>>)
        %dma_wait3A_651 = arith.constant 0 : i32
        %dma_wait3A_652 = arith.constant 0 : i32
        %dma_wait3A_653 = arith.constant 0 : i32
        %dma_wait3A_654 = tpu.memref_slice %arg8[%dma_wait3A_652, %dma_wait3A_653] : memref<2x64xi32, #tpu.memory_space<vmem>> -> memref<1x64xi32, #tpu.memory_space<vmem>>
        %dma_wait3A_655 = tpu.memref_squeeze %dma_wait3A_654 : memref<1x64xi32, #tpu.memory_space<vmem>> -> memref<64xi32, #tpu.memory_space<vmem>>
        %dma_wait3A_656 = arith.constant 0 : i32
        %dma_wait3A_657 = tpu.memref_slice %arg4[%dma_wait3A_651, %dma_wait3A_656] : memref<2x131072xi32, #tpu.memory_space<hbm>> -> memref<1x64xi32, #tpu.memory_space<hbm>>
        %dma_wait3A_658 = tpu.memref_squeeze %dma_wait3A_657 : memref<1x64xi32, #tpu.memory_space<hbm>> -> memref<64xi32, #tpu.memory_space<hbm>>
        %dma_wait3A_659 = arith.constant 0 : i32
        %dma_wait3A_660 = tpu.memref_slice %arg8[%dma_wait3A_652, %dma_wait3A_659] : memref<2x64xi32, #tpu.memory_space<vmem>> -> memref<1x64xi32, #tpu.memory_space<vmem>>
        %dma_wait3A_661 = tpu.memref_squeeze %dma_wait3A_660 : memref<1x64xi32, #tpu.memory_space<vmem>> -> memref<64xi32, #tpu.memory_space<vmem>>
        %dma_wait3A_662 = arith.constant 0 : i32
        %dma_wait3A_663 = tpu.memref_slice %arg4[%dma_wait3A_651, %dma_wait3A_662] : memref<2x131072xi32, #tpu.memory_space<hbm>> -> memref<1x64xi32, #tpu.memory_space<hbm>>
        %dma_wait3A_664 = tpu.memref_squeeze %dma_wait3A_663 : memref<1x64xi32, #tpu.memory_space<hbm>> -> memref<64xi32, #tpu.memory_space<hbm>>
        tpu.wait_dma2 semaphore(%arg15 : memref<!tpu.dma_semaphore, #tpu.memory_space<semaphore_mem>>) src(%dma_wait3A_664 : memref<64xi32, #tpu.memory_space<hbm>>) dst(%dma_wait3A_661 : memref<64xi32, #tpu.memory_space<vmem>>)
        %add3A_665 = arith.constant 2 : i32
        %add3A_666 = arith.addi %add3A_321, %add3A_665 : i32
        %mul3A_667 = arith.constant 64 : i32
        %mul3A_668 = arith.muli %add3A_666, %mul3A_667 : i32
        %add3A_669 = arith.addi %mul3A_28, %mul3A_668 : i32
        %dma_start3A_670 = arith.constant 0 : i32
        %dma_start3A_671 = arith.constant 0 : i32
        %dma_start3A_672 = arith.constant 0 : i32
        %dma_start3A_673 = arith.constant 0 : i32
        %dma_start3A_674 = tpu.memref_slice %arg10[%dma_start3A_671, %dma_start3A_672, %dma_start3A_673] : memref<2x64x128xf32, #tpu.memory_space<vmem>> -> memref<1x64x128xf32, #tpu.memory_space<vmem>>
        %dma_start3A_675 = tpu.memref_squeeze %dma_start3A_674 : memref<1x64x128xf32, #tpu.memory_space<vmem>> -> memref<64x128xf32, #tpu.memory_space<vmem>>
        %dma_start3A_676 = arith.constant 0 : i32
        %dma_start3A_677 = tpu.memref_slice %arg7[%dma_start3A_670, %dma_start3A_676] : memref<2x64xi32, #tpu.memory_space<vmem>> -> memref<1x64xi32, #tpu.memory_space<vmem>>
        %dma_start3A_678 = tpu.memref_squeeze %dma_start3A_677 : memref<1x64xi32, #tpu.memory_space<vmem>> -> memref<64xi32, #tpu.memory_space<vmem>>
        %dma_start3A_679 = arith.constant 0 : i32
        %dma_start3A_680 = arith.constant 0 : i32
        %dma_start3A_681 = tpu.memref_slice %arg2[%dma_start3A_679, %dma_start3A_680] : memref<4096x128xf32, #tpu.memory_space<hbm>> -> memref<4096x128xf32, #tpu.memory_space<hbm>>
        tpu.enqueue_indirect_dma source(%dma_start3A_681 : memref<4096x128xf32, #tpu.memory_space<hbm>>) target(%dma_start3A_675 : memref<64x128xf32, #tpu.memory_space<vmem>>) offsets(%dma_start3A_678 : memref<64xi32, #tpu.memory_space<vmem>>) semaphore(%arg16 : memref<!tpu.dma_semaphore, #tpu.memory_space<semaphore_mem>>)
        %dma_start3A_682 = arith.constant 0 : i32
        %dma_start3A_683 = arith.constant 0 : i32
        %dma_start3A_684 = arith.constant 0 : i32
        %dma_start3A_685 = arith.constant 0 : i32
        %dma_start3A_686 = tpu.memref_slice %arg11[%dma_start3A_683, %dma_start3A_684, %dma_start3A_685] : memref<2x64x128xf32, #tpu.memory_space<vmem>> -> memref<1x64x128xf32, #tpu.memory_space<vmem>>
        %dma_start3A_687 = tpu.memref_squeeze %dma_start3A_686 : memref<1x64x128xf32, #tpu.memory_space<vmem>> -> memref<64x128xf32, #tpu.memory_space<vmem>>
        %dma_start3A_688 = arith.constant 0 : i32
        %dma_start3A_689 = tpu.memref_slice %arg8[%dma_start3A_682, %dma_start3A_688] : memref<2x64xi32, #tpu.memory_space<vmem>> -> memref<1x64xi32, #tpu.memory_space<vmem>>
        %dma_start3A_690 = tpu.memref_squeeze %dma_start3A_689 : memref<1x64xi32, #tpu.memory_space<vmem>> -> memref<64xi32, #tpu.memory_space<vmem>>
        %dma_start3A_691 = arith.constant 0 : i32
        %dma_start3A_692 = arith.constant 0 : i32
        %dma_start3A_693 = tpu.memref_slice %arg2[%dma_start3A_691, %dma_start3A_692] : memref<4096x128xf32, #tpu.memory_space<hbm>> -> memref<4096x128xf32, #tpu.memory_space<hbm>>
        tpu.enqueue_indirect_dma source(%dma_start3A_693 : memref<4096x128xf32, #tpu.memory_space<hbm>>) target(%dma_start3A_687 : memref<64x128xf32, #tpu.memory_space<vmem>>) offsets(%dma_start3A_690 : memref<64xi32, #tpu.memory_space<vmem>>) semaphore(%arg18 : memref<!tpu.dma_semaphore, #tpu.memory_space<semaphore_mem>>)
        %jit3A_694 = arith.constant 8 : i32
        %div3A_695 = arith.divsi %add3A_669, %jit3A_694 : i32
        %sign3A_696 = arith.constant 0 : i32
        %sign3A_697 = arith.cmpi sgt, %add3A_669, %sign3A_696 : i32
        %sign3A_698 = arith.extui %sign3A_697 : i1 to i32
        %sign3A_699 = arith.constant 0 : i32
        %sign3A_700 = arith.cmpi slt, %add3A_669, %sign3A_699 : i32
        %sign3A_701 = arith.extui %sign3A_700 : i1 to i32
        %sign3A_702 = arith.subi %sign3A_698, %sign3A_701 : i32
        %sign3A_703 = arith.constant 0 : i32
        %sign3A_704 = arith.cmpi sgt, %jit3A_694, %sign3A_703 : i32
        %sign3A_705 = arith.extui %sign3A_704 : i1 to i32
        %sign3A_706 = arith.constant 0 : i32
        %sign3A_707 = arith.cmpi slt, %jit3A_694, %sign3A_706 : i32
        %sign3A_708 = arith.extui %sign3A_707 : i1 to i32
        %sign3A_709 = arith.subi %sign3A_705, %sign3A_708 : i32
        %ne3A_710 = arith.cmpi ne, %sign3A_702, %sign3A_709 : i32
        %rem3A_711 = arith.remsi %add3A_669, %jit3A_694 : i32
        %ne3A_712 = arith.constant 0 : i32
        %ne3A_713 = arith.cmpi ne, %rem3A_711, %ne3A_712 : i32
        %and3A_714 = arith.andi %ne3A_710, %ne3A_713 : i1
        %sub3A_715 = arith.constant 1 : i32
        %sub3A_716 = arith.subi %div3A_695, %sub3A_715 : i32
        %select_n3A_717 = arith.select %and3A_714, %sub3A_716, %div3A_695 : i32
        %multiple_of3A_718 = tpu.assume_multiple %select_n3A_717, 8 : i32
        %dma_start3A_719 = arith.constant 0 : i32
        %dma_start3A_720 = arith.constant 0 : i32
        %dma_start3A_721 = arith.constant 0 : i32
        %dma_start3A_722 = tpu.memref_slice %arg12[%dma_start3A_719, %dma_start3A_720, %dma_start3A_721] : memref<2x8x512xf32, #tpu.memory_space<vmem>> -> memref<1x8x512xf32, #tpu.memory_space<vmem>>
        %dma_start3A_723 = tpu.memref_squeeze %dma_start3A_722 : memref<1x8x512xf32, #tpu.memory_space<vmem>> -> memref<8x512xf32, #tpu.memory_space<vmem>>
        %dma_start3A_724 = arith.constant 0 : i32
        %dma_start3A_725 = tpu.memref_slice %arg3[%multiple_of3A_718, %dma_start3A_724] : memref<16384x512xf32, #tpu.memory_space<hbm>> -> memref<8x512xf32, #tpu.memory_space<hbm>>
        %dma_start3A_726 = arith.constant 0 : i32
        %dma_start3A_727 = arith.constant 0 : i32
        %dma_start3A_728 = tpu.memref_slice %arg12[%dma_start3A_719, %dma_start3A_726, %dma_start3A_727] : memref<2x8x512xf32, #tpu.memory_space<vmem>> -> memref<1x8x512xf32, #tpu.memory_space<vmem>>
        %dma_start3A_729 = tpu.memref_squeeze %dma_start3A_728 : memref<1x8x512xf32, #tpu.memory_space<vmem>> -> memref<8x512xf32, #tpu.memory_space<vmem>>
        %dma_start3A_730 = arith.constant 0 : i32
        %dma_start3A_731 = tpu.memref_slice %arg3[%multiple_of3A_718, %dma_start3A_730] : memref<16384x512xf32, #tpu.memory_space<hbm>> -> memref<8x512xf32, #tpu.memory_space<hbm>>
        tpu.enqueue_dma source(%dma_start3A_731 : memref<8x512xf32, #tpu.memory_space<hbm>>) target(%dma_start3A_729 : memref<8x512xf32, #tpu.memory_space<vmem>>) target_semaphore(%arg20 : memref<!tpu.dma_semaphore, #tpu.memory_space<semaphore_mem>>)
      } else {
      }
      %mul3A_474 = arith.constant 2 : i32
      %mul3A_475 = arith.muli %mul3A_474, %scan3A_316 : i32
      %add3A_476 = arith.constant 1 : i32
      %add3A_477 = arith.addi %mul3A_475, %add3A_476 : i32
      %mul3A_478 = arith.constant 64 : i32
      %mul3A_479 = arith.muli %add3A_477, %mul3A_478 : i32
      %add3A_480 = arith.addi %mul3A_28, %mul3A_479 : i32
      %gt3A_481 = arith.constant 0 : i32
      %gt3A_482 = arith.cmpi sgt, %scan3A_316, %gt3A_481 : i32
      %convert_element_type3A_483 = arith.extui %gt3A_482 : i1 to i32
      %cond3A_484 = arith.constant 0 : i32
      %cond3A_485 = arith.cmpi ne, %convert_element_type3A_483, %cond3A_484 : i32
      scf.if %cond3A_485 {
        %dma_wait3A_637 = arith.constant 1 : i32
        %dma_wait3A_638 = arith.constant 1 : i32
        %dma_wait3A_639 = arith.constant 0 : i32
        %dma_wait3A_640 = arith.constant 0 : i32
        %dma_wait3A_641 = tpu.memref_slice %arg14[%dma_wait3A_637, %dma_wait3A_639, %dma_wait3A_640] : memref<2x64x128xf32, #tpu.memory_space<vmem>> -> memref<1x64x128xf32, #tpu.memory_space<vmem>>
        %dma_wait3A_642 = tpu.memref_squeeze %dma_wait3A_641 : memref<1x64x128xf32, #tpu.memory_space<vmem>> -> memref<64x128xf32, #tpu.memory_space<vmem>>
        %dma_wait3A_643 = arith.constant 0 : i32
        %dma_wait3A_644 = tpu.memref_slice %arg9[%dma_wait3A_638, %dma_wait3A_643] : memref<2x64xi32, #tpu.memory_space<vmem>> -> memref<1x64xi32, #tpu.memory_space<vmem>>
        %dma_wait3A_645 = tpu.memref_squeeze %dma_wait3A_644 : memref<1x64xi32, #tpu.memory_space<vmem>> -> memref<64xi32, #tpu.memory_space<vmem>>
        %dma_wait3A_646 = arith.constant 0 : i32
        %dma_wait3A_647 = arith.constant 0 : i32
        %dma_wait3A_648 = tpu.memref_slice %arg26[%dma_wait3A_646, %dma_wait3A_647] : memref<4096x128xf32, #tpu.memory_space<vmem_shared>> -> memref<4096x128xf32, #tpu.memory_space<vmem_shared>>
        tpu.wait_indirect_dma semaphore(%arg23 : memref<!tpu.dma_semaphore, #tpu.memory_space<semaphore_mem>>) src(%dma_wait3A_642 : memref<64x128xf32, #tpu.memory_space<vmem>>) dst(%dma_wait3A_648 : memref<4096x128xf32, #tpu.memory_space<vmem_shared>>)
        %dma_wait3A_649 = arith.constant 1 : i32
        %dma_wait3A_650 = arith.constant 0 : i32
        %dma_wait3A_651 = arith.constant 0 : i32
        %dma_wait3A_652 = tpu.memref_slice %arg13[%dma_wait3A_649, %dma_wait3A_650, %dma_wait3A_651] : memref<2x8x512xf32, #tpu.memory_space<vmem>> -> memref<1x8x512xf32, #tpu.memory_space<vmem>>
        %dma_wait3A_653 = tpu.memref_squeeze %dma_wait3A_652 : memref<1x8x512xf32, #tpu.memory_space<vmem>> -> memref<8x512xf32, #tpu.memory_space<vmem>>
        %dma_wait3A_654 = arith.constant 0 : i32
        %dma_wait3A_655 = arith.constant 0 : i32
        %dma_wait3A_656 = tpu.memref_slice %arg5[%dma_wait3A_654, %dma_wait3A_655] : memref<16384x512xf32, #tpu.memory_space<hbm>> -> memref<8x512xf32, #tpu.memory_space<hbm>>
        %dma_wait3A_657 = arith.constant 0 : i32
        %dma_wait3A_658 = arith.constant 0 : i32
        %dma_wait3A_659 = tpu.memref_slice %arg5[%dma_wait3A_657, %dma_wait3A_658] : memref<16384x512xf32, #tpu.memory_space<hbm>> -> memref<8x512xf32, #tpu.memory_space<hbm>>
        %dma_wait3A_660 = arith.constant 0 : i32
        %dma_wait3A_661 = arith.constant 0 : i32
        %dma_wait3A_662 = tpu.memref_slice %arg13[%dma_wait3A_649, %dma_wait3A_660, %dma_wait3A_661] : memref<2x8x512xf32, #tpu.memory_space<vmem>> -> memref<1x8x512xf32, #tpu.memory_space<vmem>>
        %dma_wait3A_663 = tpu.memref_squeeze %dma_wait3A_662 : memref<1x8x512xf32, #tpu.memory_space<vmem>> -> memref<8x512xf32, #tpu.memory_space<vmem>>
        tpu.wait_dma2 semaphore(%arg25 : memref<!tpu.dma_semaphore, #tpu.memory_space<semaphore_mem>>) src(%dma_wait3A_663 : memref<8x512xf32, #tpu.memory_space<vmem>>) dst(%dma_wait3A_659 : memref<8x512xf32, #tpu.memory_space<hbm>>)
      } else {
      }
      %dma_wait3A_486 = arith.constant 1 : i32
      %dma_wait3A_487 = arith.constant 1 : i32
      %dma_wait3A_488 = arith.constant 0 : i32
      %dma_wait3A_489 = arith.constant 0 : i32
      %dma_wait3A_490 = tpu.memref_slice %arg10[%dma_wait3A_487, %dma_wait3A_488, %dma_wait3A_489] : memref<2x64x128xf32, #tpu.memory_space<vmem>> -> memref<1x64x128xf32, #tpu.memory_space<vmem>>
      %dma_wait3A_491 = tpu.memref_squeeze %dma_wait3A_490 : memref<1x64x128xf32, #tpu.memory_space<vmem>> -> memref<64x128xf32, #tpu.memory_space<vmem>>
      %dma_wait3A_492 = arith.constant 0 : i32
      %dma_wait3A_493 = tpu.memref_slice %arg7[%dma_wait3A_486, %dma_wait3A_492] : memref<2x64xi32, #tpu.memory_space<vmem>> -> memref<1x64xi32, #tpu.memory_space<vmem>>
      %dma_wait3A_494 = tpu.memref_squeeze %dma_wait3A_493 : memref<1x64xi32, #tpu.memory_space<vmem>> -> memref<64xi32, #tpu.memory_space<vmem>>
      %dma_wait3A_495 = arith.constant 0 : i32
      %dma_wait3A_496 = arith.constant 0 : i32
      %dma_wait3A_497 = tpu.memref_slice %arg2[%dma_wait3A_495, %dma_wait3A_496] : memref<4096x128xf32, #tpu.memory_space<hbm>> -> memref<4096x128xf32, #tpu.memory_space<hbm>>
      tpu.wait_indirect_dma semaphore(%arg17 : memref<!tpu.dma_semaphore, #tpu.memory_space<semaphore_mem>>) src(%dma_wait3A_497 : memref<4096x128xf32, #tpu.memory_space<hbm>>) dst(%dma_wait3A_491 : memref<64x128xf32, #tpu.memory_space<vmem>>)
      %dma_wait3A_498 = arith.constant 1 : i32
      %dma_wait3A_499 = arith.constant 1 : i32
      %dma_wait3A_500 = arith.constant 0 : i32
      %dma_wait3A_501 = arith.constant 0 : i32
      %dma_wait3A_502 = tpu.memref_slice %arg11[%dma_wait3A_499, %dma_wait3A_500, %dma_wait3A_501] : memref<2x64x128xf32, #tpu.memory_space<vmem>> -> memref<1x64x128xf32, #tpu.memory_space<vmem>>
      %dma_wait3A_503 = tpu.memref_squeeze %dma_wait3A_502 : memref<1x64x128xf32, #tpu.memory_space<vmem>> -> memref<64x128xf32, #tpu.memory_space<vmem>>
      %dma_wait3A_504 = arith.constant 0 : i32
      %dma_wait3A_505 = tpu.memref_slice %arg8[%dma_wait3A_498, %dma_wait3A_504] : memref<2x64xi32, #tpu.memory_space<vmem>> -> memref<1x64xi32, #tpu.memory_space<vmem>>
      %dma_wait3A_506 = tpu.memref_squeeze %dma_wait3A_505 : memref<1x64xi32, #tpu.memory_space<vmem>> -> memref<64xi32, #tpu.memory_space<vmem>>
      %dma_wait3A_507 = arith.constant 0 : i32
      %dma_wait3A_508 = arith.constant 0 : i32
      %dma_wait3A_509 = tpu.memref_slice %arg2[%dma_wait3A_507, %dma_wait3A_508] : memref<4096x128xf32, #tpu.memory_space<hbm>> -> memref<4096x128xf32, #tpu.memory_space<hbm>>
      tpu.wait_indirect_dma semaphore(%arg19 : memref<!tpu.dma_semaphore, #tpu.memory_space<semaphore_mem>>) src(%dma_wait3A_509 : memref<4096x128xf32, #tpu.memory_space<hbm>>) dst(%dma_wait3A_503 : memref<64x128xf32, #tpu.memory_space<vmem>>)
      %dma_wait3A_510 = arith.constant 1 : i32
      %dma_wait3A_511 = arith.constant 0 : i32
      %dma_wait3A_512 = arith.constant 0 : i32
      %dma_wait3A_513 = tpu.memref_slice %arg12[%dma_wait3A_510, %dma_wait3A_511, %dma_wait3A_512] : memref<2x8x512xf32, #tpu.memory_space<vmem>> -> memref<1x8x512xf32, #tpu.memory_space<vmem>>
      %dma_wait3A_514 = tpu.memref_squeeze %dma_wait3A_513 : memref<1x8x512xf32, #tpu.memory_space<vmem>> -> memref<8x512xf32, #tpu.memory_space<vmem>>
      %dma_wait3A_515 = arith.constant 0 : i32
      %dma_wait3A_516 = arith.constant 0 : i32
      %dma_wait3A_517 = tpu.memref_slice %arg3[%dma_wait3A_515, %dma_wait3A_516] : memref<16384x512xf32, #tpu.memory_space<hbm>> -> memref<8x512xf32, #tpu.memory_space<hbm>>
      %dma_wait3A_518 = arith.constant 0 : i32
      %dma_wait3A_519 = arith.constant 0 : i32
      %dma_wait3A_520 = tpu.memref_slice %arg12[%dma_wait3A_510, %dma_wait3A_518, %dma_wait3A_519] : memref<2x8x512xf32, #tpu.memory_space<vmem>> -> memref<1x8x512xf32, #tpu.memory_space<vmem>>
      %dma_wait3A_521 = tpu.memref_squeeze %dma_wait3A_520 : memref<1x8x512xf32, #tpu.memory_space<vmem>> -> memref<8x512xf32, #tpu.memory_space<vmem>>
      %dma_wait3A_522 = arith.constant 0 : i32
      %dma_wait3A_523 = arith.constant 0 : i32
      %dma_wait3A_524 = tpu.memref_slice %arg3[%dma_wait3A_522, %dma_wait3A_523] : memref<16384x512xf32, #tpu.memory_space<hbm>> -> memref<8x512xf32, #tpu.memory_space<hbm>>
      tpu.wait_dma2 semaphore(%arg21 : memref<!tpu.dma_semaphore, #tpu.memory_space<semaphore_mem>>) src(%dma_wait3A_524 : memref<8x512xf32, #tpu.memory_space<hbm>>) dst(%dma_wait3A_521 : memref<8x512xf32, #tpu.memory_space<vmem>>)
      %get3A_525 = arith.constant 1 : i32
      %get3A_526 = arith.index_cast %get3A_525 : i32 to index
      %get3A_527 = arith.constant 0 : index
      %get3A_528 = tpu.vector_load %arg7[%get3A_526, %get3A_527] {strides = array<i32>} : memref<2x64xi32, #tpu.memory_space<vmem>>, vector<1x16xi32>,
      %get3A_529 = vector.shape_cast %get3A_528 : vector<1x16xi32> to vector<16xi32>
      %swap3A_530 = arith.constant 1 : i32
      %swap3A_531 = arith.index_cast %swap3A_530 : i32 to index
      %swap3A_532 = arith.constant 0 : index
      %swap3A_533 = tpu.vector_load %arg9[%swap3A_531, %swap3A_532] {strides = array<i32>} : memref<2x64xi32, #tpu.memory_space<vmem>>, vector<1x16xi32>,
      %swap3A_534 = vector.shape_cast %swap3A_533 : vector<1x16xi32> to vector<16xi32>
      %swap3A_535 = vector.shape_cast %get3A_529 : vector<16xi32> to vector<1x16xi32>
      tpu.vector_store %arg9[%swap3A_531, %swap3A_532], %swap3A_535 {strides = array<i32>} : memref<2x64xi32, #tpu.memory_space<vmem>>, vector<1x16xi32>,
      %get3A_536 = arith.constant 1 : i32
      %get3A_537 = arith.index_cast %get3A_536 : i32 to index
      %get3A_538 = arith.constant 16 : index
      %get3A_539 = tpu.vector_load %arg7[%get3A_537, %get3A_538] {strides = array<i32>} : memref<2x64xi32, #tpu.memory_space<vmem>>, vector<1x16xi32>,
      %get3A_540 = vector.shape_cast %get3A_539 : vector<1x16xi32> to vector<16xi32>
      %swap3A_541 = arith.constant 1 : i32
      %swap3A_542 = arith.index_cast %swap3A_541 : i32 to index
      %swap3A_543 = arith.constant 16 : index
      %swap3A_544 = tpu.vector_load %arg9[%swap3A_542, %swap3A_543] {strides = array<i32>} : memref<2x64xi32, #tpu.memory_space<vmem>>, vector<1x16xi32>,
      %swap3A_545 = vector.shape_cast %swap3A_544 : vector<1x16xi32> to vector<16xi32>
      %swap3A_546 = vector.shape_cast %get3A_540 : vector<16xi32> to vector<1x16xi32>
      tpu.vector_store %arg9[%swap3A_542, %swap3A_543], %swap3A_546 {strides = array<i32>} : memref<2x64xi32, #tpu.memory_space<vmem>>, vector<1x16xi32>,
      %get3A_547 = arith.constant 1 : i32
      %get3A_548 = arith.index_cast %get3A_547 : i32 to index
      %get3A_549 = arith.constant 32 : index
      %get3A_550 = tpu.vector_load %arg7[%get3A_548, %get3A_549] {strides = array<i32>} : memref<2x64xi32, #tpu.memory_space<vmem>>, vector<1x16xi32>,
      %get3A_551 = vector.shape_cast %get3A_550 : vector<1x16xi32> to vector<16xi32>
      %swap3A_552 = arith.constant 1 : i32
      %swap3A_553 = arith.index_cast %swap3A_552 : i32 to index
      %swap3A_554 = arith.constant 32 : index
      %swap3A_555 = tpu.vector_load %arg9[%swap3A_553, %swap3A_554] {strides = array<i32>} : memref<2x64xi32, #tpu.memory_space<vmem>>, vector<1x16xi32>,
      %swap3A_556 = vector.shape_cast %swap3A_555 : vector<1x16xi32> to vector<16xi32>
      %swap3A_557 = vector.shape_cast %get3A_551 : vector<16xi32> to vector<1x16xi32>
      tpu.vector_store %arg9[%swap3A_553, %swap3A_554], %swap3A_557 {strides = array<i32>} : memref<2x64xi32, #tpu.memory_space<vmem>>, vector<1x16xi32>,
      %get3A_558 = arith.constant 1 : i32
      %get3A_559 = arith.index_cast %get3A_558 : i32 to index
      %get3A_560 = arith.constant 48 : index
      %get3A_561 = tpu.vector_load %arg7[%get3A_559, %get3A_560] {strides = array<i32>} : memref<2x64xi32, #tpu.memory_space<vmem>>, vector<1x16xi32>,
      %get3A_562 = vector.shape_cast %get3A_561 : vector<1x16xi32> to vector<16xi32>
      %swap3A_563 = arith.constant 1 : i32
      %swap3A_564 = arith.index_cast %swap3A_563 : i32 to index
      %swap3A_565 = arith.constant 48 : index
      %swap3A_566 = tpu.vector_load %arg9[%swap3A_564, %swap3A_565] {strides = array<i32>} : memref<2x64xi32, #tpu.memory_space<vmem>>, vector<1x16xi32>,
      %swap3A_567 = vector.shape_cast %swap3A_566 : vector<1x16xi32> to vector<16xi32>
      %swap3A_568 = vector.shape_cast %get3A_562 : vector<16xi32> to vector<1x16xi32>
      tpu.vector_store %arg9[%swap3A_564, %swap3A_565], %swap3A_568 {strides = array<i32>} : memref<2x64xi32, #tpu.memory_space<vmem>>, vector<1x16xi32>,
      %lt3A_569 = arith.constant 31 : i32
      %lt3A_570 = arith.cmpi slt, %scan3A_316, %lt3A_569 : i32
      %convert_element_type3A_571 = arith.extui %lt3A_570 : i1 to i32
      %cond3A_572 = arith.constant 0 : i32
      %cond3A_573 = arith.cmpi ne, %convert_element_type3A_571, %cond3A_572 : i32
      scf.if %cond3A_573 {
        %add3A_637 = arith.constant 2 : i32
        %add3A_638 = arith.addi %add3A_477, %add3A_637 : i32
        %mul3A_639 = arith.constant 64 : i32
        %mul3A_640 = arith.muli %add3A_638, %mul3A_639 : i32
        %add3A_641 = arith.addi %mul3A_28, %mul3A_640 : i32
        %dma_start3A_642 = arith.constant 0 : i32
        %dma_start3A_643 = arith.constant 1 : i32
        %dma_start3A_644 = arith.constant 0 : i32
        %dma_start3A_645 = tpu.memref_slice %arg7[%dma_start3A_643, %dma_start3A_644] : memref<2x64xi32, #tpu.memory_space<vmem>> -> memref<1x64xi32, #tpu.memory_space<vmem>>
        %dma_start3A_646 = tpu.memref_squeeze %dma_start3A_645 : memref<1x64xi32, #tpu.memory_space<vmem>> -> memref<64xi32, #tpu.memory_space<vmem>>
        %dma_start3A_647 = tpu.memref_slice %arg4[%dma_start3A_642, %add3A_641] : memref<2x131072xi32, #tpu.memory_space<hbm>> -> memref<1x64xi32, #tpu.memory_space<hbm>>
        %dma_start3A_648 = tpu.memref_squeeze %dma_start3A_647 : memref<1x64xi32, #tpu.memory_space<hbm>> -> memref<64xi32, #tpu.memory_space<hbm>>
        %dma_start3A_649 = arith.constant 0 : i32
        %dma_start3A_650 = tpu.memref_slice %arg7[%dma_start3A_643, %dma_start3A_649] : memref<2x64xi32, #tpu.memory_space<vmem>> -> memref<1x64xi32, #tpu.memory_space<vmem>>
        %dma_start3A_651 = tpu.memref_squeeze %dma_start3A_650 : memref<1x64xi32, #tpu.memory_space<vmem>> -> memref<64xi32, #tpu.memory_space<vmem>>
        %dma_start3A_652 = tpu.memref_slice %arg4[%dma_start3A_642, %add3A_641] : memref<2x131072xi32, #tpu.memory_space<hbm>> -> memref<1x64xi32, #tpu.memory_space<hbm>>
        %dma_start3A_653 = tpu.memref_squeeze %dma_start3A_652 : memref<1x64xi32, #tpu.memory_space<hbm>> -> memref<64xi32, #tpu.memory_space<hbm>>
        tpu.enqueue_dma source(%dma_start3A_653 : memref<64xi32, #tpu.memory_space<hbm>>) target(%dma_start3A_651 : memref<64xi32, #tpu.memory_space<vmem>>) target_semaphore(%arg15 : memref<!tpu.dma_semaphore, #tpu.memory_space<semaphore_mem>>)
        %dma_start3A_654 = arith.constant 1 : i32
        %dma_start3A_655 = arith.constant 1 : i32
        %dma_start3A_656 = arith.constant 0 : i32
        %dma_start3A_657 = tpu.memref_slice %arg8[%dma_start3A_655, %dma_start3A_656] : memref<2x64xi32, #tpu.memory_space<vmem>> -> memref<1x64xi32, #tpu.memory_space<vmem>>
        %dma_start3A_658 = tpu.memref_squeeze %dma_start3A_657 : memref<1x64xi32, #tpu.memory_space<vmem>> -> memref<64xi32, #tpu.memory_space<vmem>>
        %dma_start3A_659 = tpu.memref_slice %arg4[%dma_start3A_654, %add3A_641] : memref<2x131072xi32, #tpu.memory_space<hbm>> -> memref<1x64xi32, #tpu.memory_space<hbm>>
        %dma_start3A_660 = tpu.memref_squeeze %dma_start3A_659 : memref<1x64xi32, #tpu.memory_space<hbm>> -> memref<64xi32, #tpu.memory_space<hbm>>
        %dma_start3A_661 = arith.constant 0 : i32
        %dma_start3A_662 = tpu.memref_slice %arg8[%dma_start3A_655, %dma_start3A_661] : memref<2x64xi32, #tpu.memory_space<vmem>> -> memref<1x64xi32, #tpu.memory_space<vmem>>
        %dma_start3A_663 = tpu.memref_squeeze %dma_start3A_662 : memref<1x64xi32, #tpu.memory_space<vmem>> -> memref<64xi32, #tpu.memory_space<vmem>>
        %dma_start3A_664 = tpu.memref_slice %arg4[%dma_start3A_654, %add3A_641] : memref<2x131072xi32, #tpu.memory_space<hbm>> -> memref<1x64xi32, #tpu.memory_space<hbm>>
        %dma_start3A_665 = tpu.memref_squeeze %dma_start3A_664 : memref<1x64xi32, #tpu.memory_space<hbm>> -> memref<64xi32, #tpu.memory_space<hbm>>
        tpu.enqueue_dma source(%dma_start3A_665 : memref<64xi32, #tpu.memory_space<hbm>>) target(%dma_start3A_663 : memref<64xi32, #tpu.memory_space<vmem>>) target_semaphore(%arg15 : memref<!tpu.dma_semaphore, #tpu.memory_space<semaphore_mem>>)
      } else {
      }
      %scan3A_574 = arith.constant 0 : i32
      %scan3A_575 = arith.constant 0 : i32
      %scan3A_576 = arith.constant 8 : i32
      %scan3A_577 = arith.addi %scan3A_575, %scan3A_576 : i32
      %scan3A_578 = arith.constant 1 : i32
      %scan3A_579 = scf.for %scan3A_637 = %scan3A_575 to %scan3A_577 step %scan3A_578 iter_args(%scan3A_638 = %scan3A_574) -> (i32)  : i32 {
        %mul3A_639 = arith.constant 8 : i32
        %mul3A_640 = arith.muli %scan3A_637, %mul3A_639 : i32
        %add3A_641 = arith.constant 0 : i32
        %add3A_642 = arith.addi %mul3A_640, %add3A_641 : i32
        %get3A_643 = arith.constant 1 : i32
        %get3A_644 = arith.index_cast %get3A_643 : i32 to index
        %get3A_645 = arith.index_cast %add3A_642 : i32 to index
        %get3A_646 = arith.constant 0 : index
        %get3A_647 = tpu.vector_load %arg10[%get3A_644, %get3A_645, %get3A_646] {strides = array<i32>} : memref<2x64x128xf32, #tpu.memory_space<vmem>>, vector<1x1x16xf32>,
        %get3A_648 = vector.shape_cast %get3A_647 : vector<1x1x16xf32> to vector<16xf32>
        %get3A_649 = arith.constant 1 : i32
        %get3A_650 = arith.index_cast %get3A_649 : i32 to index
        %get3A_651 = arith.index_cast %add3A_642 : i32 to index
        %get3A_652 = arith.constant 64 : index
        %get3A_653 = tpu.vector_load %arg11[%get3A_650, %get3A_651, %get3A_652] {strides = array<i32>} : memref<2x64x128xf32, #tpu.memory_space<vmem>>, vector<1x1x16xf32>,
        %get3A_654 = vector.shape_cast %get3A_653 : vector<1x1x16xf32> to vector<16xf32>
        %add3A_655 = arith.addf %get3A_648, %get3A_654 : vector<16xf32>
        %get3A_656 = arith.constant 1 : i32
        %get3A_657 = arith.index_cast %get3A_656 : i32 to index
        %get3A_658 = arith.index_cast %scan3A_637 : i32 to index
        %get3A_659 = arith.constant 0 : index
        %get3A_660 = tpu.vector_load %arg12[%get3A_657, %get3A_658, %get3A_659] {strides = array<i32>} : memref<2x8x512xf32, #tpu.memory_space<vmem>>, vector<1x1x16xf32>,
        %get3A_661 = vector.shape_cast %get3A_660 : vector<1x1x16xf32> to vector<16xf32>
        %add3A_662 = arith.addf %add3A_655, %get3A_661 : vector<16xf32>
        %max3A = arith.constant 0.000000e+00 : f32
        %max3A_663 = vector.broadcast %max3A : f32 to vector<16xf32>
        %max3A_664 = arith.maximumf %add3A_662, %max3A_663 : vector<16xf32>
        %swap3A_665 = arith.constant 1 : i32
        %swap3A_666 = arith.index_cast %swap3A_665 : i32 to index
        %swap3A_667 = arith.index_cast %add3A_642 : i32 to index
        %swap3A_668 = arith.constant 0 : index
        %swap3A_669 = tpu.vector_load %arg14[%swap3A_666, %swap3A_667, %swap3A_668] {strides = array<i32>} : memref<2x64x128xf32, #tpu.memory_space<vmem>>, vector<1x1x16xf32>,
        %swap3A_670 = vector.shape_cast %swap3A_669 : vector<1x1x16xf32> to vector<16xf32>
        %swap3A_671 = vector.shape_cast %max3A_664 : vector<16xf32> to vector<1x1x16xf32>
        tpu.vector_store %arg14[%swap3A_666, %swap3A_667, %swap3A_668], %swap3A_671 {strides = array<i32>} : memref<2x64x128xf32, #tpu.memory_space<vmem>>, vector<1x1x16xf32>,
        %swap3A_672 = arith.constant 1 : i32
        %swap3A_673 = arith.index_cast %swap3A_672 : i32 to index
        %swap3A_674 = arith.index_cast %scan3A_637 : i32 to index
        %swap3A_675 = arith.constant 0 : index
        %swap3A_676 = tpu.vector_load %arg13[%swap3A_673, %swap3A_674, %swap3A_675] {strides = array<i32>} : memref<2x8x512xf32, #tpu.memory_space<vmem>>, vector<1x1x16xf32>,
        %swap3A_677 = vector.shape_cast %swap3A_676 : vector<1x1x16xf32> to vector<16xf32>
        %swap3A_678 = vector.shape_cast %max3A_664 : vector<16xf32> to vector<1x1x16xf32>
        tpu.vector_store %arg13[%swap3A_673, %swap3A_674, %swap3A_675], %swap3A_678 {strides = array<i32>} : memref<2x8x512xf32, #tpu.memory_space<vmem>>, vector<1x1x16xf32>,
        %get3A_679 = arith.constant 1 : i32
        %get3A_680 = arith.index_cast %get3A_679 : i32 to index
        %get3A_681 = arith.index_cast %add3A_642 : i32 to index
        %get3A_682 = arith.constant 16 : index
        %get3A_683 = tpu.vector_load %arg10[%get3A_680, %get3A_681, %get3A_682] {strides = array<i32>} : memref<2x64x128xf32, #tpu.memory_space<vmem>>, vector<1x1x16xf32>,
        %get3A_684 = vector.shape_cast %get3A_683 : vector<1x1x16xf32> to vector<16xf32>
        %get3A_685 = arith.constant 1 : i32
        %get3A_686 = arith.index_cast %get3A_685 : i32 to index
        %get3A_687 = arith.index_cast %add3A_642 : i32 to index
        %get3A_688 = arith.constant 80 : index
        %get3A_689 = tpu.vector_load %arg11[%get3A_686, %get3A_687, %get3A_688] {strides = array<i32>} : memref<2x64x128xf32, #tpu.memory_space<vmem>>, vector<1x1x16xf32>,
        %get3A_690 = vector.shape_cast %get3A_689 : vector<1x1x16xf32> to vector<16xf32>
        %add3A_691 = arith.addf %get3A_684, %get3A_690 : vector<16xf32>
        %get3A_692 = arith.constant 1 : i32
        %get3A_693 = arith.index_cast %get3A_692 : i32 to index
        %get3A_694 = arith.index_cast %scan3A_637 : i32 to index
        %get3A_695 = arith.constant 16 : index
        %get3A_696 = tpu.vector_load %arg12[%get3A_693, %get3A_694, %get3A_695] {strides = array<i32>} : memref<2x8x512xf32, #tpu.memory_space<vmem>>, vector<1x1x16xf32>,
        %get3A_697 = vector.shape_cast %get3A_696 : vector<1x1x16xf32> to vector<16xf32>
        %add3A_698 = arith.addf %add3A_691, %get3A_697 : vector<16xf32>
        %max3A_699 = arith.constant 0.000000e+00 : f32
        %max3A_700 = vector.broadcast %max3A_699 : f32 to vector<16xf32>
        %max3A_701 = arith.maximumf %add3A_698, %max3A_700 : vector<16xf32>
        %swap3A_702 = arith.constant 1 : i32
        %swap3A_703 = arith.index_cast %swap3A_702 : i32 to index
        %swap3A_704 = arith.index_cast %add3A_642 : i32 to index
        %swap3A_705 = arith.constant 16 : index
        %swap3A_706 = tpu.vector_load %arg14[%swap3A_703, %swap3A_704, %swap3A_705] {strides = array<i32>} : memref<2x64x128xf32, #tpu.memory_space<vmem>>, vector<1x1x16xf32>,
        %swap3A_707 = vector.shape_cast %swap3A_706 : vector<1x1x16xf32> to vector<16xf32>
        %swap3A_708 = vector.shape_cast %max3A_701 : vector<16xf32> to vector<1x1x16xf32>
        tpu.vector_store %arg14[%swap3A_703, %swap3A_704, %swap3A_705], %swap3A_708 {strides = array<i32>} : memref<2x64x128xf32, #tpu.memory_space<vmem>>, vector<1x1x16xf32>,
        %swap3A_709 = arith.constant 1 : i32
        %swap3A_710 = arith.index_cast %swap3A_709 : i32 to index
        %swap3A_711 = arith.index_cast %scan3A_637 : i32 to index
        %swap3A_712 = arith.constant 16 : index
        %swap3A_713 = tpu.vector_load %arg13[%swap3A_710, %swap3A_711, %swap3A_712] {strides = array<i32>} : memref<2x8x512xf32, #tpu.memory_space<vmem>>, vector<1x1x16xf32>,
        %swap3A_714 = vector.shape_cast %swap3A_713 : vector<1x1x16xf32> to vector<16xf32>
        %swap3A_715 = vector.shape_cast %max3A_701 : vector<16xf32> to vector<1x1x16xf32>
        tpu.vector_store %arg13[%swap3A_710, %swap3A_711, %swap3A_712], %swap3A_715 {strides = array<i32>} : memref<2x8x512xf32, #tpu.memory_space<vmem>>, vector<1x1x16xf32>,
        %get3A_716 = arith.constant 1 : i32
        %get3A_717 = arith.index_cast %get3A_716 : i32 to index
        %get3A_718 = arith.index_cast %add3A_642 : i32 to index
        %get3A_719 = arith.constant 32 : index
        %get3A_720 = tpu.vector_load %arg10[%get3A_717, %get3A_718, %get3A_719] {strides = array<i32>} : memref<2x64x128xf32, #tpu.memory_space<vmem>>, vector<1x1x16xf32>,
        %get3A_721 = vector.shape_cast %get3A_720 : vector<1x1x16xf32> to vector<16xf32>
        %get3A_722 = arith.constant 1 : i32
        %get3A_723 = arith.index_cast %get3A_722 : i32 to index
        %get3A_724 = arith.index_cast %add3A_642 : i32 to index
        %get3A_725 = arith.constant 96 : index
        %get3A_726 = tpu.vector_load %arg11[%get3A_723, %get3A_724, %get3A_725] {strides = array<i32>} : memref<2x64x128xf32, #tpu.memory_space<vmem>>, vector<1x1x16xf32>,
        %get3A_727 = vector.shape_cast %get3A_726 : vector<1x1x16xf32> to vector<16xf32>
        %add3A_728 = arith.addf %get3A_721, %get3A_727 : vector<16xf32>
        %get3A_729 = arith.constant 1 : i32
        %get3A_730 = arith.index_cast %get3A_729 : i32 to index
        %get3A_731 = arith.index_cast %scan3A_637 : i32 to index
        %get3A_732 = arith.constant 32 : index
        %get3A_733 = tpu.vector_load %arg12[%get3A_730, %get3A_731, %get3A_732] {strides = array<i32>} : memref<2x8x512xf32, #tpu.memory_space<vmem>>, vector<1x1x16xf32>,
        %get3A_734 = vector.shape_cast %get3A_733 : vector<1x1x16xf32> to vector<16xf32>
        %add3A_735 = arith.addf %add3A_728, %get3A_734 : vector<16xf32>
        %max3A_736 = arith.constant 0.000000e+00 : f32
        %max3A_737 = vector.broadcast %max3A_736 : f32 to vector<16xf32>
        %max3A_738 = arith.maximumf %add3A_735, %max3A_737 : vector<16xf32>
        %swap3A_739 = arith.constant 1 : i32
        %swap3A_740 = arith.index_cast %swap3A_739 : i32 to index
        %swap3A_741 = arith.index_cast %add3A_642 : i32 to index
        %swap3A_742 = arith.constant 32 : index
        %swap3A_743 = tpu.vector_load %arg14[%swap3A_740, %swap3A_741, %swap3A_742] {strides = array<i32>} : memref<2x64x128xf32, #tpu.memory_space<vmem>>, vector<1x1x16xf32>,
        %swap3A_744 = vector.shape_cast %swap3A_743 : vector<1x1x16xf32> to vector<16xf32>
        %swap3A_745 = vector.shape_cast %max3A_738 : vector<16xf32> to vector<1x1x16xf32>
        tpu.vector_store %arg14[%swap3A_740, %swap3A_741, %swap3A_742], %swap3A_745 {strides = array<i32>} : memref<2x64x128xf32, #tpu.memory_space<vmem>>, vector<1x1x16xf32>,
        %swap3A_746 = arith.constant 1 : i32
        %swap3A_747 = arith.index_cast %swap3A_746 : i32 to index
        %swap3A_748 = arith.index_cast %scan3A_637 : i32 to index
        %swap3A_749 = arith.constant 32 : index
        %swap3A_750 = tpu.vector_load %arg13[%swap3A_747, %swap3A_748, %swap3A_749] {strides = array<i32>} : memref<2x8x512xf32, #tpu.memory_space<vmem>>, vector<1x1x16xf32>,
        %swap3A_751 = vector.shape_cast %swap3A_750 : vector<1x1x16xf32> to vector<16xf32>
        %swap3A_752 = vector.shape_cast %max3A_738 : vector<16xf32> to vector<1x1x16xf32>
        tpu.vector_store %arg13[%swap3A_747, %swap3A_748, %swap3A_749], %swap3A_752 {strides = array<i32>} : memref<2x8x512xf32, #tpu.memory_space<vmem>>, vector<1x1x16xf32>,
        %get3A_753 = arith.constant 1 : i32
        %get3A_754 = arith.index_cast %get3A_753 : i32 to index
        %get3A_755 = arith.index_cast %add3A_642 : i32 to index
        %get3A_756 = arith.constant 48 : index
        %get3A_757 = tpu.vector_load %arg10[%get3A_754, %get3A_755, %get3A_756] {strides = array<i32>} : memref<2x64x128xf32, #tpu.memory_space<vmem>>, vector<1x1x16xf32>,
        %get3A_758 = vector.shape_cast %get3A_757 : vector<1x1x16xf32> to vector<16xf32>
        %get3A_759 = arith.constant 1 : i32
        %get3A_760 = arith.index_cast %get3A_759 : i32 to index
        %get3A_761 = arith.index_cast %add3A_642 : i32 to index
        %get3A_762 = arith.constant 112 : index
        %get3A_763 = tpu.vector_load %arg11[%get3A_760, %get3A_761, %get3A_762] {strides = array<i32>} : memref<2x64x128xf32, #tpu.memory_space<vmem>>, vector<1x1x16xf32>,
        %get3A_764 = vector.shape_cast %get3A_763 : vector<1x1x16xf32> to vector<16xf32>
        %add3A_765 = arith.addf %get3A_758, %get3A_764 : vector<16xf32>
        %get3A_766 = arith.constant 1 : i32
        %get3A_767 = arith.index_cast %get3A_766 : i32 to index
        %get3A_768 = arith.index_cast %scan3A_637 : i32 to index
        %get3A_769 = arith.constant 48 : index
        %get3A_770 = tpu.vector_load %arg12[%get3A_767, %get3A_768, %get3A_769] {strides = array<i32>} : memref<2x8x512xf32, #tpu.memory_space<vmem>>, vector<1x1x16xf32>,
        %get3A_771 = vector.shape_cast %get3A_770 : vector<1x1x16xf32> to vector<16xf32>
        %add3A_772 = arith.addf %add3A_765, %get3A_771 : vector<16xf32>
        %max3A_773 = arith.constant 0.000000e+00 : f32
        %max3A_774 = vector.broadcast %max3A_773 : f32 to vector<16xf32>
        %max3A_775 = arith.maximumf %add3A_772, %max3A_774 : vector<16xf32>
        %swap3A_776 = arith.constant 1 : i32
        %swap3A_777 = arith.index_cast %swap3A_776 : i32 to index
        %swap3A_778 = arith.index_cast %add3A_642 : i32 to index
        %swap3A_779 = arith.constant 48 : index
        %swap3A_780 = tpu.vector_load %arg14[%swap3A_777, %swap3A_778, %swap3A_779] {strides = array<i32>} : memref<2x64x128xf32, #tpu.memory_space<vmem>>, vector<1x1x16xf32>,
        %swap3A_781 = vector.shape_cast %swap3A_780 : vector<1x1x16xf32> to vector<16xf32>
        %swap3A_782 = vector.shape_cast %max3A_775 : vector<16xf32> to vector<1x1x16xf32>
        tpu.vector_store %arg14[%swap3A_777, %swap3A_778, %swap3A_779], %swap3A_782 {strides = array<i32>} : memref<2x64x128xf32, #tpu.memory_space<vmem>>, vector<1x1x16xf32>,
        %swap3A_783 = arith.constant 1 : i32
        %swap3A_784 = arith.index_cast %swap3A_783 : i32 to index
        %swap3A_785 = arith.index_cast %scan3A_637 : i32 to index
        %swap3A_786 = arith.constant 48 : index
        %swap3A_787 = tpu.vector_load %arg13[%swap3A_784, %swap3A_785, %swap3A_786] {strides = array<i32>} : memref<2x8x512xf32, #tpu.memory_space<vmem>>, vector<1x1x16xf32>,
        %swap3A_788 = vector.shape_cast %swap3A_787 : vector<1x1x16xf32> to vector<16xf32>
        %swap3A_789 = vector.shape_cast %max3A_775 : vector<16xf32> to vector<1x1x16xf32>
        tpu.vector_store %arg13[%swap3A_784, %swap3A_785, %swap3A_786], %swap3A_789 {strides = array<i32>} : memref<2x8x512xf32, #tpu.memory_space<vmem>>, vector<1x1x16xf32>,
        %mul3A_790 = arith.constant 8 : i32
        %mul3A_791 = arith.muli %scan3A_637, %mul3A_790 : i32
        %add3A_792 = arith.constant 1 : i32
        %add3A_793 = arith.addi %mul3A_791, %add3A_792 : i32
        %get3A_794 = arith.constant 1 : i32
        %get3A_795 = arith.index_cast %get3A_794 : i32 to index
        %get3A_796 = arith.index_cast %add3A_793 : i32 to index
        %get3A_797 = arith.constant 0 : index
        %get3A_798 = tpu.vector_load %arg10[%get3A_795, %get3A_796, %get3A_797] {strides = array<i32>} : memref<2x64x128xf32, #tpu.memory_space<vmem>>, vector<1x1x16xf32>,
        %get3A_799 = vector.shape_cast %get3A_798 : vector<1x1x16xf32> to vector<16xf32>
        %get3A_800 = arith.constant 1 : i32
        %get3A_801 = arith.index_cast %get3A_800 : i32 to index
        %get3A_802 = arith.index_cast %add3A_793 : i32 to index
        %get3A_803 = arith.constant 64 : index
        %get3A_804 = tpu.vector_load %arg11[%get3A_801, %get3A_802, %get3A_803] {strides = array<i32>} : memref<2x64x128xf32, #tpu.memory_space<vmem>>, vector<1x1x16xf32>,
        %get3A_805 = vector.shape_cast %get3A_804 : vector<1x1x16xf32> to vector<16xf32>
        %add3A_806 = arith.addf %get3A_799, %get3A_805 : vector<16xf32>
        %get3A_807 = arith.constant 1 : i32
        %get3A_808 = arith.index_cast %get3A_807 : i32 to index
        %get3A_809 = arith.index_cast %scan3A_637 : i32 to index
        %get3A_810 = arith.constant 64 : index
        %get3A_811 = tpu.vector_load %arg12[%get3A_808, %get3A_809, %get3A_810] {strides = array<i32>} : memref<2x8x512xf32, #tpu.memory_space<vmem>>, vector<1x1x16xf32>,
        %get3A_812 = vector.shape_cast %get3A_811 : vector<1x1x16xf32> to vector<16xf32>
        %add3A_813 = arith.addf %add3A_806, %get3A_812 : vector<16xf32>
        %max3A_814 = arith.constant 0.000000e+00 : f32
        %max3A_815 = vector.broadcast %max3A_814 : f32 to vector<16xf32>
        %max3A_816 = arith.maximumf %add3A_813, %max3A_815 : vector<16xf32>
        %swap3A_817 = arith.constant 1 : i32
        %swap3A_818 = arith.index_cast %swap3A_817 : i32 to index
        %swap3A_819 = arith.index_cast %add3A_793 : i32 to index
        %swap3A_820 = arith.constant 0 : index
        %swap3A_821 = tpu.vector_load %arg14[%swap3A_818, %swap3A_819, %swap3A_820] {strides = array<i32>} : memref<2x64x128xf32, #tpu.memory_space<vmem>>, vector<1x1x16xf32>,
        %swap3A_822 = vector.shape_cast %swap3A_821 : vector<1x1x16xf32> to vector<16xf32>
        %swap3A_823 = vector.shape_cast %max3A_816 : vector<16xf32> to vector<1x1x16xf32>
        tpu.vector_store %arg14[%swap3A_818, %swap3A_819, %swap3A_820], %swap3A_823 {strides = array<i32>} : memref<2x64x128xf32, #tpu.memory_space<vmem>>, vector<1x1x16xf32>,
        %swap3A_824 = arith.constant 1 : i32
        %swap3A_825 = arith.index_cast %swap3A_824 : i32 to index
        %swap3A_826 = arith.index_cast %scan3A_637 : i32 to index
        %swap3A_827 = arith.constant 64 : index
        %swap3A_828 = tpu.vector_load %arg13[%swap3A_825, %swap3A_826, %swap3A_827] {strides = array<i32>} : memref<2x8x512xf32, #tpu.memory_space<vmem>>, vector<1x1x16xf32>,
        %swap3A_829 = vector.shape_cast %swap3A_828 : vector<1x1x16xf32> to vector<16xf32>
        %swap3A_830 = vector.shape_cast %max3A_816 : vector<16xf32> to vector<1x1x16xf32>
        tpu.vector_store %arg13[%swap3A_825, %swap3A_826, %swap3A_827], %swap3A_830 {strides = array<i32>} : memref<2x8x512xf32, #tpu.memory_space<vmem>>, vector<1x1x16xf32>,
        %get3A_831 = arith.constant 1 : i32
        %get3A_832 = arith.index_cast %get3A_831 : i32 to index
        %get3A_833 = arith.index_cast %add3A_793 : i32 to index
        %get3A_834 = arith.constant 16 : index
        %get3A_835 = tpu.vector_load %arg10[%get3A_832, %get3A_833, %get3A_834] {strides = array<i32>} : memref<2x64x128xf32, #tpu.memory_space<vmem>>, vector<1x1x16xf32>,
        %get3A_836 = vector.shape_cast %get3A_835 : vector<1x1x16xf32> to vector<16xf32>
        %get3A_837 = arith.constant 1 : i32
        %get3A_838 = arith.index_cast %get3A_837 : i32 to index
        %get3A_839 = arith.index_cast %add3A_793 : i32 to index
        %get3A_840 = arith.constant 80 : index
        %get3A_841 = tpu.vector_load %arg11[%get3A_838, %get3A_839, %get3A_840] {strides = array<i32>} : memref<2x64x128xf32, #tpu.memory_space<vmem>>, vector<1x1x16xf32>,
        %get3A_842 = vector.shape_cast %get3A_841 : vector<1x1x16xf32> to vector<16xf32>
        %add3A_843 = arith.addf %get3A_836, %get3A_842 : vector<16xf32>
        %get3A_844 = arith.constant 1 : i32
        %get3A_845 = arith.index_cast %get3A_844 : i32 to index
        %get3A_846 = arith.index_cast %scan3A_637 : i32 to index
        %get3A_847 = arith.constant 80 : index
        %get3A_848 = tpu.vector_load %arg12[%get3A_845, %get3A_846, %get3A_847] {strides = array<i32>} : memref<2x8x512xf32, #tpu.memory_space<vmem>>, vector<1x1x16xf32>,
        %get3A_849 = vector.shape_cast %get3A_848 : vector<1x1x16xf32> to vector<16xf32>
        %add3A_850 = arith.addf %add3A_843, %get3A_849 : vector<16xf32>
        %max3A_851 = arith.constant 0.000000e+00 : f32
        %max3A_852 = vector.broadcast %max3A_851 : f32 to vector<16xf32>
        %max3A_853 = arith.maximumf %add3A_850, %max3A_852 : vector<16xf32>
        %swap3A_854 = arith.constant 1 : i32
        %swap3A_855 = arith.index_cast %swap3A_854 : i32 to index
        %swap3A_856 = arith.index_cast %add3A_793 : i32 to index
        %swap3A_857 = arith.constant 16 : index
        %swap3A_858 = tpu.vector_load %arg14[%swap3A_855, %swap3A_856, %swap3A_857] {strides = array<i32>} : memref<2x64x128xf32, #tpu.memory_space<vmem>>, vector<1x1x16xf32>,
        %swap3A_859 = vector.shape_cast %swap3A_858 : vector<1x1x16xf32> to vector<16xf32>
        %swap3A_860 = vector.shape_cast %max3A_853 : vector<16xf32> to vector<1x1x16xf32>
        tpu.vector_store %arg14[%swap3A_855, %swap3A_856, %swap3A_857], %swap3A_860 {strides = array<i32>} : memref<2x64x128xf32, #tpu.memory_space<vmem>>, vector<1x1x16xf32>,
        %swap3A_861 = arith.constant 1 : i32
        %swap3A_862 = arith.index_cast %swap3A_861 : i32 to index
        %swap3A_863 = arith.index_cast %scan3A_637 : i32 to index
        %swap3A_864 = arith.constant 80 : index
        %swap3A_865 = tpu.vector_load %arg13[%swap3A_862, %swap3A_863, %swap3A_864] {strides = array<i32>} : memref<2x8x512xf32, #tpu.memory_space<vmem>>, vector<1x1x16xf32>,
        %swap3A_866 = vector.shape_cast %swap3A_865 : vector<1x1x16xf32> to vector<16xf32>
        %swap3A_867 = vector.shape_cast %max3A_853 : vector<16xf32> to vector<1x1x16xf32>
        tpu.vector_store %arg13[%swap3A_862, %swap3A_863, %swap3A_864], %swap3A_867 {strides = array<i32>} : memref<2x8x512xf32, #tpu.memory_space<vmem>>, vector<1x1x16xf32>,
        %get3A_868 = arith.constant 1 : i32
        %get3A_869 = arith.index_cast %get3A_868 : i32 to index
        %get3A_870 = arith.index_cast %add3A_793 : i32 to index
        %get3A_871 = arith.constant 32 : index
        %get3A_872 = tpu.vector_load %arg10[%get3A_869, %get3A_870, %get3A_871] {strides = array<i32>} : memref<2x64x128xf32, #tpu.memory_space<vmem>>, vector<1x1x16xf32>,
        %get3A_873 = vector.shape_cast %get3A_872 : vector<1x1x16xf32> to vector<16xf32>
        %get3A_874 = arith.constant 1 : i32
        %get3A_875 = arith.index_cast %get3A_874 : i32 to index
        %get3A_876 = arith.index_cast %add3A_793 : i32 to index
        %get3A_877 = arith.constant 96 : index
        %get3A_878 = tpu.vector_load %arg11[%get3A_875, %get3A_876, %get3A_877] {strides = array<i32>} : memref<2x64x128xf32, #tpu.memory_space<vmem>>, vector<1x1x16xf32>,
        %get3A_879 = vector.shape_cast %get3A_878 : vector<1x1x16xf32> to vector<16xf32>
        %add3A_880 = arith.addf %get3A_873, %get3A_879 : vector<16xf32>
        %get3A_881 = arith.constant 1 : i32
        %get3A_882 = arith.index_cast %get3A_881 : i32 to index
        %get3A_883 = arith.index_cast %scan3A_637 : i32 to index
        %get3A_884 = arith.constant 96 : index
        %get3A_885 = tpu.vector_load %arg12[%get3A_882, %get3A_883, %get3A_884] {strides = array<i32>} : memref<2x8x512xf32, #tpu.memory_space<vmem>>, vector<1x1x16xf32>,
        %get3A_886 = vector.shape_cast %get3A_885 : vector<1x1x16xf32> to vector<16xf32>
        %add3A_887 = arith.addf %add3A_880, %get3A_886 : vector<16xf32>
        %max3A_888 = arith.constant 0.000000e+00 : f32
        %max3A_889 = vector.broadcast %max3A_888 : f32 to vector<16xf32>
        %max3A_890 = arith.maximumf %add3A_887, %max3A_889 : vector<16xf32>
        %swap3A_891 = arith.constant 1 : i32
        %swap3A_892 = arith.index_cast %swap3A_891 : i32 to index
        %swap3A_893 = arith.index_cast %add3A_793 : i32 to index
        %swap3A_894 = arith.constant 32 : index
        %swap3A_895 = tpu.vector_load %arg14[%swap3A_892, %swap3A_893, %swap3A_894] {strides = array<i32>} : memref<2x64x128xf32, #tpu.memory_space<vmem>>, vector<1x1x16xf32>,
        %swap3A_896 = vector.shape_cast %swap3A_895 : vector<1x1x16xf32> to vector<16xf32>
        %swap3A_897 = vector.shape_cast %max3A_890 : vector<16xf32> to vector<1x1x16xf32>
        tpu.vector_store %arg14[%swap3A_892, %swap3A_893, %swap3A_894], %swap3A_897 {strides = array<i32>} : memref<2x64x128xf32, #tpu.memory_space<vmem>>, vector<1x1x16xf32>,
        %swap3A_898 = arith.constant 1 : i32
        %swap3A_899 = arith.index_cast %swap3A_898 : i32 to index
        %swap3A_900 = arith.index_cast %scan3A_637 : i32 to index
        %swap3A_901 = arith.constant 96 : index
        %swap3A_902 = tpu.vector_load %arg13[%swap3A_899, %swap3A_900, %swap3A_901] {strides = array<i32>} : memref<2x8x512xf32, #tpu.memory_space<vmem>>, vector<1x1x16xf32>,
        %swap3A_903 = vector.shape_cast %swap3A_902 : vector<1x1x16xf32> to vector<16xf32>
        %swap3A_904 = vector.shape_cast %max3A_890 : vector<16xf32> to vector<1x1x16xf32>
        tpu.vector_store %arg13[%swap3A_899, %swap3A_900, %swap3A_901], %swap3A_904 {strides = array<i32>} : memref<2x8x512xf32, #tpu.memory_space<vmem>>, vector<1x1x16xf32>,
        %get3A_905 = arith.constant 1 : i32
        %get3A_906 = arith.index_cast %get3A_905 : i32 to index
        %get3A_907 = arith.index_cast %add3A_793 : i32 to index
        %get3A_908 = arith.constant 48 : index
        %get3A_909 = tpu.vector_load %arg10[%get3A_906, %get3A_907, %get3A_908] {strides = array<i32>} : memref<2x64x128xf32, #tpu.memory_space<vmem>>, vector<1x1x16xf32>,
        %get3A_910 = vector.shape_cast %get3A_909 : vector<1x1x16xf32> to vector<16xf32>
        %get3A_911 = arith.constant 1 : i32
        %get3A_912 = arith.index_cast %get3A_911 : i32 to index
        %get3A_913 = arith.index_cast %add3A_793 : i32 to index
        %get3A_914 = arith.constant 112 : index
        %get3A_915 = tpu.vector_load %arg11[%get3A_912, %get3A_913, %get3A_914] {strides = array<i32>} : memref<2x64x128xf32, #tpu.memory_space<vmem>>, vector<1x1x16xf32>,
        %get3A_916 = vector.shape_cast %get3A_915 : vector<1x1x16xf32> to vector<16xf32>
        %add3A_917 = arith.addf %get3A_910, %get3A_916 : vector<16xf32>
        %get3A_918 = arith.constant 1 : i32
        %get3A_919 = arith.index_cast %get3A_918 : i32 to index
        %get3A_920 = arith.index_cast %scan3A_637 : i32 to index
        %get3A_921 = arith.constant 112 : index
        %get3A_922 = tpu.vector_load %arg12[%get3A_919, %get3A_920, %get3A_921] {strides = array<i32>} : memref<2x8x512xf32, #tpu.memory_space<vmem>>, vector<1x1x16xf32>,
        %get3A_923 = vector.shape_cast %get3A_922 : vector<1x1x16xf32> to vector<16xf32>
        %add3A_924 = arith.addf %add3A_917, %get3A_923 : vector<16xf32>
        %max3A_925 = arith.constant 0.000000e+00 : f32
        %max3A_926 = vector.broadcast %max3A_925 : f32 to vector<16xf32>
        %max3A_927 = arith.maximumf %add3A_924, %max3A_926 : vector<16xf32>
        %swap3A_928 = arith.constant 1 : i32
        %swap3A_929 = arith.index_cast %swap3A_928 : i32 to index
        %swap3A_930 = arith.index_cast %add3A_793 : i32 to index
        %swap3A_931 = arith.constant 48 : index
        %swap3A_932 = tpu.vector_load %arg14[%swap3A_929, %swap3A_930, %swap3A_931] {strides = array<i32>} : memref<2x64x128xf32, #tpu.memory_space<vmem>>, vector<1x1x16xf32>,
        %swap3A_933 = vector.shape_cast %swap3A_932 : vector<1x1x16xf32> to vector<16xf32>
        %swap3A_934 = vector.shape_cast %max3A_927 : vector<16xf32> to vector<1x1x16xf32>
        tpu.vector_store %arg14[%swap3A_929, %swap3A_930, %swap3A_931], %swap3A_934 {strides = array<i32>} : memref<2x64x128xf32, #tpu.memory_space<vmem>>, vector<1x1x16xf32>,
        %swap3A_935 = arith.constant 1 : i32
        %swap3A_936 = arith.index_cast %swap3A_935 : i32 to index
        %swap3A_937 = arith.index_cast %scan3A_637 : i32 to index
        %swap3A_938 = arith.constant 112 : index
        %swap3A_939 = tpu.vector_load %arg13[%swap3A_936, %swap3A_937, %swap3A_938] {strides = array<i32>} : memref<2x8x512xf32, #tpu.memory_space<vmem>>, vector<1x1x16xf32>,
        %swap3A_940 = vector.shape_cast %swap3A_939 : vector<1x1x16xf32> to vector<16xf32>
        %swap3A_941 = vector.shape_cast %max3A_927 : vector<16xf32> to vector<1x1x16xf32>
        tpu.vector_store %arg13[%swap3A_936, %swap3A_937, %swap3A_938], %swap3A_941 {strides = array<i32>} : memref<2x8x512xf32, #tpu.memory_space<vmem>>, vector<1x1x16xf32>,
        %mul3A_942 = arith.constant 8 : i32
        %mul3A_943 = arith.muli %scan3A_637, %mul3A_942 : i32
        %add3A_944 = arith.constant 2 : i32
        %add3A_945 = arith.addi %mul3A_943, %add3A_944 : i32
        %get3A_946 = arith.constant 1 : i32
        %get3A_947 = arith.index_cast %get3A_946 : i32 to index
        %get3A_948 = arith.index_cast %add3A_945 : i32 to index
        %get3A_949 = arith.constant 0 : index
        %get3A_950 = tpu.vector_load %arg10[%get3A_947, %get3A_948, %get3A_949] {strides = array<i32>} : memref<2x64x128xf32, #tpu.memory_space<vmem>>, vector<1x1x16xf32>,
        %get3A_951 = vector.shape_cast %get3A_950 : vector<1x1x16xf32> to vector<16xf32>
        %get3A_952 = arith.constant 1 : i32
        %get3A_953 = arith.index_cast %get3A_952 : i32 to index
        %get3A_954 = arith.index_cast %add3A_945 : i32 to index
        %get3A_955 = arith.constant 64 : index
        %get3A_956 = tpu.vector_load %arg11[%get3A_953, %get3A_954, %get3A_955] {strides = array<i32>} : memref<2x64x128xf32, #tpu.memory_space<vmem>>, vector<1x1x16xf32>,
        %get3A_957 = vector.shape_cast %get3A_956 : vector<1x1x16xf32> to vector<16xf32>
        %add3A_958 = arith.addf %get3A_951, %get3A_957 : vector<16xf32>
        %get3A_959 = arith.constant 1 : i32
        %get3A_960 = arith.index_cast %get3A_959 : i32 to index
        %get3A_961 = arith.index_cast %scan3A_637 : i32 to index
        %get3A_962 = arith.constant 128 : index
        %get3A_963 = tpu.vector_load %arg12[%get3A_960, %get3A_961, %get3A_962] {strides = array<i32>} : memref<2x8x512xf32, #tpu.memory_space<vmem>>, vector<1x1x16xf32>,
        %get3A_964 = vector.shape_cast %get3A_963 : vector<1x1x16xf32> to vector<16xf32>
        %add3A_965 = arith.addf %add3A_958, %get3A_964 : vector<16xf32>
        %max3A_966 = arith.constant 0.000000e+00 : f32
        %max3A_967 = vector.broadcast %max3A_966 : f32 to vector<16xf32>
        %max3A_968 = arith.maximumf %add3A_965, %max3A_967 : vector<16xf32>
        %swap3A_969 = arith.constant 1 : i32
        %swap3A_970 = arith.index_cast %swap3A_969 : i32 to index
        %swap3A_971 = arith.index_cast %add3A_945 : i32 to index
        %swap3A_972 = arith.constant 0 : index
        %swap3A_973 = tpu.vector_load %arg14[%swap3A_970, %swap3A_971, %swap3A_972] {strides = array<i32>} : memref<2x64x128xf32, #tpu.memory_space<vmem>>, vector<1x1x16xf32>,
        %swap3A_974 = vector.shape_cast %swap3A_973 : vector<1x1x16xf32> to vector<16xf32>
        %swap3A_975 = vector.shape_cast %max3A_968 : vector<16xf32> to vector<1x1x16xf32>
        tpu.vector_store %arg14[%swap3A_970, %swap3A_971, %swap3A_972], %swap3A_975 {strides = array<i32>} : memref<2x64x128xf32, #tpu.memory_space<vmem>>, vector<1x1x16xf32>,
        %swap3A_976 = arith.constant 1 : i32
        %swap3A_977 = arith.index_cast %swap3A_976 : i32 to index
        %swap3A_978 = arith.index_cast %scan3A_637 : i32 to index
        %swap3A_979 = arith.constant 128 : index
        %swap3A_980 = tpu.vector_load %arg13[%swap3A_977, %swap3A_978, %swap3A_979] {strides = array<i32>} : memref<2x8x512xf32, #tpu.memory_space<vmem>>, vector<1x1x16xf32>,
        %swap3A_981 = vector.shape_cast %swap3A_980 : vector<1x1x16xf32> to vector<16xf32>
        %swap3A_982 = vector.shape_cast %max3A_968 : vector<16xf32> to vector<1x1x16xf32>
        tpu.vector_store %arg13[%swap3A_977, %swap3A_978, %swap3A_979], %swap3A_982 {strides = array<i32>} : memref<2x8x512xf32, #tpu.memory_space<vmem>>, vector<1x1x16xf32>,
        %get3A_983 = arith.constant 1 : i32
        %get3A_984 = arith.index_cast %get3A_983 : i32 to index
        %get3A_985 = arith.index_cast %add3A_945 : i32 to index
        %get3A_986 = arith.constant 16 : index
        %get3A_987 = tpu.vector_load %arg10[%get3A_984, %get3A_985, %get3A_986] {strides = array<i32>} : memref<2x64x128xf32, #tpu.memory_space<vmem>>, vector<1x1x16xf32>,
        %get3A_988 = vector.shape_cast %get3A_987 : vector<1x1x16xf32> to vector<16xf32>
        %get3A_989 = arith.constant 1 : i32
        %get3A_990 = arith.index_cast %get3A_989 : i32 to index
        %get3A_991 = arith.index_cast %add3A_945 : i32 to index
        %get3A_992 = arith.constant 80 : index
        %get3A_993 = tpu.vector_load %arg11[%get3A_990, %get3A_991, %get3A_992] {strides = array<i32>} : memref<2x64x128xf32, #tpu.memory_space<vmem>>, vector<1x1x16xf32>,
        %get3A_994 = vector.shape_cast %get3A_993 : vector<1x1x16xf32> to vector<16xf32>
        %add3A_995 = arith.addf %get3A_988, %get3A_994 : vector<16xf32>
        %get3A_996 = arith.constant 1 : i32
        %get3A_997 = arith.index_cast %get3A_996 : i32 to index
        %get3A_998 = arith.index_cast %scan3A_637 : i32 to index
        %get3A_999 = arith.constant 144 : index
        %get3A_1000 = tpu.vector_load %arg12[%get3A_997, %get3A_998, %get3A_999] {strides = array<i32>} : memref<2x8x512xf32, #tpu.memory_space<vmem>>, vector<1x1x16xf32>,
        %get3A_1001 = vector.shape_cast %get3A_1000 : vector<1x1x16xf32> to vector<16xf32>
        %add3A_1002 = arith.addf %add3A_995, %get3A_1001 : vector<16xf32>
        %max3A_1003 = arith.constant 0.000000e+00 : f32
        %max3A_1004 = vector.broadcast %max3A_1003 : f32 to vector<16xf32>
        %max3A_1005 = arith.maximumf %add3A_1002, %max3A_1004 : vector<16xf32>
        %swap3A_1006 = arith.constant 1 : i32
        %swap3A_1007 = arith.index_cast %swap3A_1006 : i32 to index
        %swap3A_1008 = arith.index_cast %add3A_945 : i32 to index
        %swap3A_1009 = arith.constant 16 : index
        %swap3A_1010 = tpu.vector_load %arg14[%swap3A_1007, %swap3A_1008, %swap3A_1009] {strides = array<i32>} : memref<2x64x128xf32, #tpu.memory_space<vmem>>, vector<1x1x16xf32>,
        %swap3A_1011 = vector.shape_cast %swap3A_1010 : vector<1x1x16xf32> to vector<16xf32>
        %swap3A_1012 = vector.shape_cast %max3A_1005 : vector<16xf32> to vector<1x1x16xf32>
        tpu.vector_store %arg14[%swap3A_1007, %swap3A_1008, %swap3A_1009], %swap3A_1012 {strides = array<i32>} : memref<2x64x128xf32, #tpu.memory_space<vmem>>, vector<1x1x16xf32>,
        %swap3A_1013 = arith.constant 1 : i32
        %swap3A_1014 = arith.index_cast %swap3A_1013 : i32 to index
        %swap3A_1015 = arith.index_cast %scan3A_637 : i32 to index
        %swap3A_1016 = arith.constant 144 : index
        %swap3A_1017 = tpu.vector_load %arg13[%swap3A_1014, %swap3A_1015, %swap3A_1016] {strides = array<i32>} : memref<2x8x512xf32, #tpu.memory_space<vmem>>, vector<1x1x16xf32>,
        %swap3A_1018 = vector.shape_cast %swap3A_1017 : vector<1x1x16xf32> to vector<16xf32>
        %swap3A_1019 = vector.shape_cast %max3A_1005 : vector<16xf32> to vector<1x1x16xf32>
        tpu.vector_store %arg13[%swap3A_1014, %swap3A_1015, %swap3A_1016], %swap3A_1019 {strides = array<i32>} : memref<2x8x512xf32, #tpu.memory_space<vmem>>, vector<1x1x16xf32>,
        %get3A_1020 = arith.constant 1 : i32
        %get3A_1021 = arith.index_cast %get3A_1020 : i32 to index
        %get3A_1022 = arith.index_cast %add3A_945 : i32 to index
        %get3A_1023 = arith.constant 32 : index
        %get3A_1024 = tpu.vector_load %arg10[%get3A_1021, %get3A_1022, %get3A_1023] {strides = array<i32>} : memref<2x64x128xf32, #tpu.memory_space<vmem>>, vector<1x1x16xf32>,
        %get3A_1025 = vector.shape_cast %get3A_1024 : vector<1x1x16xf32> to vector<16xf32>
        %get3A_1026 = arith.constant 1 : i32
        %get3A_1027 = arith.index_cast %get3A_1026 : i32 to index
        %get3A_1028 = arith.index_cast %add3A_945 : i32 to index
        %get3A_1029 = arith.constant 96 : index
        %get3A_1030 = tpu.vector_load %arg11[%get3A_1027, %get3A_1028, %get3A_1029] {strides = array<i32>} : memref<2x64x128xf32, #tpu.memory_space<vmem>>, vector<1x1x16xf32>,
        %get3A_1031 = vector.shape_cast %get3A_1030 : vector<1x1x16xf32> to vector<16xf32>
        %add3A_1032 = arith.addf %get3A_1025, %get3A_1031 : vector<16xf32>
        %get3A_1033 = arith.constant 1 : i32
        %get3A_1034 = arith.index_cast %get3A_1033 : i32 to index
        %get3A_1035 = arith.index_cast %scan3A_637 : i32 to index
        %get3A_1036 = arith.constant 160 : index
        %get3A_1037 = tpu.vector_load %arg12[%get3A_1034, %get3A_1035, %get3A_1036] {strides = array<i32>} : memref<2x8x512xf32, #tpu.memory_space<vmem>>, vector<1x1x16xf32>,
        %get3A_1038 = vector.shape_cast %get3A_1037 : vector<1x1x16xf32> to vector<16xf32>
        %add3A_1039 = arith.addf %add3A_1032, %get3A_1038 : vector<16xf32>
        %max3A_1040 = arith.constant 0.000000e+00 : f32
        %max3A_1041 = vector.broadcast %max3A_1040 : f32 to vector<16xf32>
        %max3A_1042 = arith.maximumf %add3A_1039, %max3A_1041 : vector<16xf32>
        %swap3A_1043 = arith.constant 1 : i32
        %swap3A_1044 = arith.index_cast %swap3A_1043 : i32 to index
        %swap3A_1045 = arith.index_cast %add3A_945 : i32 to index
        %swap3A_1046 = arith.constant 32 : index
        %swap3A_1047 = tpu.vector_load %arg14[%swap3A_1044, %swap3A_1045, %swap3A_1046] {strides = array<i32>} : memref<2x64x128xf32, #tpu.memory_space<vmem>>, vector<1x1x16xf32>,
        %swap3A_1048 = vector.shape_cast %swap3A_1047 : vector<1x1x16xf32> to vector<16xf32>
        %swap3A_1049 = vector.shape_cast %max3A_1042 : vector<16xf32> to vector<1x1x16xf32>
        tpu.vector_store %arg14[%swap3A_1044, %swap3A_1045, %swap3A_1046], %swap3A_1049 {strides = array<i32>} : memref<2x64x128xf32, #tpu.memory_space<vmem>>, vector<1x1x16xf32>,
        %swap3A_1050 = arith.constant 1 : i32
        %swap3A_1051 = arith.index_cast %swap3A_1050 : i32 to index
        %swap3A_1052 = arith.index_cast %scan3A_637 : i32 to index
        %swap3A_1053 = arith.constant 160 : index
        %swap3A_1054 = tpu.vector_load %arg13[%swap3A_1051, %swap3A_1052, %swap3A_1053] {strides = array<i32>} : memref<2x8x512xf32, #tpu.memory_space<vmem>>, vector<1x1x16xf32>,
        %swap3A_1055 = vector.shape_cast %swap3A_1054 : vector<1x1x16xf32> to vector<16xf32>
        %swap3A_1056 = vector.shape_cast %max3A_1042 : vector<16xf32> to vector<1x1x16xf32>
        tpu.vector_store %arg13[%swap3A_1051, %swap3A_1052, %swap3A_1053], %swap3A_1056 {strides = array<i32>} : memref<2x8x512xf32, #tpu.memory_space<vmem>>, vector<1x1x16xf32>,
        %get3A_1057 = arith.constant 1 : i32
        %get3A_1058 = arith.index_cast %get3A_1057 : i32 to index
        %get3A_1059 = arith.index_cast %add3A_945 : i32 to index
        %get3A_1060 = arith.constant 48 : index
        %get3A_1061 = tpu.vector_load %arg10[%get3A_1058, %get3A_1059, %get3A_1060] {strides = array<i32>} : memref<2x64x128xf32, #tpu.memory_space<vmem>>, vector<1x1x16xf32>,
        %get3A_1062 = vector.shape_cast %get3A_1061 : vector<1x1x16xf32> to vector<16xf32>
        %get3A_1063 = arith.constant 1 : i32
        %get3A_1064 = arith.index_cast %get3A_1063 : i32 to index
        %get3A_1065 = arith.index_cast %add3A_945 : i32 to index
        %get3A_1066 = arith.constant 112 : index
        %get3A_1067 = tpu.vector_load %arg11[%get3A_1064, %get3A_1065, %get3A_1066] {strides = array<i32>} : memref<2x64x128xf32, #tpu.memory_space<vmem>>, vector<1x1x16xf32>,
        %get3A_1068 = vector.shape_cast %get3A_1067 : vector<1x1x16xf32> to vector<16xf32>
        %add3A_1069 = arith.addf %get3A_1062, %get3A_1068 : vector<16xf32>
        %get3A_1070 = arith.constant 1 : i32
        %get3A_1071 = arith.index_cast %get3A_1070 : i32 to index
        %get3A_1072 = arith.index_cast %scan3A_637 : i32 to index
        %get3A_1073 = arith.constant 176 : index
        %get3A_1074 = tpu.vector_load %arg12[%get3A_1071, %get3A_1072, %get3A_1073] {strides = array<i32>} : memref<2x8x512xf32, #tpu.memory_space<vmem>>, vector<1x1x16xf32>,
        %get3A_1075 = vector.shape_cast %get3A_1074 : vector<1x1x16xf32> to vector<16xf32>
        %add3A_1076 = arith.addf %add3A_1069, %get3A_1075 : vector<16xf32>
        %max3A_1077 = arith.constant 0.000000e+00 : f32
        %max3A_1078 = vector.broadcast %max3A_1077 : f32 to vector<16xf32>
        %max3A_1079 = arith.maximumf %add3A_1076, %max3A_1078 : vector<16xf32>
        %swap3A_1080 = arith.constant 1 : i32
        %swap3A_1081 = arith.index_cast %swap3A_1080 : i32 to index
        %swap3A_1082 = arith.index_cast %add3A_945 : i32 to index
        %swap3A_1083 = arith.constant 48 : index
        %swap3A_1084 = tpu.vector_load %arg14[%swap3A_1081, %swap3A_1082, %swap3A_1083] {strides = array<i32>} : memref<2x64x128xf32, #tpu.memory_space<vmem>>, vector<1x1x16xf32>,
        %swap3A_1085 = vector.shape_cast %swap3A_1084 : vector<1x1x16xf32> to vector<16xf32>
        %swap3A_1086 = vector.shape_cast %max3A_1079 : vector<16xf32> to vector<1x1x16xf32>
        tpu.vector_store %arg14[%swap3A_1081, %swap3A_1082, %swap3A_1083], %swap3A_1086 {strides = array<i32>} : memref<2x64x128xf32, #tpu.memory_space<vmem>>, vector<1x1x16xf32>,
        %swap3A_1087 = arith.constant 1 : i32
        %swap3A_1088 = arith.index_cast %swap3A_1087 : i32 to index
        %swap3A_1089 = arith.index_cast %scan3A_637 : i32 to index
        %swap3A_1090 = arith.constant 176 : index
        %swap3A_1091 = tpu.vector_load %arg13[%swap3A_1088, %swap3A_1089, %swap3A_1090] {strides = array<i32>} : memref<2x8x512xf32, #tpu.memory_space<vmem>>, vector<1x1x16xf32>,
        %swap3A_1092 = vector.shape_cast %swap3A_1091 : vector<1x1x16xf32> to vector<16xf32>
        %swap3A_1093 = vector.shape_cast %max3A_1079 : vector<16xf32> to vector<1x1x16xf32>
        tpu.vector_store %arg13[%swap3A_1088, %swap3A_1089, %swap3A_1090], %swap3A_1093 {strides = array<i32>} : memref<2x8x512xf32, #tpu.memory_space<vmem>>, vector<1x1x16xf32>,
        %mul3A_1094 = arith.constant 8 : i32
        %mul3A_1095 = arith.muli %scan3A_637, %mul3A_1094 : i32
        %add3A_1096 = arith.constant 3 : i32
        %add3A_1097 = arith.addi %mul3A_1095, %add3A_1096 : i32
        %get3A_1098 = arith.constant 1 : i32
        %get3A_1099 = arith.index_cast %get3A_1098 : i32 to index
        %get3A_1100 = arith.index_cast %add3A_1097 : i32 to index
        %get3A_1101 = arith.constant 0 : index
        %get3A_1102 = tpu.vector_load %arg10[%get3A_1099, %get3A_1100, %get3A_1101] {strides = array<i32>} : memref<2x64x128xf32, #tpu.memory_space<vmem>>, vector<1x1x16xf32>,
        %get3A_1103 = vector.shape_cast %get3A_1102 : vector<1x1x16xf32> to vector<16xf32>
        %get3A_1104 = arith.constant 1 : i32
        %get3A_1105 = arith.index_cast %get3A_1104 : i32 to index
        %get3A_1106 = arith.index_cast %add3A_1097 : i32 to index
        %get3A_1107 = arith.constant 64 : index
        %get3A_1108 = tpu.vector_load %arg11[%get3A_1105, %get3A_1106, %get3A_1107] {strides = array<i32>} : memref<2x64x128xf32, #tpu.memory_space<vmem>>, vector<1x1x16xf32>,
        %get3A_1109 = vector.shape_cast %get3A_1108 : vector<1x1x16xf32> to vector<16xf32>
        %add3A_1110 = arith.addf %get3A_1103, %get3A_1109 : vector<16xf32>
        %get3A_1111 = arith.constant 1 : i32
        %get3A_1112 = arith.index_cast %get3A_1111 : i32 to index
        %get3A_1113 = arith.index_cast %scan3A_637 : i32 to index
        %get3A_1114 = arith.constant 192 : index
        %get3A_1115 = tpu.vector_load %arg12[%get3A_1112, %get3A_1113, %get3A_1114] {strides = array<i32>} : memref<2x8x512xf32, #tpu.memory_space<vmem>>, vector<1x1x16xf32>,
        %get3A_1116 = vector.shape_cast %get3A_1115 : vector<1x1x16xf32> to vector<16xf32>
        %add3A_1117 = arith.addf %add3A_1110, %get3A_1116 : vector<16xf32>
        %max3A_1118 = arith.constant 0.000000e+00 : f32
        %max3A_1119 = vector.broadcast %max3A_1118 : f32 to vector<16xf32>
        %max3A_1120 = arith.maximumf %add3A_1117, %max3A_1119 : vector<16xf32>
        %swap3A_1121 = arith.constant 1 : i32
        %swap3A_1122 = arith.index_cast %swap3A_1121 : i32 to index
        %swap3A_1123 = arith.index_cast %add3A_1097 : i32 to index
        %swap3A_1124 = arith.constant 0 : index
        %swap3A_1125 = tpu.vector_load %arg14[%swap3A_1122, %swap3A_1123, %swap3A_1124] {strides = array<i32>} : memref<2x64x128xf32, #tpu.memory_space<vmem>>, vector<1x1x16xf32>,
        %swap3A_1126 = vector.shape_cast %swap3A_1125 : vector<1x1x16xf32> to vector<16xf32>
        %swap3A_1127 = vector.shape_cast %max3A_1120 : vector<16xf32> to vector<1x1x16xf32>
        tpu.vector_store %arg14[%swap3A_1122, %swap3A_1123, %swap3A_1124], %swap3A_1127 {strides = array<i32>} : memref<2x64x128xf32, #tpu.memory_space<vmem>>, vector<1x1x16xf32>,
        %swap3A_1128 = arith.constant 1 : i32
        %swap3A_1129 = arith.index_cast %swap3A_1128 : i32 to index
        %swap3A_1130 = arith.index_cast %scan3A_637 : i32 to index
        %swap3A_1131 = arith.constant 192 : index
        %swap3A_1132 = tpu.vector_load %arg13[%swap3A_1129, %swap3A_1130, %swap3A_1131] {strides = array<i32>} : memref<2x8x512xf32, #tpu.memory_space<vmem>>, vector<1x1x16xf32>,
        %swap3A_1133 = vector.shape_cast %swap3A_1132 : vector<1x1x16xf32> to vector<16xf32>
        %swap3A_1134 = vector.shape_cast %max3A_1120 : vector<16xf32> to vector<1x1x16xf32>
        tpu.vector_store %arg13[%swap3A_1129, %swap3A_1130, %swap3A_1131], %swap3A_1134 {strides = array<i32>} : memref<2x8x512xf32, #tpu.memory_space<vmem>>, vector<1x1x16xf32>,
        %get3A_1135 = arith.constant 1 : i32
        %get3A_1136 = arith.index_cast %get3A_1135 : i32 to index
        %get3A_1137 = arith.index_cast %add3A_1097 : i32 to index
        %get3A_1138 = arith.constant 16 : index
        %get3A_1139 = tpu.vector_load %arg10[%get3A_1136, %get3A_1137, %get3A_1138] {strides = array<i32>} : memref<2x64x128xf32, #tpu.memory_space<vmem>>, vector<1x1x16xf32>,
        %get3A_1140 = vector.shape_cast %get3A_1139 : vector<1x1x16xf32> to vector<16xf32>
        %get3A_1141 = arith.constant 1 : i32
        %get3A_1142 = arith.index_cast %get3A_1141 : i32 to index
        %get3A_1143 = arith.index_cast %add3A_1097 : i32 to index
        %get3A_1144 = arith.constant 80 : index
        %get3A_1145 = tpu.vector_load %arg11[%get3A_1142, %get3A_1143, %get3A_1144] {strides = array<i32>} : memref<2x64x128xf32, #tpu.memory_space<vmem>>, vector<1x1x16xf32>,
        %get3A_1146 = vector.shape_cast %get3A_1145 : vector<1x1x16xf32> to vector<16xf32>
        %add3A_1147 = arith.addf %get3A_1140, %get3A_1146 : vector<16xf32>
        %get3A_1148 = arith.constant 1 : i32
        %get3A_1149 = arith.index_cast %get3A_1148 : i32 to index
        %get3A_1150 = arith.index_cast %scan3A_637 : i32 to index
        %get3A_1151 = arith.constant 208 : index
        %get3A_1152 = tpu.vector_load %arg12[%get3A_1149, %get3A_1150, %get3A_1151] {strides = array<i32>} : memref<2x8x512xf32, #tpu.memory_space<vmem>>, vector<1x1x16xf32>,
        %get3A_1153 = vector.shape_cast %get3A_1152 : vector<1x1x16xf32> to vector<16xf32>
        %add3A_1154 = arith.addf %add3A_1147, %get3A_1153 : vector<16xf32>
        %max3A_1155 = arith.constant 0.000000e+00 : f32
        %max3A_1156 = vector.broadcast %max3A_1155 : f32 to vector<16xf32>
        %max3A_1157 = arith.maximumf %add3A_1154, %max3A_1156 : vector<16xf32>
        %swap3A_1158 = arith.constant 1 : i32
        %swap3A_1159 = arith.index_cast %swap3A_1158 : i32 to index
        %swap3A_1160 = arith.index_cast %add3A_1097 : i32 to index
        %swap3A_1161 = arith.constant 16 : index
        %swap3A_1162 = tpu.vector_load %arg14[%swap3A_1159, %swap3A_1160, %swap3A_1161] {strides = array<i32>} : memref<2x64x128xf32, #tpu.memory_space<vmem>>, vector<1x1x16xf32>,
        %swap3A_1163 = vector.shape_cast %swap3A_1162 : vector<1x1x16xf32> to vector<16xf32>
        %swap3A_1164 = vector.shape_cast %max3A_1157 : vector<16xf32> to vector<1x1x16xf32>
        tpu.vector_store %arg14[%swap3A_1159, %swap3A_1160, %swap3A_1161], %swap3A_1164 {strides = array<i32>} : memref<2x64x128xf32, #tpu.memory_space<vmem>>, vector<1x1x16xf32>,
        %swap3A_1165 = arith.constant 1 : i32
        %swap3A_1166 = arith.index_cast %swap3A_1165 : i32 to index
        %swap3A_1167 = arith.index_cast %scan3A_637 : i32 to index
        %swap3A_1168 = arith.constant 208 : index
        %swap3A_1169 = tpu.vector_load %arg13[%swap3A_1166, %swap3A_1167, %swap3A_1168] {strides = array<i32>} : memref<2x8x512xf32, #tpu.memory_space<vmem>>, vector<1x1x16xf32>,
        %swap3A_1170 = vector.shape_cast %swap3A_1169 : vector<1x1x16xf32> to vector<16xf32>
        %swap3A_1171 = vector.shape_cast %max3A_1157 : vector<16xf32> to vector<1x1x16xf32>
        tpu.vector_store %arg13[%swap3A_1166, %swap3A_1167, %swap3A_1168], %swap3A_1171 {strides = array<i32>} : memref<2x8x512xf32, #tpu.memory_space<vmem>>, vector<1x1x16xf32>,
        %get3A_1172 = arith.constant 1 : i32
        %get3A_1173 = arith.index_cast %get3A_1172 : i32 to index
        %get3A_1174 = arith.index_cast %add3A_1097 : i32 to index
        %get3A_1175 = arith.constant 32 : index
        %get3A_1176 = tpu.vector_load %arg10[%get3A_1173, %get3A_1174, %get3A_1175] {strides = array<i32>} : memref<2x64x128xf32, #tpu.memory_space<vmem>>, vector<1x1x16xf32>,
        %get3A_1177 = vector.shape_cast %get3A_1176 : vector<1x1x16xf32> to vector<16xf32>
        %get3A_1178 = arith.constant 1 : i32
        %get3A_1179 = arith.index_cast %get3A_1178 : i32 to index
        %get3A_1180 = arith.index_cast %add3A_1097 : i32 to index
        %get3A_1181 = arith.constant 96 : index
        %get3A_1182 = tpu.vector_load %arg11[%get3A_1179, %get3A_1180, %get3A_1181] {strides = array<i32>} : memref<2x64x128xf32, #tpu.memory_space<vmem>>, vector<1x1x16xf32>,
        %get3A_1183 = vector.shape_cast %get3A_1182 : vector<1x1x16xf32> to vector<16xf32>
        %add3A_1184 = arith.addf %get3A_1177, %get3A_1183 : vector<16xf32>
        %get3A_1185 = arith.constant 1 : i32
        %get3A_1186 = arith.index_cast %get3A_1185 : i32 to index
        %get3A_1187 = arith.index_cast %scan3A_637 : i32 to index
        %get3A_1188 = arith.constant 224 : index
        %get3A_1189 = tpu.vector_load %arg12[%get3A_1186, %get3A_1187, %get3A_1188] {strides = array<i32>} : memref<2x8x512xf32, #tpu.memory_space<vmem>>, vector<1x1x16xf32>,
        %get3A_1190 = vector.shape_cast %get3A_1189 : vector<1x1x16xf32> to vector<16xf32>
        %add3A_1191 = arith.addf %add3A_1184, %get3A_1190 : vector<16xf32>
        %max3A_1192 = arith.constant 0.000000e+00 : f32
        %max3A_1193 = vector.broadcast %max3A_1192 : f32 to vector<16xf32>
        %max3A_1194 = arith.maximumf %add3A_1191, %max3A_1193 : vector<16xf32>
        %swap3A_1195 = arith.constant 1 : i32
        %swap3A_1196 = arith.index_cast %swap3A_1195 : i32 to index
        %swap3A_1197 = arith.index_cast %add3A_1097 : i32 to index
        %swap3A_1198 = arith.constant 32 : index
        %swap3A_1199 = tpu.vector_load %arg14[%swap3A_1196, %swap3A_1197, %swap3A_1198] {strides = array<i32>} : memref<2x64x128xf32, #tpu.memory_space<vmem>>, vector<1x1x16xf32>,
        %swap3A_1200 = vector.shape_cast %swap3A_1199 : vector<1x1x16xf32> to vector<16xf32>
        %swap3A_1201 = vector.shape_cast %max3A_1194 : vector<16xf32> to vector<1x1x16xf32>
        tpu.vector_store %arg14[%swap3A_1196, %swap3A_1197, %swap3A_1198], %swap3A_1201 {strides = array<i32>} : memref<2x64x128xf32, #tpu.memory_space<vmem>>, vector<1x1x16xf32>,
        %swap3A_1202 = arith.constant 1 : i32
        %swap3A_1203 = arith.index_cast %swap3A_1202 : i32 to index
        %swap3A_1204 = arith.index_cast %scan3A_637 : i32 to index
        %swap3A_1205 = arith.constant 224 : index
        %swap3A_1206 = tpu.vector_load %arg13[%swap3A_1203, %swap3A_1204, %swap3A_1205] {strides = array<i32>} : memref<2x8x512xf32, #tpu.memory_space<vmem>>, vector<1x1x16xf32>,
        %swap3A_1207 = vector.shape_cast %swap3A_1206 : vector<1x1x16xf32> to vector<16xf32>
        %swap3A_1208 = vector.shape_cast %max3A_1194 : vector<16xf32> to vector<1x1x16xf32>
        tpu.vector_store %arg13[%swap3A_1203, %swap3A_1204, %swap3A_1205], %swap3A_1208 {strides = array<i32>} : memref<2x8x512xf32, #tpu.memory_space<vmem>>, vector<1x1x16xf32>,
        %get3A_1209 = arith.constant 1 : i32
        %get3A_1210 = arith.index_cast %get3A_1209 : i32 to index
        %get3A_1211 = arith.index_cast %add3A_1097 : i32 to index
        %get3A_1212 = arith.constant 48 : index
        %get3A_1213 = tpu.vector_load %arg10[%get3A_1210, %get3A_1211, %get3A_1212] {strides = array<i32>} : memref<2x64x128xf32, #tpu.memory_space<vmem>>, vector<1x1x16xf32>,
        %get3A_1214 = vector.shape_cast %get3A_1213 : vector<1x1x16xf32> to vector<16xf32>
        %get3A_1215 = arith.constant 1 : i32
        %get3A_1216 = arith.index_cast %get3A_1215 : i32 to index
        %get3A_1217 = arith.index_cast %add3A_1097 : i32 to index
        %get3A_1218 = arith.constant 112 : index
        %get3A_1219 = tpu.vector_load %arg11[%get3A_1216, %get3A_1217, %get3A_1218] {strides = array<i32>} : memref<2x64x128xf32, #tpu.memory_space<vmem>>, vector<1x1x16xf32>,
        %get3A_1220 = vector.shape_cast %get3A_1219 : vector<1x1x16xf32> to vector<16xf32>
        %add3A_1221 = arith.addf %get3A_1214, %get3A_1220 : vector<16xf32>
        %get3A_1222 = arith.constant 1 : i32
        %get3A_1223 = arith.index_cast %get3A_1222 : i32 to index
        %get3A_1224 = arith.index_cast %scan3A_637 : i32 to index
        %get3A_1225 = arith.constant 240 : index
        %get3A_1226 = tpu.vector_load %arg12[%get3A_1223, %get3A_1224, %get3A_1225] {strides = array<i32>} : memref<2x8x512xf32, #tpu.memory_space<vmem>>, vector<1x1x16xf32>,
        %get3A_1227 = vector.shape_cast %get3A_1226 : vector<1x1x16xf32> to vector<16xf32>
        %add3A_1228 = arith.addf %add3A_1221, %get3A_1227 : vector<16xf32>
        %max3A_1229 = arith.constant 0.000000e+00 : f32
        %max3A_1230 = vector.broadcast %max3A_1229 : f32 to vector<16xf32>
        %max3A_1231 = arith.maximumf %add3A_1228, %max3A_1230 : vector<16xf32>
        %swap3A_1232 = arith.constant 1 : i32
        %swap3A_1233 = arith.index_cast %swap3A_1232 : i32 to index
        %swap3A_1234 = arith.index_cast %add3A_1097 : i32 to index
        %swap3A_1235 = arith.constant 48 : index
        %swap3A_1236 = tpu.vector_load %arg14[%swap3A_1233, %swap3A_1234, %swap3A_1235] {strides = array<i32>} : memref<2x64x128xf32, #tpu.memory_space<vmem>>, vector<1x1x16xf32>,
        %swap3A_1237 = vector.shape_cast %swap3A_1236 : vector<1x1x16xf32> to vector<16xf32>
        %swap3A_1238 = vector.shape_cast %max3A_1231 : vector<16xf32> to vector<1x1x16xf32>
        tpu.vector_store %arg14[%swap3A_1233, %swap3A_1234, %swap3A_1235], %swap3A_1238 {strides = array<i32>} : memref<2x64x128xf32, #tpu.memory_space<vmem>>, vector<1x1x16xf32>,
        %swap3A_1239 = arith.constant 1 : i32
        %swap3A_1240 = arith.index_cast %swap3A_1239 : i32 to index
        %swap3A_1241 = arith.index_cast %scan3A_637 : i32 to index
        %swap3A_1242 = arith.constant 240 : index
        %swap3A_1243 = tpu.vector_load %arg13[%swap3A_1240, %swap3A_1241, %swap3A_1242] {strides = array<i32>} : memref<2x8x512xf32, #tpu.memory_space<vmem>>, vector<1x1x16xf32>,
        %swap3A_1244 = vector.shape_cast %swap3A_1243 : vector<1x1x16xf32> to vector<16xf32>
        %swap3A_1245 = vector.shape_cast %max3A_1231 : vector<16xf32> to vector<1x1x16xf32>
        tpu.vector_store %arg13[%swap3A_1240, %swap3A_1241, %swap3A_1242], %swap3A_1245 {strides = array<i32>} : memref<2x8x512xf32, #tpu.memory_space<vmem>>, vector<1x1x16xf32>,
        %mul3A_1246 = arith.constant 8 : i32
        %mul3A_1247 = arith.muli %scan3A_637, %mul3A_1246 : i32
        %add3A_1248 = arith.constant 4 : i32
        %add3A_1249 = arith.addi %mul3A_1247, %add3A_1248 : i32
        %get3A_1250 = arith.constant 1 : i32
        %get3A_1251 = arith.index_cast %get3A_1250 : i32 to index
        %get3A_1252 = arith.index_cast %add3A_1249 : i32 to index
        %get3A_1253 = arith.constant 0 : index
        %get3A_1254 = tpu.vector_load %arg10[%get3A_1251, %get3A_1252, %get3A_1253] {strides = array<i32>} : memref<2x64x128xf32, #tpu.memory_space<vmem>>, vector<1x1x16xf32>,
        %get3A_1255 = vector.shape_cast %get3A_1254 : vector<1x1x16xf32> to vector<16xf32>
        %get3A_1256 = arith.constant 1 : i32
        %get3A_1257 = arith.index_cast %get3A_1256 : i32 to index
        %get3A_1258 = arith.index_cast %add3A_1249 : i32 to index
        %get3A_1259 = arith.constant 64 : index
        %get3A_1260 = tpu.vector_load %arg11[%get3A_1257, %get3A_1258, %get3A_1259] {strides = array<i32>} : memref<2x64x128xf32, #tpu.memory_space<vmem>>, vector<1x1x16xf32>,
        %get3A_1261 = vector.shape_cast %get3A_1260 : vector<1x1x16xf32> to vector<16xf32>
        %add3A_1262 = arith.addf %get3A_1255, %get3A_1261 : vector<16xf32>
        %get3A_1263 = arith.constant 1 : i32
        %get3A_1264 = arith.index_cast %get3A_1263 : i32 to index
        %get3A_1265 = arith.index_cast %scan3A_637 : i32 to index
        %get3A_1266 = arith.constant 256 : index
        %get3A_1267 = tpu.vector_load %arg12[%get3A_1264, %get3A_1265, %get3A_1266] {strides = array<i32>} : memref<2x8x512xf32, #tpu.memory_space<vmem>>, vector<1x1x16xf32>,
        %get3A_1268 = vector.shape_cast %get3A_1267 : vector<1x1x16xf32> to vector<16xf32>
        %add3A_1269 = arith.addf %add3A_1262, %get3A_1268 : vector<16xf32>
        %max3A_1270 = arith.constant 0.000000e+00 : f32
        %max3A_1271 = vector.broadcast %max3A_1270 : f32 to vector<16xf32>
        %max3A_1272 = arith.maximumf %add3A_1269, %max3A_1271 : vector<16xf32>
        %swap3A_1273 = arith.constant 1 : i32
        %swap3A_1274 = arith.index_cast %swap3A_1273 : i32 to index
        %swap3A_1275 = arith.index_cast %add3A_1249 : i32 to index
        %swap3A_1276 = arith.constant 0 : index
        %swap3A_1277 = tpu.vector_load %arg14[%swap3A_1274, %swap3A_1275, %swap3A_1276] {strides = array<i32>} : memref<2x64x128xf32, #tpu.memory_space<vmem>>, vector<1x1x16xf32>,
        %swap3A_1278 = vector.shape_cast %swap3A_1277 : vector<1x1x16xf32> to vector<16xf32>
        %swap3A_1279 = vector.shape_cast %max3A_1272 : vector<16xf32> to vector<1x1x16xf32>
        tpu.vector_store %arg14[%swap3A_1274, %swap3A_1275, %swap3A_1276], %swap3A_1279 {strides = array<i32>} : memref<2x64x128xf32, #tpu.memory_space<vmem>>, vector<1x1x16xf32>,
        %swap3A_1280 = arith.constant 1 : i32
        %swap3A_1281 = arith.index_cast %swap3A_1280 : i32 to index
        %swap3A_1282 = arith.index_cast %scan3A_637 : i32 to index
        %swap3A_1283 = arith.constant 256 : index
        %swap3A_1284 = tpu.vector_load %arg13[%swap3A_1281, %swap3A_1282, %swap3A_1283] {strides = array<i32>} : memref<2x8x512xf32, #tpu.memory_space<vmem>>, vector<1x1x16xf32>,
        %swap3A_1285 = vector.shape_cast %swap3A_1284 : vector<1x1x16xf32> to vector<16xf32>
        %swap3A_1286 = vector.shape_cast %max3A_1272 : vector<16xf32> to vector<1x1x16xf32>
        tpu.vector_store %arg13[%swap3A_1281, %swap3A_1282, %swap3A_1283], %swap3A_1286 {strides = array<i32>} : memref<2x8x512xf32, #tpu.memory_space<vmem>>, vector<1x1x16xf32>,
        %get3A_1287 = arith.constant 1 : i32
        %get3A_1288 = arith.index_cast %get3A_1287 : i32 to index
        %get3A_1289 = arith.index_cast %add3A_1249 : i32 to index
        %get3A_1290 = arith.constant 16 : index
        %get3A_1291 = tpu.vector_load %arg10[%get3A_1288, %get3A_1289, %get3A_1290] {strides = array<i32>} : memref<2x64x128xf32, #tpu.memory_space<vmem>>, vector<1x1x16xf32>,
        %get3A_1292 = vector.shape_cast %get3A_1291 : vector<1x1x16xf32> to vector<16xf32>
        %get3A_1293 = arith.constant 1 : i32
        %get3A_1294 = arith.index_cast %get3A_1293 : i32 to index
        %get3A_1295 = arith.index_cast %add3A_1249 : i32 to index
        %get3A_1296 = arith.constant 80 : index
        %get3A_1297 = tpu.vector_load %arg11[%get3A_1294, %get3A_1295, %get3A_1296] {strides = array<i32>} : memref<2x64x128xf32, #tpu.memory_space<vmem>>, vector<1x1x16xf32>,
        %get3A_1298 = vector.shape_cast %get3A_1297 : vector<1x1x16xf32> to vector<16xf32>
        %add3A_1299 = arith.addf %get3A_1292, %get3A_1298 : vector<16xf32>
        %get3A_1300 = arith.constant 1 : i32
        %get3A_1301 = arith.index_cast %get3A_1300 : i32 to index
        %get3A_1302 = arith.index_cast %scan3A_637 : i32 to index
        %get3A_1303 = arith.constant 272 : index
        %get3A_1304 = tpu.vector_load %arg12[%get3A_1301, %get3A_1302, %get3A_1303] {strides = array<i32>} : memref<2x8x512xf32, #tpu.memory_space<vmem>>, vector<1x1x16xf32>,
        %get3A_1305 = vector.shape_cast %get3A_1304 : vector<1x1x16xf32> to vector<16xf32>
        %add3A_1306 = arith.addf %add3A_1299, %get3A_1305 : vector<16xf32>
        %max3A_1307 = arith.constant 0.000000e+00 : f32
        %max3A_1308 = vector.broadcast %max3A_1307 : f32 to vector<16xf32>
        %max3A_1309 = arith.maximumf %add3A_1306, %max3A_1308 : vector<16xf32>
        %swap3A_1310 = arith.constant 1 : i32
        %swap3A_1311 = arith.index_cast %swap3A_1310 : i32 to index
        %swap3A_1312 = arith.index_cast %add3A_1249 : i32 to index
        %swap3A_1313 = arith.constant 16 : index
        %swap3A_1314 = tpu.vector_load %arg14[%swap3A_1311, %swap3A_1312, %swap3A_1313] {strides = array<i32>} : memref<2x64x128xf32, #tpu.memory_space<vmem>>, vector<1x1x16xf32>,
        %swap3A_1315 = vector.shape_cast %swap3A_1314 : vector<1x1x16xf32> to vector<16xf32>
        %swap3A_1316 = vector.shape_cast %max3A_1309 : vector<16xf32> to vector<1x1x16xf32>
        tpu.vector_store %arg14[%swap3A_1311, %swap3A_1312, %swap3A_1313], %swap3A_1316 {strides = array<i32>} : memref<2x64x128xf32, #tpu.memory_space<vmem>>, vector<1x1x16xf32>,
        %swap3A_1317 = arith.constant 1 : i32
        %swap3A_1318 = arith.index_cast %swap3A_1317 : i32 to index
        %swap3A_1319 = arith.index_cast %scan3A_637 : i32 to index
        %swap3A_1320 = arith.constant 272 : index
        %swap3A_1321 = tpu.vector_load %arg13[%swap3A_1318, %swap3A_1319, %swap3A_1320] {strides = array<i32>} : memref<2x8x512xf32, #tpu.memory_space<vmem>>, vector<1x1x16xf32>,
        %swap3A_1322 = vector.shape_cast %swap3A_1321 : vector<1x1x16xf32> to vector<16xf32>
        %swap3A_1323 = vector.shape_cast %max3A_1309 : vector<16xf32> to vector<1x1x16xf32>
        tpu.vector_store %arg13[%swap3A_1318, %swap3A_1319, %swap3A_1320], %swap3A_1323 {strides = array<i32>} : memref<2x8x512xf32, #tpu.memory_space<vmem>>, vector<1x1x16xf32>,
        %get3A_1324 = arith.constant 1 : i32
        %get3A_1325 = arith.index_cast %get3A_1324 : i32 to index
        %get3A_1326 = arith.index_cast %add3A_1249 : i32 to index
        %get3A_1327 = arith.constant 32 : index
        %get3A_1328 = tpu.vector_load %arg10[%get3A_1325, %get3A_1326, %get3A_1327] {strides = array<i32>} : memref<2x64x128xf32, #tpu.memory_space<vmem>>, vector<1x1x16xf32>,
        %get3A_1329 = vector.shape_cast %get3A_1328 : vector<1x1x16xf32> to vector<16xf32>
        %get3A_1330 = arith.constant 1 : i32
        %get3A_1331 = arith.index_cast %get3A_1330 : i32 to index
        %get3A_1332 = arith.index_cast %add3A_1249 : i32 to index
        %get3A_1333 = arith.constant 96 : index
        %get3A_1334 = tpu.vector_load %arg11[%get3A_1331, %get3A_1332, %get3A_1333] {strides = array<i32>} : memref<2x64x128xf32, #tpu.memory_space<vmem>>, vector<1x1x16xf32>,
        %get3A_1335 = vector.shape_cast %get3A_1334 : vector<1x1x16xf32> to vector<16xf32>
        %add3A_1336 = arith.addf %get3A_1329, %get3A_1335 : vector<16xf32>
        %get3A_1337 = arith.constant 1 : i32
        %get3A_1338 = arith.index_cast %get3A_1337 : i32 to index
        %get3A_1339 = arith.index_cast %scan3A_637 : i32 to index
        %get3A_1340 = arith.constant 288 : index
        %get3A_1341 = tpu.vector_load %arg12[%get3A_1338, %get3A_1339, %get3A_1340] {strides = array<i32>} : memref<2x8x512xf32, #tpu.memory_space<vmem>>, vector<1x1x16xf32>,
        %get3A_1342 = vector.shape_cast %get3A_1341 : vector<1x1x16xf32> to vector<16xf32>
        %add3A_1343 = arith.addf %add3A_1336, %get3A_1342 : vector<16xf32>
        %max3A_1344 = arith.constant 0.000000e+00 : f32
        %max3A_1345 = vector.broadcast %max3A_1344 : f32 to vector<16xf32>
        %max3A_1346 = arith.maximumf %add3A_1343, %max3A_1345 : vector<16xf32>
        %swap3A_1347 = arith.constant 1 : i32
        %swap3A_1348 = arith.index_cast %swap3A_1347 : i32 to index
        %swap3A_1349 = arith.index_cast %add3A_1249 : i32 to index
        %swap3A_1350 = arith.constant 32 : index
        %swap3A_1351 = tpu.vector_load %arg14[%swap3A_1348, %swap3A_1349, %swap3A_1350] {strides = array<i32>} : memref<2x64x128xf32, #tpu.memory_space<vmem>>, vector<1x1x16xf32>,
        %swap3A_1352 = vector.shape_cast %swap3A_1351 : vector<1x1x16xf32> to vector<16xf32>
        %swap3A_1353 = vector.shape_cast %max3A_1346 : vector<16xf32> to vector<1x1x16xf32>
        tpu.vector_store %arg14[%swap3A_1348, %swap3A_1349, %swap3A_1350], %swap3A_1353 {strides = array<i32>} : memref<2x64x128xf32, #tpu.memory_space<vmem>>, vector<1x1x16xf32>,
        %swap3A_1354 = arith.constant 1 : i32
        %swap3A_1355 = arith.index_cast %swap3A_1354 : i32 to index
        %swap3A_1356 = arith.index_cast %scan3A_637 : i32 to index
        %swap3A_1357 = arith.constant 288 : index
        %swap3A_1358 = tpu.vector_load %arg13[%swap3A_1355, %swap3A_1356, %swap3A_1357] {strides = array<i32>} : memref<2x8x512xf32, #tpu.memory_space<vmem>>, vector<1x1x16xf32>,
        %swap3A_1359 = vector.shape_cast %swap3A_1358 : vector<1x1x16xf32> to vector<16xf32>
        %swap3A_1360 = vector.shape_cast %max3A_1346 : vector<16xf32> to vector<1x1x16xf32>
        tpu.vector_store %arg13[%swap3A_1355, %swap3A_1356, %swap3A_1357], %swap3A_1360 {strides = array<i32>} : memref<2x8x512xf32, #tpu.memory_space<vmem>>, vector<1x1x16xf32>,
        %get3A_1361 = arith.constant 1 : i32
        %get3A_1362 = arith.index_cast %get3A_1361 : i32 to index
        %get3A_1363 = arith.index_cast %add3A_1249 : i32 to index
        %get3A_1364 = arith.constant 48 : index
        %get3A_1365 = tpu.vector_load %arg10[%get3A_1362, %get3A_1363, %get3A_1364] {strides = array<i32>} : memref<2x64x128xf32, #tpu.memory_space<vmem>>, vector<1x1x16xf32>,
        %get3A_1366 = vector.shape_cast %get3A_1365 : vector<1x1x16xf32> to vector<16xf32>
        %get3A_1367 = arith.constant 1 : i32
        %get3A_1368 = arith.index_cast %get3A_1367 : i32 to index
        %get3A_1369 = arith.index_cast %add3A_1249 : i32 to index
        %get3A_1370 = arith.constant 112 : index
        %get3A_1371 = tpu.vector_load %arg11[%get3A_1368, %get3A_1369, %get3A_1370] {strides = array<i32>} : memref<2x64x128xf32, #tpu.memory_space<vmem>>, vector<1x1x16xf32>,
        %get3A_1372 = vector.shape_cast %get3A_1371 : vector<1x1x16xf32> to vector<16xf32>
        %add3A_1373 = arith.addf %get3A_1366, %get3A_1372 : vector<16xf32>
        %get3A_1374 = arith.constant 1 : i32
        %get3A_1375 = arith.index_cast %get3A_1374 : i32 to index
        %get3A_1376 = arith.index_cast %scan3A_637 : i32 to index
        %get3A_1377 = arith.constant 304 : index
        %get3A_1378 = tpu.vector_load %arg12[%get3A_1375, %get3A_1376, %get3A_1377] {strides = array<i32>} : memref<2x8x512xf32, #tpu.memory_space<vmem>>, vector<1x1x16xf32>,
        %get3A_1379 = vector.shape_cast %get3A_1378 : vector<1x1x16xf32> to vector<16xf32>
        %add3A_1380 = arith.addf %add3A_1373, %get3A_1379 : vector<16xf32>
        %max3A_1381 = arith.constant 0.000000e+00 : f32
        %max3A_1382 = vector.broadcast %max3A_1381 : f32 to vector<16xf32>
        %max3A_1383 = arith.maximumf %add3A_1380, %max3A_1382 : vector<16xf32>
        %swap3A_1384 = arith.constant 1 : i32
        %swap3A_1385 = arith.index_cast %swap3A_1384 : i32 to index
        %swap3A_1386 = arith.index_cast %add3A_1249 : i32 to index
        %swap3A_1387 = arith.constant 48 : index
        %swap3A_1388 = tpu.vector_load %arg14[%swap3A_1385, %swap3A_1386, %swap3A_1387] {strides = array<i32>} : memref<2x64x128xf32, #tpu.memory_space<vmem>>, vector<1x1x16xf32>,
        %swap3A_1389 = vector.shape_cast %swap3A_1388 : vector<1x1x16xf32> to vector<16xf32>
        %swap3A_1390 = vector.shape_cast %max3A_1383 : vector<16xf32> to vector<1x1x16xf32>
        tpu.vector_store %arg14[%swap3A_1385, %swap3A_1386, %swap3A_1387], %swap3A_1390 {strides = array<i32>} : memref<2x64x128xf32, #tpu.memory_space<vmem>>, vector<1x1x16xf32>,
        %swap3A_1391 = arith.constant 1 : i32
        %swap3A_1392 = arith.index_cast %swap3A_1391 : i32 to index
        %swap3A_1393 = arith.index_cast %scan3A_637 : i32 to index
        %swap3A_1394 = arith.constant 304 : index
        %swap3A_1395 = tpu.vector_load %arg13[%swap3A_1392, %swap3A_1393, %swap3A_1394] {strides = array<i32>} : memref<2x8x512xf32, #tpu.memory_space<vmem>>, vector<1x1x16xf32>,
        %swap3A_1396 = vector.shape_cast %swap3A_1395 : vector<1x1x16xf32> to vector<16xf32>
        %swap3A_1397 = vector.shape_cast %max3A_1383 : vector<16xf32> to vector<1x1x16xf32>
        tpu.vector_store %arg13[%swap3A_1392, %swap3A_1393, %swap3A_1394], %swap3A_1397 {strides = array<i32>} : memref<2x8x512xf32, #tpu.memory_space<vmem>>, vector<1x1x16xf32>,
        %mul3A_1398 = arith.constant 8 : i32
        %mul3A_1399 = arith.muli %scan3A_637, %mul3A_1398 : i32
        %add3A_1400 = arith.constant 5 : i32
        %add3A_1401 = arith.addi %mul3A_1399, %add3A_1400 : i32
        %get3A_1402 = arith.constant 1 : i32
        %get3A_1403 = arith.index_cast %get3A_1402 : i32 to index
        %get3A_1404 = arith.index_cast %add3A_1401 : i32 to index
        %get3A_1405 = arith.constant 0 : index
        %get3A_1406 = tpu.vector_load %arg10[%get3A_1403, %get3A_1404, %get3A_1405] {strides = array<i32>} : memref<2x64x128xf32, #tpu.memory_space<vmem>>, vector<1x1x16xf32>,
        %get3A_1407 = vector.shape_cast %get3A_1406 : vector<1x1x16xf32> to vector<16xf32>
        %get3A_1408 = arith.constant 1 : i32
        %get3A_1409 = arith.index_cast %get3A_1408 : i32 to index
        %get3A_1410 = arith.index_cast %add3A_1401 : i32 to index
        %get3A_1411 = arith.constant 64 : index
        %get3A_1412 = tpu.vector_load %arg11[%get3A_1409, %get3A_1410, %get3A_1411] {strides = array<i32>} : memref<2x64x128xf32, #tpu.memory_space<vmem>>, vector<1x1x16xf32>,
        %get3A_1413 = vector.shape_cast %get3A_1412 : vector<1x1x16xf32> to vector<16xf32>
        %add3A_1414 = arith.addf %get3A_1407, %get3A_1413 : vector<16xf32>
        %get3A_1415 = arith.constant 1 : i32
        %get3A_1416 = arith.index_cast %get3A_1415 : i32 to index
        %get3A_1417 = arith.index_cast %scan3A_637 : i32 to index
        %get3A_1418 = arith.constant 320 : index
        %get3A_1419 = tpu.vector_load %arg12[%get3A_1416, %get3A_1417, %get3A_1418] {strides = array<i32>} : memref<2x8x512xf32, #tpu.memory_space<vmem>>, vector<1x1x16xf32>,
        %get3A_1420 = vector.shape_cast %get3A_1419 : vector<1x1x16xf32> to vector<16xf32>
        %add3A_1421 = arith.addf %add3A_1414, %get3A_1420 : vector<16xf32>
        %max3A_1422 = arith.constant 0.000000e+00 : f32
        %max3A_1423 = vector.broadcast %max3A_1422 : f32 to vector<16xf32>
        %max3A_1424 = arith.maximumf %add3A_1421, %max3A_1423 : vector<16xf32>
        %swap3A_1425 = arith.constant 1 : i32
        %swap3A_1426 = arith.index_cast %swap3A_1425 : i32 to index
        %swap3A_1427 = arith.index_cast %add3A_1401 : i32 to index
        %swap3A_1428 = arith.constant 0 : index
        %swap3A_1429 = tpu.vector_load %arg14[%swap3A_1426, %swap3A_1427, %swap3A_1428] {strides = array<i32>} : memref<2x64x128xf32, #tpu.memory_space<vmem>>, vector<1x1x16xf32>,
        %swap3A_1430 = vector.shape_cast %swap3A_1429 : vector<1x1x16xf32> to vector<16xf32>
        %swap3A_1431 = vector.shape_cast %max3A_1424 : vector<16xf32> to vector<1x1x16xf32>
        tpu.vector_store %arg14[%swap3A_1426, %swap3A_1427, %swap3A_1428], %swap3A_1431 {strides = array<i32>} : memref<2x64x128xf32, #tpu.memory_space<vmem>>, vector<1x1x16xf32>,
        %swap3A_1432 = arith.constant 1 : i32
        %swap3A_1433 = arith.index_cast %swap3A_1432 : i32 to index
        %swap3A_1434 = arith.index_cast %scan3A_637 : i32 to index
        %swap3A_1435 = arith.constant 320 : index
        %swap3A_1436 = tpu.vector_load %arg13[%swap3A_1433, %swap3A_1434, %swap3A_1435] {strides = array<i32>} : memref<2x8x512xf32, #tpu.memory_space<vmem>>, vector<1x1x16xf32>,
        %swap3A_1437 = vector.shape_cast %swap3A_1436 : vector<1x1x16xf32> to vector<16xf32>
        %swap3A_1438 = vector.shape_cast %max3A_1424 : vector<16xf32> to vector<1x1x16xf32>
        tpu.vector_store %arg13[%swap3A_1433, %swap3A_1434, %swap3A_1435], %swap3A_1438 {strides = array<i32>} : memref<2x8x512xf32, #tpu.memory_space<vmem>>, vector<1x1x16xf32>,
        %get3A_1439 = arith.constant 1 : i32
        %get3A_1440 = arith.index_cast %get3A_1439 : i32 to index
        %get3A_1441 = arith.index_cast %add3A_1401 : i32 to index
        %get3A_1442 = arith.constant 16 : index
        %get3A_1443 = tpu.vector_load %arg10[%get3A_1440, %get3A_1441, %get3A_1442] {strides = array<i32>} : memref<2x64x128xf32, #tpu.memory_space<vmem>>, vector<1x1x16xf32>,
        %get3A_1444 = vector.shape_cast %get3A_1443 : vector<1x1x16xf32> to vector<16xf32>
        %get3A_1445 = arith.constant 1 : i32
        %get3A_1446 = arith.index_cast %get3A_1445 : i32 to index
        %get3A_1447 = arith.index_cast %add3A_1401 : i32 to index
        %get3A_1448 = arith.constant 80 : index
        %get3A_1449 = tpu.vector_load %arg11[%get3A_1446, %get3A_1447, %get3A_1448] {strides = array<i32>} : memref<2x64x128xf32, #tpu.memory_space<vmem>>, vector<1x1x16xf32>,
        %get3A_1450 = vector.shape_cast %get3A_1449 : vector<1x1x16xf32> to vector<16xf32>
        %add3A_1451 = arith.addf %get3A_1444, %get3A_1450 : vector<16xf32>
        %get3A_1452 = arith.constant 1 : i32
        %get3A_1453 = arith.index_cast %get3A_1452 : i32 to index
        %get3A_1454 = arith.index_cast %scan3A_637 : i32 to index
        %get3A_1455 = arith.constant 336 : index
        %get3A_1456 = tpu.vector_load %arg12[%get3A_1453, %get3A_1454, %get3A_1455] {strides = array<i32>} : memref<2x8x512xf32, #tpu.memory_space<vmem>>, vector<1x1x16xf32>,
        %get3A_1457 = vector.shape_cast %get3A_1456 : vector<1x1x16xf32> to vector<16xf32>
        %add3A_1458 = arith.addf %add3A_1451, %get3A_1457 : vector<16xf32>
        %max3A_1459 = arith.constant 0.000000e+00 : f32
        %max3A_1460 = vector.broadcast %max3A_1459 : f32 to vector<16xf32>
        %max3A_1461 = arith.maximumf %add3A_1458, %max3A_1460 : vector<16xf32>
        %swap3A_1462 = arith.constant 1 : i32
        %swap3A_1463 = arith.index_cast %swap3A_1462 : i32 to index
        %swap3A_1464 = arith.index_cast %add3A_1401 : i32 to index
        %swap3A_1465 = arith.constant 16 : index
        %swap3A_1466 = tpu.vector_load %arg14[%swap3A_1463, %swap3A_1464, %swap3A_1465] {strides = array<i32>} : memref<2x64x128xf32, #tpu.memory_space<vmem>>, vector<1x1x16xf32>,
        %swap3A_1467 = vector.shape_cast %swap3A_1466 : vector<1x1x16xf32> to vector<16xf32>
        %swap3A_1468 = vector.shape_cast %max3A_1461 : vector<16xf32> to vector<1x1x16xf32>
        tpu.vector_store %arg14[%swap3A_1463, %swap3A_1464, %swap3A_1465], %swap3A_1468 {strides = array<i32>} : memref<2x64x128xf32, #tpu.memory_space<vmem>>, vector<1x1x16xf32>,
        %swap3A_1469 = arith.constant 1 : i32
        %swap3A_1470 = arith.index_cast %swap3A_1469 : i32 to index
        %swap3A_1471 = arith.index_cast %scan3A_637 : i32 to index
        %swap3A_1472 = arith.constant 336 : index
        %swap3A_1473 = tpu.vector_load %arg13[%swap3A_1470, %swap3A_1471, %swap3A_1472] {strides = array<i32>} : memref<2x8x512xf32, #tpu.memory_space<vmem>>, vector<1x1x16xf32>,
        %swap3A_1474 = vector.shape_cast %swap3A_1473 : vector<1x1x16xf32> to vector<16xf32>
        %swap3A_1475 = vector.shape_cast %max3A_1461 : vector<16xf32> to vector<1x1x16xf32>
        tpu.vector_store %arg13[%swap3A_1470, %swap3A_1471, %swap3A_1472], %swap3A_1475 {strides = array<i32>} : memref<2x8x512xf32, #tpu.memory_space<vmem>>, vector<1x1x16xf32>,
        %get3A_1476 = arith.constant 1 : i32
        %get3A_1477 = arith.index_cast %get3A_1476 : i32 to index
        %get3A_1478 = arith.index_cast %add3A_1401 : i32 to index
        %get3A_1479 = arith.constant 32 : index
        %get3A_1480 = tpu.vector_load %arg10[%get3A_1477, %get3A_1478, %get3A_1479] {strides = array<i32>} : memref<2x64x128xf32, #tpu.memory_space<vmem>>, vector<1x1x16xf32>,
        %get3A_1481 = vector.shape_cast %get3A_1480 : vector<1x1x16xf32> to vector<16xf32>
        %get3A_1482 = arith.constant 1 : i32
        %get3A_1483 = arith.index_cast %get3A_1482 : i32 to index
        %get3A_1484 = arith.index_cast %add3A_1401 : i32 to index
        %get3A_1485 = arith.constant 96 : index
        %get3A_1486 = tpu.vector_load %arg11[%get3A_1483, %get3A_1484, %get3A_1485] {strides = array<i32>} : memref<2x64x128xf32, #tpu.memory_space<vmem>>, vector<1x1x16xf32>,
        %get3A_1487 = vector.shape_cast %get3A_1486 : vector<1x1x16xf32> to vector<16xf32>
        %add3A_1488 = arith.addf %get3A_1481, %get3A_1487 : vector<16xf32>
        %get3A_1489 = arith.constant 1 : i32
        %get3A_1490 = arith.index_cast %get3A_1489 : i32 to index
        %get3A_1491 = arith.index_cast %scan3A_637 : i32 to index
        %get3A_1492 = arith.constant 352 : index
        %get3A_1493 = tpu.vector_load %arg12[%get3A_1490, %get3A_1491, %get3A_1492] {strides = array<i32>} : memref<2x8x512xf32, #tpu.memory_space<vmem>>, vector<1x1x16xf32>,
        %get3A_1494 = vector.shape_cast %get3A_1493 : vector<1x1x16xf32> to vector<16xf32>
        %add3A_1495 = arith.addf %add3A_1488, %get3A_1494 : vector<16xf32>
        %max3A_1496 = arith.constant 0.000000e+00 : f32
        %max3A_1497 = vector.broadcast %max3A_1496 : f32 to vector<16xf32>
        %max3A_1498 = arith.maximumf %add3A_1495, %max3A_1497 : vector<16xf32>
        %swap3A_1499 = arith.constant 1 : i32
        %swap3A_1500 = arith.index_cast %swap3A_1499 : i32 to index
        %swap3A_1501 = arith.index_cast %add3A_1401 : i32 to index
        %swap3A_1502 = arith.constant 32 : index
        %swap3A_1503 = tpu.vector_load %arg14[%swap3A_1500, %swap3A_1501, %swap3A_1502] {strides = array<i32>} : memref<2x64x128xf32, #tpu.memory_space<vmem>>, vector<1x1x16xf32>,
        %swap3A_1504 = vector.shape_cast %swap3A_1503 : vector<1x1x16xf32> to vector<16xf32>
        %swap3A_1505 = vector.shape_cast %max3A_1498 : vector<16xf32> to vector<1x1x16xf32>
        tpu.vector_store %arg14[%swap3A_1500, %swap3A_1501, %swap3A_1502], %swap3A_1505 {strides = array<i32>} : memref<2x64x128xf32, #tpu.memory_space<vmem>>, vector<1x1x16xf32>,
        %swap3A_1506 = arith.constant 1 : i32
        %swap3A_1507 = arith.index_cast %swap3A_1506 : i32 to index
        %swap3A_1508 = arith.index_cast %scan3A_637 : i32 to index
        %swap3A_1509 = arith.constant 352 : index
        %swap3A_1510 = tpu.vector_load %arg13[%swap3A_1507, %swap3A_1508, %swap3A_1509] {strides = array<i32>} : memref<2x8x512xf32, #tpu.memory_space<vmem>>, vector<1x1x16xf32>,
        %swap3A_1511 = vector.shape_cast %swap3A_1510 : vector<1x1x16xf32> to vector<16xf32>
        %swap3A_1512 = vector.shape_cast %max3A_1498 : vector<16xf32> to vector<1x1x16xf32>
        tpu.vector_store %arg13[%swap3A_1507, %swap3A_1508, %swap3A_1509], %swap3A_1512 {strides = array<i32>} : memref<2x8x512xf32, #tpu.memory_space<vmem>>, vector<1x1x16xf32>,
        %get3A_1513 = arith.constant 1 : i32
        %get3A_1514 = arith.index_cast %get3A_1513 : i32 to index
        %get3A_1515 = arith.index_cast %add3A_1401 : i32 to index
        %get3A_1516 = arith.constant 48 : index
        %get3A_1517 = tpu.vector_load %arg10[%get3A_1514, %get3A_1515, %get3A_1516] {strides = array<i32>} : memref<2x64x128xf32, #tpu.memory_space<vmem>>, vector<1x1x16xf32>,
        %get3A_1518 = vector.shape_cast %get3A_1517 : vector<1x1x16xf32> to vector<16xf32>
        %get3A_1519 = arith.constant 1 : i32
        %get3A_1520 = arith.index_cast %get3A_1519 : i32 to index
        %get3A_1521 = arith.index_cast %add3A_1401 : i32 to index
        %get3A_1522 = arith.constant 112 : index
        %get3A_1523 = tpu.vector_load %arg11[%get3A_1520, %get3A_1521, %get3A_1522] {strides = array<i32>} : memref<2x64x128xf32, #tpu.memory_space<vmem>>, vector<1x1x16xf32>,
        %get3A_1524 = vector.shape_cast %get3A_1523 : vector<1x1x16xf32> to vector<16xf32>
        %add3A_1525 = arith.addf %get3A_1518, %get3A_1524 : vector<16xf32>
        %get3A_1526 = arith.constant 1 : i32
        %get3A_1527 = arith.index_cast %get3A_1526 : i32 to index
        %get3A_1528 = arith.index_cast %scan3A_637 : i32 to index
        %get3A_1529 = arith.constant 368 : index
        %get3A_1530 = tpu.vector_load %arg12[%get3A_1527, %get3A_1528, %get3A_1529] {strides = array<i32>} : memref<2x8x512xf32, #tpu.memory_space<vmem>>, vector<1x1x16xf32>,
        %get3A_1531 = vector.shape_cast %get3A_1530 : vector<1x1x16xf32> to vector<16xf32>
        %add3A_1532 = arith.addf %add3A_1525, %get3A_1531 : vector<16xf32>
        %max3A_1533 = arith.constant 0.000000e+00 : f32
        %max3A_1534 = vector.broadcast %max3A_1533 : f32 to vector<16xf32>
        %max3A_1535 = arith.maximumf %add3A_1532, %max3A_1534 : vector<16xf32>
        %swap3A_1536 = arith.constant 1 : i32
        %swap3A_1537 = arith.index_cast %swap3A_1536 : i32 to index
        %swap3A_1538 = arith.index_cast %add3A_1401 : i32 to index
        %swap3A_1539 = arith.constant 48 : index
        %swap3A_1540 = tpu.vector_load %arg14[%swap3A_1537, %swap3A_1538, %swap3A_1539] {strides = array<i32>} : memref<2x64x128xf32, #tpu.memory_space<vmem>>, vector<1x1x16xf32>,
        %swap3A_1541 = vector.shape_cast %swap3A_1540 : vector<1x1x16xf32> to vector<16xf32>
        %swap3A_1542 = vector.shape_cast %max3A_1535 : vector<16xf32> to vector<1x1x16xf32>
        tpu.vector_store %arg14[%swap3A_1537, %swap3A_1538, %swap3A_1539], %swap3A_1542 {strides = array<i32>} : memref<2x64x128xf32, #tpu.memory_space<vmem>>, vector<1x1x16xf32>,
        %swap3A_1543 = arith.constant 1 : i32
        %swap3A_1544 = arith.index_cast %swap3A_1543 : i32 to index
        %swap3A_1545 = arith.index_cast %scan3A_637 : i32 to index
        %swap3A_1546 = arith.constant 368 : index
        %swap3A_1547 = tpu.vector_load %arg13[%swap3A_1544, %swap3A_1545, %swap3A_1546] {strides = array<i32>} : memref<2x8x512xf32, #tpu.memory_space<vmem>>, vector<1x1x16xf32>,
        %swap3A_1548 = vector.shape_cast %swap3A_1547 : vector<1x1x16xf32> to vector<16xf32>
        %swap3A_1549 = vector.shape_cast %max3A_1535 : vector<16xf32> to vector<1x1x16xf32>
        tpu.vector_store %arg13[%swap3A_1544, %swap3A_1545, %swap3A_1546], %swap3A_1549 {strides = array<i32>} : memref<2x8x512xf32, #tpu.memory_space<vmem>>, vector<1x1x16xf32>,
        %mul3A_1550 = arith.constant 8 : i32
        %mul3A_1551 = arith.muli %scan3A_637, %mul3A_1550 : i32
        %add3A_1552 = arith.constant 6 : i32
        %add3A_1553 = arith.addi %mul3A_1551, %add3A_1552 : i32
        %get3A_1554 = arith.constant 1 : i32
        %get3A_1555 = arith.index_cast %get3A_1554 : i32 to index
        %get3A_1556 = arith.index_cast %add3A_1553 : i32 to index
        %get3A_1557 = arith.constant 0 : index
        %get3A_1558 = tpu.vector_load %arg10[%get3A_1555, %get3A_1556, %get3A_1557] {strides = array<i32>} : memref<2x64x128xf32, #tpu.memory_space<vmem>>, vector<1x1x16xf32>,
        %get3A_1559 = vector.shape_cast %get3A_1558 : vector<1x1x16xf32> to vector<16xf32>
        %get3A_1560 = arith.constant 1 : i32
        %get3A_1561 = arith.index_cast %get3A_1560 : i32 to index
        %get3A_1562 = arith.index_cast %add3A_1553 : i32 to index
        %get3A_1563 = arith.constant 64 : index
        %get3A_1564 = tpu.vector_load %arg11[%get3A_1561, %get3A_1562, %get3A_1563] {strides = array<i32>} : memref<2x64x128xf32, #tpu.memory_space<vmem>>, vector<1x1x16xf32>,
        %get3A_1565 = vector.shape_cast %get3A_1564 : vector<1x1x16xf32> to vector<16xf32>
        %add3A_1566 = arith.addf %get3A_1559, %get3A_1565 : vector<16xf32>
        %get3A_1567 = arith.constant 1 : i32
        %get3A_1568 = arith.index_cast %get3A_1567 : i32 to index
        %get3A_1569 = arith.index_cast %scan3A_637 : i32 to index
        %get3A_1570 = arith.constant 384 : index
        %get3A_1571 = tpu.vector_load %arg12[%get3A_1568, %get3A_1569, %get3A_1570] {strides = array<i32>} : memref<2x8x512xf32, #tpu.memory_space<vmem>>, vector<1x1x16xf32>,
        %get3A_1572 = vector.shape_cast %get3A_1571 : vector<1x1x16xf32> to vector<16xf32>
        %add3A_1573 = arith.addf %add3A_1566, %get3A_1572 : vector<16xf32>
        %max3A_1574 = arith.constant 0.000000e+00 : f32
        %max3A_1575 = vector.broadcast %max3A_1574 : f32 to vector<16xf32>
        %max3A_1576 = arith.maximumf %add3A_1573, %max3A_1575 : vector<16xf32>
        %swap3A_1577 = arith.constant 1 : i32
        %swap3A_1578 = arith.index_cast %swap3A_1577 : i32 to index
        %swap3A_1579 = arith.index_cast %add3A_1553 : i32 to index
        %swap3A_1580 = arith.constant 0 : index
        %swap3A_1581 = tpu.vector_load %arg14[%swap3A_1578, %swap3A_1579, %swap3A_1580] {strides = array<i32>} : memref<2x64x128xf32, #tpu.memory_space<vmem>>, vector<1x1x16xf32>,
        %swap3A_1582 = vector.shape_cast %swap3A_1581 : vector<1x1x16xf32> to vector<16xf32>
        %swap3A_1583 = vector.shape_cast %max3A_1576 : vector<16xf32> to vector<1x1x16xf32>
        tpu.vector_store %arg14[%swap3A_1578, %swap3A_1579, %swap3A_1580], %swap3A_1583 {strides = array<i32>} : memref<2x64x128xf32, #tpu.memory_space<vmem>>, vector<1x1x16xf32>,
        %swap3A_1584 = arith.constant 1 : i32
        %swap3A_1585 = arith.index_cast %swap3A_1584 : i32 to index
        %swap3A_1586 = arith.index_cast %scan3A_637 : i32 to index
        %swap3A_1587 = arith.constant 384 : index
        %swap3A_1588 = tpu.vector_load %arg13[%swap3A_1585, %swap3A_1586, %swap3A_1587] {strides = array<i32>} : memref<2x8x512xf32, #tpu.memory_space<vmem>>, vector<1x1x16xf32>,
        %swap3A_1589 = vector.shape_cast %swap3A_1588 : vector<1x1x16xf32> to vector<16xf32>
        %swap3A_1590 = vector.shape_cast %max3A_1576 : vector<16xf32> to vector<1x1x16xf32>
        tpu.vector_store %arg13[%swap3A_1585, %swap3A_1586, %swap3A_1587], %swap3A_1590 {strides = array<i32>} : memref<2x8x512xf32, #tpu.memory_space<vmem>>, vector<1x1x16xf32>,
        %get3A_1591 = arith.constant 1 : i32
        %get3A_1592 = arith.index_cast %get3A_1591 : i32 to index
        %get3A_1593 = arith.index_cast %add3A_1553 : i32 to index
        %get3A_1594 = arith.constant 16 : index
        %get3A_1595 = tpu.vector_load %arg10[%get3A_1592, %get3A_1593, %get3A_1594] {strides = array<i32>} : memref<2x64x128xf32, #tpu.memory_space<vmem>>, vector<1x1x16xf32>,
        %get3A_1596 = vector.shape_cast %get3A_1595 : vector<1x1x16xf32> to vector<16xf32>
        %get3A_1597 = arith.constant 1 : i32
        %get3A_1598 = arith.index_cast %get3A_1597 : i32 to index
        %get3A_1599 = arith.index_cast %add3A_1553 : i32 to index
        %get3A_1600 = arith.constant 80 : index
        %get3A_1601 = tpu.vector_load %arg11[%get3A_1598, %get3A_1599, %get3A_1600] {strides = array<i32>} : memref<2x64x128xf32, #tpu.memory_space<vmem>>, vector<1x1x16xf32>,
        %get3A_1602 = vector.shape_cast %get3A_1601 : vector<1x1x16xf32> to vector<16xf32>
        %add3A_1603 = arith.addf %get3A_1596, %get3A_1602 : vector<16xf32>
        %get3A_1604 = arith.constant 1 : i32
        %get3A_1605 = arith.index_cast %get3A_1604 : i32 to index
        %get3A_1606 = arith.index_cast %scan3A_637 : i32 to index
        %get3A_1607 = arith.constant 400 : index
        %get3A_1608 = tpu.vector_load %arg12[%get3A_1605, %get3A_1606, %get3A_1607] {strides = array<i32>} : memref<2x8x512xf32, #tpu.memory_space<vmem>>, vector<1x1x16xf32>,
        %get3A_1609 = vector.shape_cast %get3A_1608 : vector<1x1x16xf32> to vector<16xf32>
        %add3A_1610 = arith.addf %add3A_1603, %get3A_1609 : vector<16xf32>
        %max3A_1611 = arith.constant 0.000000e+00 : f32
        %max3A_1612 = vector.broadcast %max3A_1611 : f32 to vector<16xf32>
        %max3A_1613 = arith.maximumf %add3A_1610, %max3A_1612 : vector<16xf32>
        %swap3A_1614 = arith.constant 1 : i32
        %swap3A_1615 = arith.index_cast %swap3A_1614 : i32 to index
        %swap3A_1616 = arith.index_cast %add3A_1553 : i32 to index
        %swap3A_1617 = arith.constant 16 : index
        %swap3A_1618 = tpu.vector_load %arg14[%swap3A_1615, %swap3A_1616, %swap3A_1617] {strides = array<i32>} : memref<2x64x128xf32, #tpu.memory_space<vmem>>, vector<1x1x16xf32>,
        %swap3A_1619 = vector.shape_cast %swap3A_1618 : vector<1x1x16xf32> to vector<16xf32>
        %swap3A_1620 = vector.shape_cast %max3A_1613 : vector<16xf32> to vector<1x1x16xf32>
        tpu.vector_store %arg14[%swap3A_1615, %swap3A_1616, %swap3A_1617], %swap3A_1620 {strides = array<i32>} : memref<2x64x128xf32, #tpu.memory_space<vmem>>, vector<1x1x16xf32>,
        %swap3A_1621 = arith.constant 1 : i32
        %swap3A_1622 = arith.index_cast %swap3A_1621 : i32 to index
        %swap3A_1623 = arith.index_cast %scan3A_637 : i32 to index
        %swap3A_1624 = arith.constant 400 : index
        %swap3A_1625 = tpu.vector_load %arg13[%swap3A_1622, %swap3A_1623, %swap3A_1624] {strides = array<i32>} : memref<2x8x512xf32, #tpu.memory_space<vmem>>, vector<1x1x16xf32>,
        %swap3A_1626 = vector.shape_cast %swap3A_1625 : vector<1x1x16xf32> to vector<16xf32>
        %swap3A_1627 = vector.shape_cast %max3A_1613 : vector<16xf32> to vector<1x1x16xf32>
        tpu.vector_store %arg13[%swap3A_1622, %swap3A_1623, %swap3A_1624], %swap3A_1627 {strides = array<i32>} : memref<2x8x512xf32, #tpu.memory_space<vmem>>, vector<1x1x16xf32>,
        %get3A_1628 = arith.constant 1 : i32
        %get3A_1629 = arith.index_cast %get3A_1628 : i32 to index
        %get3A_1630 = arith.index_cast %add3A_1553 : i32 to index
        %get3A_1631 = arith.constant 32 : index
        %get3A_1632 = tpu.vector_load %arg10[%get3A_1629, %get3A_1630, %get3A_1631] {strides = array<i32>} : memref<2x64x128xf32, #tpu.memory_space<vmem>>, vector<1x1x16xf32>,
        %get3A_1633 = vector.shape_cast %get3A_1632 : vector<1x1x16xf32> to vector<16xf32>
        %get3A_1634 = arith.constant 1 : i32
        %get3A_1635 = arith.index_cast %get3A_1634 : i32 to index
        %get3A_1636 = arith.index_cast %add3A_1553 : i32 to index
        %get3A_1637 = arith.constant 96 : index
        %get3A_1638 = tpu.vector_load %arg11[%get3A_1635, %get3A_1636, %get3A_1637] {strides = array<i32>} : memref<2x64x128xf32, #tpu.memory_space<vmem>>, vector<1x1x16xf32>,
        %get3A_1639 = vector.shape_cast %get3A_1638 : vector<1x1x16xf32> to vector<16xf32>
        %add3A_1640 = arith.addf %get3A_1633, %get3A_1639 : vector<16xf32>
        %get3A_1641 = arith.constant 1 : i32
        %get3A_1642 = arith.index_cast %get3A_1641 : i32 to index
        %get3A_1643 = arith.index_cast %scan3A_637 : i32 to index
        %get3A_1644 = arith.constant 416 : index
        %get3A_1645 = tpu.vector_load %arg12[%get3A_1642, %get3A_1643, %get3A_1644] {strides = array<i32>} : memref<2x8x512xf32, #tpu.memory_space<vmem>>, vector<1x1x16xf32>,
        %get3A_1646 = vector.shape_cast %get3A_1645 : vector<1x1x16xf32> to vector<16xf32>
        %add3A_1647 = arith.addf %add3A_1640, %get3A_1646 : vector<16xf32>
        %max3A_1648 = arith.constant 0.000000e+00 : f32
        %max3A_1649 = vector.broadcast %max3A_1648 : f32 to vector<16xf32>
        %max3A_1650 = arith.maximumf %add3A_1647, %max3A_1649 : vector<16xf32>
        %swap3A_1651 = arith.constant 1 : i32
        %swap3A_1652 = arith.index_cast %swap3A_1651 : i32 to index
        %swap3A_1653 = arith.index_cast %add3A_1553 : i32 to index
        %swap3A_1654 = arith.constant 32 : index
        %swap3A_1655 = tpu.vector_load %arg14[%swap3A_1652, %swap3A_1653, %swap3A_1654] {strides = array<i32>} : memref<2x64x128xf32, #tpu.memory_space<vmem>>, vector<1x1x16xf32>,
        %swap3A_1656 = vector.shape_cast %swap3A_1655 : vector<1x1x16xf32> to vector<16xf32>
        %swap3A_1657 = vector.shape_cast %max3A_1650 : vector<16xf32> to vector<1x1x16xf32>
        tpu.vector_store %arg14[%swap3A_1652, %swap3A_1653, %swap3A_1654], %swap3A_1657 {strides = array<i32>} : memref<2x64x128xf32, #tpu.memory_space<vmem>>, vector<1x1x16xf32>,
        %swap3A_1658 = arith.constant 1 : i32
        %swap3A_1659 = arith.index_cast %swap3A_1658 : i32 to index
        %swap3A_1660 = arith.index_cast %scan3A_637 : i32 to index
        %swap3A_1661 = arith.constant 416 : index
        %swap3A_1662 = tpu.vector_load %arg13[%swap3A_1659, %swap3A_1660, %swap3A_1661] {strides = array<i32>} : memref<2x8x512xf32, #tpu.memory_space<vmem>>, vector<1x1x16xf32>,
        %swap3A_1663 = vector.shape_cast %swap3A_1662 : vector<1x1x16xf32> to vector<16xf32>
        %swap3A_1664 = vector.shape_cast %max3A_1650 : vector<16xf32> to vector<1x1x16xf32>
        tpu.vector_store %arg13[%swap3A_1659, %swap3A_1660, %swap3A_1661], %swap3A_1664 {strides = array<i32>} : memref<2x8x512xf32, #tpu.memory_space<vmem>>, vector<1x1x16xf32>,
        %get3A_1665 = arith.constant 1 : i32
        %get3A_1666 = arith.index_cast %get3A_1665 : i32 to index
        %get3A_1667 = arith.index_cast %add3A_1553 : i32 to index
        %get3A_1668 = arith.constant 48 : index
        %get3A_1669 = tpu.vector_load %arg10[%get3A_1666, %get3A_1667, %get3A_1668] {strides = array<i32>} : memref<2x64x128xf32, #tpu.memory_space<vmem>>, vector<1x1x16xf32>,
        %get3A_1670 = vector.shape_cast %get3A_1669 : vector<1x1x16xf32> to vector<16xf32>
        %get3A_1671 = arith.constant 1 : i32
        %get3A_1672 = arith.index_cast %get3A_1671 : i32 to index
        %get3A_1673 = arith.index_cast %add3A_1553 : i32 to index
        %get3A_1674 = arith.constant 112 : index
        %get3A_1675 = tpu.vector_load %arg11[%get3A_1672, %get3A_1673, %get3A_1674] {strides = array<i32>} : memref<2x64x128xf32, #tpu.memory_space<vmem>>, vector<1x1x16xf32>,
        %get3A_1676 = vector.shape_cast %get3A_1675 : vector<1x1x16xf32> to vector<16xf32>
        %add3A_1677 = arith.addf %get3A_1670, %get3A_1676 : vector<16xf32>
        %get3A_1678 = arith.constant 1 : i32
        %get3A_1679 = arith.index_cast %get3A_1678 : i32 to index
        %get3A_1680 = arith.index_cast %scan3A_637 : i32 to index
        %get3A_1681 = arith.constant 432 : index
        %get3A_1682 = tpu.vector_load %arg12[%get3A_1679, %get3A_1680, %get3A_1681] {strides = array<i32>} : memref<2x8x512xf32, #tpu.memory_space<vmem>>, vector<1x1x16xf32>,
        %get3A_1683 = vector.shape_cast %get3A_1682 : vector<1x1x16xf32> to vector<16xf32>
        %add3A_1684 = arith.addf %add3A_1677, %get3A_1683 : vector<16xf32>
        %max3A_1685 = arith.constant 0.000000e+00 : f32
        %max3A_1686 = vector.broadcast %max3A_1685 : f32 to vector<16xf32>
        %max3A_1687 = arith.maximumf %add3A_1684, %max3A_1686 : vector<16xf32>
        %swap3A_1688 = arith.constant 1 : i32
        %swap3A_1689 = arith.index_cast %swap3A_1688 : i32 to index
        %swap3A_1690 = arith.index_cast %add3A_1553 : i32 to index
        %swap3A_1691 = arith.constant 48 : index
        %swap3A_1692 = tpu.vector_load %arg14[%swap3A_1689, %swap3A_1690, %swap3A_1691] {strides = array<i32>} : memref<2x64x128xf32, #tpu.memory_space<vmem>>, vector<1x1x16xf32>,
        %swap3A_1693 = vector.shape_cast %swap3A_1692 : vector<1x1x16xf32> to vector<16xf32>
        %swap3A_1694 = vector.shape_cast %max3A_1687 : vector<16xf32> to vector<1x1x16xf32>
        tpu.vector_store %arg14[%swap3A_1689, %swap3A_1690, %swap3A_1691], %swap3A_1694 {strides = array<i32>} : memref<2x64x128xf32, #tpu.memory_space<vmem>>, vector<1x1x16xf32>,
        %swap3A_1695 = arith.constant 1 : i32
        %swap3A_1696 = arith.index_cast %swap3A_1695 : i32 to index
        %swap3A_1697 = arith.index_cast %scan3A_637 : i32 to index
        %swap3A_1698 = arith.constant 432 : index
        %swap3A_1699 = tpu.vector_load %arg13[%swap3A_1696, %swap3A_1697, %swap3A_1698] {strides = array<i32>} : memref<2x8x512xf32, #tpu.memory_space<vmem>>, vector<1x1x16xf32>,
        %swap3A_1700 = vector.shape_cast %swap3A_1699 : vector<1x1x16xf32> to vector<16xf32>
        %swap3A_1701 = vector.shape_cast %max3A_1687 : vector<16xf32> to vector<1x1x16xf32>
        tpu.vector_store %arg13[%swap3A_1696, %swap3A_1697, %swap3A_1698], %swap3A_1701 {strides = array<i32>} : memref<2x8x512xf32, #tpu.memory_space<vmem>>, vector<1x1x16xf32>,
        %mul3A_1702 = arith.constant 8 : i32
        %mul3A_1703 = arith.muli %scan3A_637, %mul3A_1702 : i32
        %add3A_1704 = arith.constant 7 : i32
        %add3A_1705 = arith.addi %mul3A_1703, %add3A_1704 : i32
        %get3A_1706 = arith.constant 1 : i32
        %get3A_1707 = arith.index_cast %get3A_1706 : i32 to index
        %get3A_1708 = arith.index_cast %add3A_1705 : i32 to index
        %get3A_1709 = arith.constant 0 : index
        %get3A_1710 = tpu.vector_load %arg10[%get3A_1707, %get3A_1708, %get3A_1709] {strides = array<i32>} : memref<2x64x128xf32, #tpu.memory_space<vmem>>, vector<1x1x16xf32>,
        %get3A_1711 = vector.shape_cast %get3A_1710 : vector<1x1x16xf32> to vector<16xf32>
        %get3A_1712 = arith.constant 1 : i32
        %get3A_1713 = arith.index_cast %get3A_1712 : i32 to index
        %get3A_1714 = arith.index_cast %add3A_1705 : i32 to index
        %get3A_1715 = arith.constant 64 : index
        %get3A_1716 = tpu.vector_load %arg11[%get3A_1713, %get3A_1714, %get3A_1715] {strides = array<i32>} : memref<2x64x128xf32, #tpu.memory_space<vmem>>, vector<1x1x16xf32>,
        %get3A_1717 = vector.shape_cast %get3A_1716 : vector<1x1x16xf32> to vector<16xf32>
        %add3A_1718 = arith.addf %get3A_1711, %get3A_1717 : vector<16xf32>
        %get3A_1719 = arith.constant 1 : i32
        %get3A_1720 = arith.index_cast %get3A_1719 : i32 to index
        %get3A_1721 = arith.index_cast %scan3A_637 : i32 to index
        %get3A_1722 = arith.constant 448 : index
        %get3A_1723 = tpu.vector_load %arg12[%get3A_1720, %get3A_1721, %get3A_1722] {strides = array<i32>} : memref<2x8x512xf32, #tpu.memory_space<vmem>>, vector<1x1x16xf32>,
        %get3A_1724 = vector.shape_cast %get3A_1723 : vector<1x1x16xf32> to vector<16xf32>
        %add3A_1725 = arith.addf %add3A_1718, %get3A_1724 : vector<16xf32>
        %max3A_1726 = arith.constant 0.000000e+00 : f32
        %max3A_1727 = vector.broadcast %max3A_1726 : f32 to vector<16xf32>
        %max3A_1728 = arith.maximumf %add3A_1725, %max3A_1727 : vector<16xf32>
        %swap3A_1729 = arith.constant 1 : i32
        %swap3A_1730 = arith.index_cast %swap3A_1729 : i32 to index
        %swap3A_1731 = arith.index_cast %add3A_1705 : i32 to index
        %swap3A_1732 = arith.constant 0 : index
        %swap3A_1733 = tpu.vector_load %arg14[%swap3A_1730, %swap3A_1731, %swap3A_1732] {strides = array<i32>} : memref<2x64x128xf32, #tpu.memory_space<vmem>>, vector<1x1x16xf32>,
        %swap3A_1734 = vector.shape_cast %swap3A_1733 : vector<1x1x16xf32> to vector<16xf32>
        %swap3A_1735 = vector.shape_cast %max3A_1728 : vector<16xf32> to vector<1x1x16xf32>
        tpu.vector_store %arg14[%swap3A_1730, %swap3A_1731, %swap3A_1732], %swap3A_1735 {strides = array<i32>} : memref<2x64x128xf32, #tpu.memory_space<vmem>>, vector<1x1x16xf32>,
        %swap3A_1736 = arith.constant 1 : i32
        %swap3A_1737 = arith.index_cast %swap3A_1736 : i32 to index
        %swap3A_1738 = arith.index_cast %scan3A_637 : i32 to index
        %swap3A_1739 = arith.constant 448 : index
        %swap3A_1740 = tpu.vector_load %arg13[%swap3A_1737, %swap3A_1738, %swap3A_1739] {strides = array<i32>} : memref<2x8x512xf32, #tpu.memory_space<vmem>>, vector<1x1x16xf32>,
        %swap3A_1741 = vector.shape_cast %swap3A_1740 : vector<1x1x16xf32> to vector<16xf32>
        %swap3A_1742 = vector.shape_cast %max3A_1728 : vector<16xf32> to vector<1x1x16xf32>
        tpu.vector_store %arg13[%swap3A_1737, %swap3A_1738, %swap3A_1739], %swap3A_1742 {strides = array<i32>} : memref<2x8x512xf32, #tpu.memory_space<vmem>>, vector<1x1x16xf32>,
        %get3A_1743 = arith.constant 1 : i32
        %get3A_1744 = arith.index_cast %get3A_1743 : i32 to index
        %get3A_1745 = arith.index_cast %add3A_1705 : i32 to index
        %get3A_1746 = arith.constant 16 : index
        %get3A_1747 = tpu.vector_load %arg10[%get3A_1744, %get3A_1745, %get3A_1746] {strides = array<i32>} : memref<2x64x128xf32, #tpu.memory_space<vmem>>, vector<1x1x16xf32>,
        %get3A_1748 = vector.shape_cast %get3A_1747 : vector<1x1x16xf32> to vector<16xf32>
        %get3A_1749 = arith.constant 1 : i32
        %get3A_1750 = arith.index_cast %get3A_1749 : i32 to index
        %get3A_1751 = arith.index_cast %add3A_1705 : i32 to index
        %get3A_1752 = arith.constant 80 : index
        %get3A_1753 = tpu.vector_load %arg11[%get3A_1750, %get3A_1751, %get3A_1752] {strides = array<i32>} : memref<2x64x128xf32, #tpu.memory_space<vmem>>, vector<1x1x16xf32>,
        %get3A_1754 = vector.shape_cast %get3A_1753 : vector<1x1x16xf32> to vector<16xf32>
        %add3A_1755 = arith.addf %get3A_1748, %get3A_1754 : vector<16xf32>
        %get3A_1756 = arith.constant 1 : i32
        %get3A_1757 = arith.index_cast %get3A_1756 : i32 to index
        %get3A_1758 = arith.index_cast %scan3A_637 : i32 to index
        %get3A_1759 = arith.constant 464 : index
        %get3A_1760 = tpu.vector_load %arg12[%get3A_1757, %get3A_1758, %get3A_1759] {strides = array<i32>} : memref<2x8x512xf32, #tpu.memory_space<vmem>>, vector<1x1x16xf32>,
        %get3A_1761 = vector.shape_cast %get3A_1760 : vector<1x1x16xf32> to vector<16xf32>
        %add3A_1762 = arith.addf %add3A_1755, %get3A_1761 : vector<16xf32>
        %max3A_1763 = arith.constant 0.000000e+00 : f32
        %max3A_1764 = vector.broadcast %max3A_1763 : f32 to vector<16xf32>
        %max3A_1765 = arith.maximumf %add3A_1762, %max3A_1764 : vector<16xf32>
        %swap3A_1766 = arith.constant 1 : i32
        %swap3A_1767 = arith.index_cast %swap3A_1766 : i32 to index
        %swap3A_1768 = arith.index_cast %add3A_1705 : i32 to index
        %swap3A_1769 = arith.constant 16 : index
        %swap3A_1770 = tpu.vector_load %arg14[%swap3A_1767, %swap3A_1768, %swap3A_1769] {strides = array<i32>} : memref<2x64x128xf32, #tpu.memory_space<vmem>>, vector<1x1x16xf32>,
        %swap3A_1771 = vector.shape_cast %swap3A_1770 : vector<1x1x16xf32> to vector<16xf32>
        %swap3A_1772 = vector.shape_cast %max3A_1765 : vector<16xf32> to vector<1x1x16xf32>
        tpu.vector_store %arg14[%swap3A_1767, %swap3A_1768, %swap3A_1769], %swap3A_1772 {strides = array<i32>} : memref<2x64x128xf32, #tpu.memory_space<vmem>>, vector<1x1x16xf32>,
        %swap3A_1773 = arith.constant 1 : i32
        %swap3A_1774 = arith.index_cast %swap3A_1773 : i32 to index
        %swap3A_1775 = arith.index_cast %scan3A_637 : i32 to index
        %swap3A_1776 = arith.constant 464 : index
        %swap3A_1777 = tpu.vector_load %arg13[%swap3A_1774, %swap3A_1775, %swap3A_1776] {strides = array<i32>} : memref<2x8x512xf32, #tpu.memory_space<vmem>>, vector<1x1x16xf32>,
        %swap3A_1778 = vector.shape_cast %swap3A_1777 : vector<1x1x16xf32> to vector<16xf32>
        %swap3A_1779 = vector.shape_cast %max3A_1765 : vector<16xf32> to vector<1x1x16xf32>
        tpu.vector_store %arg13[%swap3A_1774, %swap3A_1775, %swap3A_1776], %swap3A_1779 {strides = array<i32>} : memref<2x8x512xf32, #tpu.memory_space<vmem>>, vector<1x1x16xf32>,
        %get3A_1780 = arith.constant 1 : i32
        %get3A_1781 = arith.index_cast %get3A_1780 : i32 to index
        %get3A_1782 = arith.index_cast %add3A_1705 : i32 to index
        %get3A_1783 = arith.constant 32 : index
        %get3A_1784 = tpu.vector_load %arg10[%get3A_1781, %get3A_1782, %get3A_1783] {strides = array<i32>} : memref<2x64x128xf32, #tpu.memory_space<vmem>>, vector<1x1x16xf32>,
        %get3A_1785 = vector.shape_cast %get3A_1784 : vector<1x1x16xf32> to vector<16xf32>
        %get3A_1786 = arith.constant 1 : i32
        %get3A_1787 = arith.index_cast %get3A_1786 : i32 to index
        %get3A_1788 = arith.index_cast %add3A_1705 : i32 to index
        %get3A_1789 = arith.constant 96 : index
        %get3A_1790 = tpu.vector_load %arg11[%get3A_1787, %get3A_1788, %get3A_1789] {strides = array<i32>} : memref<2x64x128xf32, #tpu.memory_space<vmem>>, vector<1x1x16xf32>,
        %get3A_1791 = vector.shape_cast %get3A_1790 : vector<1x1x16xf32> to vector<16xf32>
        %add3A_1792 = arith.addf %get3A_1785, %get3A_1791 : vector<16xf32>
        %get3A_1793 = arith.constant 1 : i32
        %get3A_1794 = arith.index_cast %get3A_1793 : i32 to index
        %get3A_1795 = arith.index_cast %scan3A_637 : i32 to index
        %get3A_1796 = arith.constant 480 : index
        %get3A_1797 = tpu.vector_load %arg12[%get3A_1794, %get3A_1795, %get3A_1796] {strides = array<i32>} : memref<2x8x512xf32, #tpu.memory_space<vmem>>, vector<1x1x16xf32>,
        %get3A_1798 = vector.shape_cast %get3A_1797 : vector<1x1x16xf32> to vector<16xf32>
        %add3A_1799 = arith.addf %add3A_1792, %get3A_1798 : vector<16xf32>
        %max3A_1800 = arith.constant 0.000000e+00 : f32
        %max3A_1801 = vector.broadcast %max3A_1800 : f32 to vector<16xf32>
        %max3A_1802 = arith.maximumf %add3A_1799, %max3A_1801 : vector<16xf32>
        %swap3A_1803 = arith.constant 1 : i32
        %swap3A_1804 = arith.index_cast %swap3A_1803 : i32 to index
        %swap3A_1805 = arith.index_cast %add3A_1705 : i32 to index
        %swap3A_1806 = arith.constant 32 : index
        %swap3A_1807 = tpu.vector_load %arg14[%swap3A_1804, %swap3A_1805, %swap3A_1806] {strides = array<i32>} : memref<2x64x128xf32, #tpu.memory_space<vmem>>, vector<1x1x16xf32>,
        %swap3A_1808 = vector.shape_cast %swap3A_1807 : vector<1x1x16xf32> to vector<16xf32>
        %swap3A_1809 = vector.shape_cast %max3A_1802 : vector<16xf32> to vector<1x1x16xf32>
        tpu.vector_store %arg14[%swap3A_1804, %swap3A_1805, %swap3A_1806], %swap3A_1809 {strides = array<i32>} : memref<2x64x128xf32, #tpu.memory_space<vmem>>, vector<1x1x16xf32>,
        %swap3A_1810 = arith.constant 1 : i32
        %swap3A_1811 = arith.index_cast %swap3A_1810 : i32 to index
        %swap3A_1812 = arith.index_cast %scan3A_637 : i32 to index
        %swap3A_1813 = arith.constant 480 : index
        %swap3A_1814 = tpu.vector_load %arg13[%swap3A_1811, %swap3A_1812, %swap3A_1813] {strides = array<i32>} : memref<2x8x512xf32, #tpu.memory_space<vmem>>, vector<1x1x16xf32>,
        %swap3A_1815 = vector.shape_cast %swap3A_1814 : vector<1x1x16xf32> to vector<16xf32>
        %swap3A_1816 = vector.shape_cast %max3A_1802 : vector<16xf32> to vector<1x1x16xf32>
        tpu.vector_store %arg13[%swap3A_1811, %swap3A_1812, %swap3A_1813], %swap3A_1816 {strides = array<i32>} : memref<2x8x512xf32, #tpu.memory_space<vmem>>, vector<1x1x16xf32>,
        %get3A_1817 = arith.constant 1 : i32
        %get3A_1818 = arith.index_cast %get3A_1817 : i32 to index
        %get3A_1819 = arith.index_cast %add3A_1705 : i32 to index
        %get3A_1820 = arith.constant 48 : index
        %get3A_1821 = tpu.vector_load %arg10[%get3A_1818, %get3A_1819, %get3A_1820] {strides = array<i32>} : memref<2x64x128xf32, #tpu.memory_space<vmem>>, vector<1x1x16xf32>,
        %get3A_1822 = vector.shape_cast %get3A_1821 : vector<1x1x16xf32> to vector<16xf32>
        %get3A_1823 = arith.constant 1 : i32
        %get3A_1824 = arith.index_cast %get3A_1823 : i32 to index
        %get3A_1825 = arith.index_cast %add3A_1705 : i32 to index
        %get3A_1826 = arith.constant 112 : index
        %get3A_1827 = tpu.vector_load %arg11[%get3A_1824, %get3A_1825, %get3A_1826] {strides = array<i32>} : memref<2x64x128xf32, #tpu.memory_space<vmem>>, vector<1x1x16xf32>,
        %get3A_1828 = vector.shape_cast %get3A_1827 : vector<1x1x16xf32> to vector<16xf32>
        %add3A_1829 = arith.addf %get3A_1822, %get3A_1828 : vector<16xf32>
        %get3A_1830 = arith.constant 1 : i32
        %get3A_1831 = arith.index_cast %get3A_1830 : i32 to index
        %get3A_1832 = arith.index_cast %scan3A_637 : i32 to index
        %get3A_1833 = arith.constant 496 : index
        %get3A_1834 = tpu.vector_load %arg12[%get3A_1831, %get3A_1832, %get3A_1833] {strides = array<i32>} : memref<2x8x512xf32, #tpu.memory_space<vmem>>, vector<1x1x16xf32>,
        %get3A_1835 = vector.shape_cast %get3A_1834 : vector<1x1x16xf32> to vector<16xf32>
        %add3A_1836 = arith.addf %add3A_1829, %get3A_1835 : vector<16xf32>
        %max3A_1837 = arith.constant 0.000000e+00 : f32
        %max3A_1838 = vector.broadcast %max3A_1837 : f32 to vector<16xf32>
        %max3A_1839 = arith.maximumf %add3A_1836, %max3A_1838 : vector<16xf32>
        %swap3A_1840 = arith.constant 1 : i32
        %swap3A_1841 = arith.index_cast %swap3A_1840 : i32 to index
        %swap3A_1842 = arith.index_cast %add3A_1705 : i32 to index
        %swap3A_1843 = arith.constant 48 : index
        %swap3A_1844 = tpu.vector_load %arg14[%swap3A_1841, %swap3A_1842, %swap3A_1843] {strides = array<i32>} : memref<2x64x128xf32, #tpu.memory_space<vmem>>, vector<1x1x16xf32>,
        %swap3A_1845 = vector.shape_cast %swap3A_1844 : vector<1x1x16xf32> to vector<16xf32>
        %swap3A_1846 = vector.shape_cast %max3A_1839 : vector<16xf32> to vector<1x1x16xf32>
        tpu.vector_store %arg14[%swap3A_1841, %swap3A_1842, %swap3A_1843], %swap3A_1846 {strides = array<i32>} : memref<2x64x128xf32, #tpu.memory_space<vmem>>, vector<1x1x16xf32>,
        %swap3A_1847 = arith.constant 1 : i32
        %swap3A_1848 = arith.index_cast %swap3A_1847 : i32 to index
        %swap3A_1849 = arith.index_cast %scan3A_637 : i32 to index
        %swap3A_1850 = arith.constant 496 : index
        %swap3A_1851 = tpu.vector_load %arg13[%swap3A_1848, %swap3A_1849, %swap3A_1850] {strides = array<i32>} : memref<2x8x512xf32, #tpu.memory_space<vmem>>, vector<1x1x16xf32>,
        %swap3A_1852 = vector.shape_cast %swap3A_1851 : vector<1x1x16xf32> to vector<16xf32>
        %swap3A_1853 = vector.shape_cast %max3A_1839 : vector<16xf32> to vector<1x1x16xf32>
        tpu.vector_store %arg13[%swap3A_1848, %swap3A_1849, %swap3A_1850], %swap3A_1853 {strides = array<i32>} : memref<2x8x512xf32, #tpu.memory_space<vmem>>, vector<1x1x16xf32>,
        %scan3A_1854 = arith.constant 0 : i32
        scf.yield %scan3A_1854 : i32
      }
      %scan3A_580 = arith.constant 8 : i32
      %dma_start3A_581 = arith.constant 1 : i32
      %dma_start3A_582 = arith.constant 1 : i32
      %dma_start3A_583 = arith.constant 0 : i32
      %dma_start3A_584 = arith.constant 0 : i32
      %dma_start3A_585 = tpu.memref_slice %arg14[%dma_start3A_581, %dma_start3A_583, %dma_start3A_584] : memref<2x64x128xf32, #tpu.memory_space<vmem>> -> memref<1x64x128xf32, #tpu.memory_space<vmem>>
      %dma_start3A_586 = tpu.memref_squeeze %dma_start3A_585 : memref<1x64x128xf32, #tpu.memory_space<vmem>> -> memref<64x128xf32, #tpu.memory_space<vmem>>
      %dma_start3A_587 = arith.constant 0 : i32
      %dma_start3A_588 = tpu.memref_slice %arg9[%dma_start3A_582, %dma_start3A_587] : memref<2x64xi32, #tpu.memory_space<vmem>> -> memref<1x64xi32, #tpu.memory_space<vmem>>
      %dma_start3A_589 = tpu.memref_squeeze %dma_start3A_588 : memref<1x64xi32, #tpu.memory_space<vmem>> -> memref<64xi32, #tpu.memory_space<vmem>>
      %dma_start3A_590 = arith.constant 0 : i32
      %dma_start3A_591 = arith.constant 0 : i32
      %dma_start3A_592 = tpu.memref_slice %arg26[%dma_start3A_590, %dma_start3A_591] : memref<4096x128xf32, #tpu.memory_space<vmem_shared>> -> memref<4096x128xf32, #tpu.memory_space<vmem_shared>>
      tpu.enqueue_indirect_dma source(%dma_start3A_586 : memref<64x128xf32, #tpu.memory_space<vmem>>) target(%dma_start3A_592 : memref<4096x128xf32, #tpu.memory_space<vmem_shared>>) offsets(%dma_start3A_589 : memref<64xi32, #tpu.memory_space<vmem>>) semaphore(%arg23 : memref<!tpu.dma_semaphore, #tpu.memory_space<semaphore_mem>>) {add = true}
      %jit3A_593 = arith.constant 8 : i32
      %div3A_594 = arith.divsi %add3A_480, %jit3A_593 : i32
      %sign3A_595 = arith.constant 0 : i32
      %sign3A_596 = arith.cmpi sgt, %add3A_480, %sign3A_595 : i32
      %sign3A_597 = arith.extui %sign3A_596 : i1 to i32
      %sign3A_598 = arith.constant 0 : i32
      %sign3A_599 = arith.cmpi slt, %add3A_480, %sign3A_598 : i32
      %sign3A_600 = arith.extui %sign3A_599 : i1 to i32
      %sign3A_601 = arith.subi %sign3A_597, %sign3A_600 : i32
      %sign3A_602 = arith.constant 0 : i32
      %sign3A_603 = arith.cmpi sgt, %jit3A_593, %sign3A_602 : i32
      %sign3A_604 = arith.extui %sign3A_603 : i1 to i32
      %sign3A_605 = arith.constant 0 : i32
      %sign3A_606 = arith.cmpi slt, %jit3A_593, %sign3A_605 : i32
      %sign3A_607 = arith.extui %sign3A_606 : i1 to i32
      %sign3A_608 = arith.subi %sign3A_604, %sign3A_607 : i32
      %ne3A_609 = arith.cmpi ne, %sign3A_601, %sign3A_608 : i32
      %rem3A_610 = arith.remsi %add3A_480, %jit3A_593 : i32
      %ne3A_611 = arith.constant 0 : i32
      %ne3A_612 = arith.cmpi ne, %rem3A_610, %ne3A_611 : i32
      %and3A_613 = arith.andi %ne3A_609, %ne3A_612 : i1
      %sub3A_614 = arith.constant 1 : i32
      %sub3A_615 = arith.subi %div3A_594, %sub3A_614 : i32
      %select_n3A_616 = arith.select %and3A_613, %sub3A_615, %div3A_594 : i32
      %multiple_of3A_617 = tpu.assume_multiple %select_n3A_616, 8 : i32
      %dma_start3A_618 = arith.constant 1 : i32
      %dma_start3A_619 = arith.constant 0 : i32
      %dma_start3A_620 = arith.constant 0 : i32
      %dma_start3A_621 = tpu.memref_slice %arg13[%dma_start3A_618, %dma_start3A_619, %dma_start3A_620] : memref<2x8x512xf32, #tpu.memory_space<vmem>> -> memref<1x8x512xf32, #tpu.memory_space<vmem>>
      %dma_start3A_622 = tpu.memref_squeeze %dma_start3A_621 : memref<1x8x512xf32, #tpu.memory_space<vmem>> -> memref<8x512xf32, #tpu.memory_space<vmem>>
      %dma_start3A_623 = arith.constant 0 : i32
      %dma_start3A_624 = tpu.memref_slice %arg5[%multiple_of3A_617, %dma_start3A_623] : memref<16384x512xf32, #tpu.memory_space<hbm>> -> memref<8x512xf32, #tpu.memory_space<hbm>>
      %dma_start3A_625 = arith.constant 0 : i32
      %dma_start3A_626 = tpu.memref_slice %arg5[%multiple_of3A_617, %dma_start3A_625] : memref<16384x512xf32, #tpu.memory_space<hbm>> -> memref<8x512xf32, #tpu.memory_space<hbm>>
      %dma_start3A_627 = arith.constant 0 : i32
      %dma_start3A_628 = arith.constant 0 : i32
      %dma_start3A_629 = tpu.memref_slice %arg13[%dma_start3A_618, %dma_start3A_627, %dma_start3A_628] : memref<2x8x512xf32, #tpu.memory_space<vmem>> -> memref<1x8x512xf32, #tpu.memory_space<vmem>>
      %dma_start3A_630 = tpu.memref_squeeze %dma_start3A_629 : memref<1x8x512xf32, #tpu.memory_space<vmem>> -> memref<8x512xf32, #tpu.memory_space<vmem>>
      tpu.enqueue_dma source(%dma_start3A_630 : memref<8x512xf32, #tpu.memory_space<vmem>>) target(%dma_start3A_626 : memref<8x512xf32, #tpu.memory_space<hbm>>) target_semaphore(%arg25 : memref<!tpu.dma_semaphore, #tpu.memory_space<semaphore_mem>>)
      %lt3A_631 = arith.constant 31 : i32
      %lt3A_632 = arith.cmpi slt, %scan3A_316, %lt3A_631 : i32
      %convert_element_type3A_633 = arith.extui %lt3A_632 : i1 to i32
      %cond3A_634 = arith.constant 0 : i32
      %cond3A_635 = arith.cmpi ne, %convert_element_type3A_633, %cond3A_634 : i32
      scf.if %cond3A_635 {
        %dma_wait3A_637 = arith.constant 0 : i32
        %dma_wait3A_638 = arith.constant 1 : i32
        %dma_wait3A_639 = arith.constant 0 : i32
        %dma_wait3A_640 = tpu.memref_slice %arg7[%dma_wait3A_638, %dma_wait3A_639] : memref<2x64xi32, #tpu.memory_space<vmem>> -> memref<1x64xi32, #tpu.memory_space<vmem>>
        %dma_wait3A_641 = tpu.memref_squeeze %dma_wait3A_640 : memref<1x64xi32, #tpu.memory_space<vmem>> -> memref<64xi32, #tpu.memory_space<vmem>>
        %dma_wait3A_642 = arith.constant 0 : i32
        %dma_wait3A_643 = tpu.memref_slice %arg4[%dma_wait3A_637, %dma_wait3A_642] : memref<2x131072xi32, #tpu.memory_space<hbm>> -> memref<1x64xi32, #tpu.memory_space<hbm>>
        %dma_wait3A_644 = tpu.memref_squeeze %dma_wait3A_643 : memref<1x64xi32, #tpu.memory_space<hbm>> -> memref<64xi32, #tpu.memory_space<hbm>>
        %dma_wait3A_645 = arith.constant 0 : i32
        %dma_wait3A_646 = tpu.memref_slice %arg7[%dma_wait3A_638, %dma_wait3A_645] : memref<2x64xi32, #tpu.memory_space<vmem>> -> memref<1x64xi32, #tpu.memory_space<vmem>>
        %dma_wait3A_647 = tpu.memref_squeeze %dma_wait3A_646 : memref<1x64xi32, #tpu.memory_space<vmem>> -> memref<64xi32, #tpu.memory_space<vmem>>
        %dma_wait3A_648 = arith.constant 0 : i32
        %dma_wait3A_649 = tpu.memref_slice %arg4[%dma_wait3A_637, %dma_wait3A_648] : memref<2x131072xi32, #tpu.memory_space<hbm>> -> memref<1x64xi32, #tpu.memory_space<hbm>>
        %dma_wait3A_650 = tpu.memref_squeeze %dma_wait3A_649 : memref<1x64xi32, #tpu.memory_space<hbm>> -> memref<64xi32, #tpu.memory_space<hbm>>
        tpu.wait_dma2 semaphore(%arg15 : memref<!tpu.dma_semaphore, #tpu.memory_space<semaphore_mem>>) src(%dma_wait3A_650 : memref<64xi32, #tpu.memory_space<hbm>>) dst(%dma_wait3A_647 : memref<64xi32, #tpu.memory_space<vmem>>)
        %dma_wait3A_651 = arith.constant 0 : i32
        %dma_wait3A_652 = arith.constant 1 : i32
        %dma_wait3A_653 = arith.constant 0 : i32
        %dma_wait3A_654 = tpu.memref_slice %arg8[%dma_wait3A_652, %dma_wait3A_653] : memref<2x64xi32, #tpu.memory_space<vmem>> -> memref<1x64xi32, #tpu.memory_space<vmem>>
        %dma_wait3A_655 = tpu.memref_squeeze %dma_wait3A_654 : memref<1x64xi32, #tpu.memory_space<vmem>> -> memref<64xi32, #tpu.memory_space<vmem>>
        %dma_wait3A_656 = arith.constant 0 : i32
        %dma_wait3A_657 = tpu.memref_slice %arg4[%dma_wait3A_651, %dma_wait3A_656] : memref<2x131072xi32, #tpu.memory_space<hbm>> -> memref<1x64xi32, #tpu.memory_space<hbm>>
        %dma_wait3A_658 = tpu.memref_squeeze %dma_wait3A_657 : memref<1x64xi32, #tpu.memory_space<hbm>> -> memref<64xi32, #tpu.memory_space<hbm>>
        %dma_wait3A_659 = arith.constant 0 : i32
        %dma_wait3A_660 = tpu.memref_slice %arg8[%dma_wait3A_652, %dma_wait3A_659] : memref<2x64xi32, #tpu.memory_space<vmem>> -> memref<1x64xi32, #tpu.memory_space<vmem>>
        %dma_wait3A_661 = tpu.memref_squeeze %dma_wait3A_660 : memref<1x64xi32, #tpu.memory_space<vmem>> -> memref<64xi32, #tpu.memory_space<vmem>>
        %dma_wait3A_662 = arith.constant 0 : i32
        %dma_wait3A_663 = tpu.memref_slice %arg4[%dma_wait3A_651, %dma_wait3A_662] : memref<2x131072xi32, #tpu.memory_space<hbm>> -> memref<1x64xi32, #tpu.memory_space<hbm>>
        %dma_wait3A_664 = tpu.memref_squeeze %dma_wait3A_663 : memref<1x64xi32, #tpu.memory_space<hbm>> -> memref<64xi32, #tpu.memory_space<hbm>>
        tpu.wait_dma2 semaphore(%arg15 : memref<!tpu.dma_semaphore, #tpu.memory_space<semaphore_mem>>) src(%dma_wait3A_664 : memref<64xi32, #tpu.memory_space<hbm>>) dst(%dma_wait3A_661 : memref<64xi32, #tpu.memory_space<vmem>>)
        %add3A_665 = arith.constant 2 : i32
        %add3A_666 = arith.addi %add3A_477, %add3A_665 : i32
        %mul3A_667 = arith.constant 64 : i32
        %mul3A_668 = arith.muli %add3A_666, %mul3A_667 : i32
        %add3A_669 = arith.addi %mul3A_28, %mul3A_668 : i32
        %dma_start3A_670 = arith.constant 1 : i32
        %dma_start3A_671 = arith.constant 1 : i32
        %dma_start3A_672 = arith.constant 0 : i32
        %dma_start3A_673 = arith.constant 0 : i32
        %dma_start3A_674 = tpu.memref_slice %arg10[%dma_start3A_671, %dma_start3A_672, %dma_start3A_673] : memref<2x64x128xf32, #tpu.memory_space<vmem>> -> memref<1x64x128xf32, #tpu.memory_space<vmem>>
        %dma_start3A_675 = tpu.memref_squeeze %dma_start3A_674 : memref<1x64x128xf32, #tpu.memory_space<vmem>> -> memref<64x128xf32, #tpu.memory_space<vmem>>
        %dma_start3A_676 = arith.constant 0 : i32
        %dma_start3A_677 = tpu.memref_slice %arg7[%dma_start3A_670, %dma_start3A_676] : memref<2x64xi32, #tpu.memory_space<vmem>> -> memref<1x64xi32, #tpu.memory_space<vmem>>
        %dma_start3A_678 = tpu.memref_squeeze %dma_start3A_677 : memref<1x64xi32, #tpu.memory_space<vmem>> -> memref<64xi32, #tpu.memory_space<vmem>>
        %dma_start3A_679 = arith.constant 0 : i32
        %dma_start3A_680 = arith.constant 0 : i32
        %dma_start3A_681 = tpu.memref_slice %arg2[%dma_start3A_679, %dma_start3A_680] : memref<4096x128xf32, #tpu.memory_space<hbm>> -> memref<4096x128xf32, #tpu.memory_space<hbm>>
        tpu.enqueue_indirect_dma source(%dma_start3A_681 : memref<4096x128xf32, #tpu.memory_space<hbm>>) target(%dma_start3A_675 : memref<64x128xf32, #tpu.memory_space<vmem>>) offsets(%dma_start3A_678 : memref<64xi32, #tpu.memory_space<vmem>>) semaphore(%arg17 : memref<!tpu.dma_semaphore, #tpu.memory_space<semaphore_mem>>)
        %dma_start3A_682 = arith.constant 1 : i32
        %dma_start3A_683 = arith.constant 1 : i32
        %dma_start3A_684 = arith.constant 0 : i32
        %dma_start3A_685 = arith.constant 0 : i32
        %dma_start3A_686 = tpu.memref_slice %arg11[%dma_start3A_683, %dma_start3A_684, %dma_start3A_685] : memref<2x64x128xf32, #tpu.memory_space<vmem>> -> memref<1x64x128xf32, #tpu.memory_space<vmem>>
        %dma_start3A_687 = tpu.memref_squeeze %dma_start3A_686 : memref<1x64x128xf32, #tpu.memory_space<vmem>> -> memref<64x128xf32, #tpu.memory_space<vmem>>
        %dma_start3A_688 = arith.constant 0 : i32
        %dma_start3A_689 = tpu.memref_slice %arg8[%dma_start3A_682, %dma_start3A_688] : memref<2x64xi32, #tpu.memory_space<vmem>> -> memref<1x64xi32, #tpu.memory_space<vmem>>
        %dma_start3A_690 = tpu.memref_squeeze %dma_start3A_689 : memref<1x64xi32, #tpu.memory_space<vmem>> -> memref<64xi32, #tpu.memory_space<vmem>>
        %dma_start3A_691 = arith.constant 0 : i32
        %dma_start3A_692 = arith.constant 0 : i32
        %dma_start3A_693 = tpu.memref_slice %arg2[%dma_start3A_691, %dma_start3A_692] : memref<4096x128xf32, #tpu.memory_space<hbm>> -> memref<4096x128xf32, #tpu.memory_space<hbm>>
        tpu.enqueue_indirect_dma source(%dma_start3A_693 : memref<4096x128xf32, #tpu.memory_space<hbm>>) target(%dma_start3A_687 : memref<64x128xf32, #tpu.memory_space<vmem>>) offsets(%dma_start3A_690 : memref<64xi32, #tpu.memory_space<vmem>>) semaphore(%arg19 : memref<!tpu.dma_semaphore, #tpu.memory_space<semaphore_mem>>)
        %jit3A_694 = arith.constant 8 : i32
        %div3A_695 = arith.divsi %add3A_669, %jit3A_694 : i32
        %sign3A_696 = arith.constant 0 : i32
        %sign3A_697 = arith.cmpi sgt, %add3A_669, %sign3A_696 : i32
        %sign3A_698 = arith.extui %sign3A_697 : i1 to i32
        %sign3A_699 = arith.constant 0 : i32
        %sign3A_700 = arith.cmpi slt, %add3A_669, %sign3A_699 : i32
        %sign3A_701 = arith.extui %sign3A_700 : i1 to i32
        %sign3A_702 = arith.subi %sign3A_698, %sign3A_701 : i32
        %sign3A_703 = arith.constant 0 : i32
        %sign3A_704 = arith.cmpi sgt, %jit3A_694, %sign3A_703 : i32
        %sign3A_705 = arith.extui %sign3A_704 : i1 to i32
        %sign3A_706 = arith.constant 0 : i32
        %sign3A_707 = arith.cmpi slt, %jit3A_694, %sign3A_706 : i32
        %sign3A_708 = arith.extui %sign3A_707 : i1 to i32
        %sign3A_709 = arith.subi %sign3A_705, %sign3A_708 : i32
        %ne3A_710 = arith.cmpi ne, %sign3A_702, %sign3A_709 : i32
        %rem3A_711 = arith.remsi %add3A_669, %jit3A_694 : i32
        %ne3A_712 = arith.constant 0 : i32
        %ne3A_713 = arith.cmpi ne, %rem3A_711, %ne3A_712 : i32
        %and3A_714 = arith.andi %ne3A_710, %ne3A_713 : i1
        %sub3A_715 = arith.constant 1 : i32
        %sub3A_716 = arith.subi %div3A_695, %sub3A_715 : i32
        %select_n3A_717 = arith.select %and3A_714, %sub3A_716, %div3A_695 : i32
        %multiple_of3A_718 = tpu.assume_multiple %select_n3A_717, 8 : i32
        %dma_start3A_719 = arith.constant 1 : i32
        %dma_start3A_720 = arith.constant 0 : i32
        %dma_start3A_721 = arith.constant 0 : i32
        %dma_start3A_722 = tpu.memref_slice %arg12[%dma_start3A_719, %dma_start3A_720, %dma_start3A_721] : memref<2x8x512xf32, #tpu.memory_space<vmem>> -> memref<1x8x512xf32, #tpu.memory_space<vmem>>
        %dma_start3A_723 = tpu.memref_squeeze %dma_start3A_722 : memref<1x8x512xf32, #tpu.memory_space<vmem>> -> memref<8x512xf32, #tpu.memory_space<vmem>>
        %dma_start3A_724 = arith.constant 0 : i32
        %dma_start3A_725 = tpu.memref_slice %arg3[%multiple_of3A_718, %dma_start3A_724] : memref<16384x512xf32, #tpu.memory_space<hbm>> -> memref<8x512xf32, #tpu.memory_space<hbm>>
        %dma_start3A_726 = arith.constant 0 : i32
        %dma_start3A_727 = arith.constant 0 : i32
        %dma_start3A_728 = tpu.memref_slice %arg12[%dma_start3A_719, %dma_start3A_726, %dma_start3A_727] : memref<2x8x512xf32, #tpu.memory_space<vmem>> -> memref<1x8x512xf32, #tpu.memory_space<vmem>>
        %dma_start3A_729 = tpu.memref_squeeze %dma_start3A_728 : memref<1x8x512xf32, #tpu.memory_space<vmem>> -> memref<8x512xf32, #tpu.memory_space<vmem>>
        %dma_start3A_730 = arith.constant 0 : i32
        %dma_start3A_731 = tpu.memref_slice %arg3[%multiple_of3A_718, %dma_start3A_730] : memref<16384x512xf32, #tpu.memory_space<hbm>> -> memref<8x512xf32, #tpu.memory_space<hbm>>
        tpu.enqueue_dma source(%dma_start3A_731 : memref<8x512xf32, #tpu.memory_space<hbm>>) target(%dma_start3A_729 : memref<8x512xf32, #tpu.memory_space<vmem>>) target_semaphore(%arg21 : memref<!tpu.dma_semaphore, #tpu.memory_space<semaphore_mem>>)
      } else {
      }
      %scan3A_636 = arith.constant 0 : i32
      scf.yield %scan3A_636 : i32
    }
    %scan3A_260 = arith.constant 32 : i32
    %dma_wait3A_261 = arith.constant 0 : i32
    %dma_wait3A_262 = arith.constant 0 : i32
    %dma_wait3A_263 = arith.constant 0 : i32
    %dma_wait3A_264 = arith.constant 0 : i32
    %dma_wait3A_265 = tpu.memref_slice %arg14[%dma_wait3A_261, %dma_wait3A_263, %dma_wait3A_264] : memref<2x64x128xf32, #tpu.memory_space<vmem>> -> memref<1x64x128xf32, #tpu.memory_space<vmem>>
    %dma_wait3A_266 = tpu.memref_squeeze %dma_wait3A_265 : memref<1x64x128xf32, #tpu.memory_space<vmem>> -> memref<64x128xf32, #tpu.memory_space<vmem>>
    %dma_wait3A_267 = arith.constant 0 : i32
    %dma_wait3A_268 = tpu.memref_slice %arg9[%dma_wait3A_262, %dma_wait3A_267] : memref<2x64xi32, #tpu.memory_space<vmem>> -> memref<1x64xi32, #tpu.memory_space<vmem>>
    %dma_wait3A_269 = tpu.memref_squeeze %dma_wait3A_268 : memref<1x64xi32, #tpu.memory_space<vmem>> -> memref<64xi32, #tpu.memory_space<vmem>>
    %dma_wait3A_270 = arith.constant 0 : i32
    %dma_wait3A_271 = arith.constant 0 : i32
    %dma_wait3A_272 = tpu.memref_slice %arg26[%dma_wait3A_270, %dma_wait3A_271] : memref<4096x128xf32, #tpu.memory_space<vmem_shared>> -> memref<4096x128xf32, #tpu.memory_space<vmem_shared>>
    tpu.wait_indirect_dma semaphore(%arg22 : memref<!tpu.dma_semaphore, #tpu.memory_space<semaphore_mem>>) src(%dma_wait3A_266 : memref<64x128xf32, #tpu.memory_space<vmem>>) dst(%dma_wait3A_272 : memref<4096x128xf32, #tpu.memory_space<vmem_shared>>)
    %dma_wait3A_273 = arith.constant 0 : i32
    %dma_wait3A_274 = arith.constant 0 : i32
    %dma_wait3A_275 = arith.constant 0 : i32
    %dma_wait3A_276 = tpu.memref_slice %arg13[%dma_wait3A_273, %dma_wait3A_274, %dma_wait3A_275] : memref<2x8x512xf32, #tpu.memory_space<vmem>> -> memref<1x8x512xf32, #tpu.memory_space<vmem>>
    %dma_wait3A_277 = tpu.memref_squeeze %dma_wait3A_276 : memref<1x8x512xf32, #tpu.memory_space<vmem>> -> memref<8x512xf32, #tpu.memory_space<vmem>>
    %dma_wait3A_278 = arith.constant 0 : i32
    %dma_wait3A_279 = arith.constant 0 : i32
    %dma_wait3A_280 = tpu.memref_slice %arg5[%dma_wait3A_278, %dma_wait3A_279] : memref<16384x512xf32, #tpu.memory_space<hbm>> -> memref<8x512xf32, #tpu.memory_space<hbm>>
    %dma_wait3A_281 = arith.constant 0 : i32
    %dma_wait3A_282 = arith.constant 0 : i32
    %dma_wait3A_283 = tpu.memref_slice %arg5[%dma_wait3A_281, %dma_wait3A_282] : memref<16384x512xf32, #tpu.memory_space<hbm>> -> memref<8x512xf32, #tpu.memory_space<hbm>>
    %dma_wait3A_284 = arith.constant 0 : i32
    %dma_wait3A_285 = arith.constant 0 : i32
    %dma_wait3A_286 = tpu.memref_slice %arg13[%dma_wait3A_273, %dma_wait3A_284, %dma_wait3A_285] : memref<2x8x512xf32, #tpu.memory_space<vmem>> -> memref<1x8x512xf32, #tpu.memory_space<vmem>>
    %dma_wait3A_287 = tpu.memref_squeeze %dma_wait3A_286 : memref<1x8x512xf32, #tpu.memory_space<vmem>> -> memref<8x512xf32, #tpu.memory_space<vmem>>
    tpu.wait_dma2 semaphore(%arg24 : memref<!tpu.dma_semaphore, #tpu.memory_space<semaphore_mem>>) src(%dma_wait3A_287 : memref<8x512xf32, #tpu.memory_space<vmem>>) dst(%dma_wait3A_283 : memref<8x512xf32, #tpu.memory_space<hbm>>)
    %dma_wait3A_288 = arith.constant 1 : i32
    %dma_wait3A_289 = arith.constant 1 : i32
    %dma_wait3A_290 = arith.constant 0 : i32
    %dma_wait3A_291 = arith.constant 0 : i32
    %dma_wait3A_292 = tpu.memref_slice %arg14[%dma_wait3A_288, %dma_wait3A_290, %dma_wait3A_291] : memref<2x64x128xf32, #tpu.memory_space<vmem>> -> memref<1x64x128xf32, #tpu.memory_space<vmem>>
    %dma_wait3A_293 = tpu.memref_squeeze %dma_wait3A_292 : memref<1x64x128xf32, #tpu.memory_space<vmem>> -> memref<64x128xf32, #tpu.memory_space<vmem>>
    %dma_wait3A_294 = arith.constant 0 : i32
    %dma_wait3A_295 = tpu.memref_slice %arg9[%dma_wait3A_289, %dma_wait3A_294] : memref<2x64xi32, #tpu.memory_space<vmem>> -> memref<1x64xi32, #tpu.memory_space<vmem>>
    %dma_wait3A_296 = tpu.memref_squeeze %dma_wait3A_295 : memref<1x64xi32, #tpu.memory_space<vmem>> -> memref<64xi32, #tpu.memory_space<vmem>>
    %dma_wait3A_297 = arith.constant 0 : i32
    %dma_wait3A_298 = arith.constant 0 : i32
    %dma_wait3A_299 = tpu.memref_slice %arg26[%dma_wait3A_297, %dma_wait3A_298] : memref<4096x128xf32, #tpu.memory_space<vmem_shared>> -> memref<4096x128xf32, #tpu.memory_space<vmem_shared>>
    tpu.wait_indirect_dma semaphore(%arg23 : memref<!tpu.dma_semaphore, #tpu.memory_space<semaphore_mem>>) src(%dma_wait3A_293 : memref<64x128xf32, #tpu.memory_space<vmem>>) dst(%dma_wait3A_299 : memref<4096x128xf32, #tpu.memory_space<vmem_shared>>)
    %dma_wait3A_300 = arith.constant 1 : i32
    %dma_wait3A_301 = arith.constant 0 : i32
    %dma_wait3A_302 = arith.constant 0 : i32
    %dma_wait3A_303 = tpu.memref_slice %arg13[%dma_wait3A_300, %dma_wait3A_301, %dma_wait3A_302] : memref<2x8x512xf32, #tpu.memory_space<vmem>> -> memref<1x8x512xf32, #tpu.memory_space<vmem>>
    %dma_wait3A_304 = tpu.memref_squeeze %dma_wait3A_303 : memref<1x8x512xf32, #tpu.memory_space<vmem>> -> memref<8x512xf32, #tpu.memory_space<vmem>>
    %dma_wait3A_305 = arith.constant 0 : i32
    %dma_wait3A_306 = arith.constant 0 : i32
    %dma_wait3A_307 = tpu.memref_slice %arg5[%dma_wait3A_305, %dma_wait3A_306] : memref<16384x512xf32, #tpu.memory_space<hbm>> -> memref<8x512xf32, #tpu.memory_space<hbm>>
    %dma_wait3A_308 = arith.constant 0 : i32
    %dma_wait3A_309 = arith.constant 0 : i32
    %dma_wait3A_310 = tpu.memref_slice %arg5[%dma_wait3A_308, %dma_wait3A_309] : memref<16384x512xf32, #tpu.memory_space<hbm>> -> memref<8x512xf32, #tpu.memory_space<hbm>>
    %dma_wait3A_311 = arith.constant 0 : i32
    %dma_wait3A_312 = arith.constant 0 : i32
    %dma_wait3A_313 = tpu.memref_slice %arg13[%dma_wait3A_300, %dma_wait3A_311, %dma_wait3A_312] : memref<2x8x512xf32, #tpu.memory_space<vmem>> -> memref<1x8x512xf32, #tpu.memory_space<vmem>>
    %dma_wait3A_314 = tpu.memref_squeeze %dma_wait3A_313 : memref<1x8x512xf32, #tpu.memory_space<vmem>> -> memref<8x512xf32, #tpu.memory_space<vmem>>
    tpu.wait_dma2 semaphore(%arg25 : memref<!tpu.dma_semaphore, #tpu.memory_space<semaphore_mem>>) src(%dma_wait3A_314 : memref<8x512xf32, #tpu.memory_space<vmem>>) dst(%dma_wait3A_310 : memref<8x512xf32, #tpu.memory_space<hbm>>)
    %barrier3A_315 = arith.constant 0 : index
    tpu.barrier barrier_id(%barrier3A_315)
    "tpu.region"() ({
      %run_scoped3A_316 = tpu.sem_alloc : memref<!tpu.dma_semaphore, #tpu.memory_space<semaphore_mem>>
      %dma_start3A_317 = arith.constant 0 : i32
      %dma_start3A_318 = tpu.memref_slice %arg6[%arg0, %mul3A_8, %dma_start3A_317] : memref<2x4096x128xf32, #tpu.memory_space<hbm>> -> memref<1x256x128xf32, #tpu.memory_space<hbm>>
      %dma_start3A_319 = tpu.memref_squeeze %dma_start3A_318 : memref<1x256x128xf32, #tpu.memory_space<hbm>> -> memref<256x128xf32, #tpu.memory_space<hbm>>
      %dma_start3A_320 = arith.constant 0 : i32
      %dma_start3A_321 = tpu.memref_slice %arg26[%mul3A_8, %dma_start3A_320] : memref<4096x128xf32, #tpu.memory_space<vmem_shared>> -> memref<256x128xf32, #tpu.memory_space<vmem_shared>>
      tpu.enqueue_dma source(%dma_start3A_321 : memref<256x128xf32, #tpu.memory_space<vmem_shared>>) target(%dma_start3A_319 : memref<256x128xf32, #tpu.memory_space<hbm>>) target_semaphore(%run_scoped3A_316 : memref<!tpu.dma_semaphore, #tpu.memory_space<semaphore_mem>>)
      %dma_wait3A_322 = arith.constant 0 : i32
      %dma_wait3A_323 = tpu.memref_slice %arg6[%arg0, %mul3A_8, %dma_wait3A_322] : memref<2x4096x128xf32, #tpu.memory_space<hbm>> -> memref<1x256x128xf32, #tpu.memory_space<hbm>>
      %dma_wait3A_324 = tpu.memref_squeeze %dma_wait3A_323 : memref<1x256x128xf32, #tpu.memory_space<hbm>> -> memref<256x128xf32, #tpu.memory_space<hbm>>
      %dma_wait3A_325 = arith.constant 0 : i32
      %dma_wait3A_326 = tpu.memref_slice %arg26[%mul3A_8, %dma_wait3A_325] : memref<4096x128xf32, #tpu.memory_space<vmem_shared>> -> memref<256x128xf32, #tpu.memory_space<vmem_shared>>
      tpu.wait_dma2 semaphore(%run_scoped3A_316 : memref<!tpu.dma_semaphore, #tpu.memory_space<semaphore_mem>>) src(%dma_wait3A_326 : memref<256x128xf32, #tpu.memory_space<vmem_shared>>) dst(%dma_wait3A_324 : memref<256x128xf32, #tpu.memory_space<hbm>>)
      tpu.yield
    }) : () -> ()
    return
  }
}

module attributes {stable_mosaic.version = 14 : i64} {
  func.func @_r_body(%arg0: i32, %arg1: memref<4096x128xf32, #tpu.memory_space<vmem>>, %arg2: memref<128x512xf32, #tpu.memory_space<vmem>>, %arg3: memref<1x512xf32, #tpu.memory_space<vmem>>, %arg4: memref<4096x512xf32, #tpu.memory_space<vmem>>) attributes {dimension_semantics = [#tpu.dimension_semantics<arbitrary>], iteration_bounds = array<i64: 4>, scalar_prefetch = 0 : i64, scratch_operands = 0 : i64, tpu.core_type = #tpu.core_type<tc>, window_params = [{transform_indices = @transform_0, window_bounds = array<i64: 4096, 128>}, {pipeline_mode = #tpu.pipeline_mode<synchronous>, transform_indices = @transform_1, window_bounds = array<i64: 128, 512>}, {pipeline_mode = #tpu.pipeline_mode<synchronous>, transform_indices = @transform_2, window_bounds = array<i64: 1, 512>}, {transform_indices = @transform_3, window_bounds = array<i64: 4096, 512>}]} {
    %get3A = arith.constant 0 : index
    %get3A_0 = arith.constant 0 : index
    %get3A_1 = vector.load %arg1[%get3A, %get3A_0] : memref<4096x128xf32, #tpu.memory_space<vmem>>, vector<4096x128xf32>
    %get3A_2 = arith.constant 0 : index
    %get3A_3 = arith.constant 0 : index
    %get3A_4 = vector.load %arg2[%get3A_2, %get3A_3] : memref<128x512xf32, #tpu.memory_space<vmem>>, vector<128x512xf32>
    %dot_general3A = arith.constant dense<0.000000e+00> : vector<4096x512xf32>
    %dot_general3A_5 = tpu.matmul %get3A_1, %get3A_4, %dot_general3A {dimension_numbers = #tpu.dot_dimension_numbers<[1], [0], [0], [1], [0, 0, 1, 1], [], []>, precision = #tpu.contract_precision<fp32>, transpose_lhs_hint = false} : vector<4096x128xf32>, vector<128x512xf32>, vector<4096x512xf32> -> vector<4096x512xf32>
    %get3A_6 = arith.constant 0 : index
    %get3A_7 = arith.constant 0 : index
    %get3A_8 = vector.load %arg3[%get3A_6, %get3A_7] : memref<1x512xf32, #tpu.memory_space<vmem>>, vector<1x512xf32>
    %add3A = vector.broadcast %get3A_8 : vector<1x512xf32> to vector<4096x512xf32>
    %add3A_9 = arith.addf %dot_general3A_5, %add3A : vector<4096x512xf32>
    %swap3A = arith.constant 0 : index
    %swap3A_10 = arith.constant 0 : index
    %swap3A_11 = vector.load %arg4[%swap3A, %swap3A_10] : memref<4096x512xf32, #tpu.memory_space<vmem>>, vector<4096x512xf32>
    tpu.vector_store %arg4[%swap3A, %swap3A_10], %add3A_9 {strides = array<i32>} : memref<4096x512xf32, #tpu.memory_space<vmem>>, vector<4096x512xf32>,
    return
  }
  func.func @transform_0(%arg0: i32) -> (i32, i32) {
    %c0_i32 = arith.constant 0 : i32
    %c0_i32_0 = arith.constant 0 : i32
    return %arg0, %c0_i32 : i32, i32
  }
  func.func @transform_1(%arg0: i32) -> (i32, i32) {
    %c0_i32 = arith.constant 0 : i32
    %c0_i32_0 = arith.constant 0 : i32
    %c0_i32_1 = arith.constant 0 : i32
    return %c0_i32, %c0_i32_0 : i32, i32
  }
  func.func @transform_2(%arg0: i32) -> (i32, i32) {
    %c0_i32 = arith.constant 0 : i32
    %c0_i32_0 = arith.constant 0 : i32
    %c0_i32_1 = arith.constant 0 : i32
    return %c0_i32, %c0_i32_0 : i32, i32
  }
  func.func @transform_3(%arg0: i32) -> (i32, i32) {
    %c0_i32 = arith.constant 0 : i32
    %c0_i32_0 = arith.constant 0 : i32
    return %arg0, %c0_i32 : i32, i32
  }
}

module attributes {stable_mosaic.version = 14 : i64} {
  func.func @_pre_body(%arg0: memref<4096x128xf32, #tpu.memory_space<vmem>>, %arg1: memref<128x128xf32, #tpu.memory_space<vmem>>, %arg2: memref<4096x128xf32, #tpu.memory_space<vmem>>) attributes {dimension_semantics = [], scalar_prefetch = 0 : i64, scratch_operands = 0 : i64, tpu.core_type = #tpu.core_type<tc>} {
    %get3A = arith.constant 0 : index
    %get3A_0 = arith.constant 0 : index
    %get3A_1 = vector.load %arg0[%get3A, %get3A_0] : memref<4096x128xf32, #tpu.memory_space<vmem>>, vector<4096x128xf32>
    %get3A_2 = arith.constant 0 : index
    %get3A_3 = arith.constant 0 : index
    %get3A_4 = vector.load %arg1[%get3A_2, %get3A_3] : memref<128x128xf32, #tpu.memory_space<vmem>>, vector<128x128xf32>
    %dot_general3A = arith.constant dense<0.000000e+00> : vector<4096x128xf32>
    %dot_general3A_5 = tpu.matmul %get3A_1, %get3A_4, %dot_general3A {dimension_numbers = #tpu.dot_dimension_numbers<[1], [0], [0], [1], [0, 0, 1, 1], [], []>, precision = #tpu.contract_precision<fp32>, transpose_lhs_hint = false} : vector<4096x128xf32>, vector<128x128xf32>, vector<4096x128xf32> -> vector<4096x128xf32>
    %swap3A = arith.constant 0 : index
    %swap3A_6 = arith.constant 0 : index
    %swap3A_7 = vector.load %arg2[%swap3A, %swap3A_6] : memref<4096x128xf32, #tpu.memory_space<vmem>>, vector<4096x128xf32>
    tpu.vector_store %arg2[%swap3A, %swap3A_6], %dot_general3A_5 {strides = array<i32>} : memref<4096x128xf32, #tpu.memory_space<vmem>>, vector<4096x128xf32>,
    return
  }
}

module attributes {stable_mosaic.version = 14 : i64} {
  func.func @_node_body(%arg0: memref<2x4096x128xf32, #tpu.memory_space<vmem>>, %arg1: memref<4096x128xf32, #tpu.memory_space<vmem>>, %arg2: memref<64x64xf32, #tpu.memory_space<vmem>>, %arg3: memref<1x64xf32, #tpu.memory_space<vmem>>, %arg4: memref<192x64xf32, #tpu.memory_space<vmem>>, %arg5: memref<1x64xf32, #tpu.memory_space<vmem>>, %arg6: memref<64x64xf32, #tpu.memory_space<vmem>>, %arg7: memref<1x64xf32, #tpu.memory_space<vmem>>, %arg8: memref<64x2xf32, #tpu.memory_space<vmem>>, %arg9: memref<1x2xf32, #tpu.memory_space<vmem>>, %arg10: memref<2x128xf32, #tpu.memory_space<vmem>>, %arg11: memref<1x128xf32, #tpu.memory_space<vmem>>, %arg12: memref<4096x2xf32, #tpu.memory_space<vmem>>, %arg13: memref<4096x128xf32, #tpu.memory_space<vmem>>) attributes {dimension_semantics = [], scalar_prefetch = 0 : i64, scratch_operands = 0 : i64, tpu.core_type = #tpu.core_type<tc>} {
    %get3A = arith.constant 0 : index
    %get3A_0 = arith.constant 0 : index
    %get3A_1 = arith.constant 0 : index
    %get3A_2 = vector.load %arg0[%get3A, %get3A_0, %get3A_1] : memref<2x4096x128xf32, #tpu.memory_space<vmem>>, vector<2x4096x128xf32>
    %slice3A = vector.extract_strided_slice %get3A_2 {offsets = [0, 0, 0], sizes = [1, 4096, 128], strides = [1, 1, 1]} : vector<2x4096x128xf32> to vector<1x4096x128xf32>
    %squeeze3A = vector.shape_cast %slice3A : vector<1x4096x128xf32> to vector<4096x128xf32>
    %slice3A_3 = vector.extract_strided_slice %get3A_2 {offsets = [1, 0, 0], sizes = [1, 4096, 128], strides = [1, 1, 1]} : vector<2x4096x128xf32> to vector<1x4096x128xf32>
    %squeeze3A_4 = vector.shape_cast %slice3A_3 : vector<1x4096x128xf32> to vector<4096x128xf32>
    %add3A = arith.addf %squeeze3A, %squeeze3A_4 : vector<4096x128xf32>
    %slice3A_5 = vector.extract_strided_slice %add3A {offsets = [0, 0], sizes = [4096, 64], strides = [1, 1]} : vector<4096x128xf32> to vector<4096x64xf32>
    %slice3A_6 = vector.extract_strided_slice %add3A {offsets = [0, 64], sizes = [4096, 1], strides = [1, 1]} : vector<4096x128xf32> to vector<4096x1xf32>
    %get3A_7 = arith.constant 0 : index
    %get3A_8 = arith.constant 0 : index
    %get3A_9 = vector.load %arg2[%get3A_7, %get3A_8] : memref<64x64xf32, #tpu.memory_space<vmem>>, vector<64x64xf32>
    %dot_general3A = arith.constant dense<0.000000e+00> : vector<4096x64xf32>
    %dot_general3A_10 = tpu.matmul %slice3A_5, %get3A_9, %dot_general3A {dimension_numbers = #tpu.dot_dimension_numbers<[1], [0], [0], [1], [0, 0, 1, 1], [], []>, precision = #tpu.contract_precision<fp32>, transpose_lhs_hint = false} : vector<4096x64xf32>, vector<64x64xf32>, vector<4096x64xf32> -> vector<4096x64xf32>
    %get3A_11 = arith.constant 0 : index
    %get3A_12 = arith.constant 0 : index
    %get3A_13 = vector.load %arg3[%get3A_11, %get3A_12] : memref<1x64xf32, #tpu.memory_space<vmem>>, vector<1x64xf32>
    %mul3A = vector.broadcast %slice3A_6 : vector<4096x1xf32> to vector<4096x64xf32>
    %mul3A_14 = vector.broadcast %get3A_13 : vector<1x64xf32> to vector<4096x64xf32>
    %mul3A_15 = arith.mulf %mul3A, %mul3A_14 : vector<4096x64xf32>
    %add3A_16 = arith.addf %dot_general3A_10, %mul3A_15 : vector<4096x64xf32>
    %get3A_17 = arith.constant 0 : index
    %get3A_18 = arith.constant 0 : index
    %get3A_19 = vector.load %arg1[%get3A_17, %get3A_18] : memref<4096x128xf32, #tpu.memory_space<vmem>>, vector<4096x128xf32>
    %concatenate3A = tpu.concatenate %get3A_19, %add3A_16 in 1 : vector<4096x128xf32>, vector<4096x64xf32> -> vector<4096x192xf32>
    %get3A_20 = arith.constant 0 : index
    %get3A_21 = arith.constant 0 : index
    %get3A_22 = vector.load %arg4[%get3A_20, %get3A_21] : memref<192x64xf32, #tpu.memory_space<vmem>>, vector<192x64xf32>
    %dot_general3A_23 = arith.constant dense<0.000000e+00> : vector<4096x64xf32>
    %dot_general3A_24 = tpu.matmul %concatenate3A, %get3A_22, %dot_general3A_23 {dimension_numbers = #tpu.dot_dimension_numbers<[1], [0], [0], [1], [0, 0, 1, 1], [], []>, precision = #tpu.contract_precision<fp32>, transpose_lhs_hint = false} : vector<4096x192xf32>, vector<192x64xf32>, vector<4096x64xf32> -> vector<4096x64xf32>
    %get3A_25 = arith.constant 0 : index
    %get3A_26 = arith.constant 0 : index
    %get3A_27 = vector.load %arg5[%get3A_25, %get3A_26] : memref<1x64xf32, #tpu.memory_space<vmem>>, vector<1x64xf32>
    %add3A_28 = vector.broadcast %get3A_27 : vector<1x64xf32> to vector<4096x64xf32>
    %add3A_29 = arith.addf %dot_general3A_24, %add3A_28 : vector<4096x64xf32>
    %max3A = arith.constant 0.000000e+00 : f32
    %max3A_30 = vector.broadcast %max3A : f32 to vector<4096x64xf32>
    %max3A_31 = arith.maximumf %add3A_29, %max3A_30 : vector<4096x64xf32>
    %get3A_32 = arith.constant 0 : index
    %get3A_33 = arith.constant 0 : index
    %get3A_34 = vector.load %arg6[%get3A_32, %get3A_33] : memref<64x64xf32, #tpu.memory_space<vmem>>, vector<64x64xf32>
    %dot_general3A_35 = arith.constant dense<0.000000e+00> : vector<4096x64xf32>
    %dot_general3A_36 = tpu.matmul %max3A_31, %get3A_34, %dot_general3A_35 {dimension_numbers = #tpu.dot_dimension_numbers<[1], [0], [0], [1], [0, 0, 1, 1], [], []>, precision = #tpu.contract_precision<fp32>, transpose_lhs_hint = false} : vector<4096x64xf32>, vector<64x64xf32>, vector<4096x64xf32> -> vector<4096x64xf32>
    %get3A_37 = arith.constant 0 : index
    %get3A_38 = arith.constant 0 : index
    %get3A_39 = vector.load %arg7[%get3A_37, %get3A_38] : memref<1x64xf32, #tpu.memory_space<vmem>>, vector<1x64xf32>
    %add3A_40 = vector.broadcast %get3A_39 : vector<1x64xf32> to vector<4096x64xf32>
    %add3A_41 = arith.addf %dot_general3A_36, %add3A_40 : vector<4096x64xf32>
    %get3A_42 = arith.constant 0 : index
    %get3A_43 = arith.constant 0 : index
    %get3A_44 = vector.load %arg8[%get3A_42, %get3A_43] : memref<64x2xf32, #tpu.memory_space<vmem>>, vector<64x2xf32>
    %dot_general3A_45 = arith.constant dense<0.000000e+00> : vector<4096x2xf32>
    %dot_general3A_46 = tpu.matmul %add3A_41, %get3A_44, %dot_general3A_45 {dimension_numbers = #tpu.dot_dimension_numbers<[1], [0], [0], [1], [0, 0, 1, 1], [], []>, precision = #tpu.contract_precision<fp32>, transpose_lhs_hint = false} : vector<4096x64xf32>, vector<64x2xf32>, vector<4096x2xf32> -> vector<4096x2xf32>
    %get3A_47 = arith.constant 0 : index
    %get3A_48 = arith.constant 0 : index
    %get3A_49 = vector.load %arg9[%get3A_47, %get3A_48] : memref<1x2xf32, #tpu.memory_space<vmem>>, vector<1x2xf32>
    %add3A_50 = vector.broadcast %get3A_49 : vector<1x2xf32> to vector<4096x2xf32>
    %add3A_51 = arith.addf %dot_general3A_46, %add3A_50 : vector<4096x2xf32>
    %swap3A = arith.constant 0 : index
    %swap3A_52 = arith.constant 0 : index
    %swap3A_53 = vector.load %arg12[%swap3A, %swap3A_52] : memref<4096x2xf32, #tpu.memory_space<vmem>>, vector<4096x2xf32>
    tpu.vector_store %arg12[%swap3A, %swap3A_52], %add3A_51 {strides = array<i32>} : memref<4096x2xf32, #tpu.memory_space<vmem>>, vector<4096x2xf32>,
    %get3A_54 = arith.constant 0 : index
    %get3A_55 = arith.constant 0 : index
    %get3A_56 = vector.load %arg10[%get3A_54, %get3A_55] : memref<2x128xf32, #tpu.memory_space<vmem>>, vector<2x128xf32>
    %dot_general3A_57 = arith.constant dense<0.000000e+00> : vector<4096x128xf32>
    %dot_general3A_58 = tpu.matmul %add3A_51, %get3A_56, %dot_general3A_57 {dimension_numbers = #tpu.dot_dimension_numbers<[1], [0], [0], [1], [0, 0, 1, 1], [], []>, precision = #tpu.contract_precision<fp32>, transpose_lhs_hint = false} : vector<4096x2xf32>, vector<2x128xf32>, vector<4096x128xf32> -> vector<4096x128xf32>
    %get3A_59 = arith.constant 0 : index
    %get3A_60 = arith.constant 0 : index
    %get3A_61 = vector.load %arg11[%get3A_59, %get3A_60] : memref<1x128xf32, #tpu.memory_space<vmem>>, vector<1x128xf32>
    %add3A_62 = vector.broadcast %get3A_61 : vector<1x128xf32> to vector<4096x128xf32>
    %add3A_63 = arith.addf %dot_general3A_58, %add3A_62 : vector<4096x128xf32>
    %swap3A_64 = arith.constant 0 : index
    %swap3A_65 = arith.constant 0 : index
    %swap3A_66 = vector.load %arg13[%swap3A_64, %swap3A_65] : memref<4096x128xf32, #tpu.memory_space<vmem>>, vector<4096x128xf32>
    tpu.vector_store %arg13[%swap3A_64, %swap3A_65], %add3A_63 {strides = array<i32>} : memref<4096x128xf32, #tpu.memory_space<vmem>>, vector<4096x128xf32>,
    return
  }
}

module attributes {stable_mosaic.version = 14 : i64} {
  func.func @_epost_body(%arg0: i32, %arg1: memref<2048x512xf32, #tpu.memory_space<vmem>>, %arg2: memref<512x16xf32, #tpu.memory_space<vmem>>, %arg3: memref<1x16xf32, #tpu.memory_space<vmem>>, %arg4: memref<16x128xf32, #tpu.memory_space<vmem>>, %arg5: memref<1x128xf32, #tpu.memory_space<vmem>>, %arg6: memref<2048x16xf32, #tpu.memory_space<vmem>>, %arg7: memref<2048x128xf32, #tpu.memory_space<vmem>>) attributes {dimension_semantics = [#tpu.dimension_semantics<arbitrary>], iteration_bounds = array<i64: 8>, scalar_prefetch = 0 : i64, scratch_operands = 0 : i64, tpu.core_type = #tpu.core_type<tc>, window_params = [{transform_indices = @transform_0, window_bounds = array<i64: 2048, 512>}, {pipeline_mode = #tpu.pipeline_mode<synchronous>, transform_indices = @transform_1, window_bounds = array<i64: 512, 16>}, {pipeline_mode = #tpu.pipeline_mode<synchronous>, transform_indices = @transform_2, window_bounds = array<i64: 1, 16>}, {pipeline_mode = #tpu.pipeline_mode<synchronous>, transform_indices = @transform_3, window_bounds = array<i64: 16, 128>}, {pipeline_mode = #tpu.pipeline_mode<synchronous>, transform_indices = @transform_4, window_bounds = array<i64: 1, 128>}, {transform_indices = @transform_5, window_bounds = array<i64: 2048, 16>}, {transform_indices = @transform_6, window_bounds = array<i64: 2048, 128>}]} {
    %get3A = arith.constant 0 : index
    %get3A_0 = arith.constant 0 : index
    %get3A_1 = vector.load %arg1[%get3A, %get3A_0] : memref<2048x512xf32, #tpu.memory_space<vmem>>, vector<2048x512xf32>
    %get3A_2 = arith.constant 0 : index
    %get3A_3 = arith.constant 0 : index
    %get3A_4 = vector.load %arg2[%get3A_2, %get3A_3] : memref<512x16xf32, #tpu.memory_space<vmem>>, vector<512x16xf32>
    %dot_general3A = arith.constant dense<0.000000e+00> : vector<2048x16xf32>
    %dot_general3A_5 = tpu.matmul %get3A_1, %get3A_4, %dot_general3A {dimension_numbers = #tpu.dot_dimension_numbers<[1], [0], [0], [1], [0, 0, 1, 1], [], []>, precision = #tpu.contract_precision<fp32>, transpose_lhs_hint = false} : vector<2048x512xf32>, vector<512x16xf32>, vector<2048x16xf32> -> vector<2048x16xf32>
    %get3A_6 = arith.constant 0 : index
    %get3A_7 = arith.constant 0 : index
    %get3A_8 = vector.load %arg3[%get3A_6, %get3A_7] : memref<1x16xf32, #tpu.memory_space<vmem>>, vector<1x16xf32>
    %add3A = vector.broadcast %get3A_8 : vector<1x16xf32> to vector<2048x16xf32>
    %add3A_9 = arith.addf %dot_general3A_5, %add3A : vector<2048x16xf32>
    %swap3A = arith.constant 0 : index
    %swap3A_10 = arith.constant 0 : index
    %swap3A_11 = vector.load %arg6[%swap3A, %swap3A_10] : memref<2048x16xf32, #tpu.memory_space<vmem>>, vector<2048x16xf32>
    tpu.vector_store %arg6[%swap3A, %swap3A_10], %add3A_9 {strides = array<i32>} : memref<2048x16xf32, #tpu.memory_space<vmem>>, vector<2048x16xf32>,
    %get3A_12 = arith.constant 0 : index
    %get3A_13 = arith.constant 0 : index
    %get3A_14 = vector.load %arg4[%get3A_12, %get3A_13] : memref<16x128xf32, #tpu.memory_space<vmem>>, vector<16x128xf32>
    %dot_general3A_15 = arith.constant dense<0.000000e+00> : vector<2048x128xf32>
    %dot_general3A_16 = tpu.matmul %add3A_9, %get3A_14, %dot_general3A_15 {dimension_numbers = #tpu.dot_dimension_numbers<[1], [0], [0], [1], [0, 0, 1, 1], [], []>, precision = #tpu.contract_precision<fp32>, transpose_lhs_hint = false} : vector<2048x16xf32>, vector<16x128xf32>, vector<2048x128xf32> -> vector<2048x128xf32>
    %get3A_17 = arith.constant 0 : index
    %get3A_18 = arith.constant 0 : index
    %get3A_19 = vector.load %arg5[%get3A_17, %get3A_18] : memref<1x128xf32, #tpu.memory_space<vmem>>, vector<1x128xf32>
    %add3A_20 = vector.broadcast %get3A_19 : vector<1x128xf32> to vector<2048x128xf32>
    %add3A_21 = arith.addf %dot_general3A_16, %add3A_20 : vector<2048x128xf32>
    %swap3A_22 = arith.constant 0 : index
    %swap3A_23 = arith.constant 0 : index
    %swap3A_24 = vector.load %arg7[%swap3A_22, %swap3A_23] : memref<2048x128xf32, #tpu.memory_space<vmem>>, vector<2048x128xf32>
    tpu.vector_store %arg7[%swap3A_22, %swap3A_23], %add3A_21 {strides = array<i32>} : memref<2048x128xf32, #tpu.memory_space<vmem>>, vector<2048x128xf32>,
    return
  }
  func.func @transform_0(%arg0: i32) -> (i32, i32) {
    %c0_i32 = arith.constant 0 : i32
    %c0_i32_0 = arith.constant 0 : i32
    return %arg0, %c0_i32 : i32, i32
  }
  func.func @transform_1(%arg0: i32) -> (i32, i32) {
    %c0_i32 = arith.constant 0 : i32
    %c0_i32_0 = arith.constant 0 : i32
    %c0_i32_1 = arith.constant 0 : i32
    return %c0_i32, %c0_i32_0 : i32, i32
  }
  func.func @transform_2(%arg0: i32) -> (i32, i32) {
    %c0_i32 = arith.constant 0 : i32
    %c0_i32_0 = arith.constant 0 : i32
    %c0_i32_1 = arith.constant 0 : i32
    return %c0_i32, %c0_i32_0 : i32, i32
  }
  func.func @transform_3(%arg0: i32) -> (i32, i32) {
    %c0_i32 = arith.constant 0 : i32
    %c0_i32_0 = arith.constant 0 : i32
    %c0_i32_1 = arith.constant 0 : i32
    return %c0_i32, %c0_i32_0 : i32, i32
  }
  func.func @transform_4(%arg0: i32) -> (i32, i32) {
    %c0_i32 = arith.constant 0 : i32
    %c0_i32_0 = arith.constant 0 : i32
    %c0_i32_1 = arith.constant 0 : i32
    return %c0_i32, %c0_i32_0 : i32, i32
  }
  func.func @transform_5(%arg0: i32) -> (i32, i32) {
    %c0_i32 = arith.constant 0 : i32
    %c0_i32_0 = arith.constant 0 : i32
    return %arg0, %c0_i32 : i32, i32
  }
  func.func @transform_6(%arg0: i32) -> (i32, i32) {
    %c0_i32 = arith.constant 0 : i32
    %c0_i32_0 = arith.constant 0 : i32
    return %arg0, %c0_i32 : i32, i32
  }
}

module attributes {stable_mosaic.version = 14 : i64} {
  func.func @_adj_body(%arg0: i32, %arg1: memref<512x2xf32, #tpu.memory_space<vmem>>, %arg2: memref<2x4096xf32, #tpu.memory_space<vmem>>, %arg3: memref<512x4096xf32, #tpu.memory_space<vmem>>) attributes {dimension_semantics = [#tpu.dimension_semantics<arbitrary>], iteration_bounds = array<i64: 8>, scalar_prefetch = 0 : i64, scratch_operands = 0 : i64, tpu.core_type = #tpu.core_type<tc>, window_params = [{transform_indices = @transform_0, window_bounds = array<i64: 512, 2>}, {pipeline_mode = #tpu.pipeline_mode<synchronous>, transform_indices = @transform_1, window_bounds = array<i64: 2, 4096>}, {transform_indices = @transform_2, window_bounds = array<i64: 512, 4096>}]} {
    %get3A = arith.constant 0 : index
    %get3A_0 = arith.constant 0 : index
    %get3A_1 = vector.load %arg1[%get3A, %get3A_0] : memref<512x2xf32, #tpu.memory_space<vmem>>, vector<512x2xf32>
    %get3A_2 = arith.constant 0 : index
    %get3A_3 = arith.constant 0 : index
    %get3A_4 = vector.load %arg2[%get3A_2, %get3A_3] : memref<2x4096xf32, #tpu.memory_space<vmem>>, vector<2x4096xf32>
    %slice3A = vector.extract_strided_slice %get3A_1 {offsets = [0, 0], sizes = [512, 1], strides = [1, 1]} : vector<512x2xf32> to vector<512x1xf32>
    %slice3A_5 = vector.extract_strided_slice %get3A_4 {offsets = [0, 0], sizes = [1, 4096], strides = [1, 1]} : vector<2x4096xf32> to vector<1x4096xf32>
    %sub3A = vector.broadcast %slice3A : vector<512x1xf32> to vector<512x4096xf32>
    %sub3A_6 = vector.broadcast %slice3A_5 : vector<1x4096xf32> to vector<512x4096xf32>
    %sub3A_7 = arith.subf %sub3A, %sub3A_6 : vector<512x4096xf32>
    %slice3A_8 = vector.extract_strided_slice %get3A_1 {offsets = [0, 1], sizes = [512, 1], strides = [1, 1]} : vector<512x2xf32> to vector<512x1xf32>
    %slice3A_9 = vector.extract_strided_slice %get3A_4 {offsets = [1, 0], sizes = [1, 4096], strides = [1, 1]} : vector<2x4096xf32> to vector<1x4096xf32>
    %sub3A_10 = vector.broadcast %slice3A_8 : vector<512x1xf32> to vector<512x4096xf32>
    %sub3A_11 = vector.broadcast %slice3A_9 : vector<1x4096xf32> to vector<512x4096xf32>
    %sub3A_12 = arith.subf %sub3A_10, %sub3A_11 : vector<512x4096xf32>
    %mul3A = arith.mulf %sub3A_7, %sub3A_7 : vector<512x4096xf32>
    %mul3A_13 = arith.mulf %sub3A_12, %sub3A_12 : vector<512x4096xf32>
    %add3A = arith.addf %mul3A, %mul3A_13 : vector<512x4096xf32>
    %mul3A_14 = arith.constant 3.000000e+00 : f32
    %mul3A_15 = vector.broadcast %mul3A_14 : f32 to vector<512x4096xf32>
    %mul3A_16 = arith.mulf %mul3A_15, %add3A : vector<512x4096xf32>
    %sub3A_17 = arith.constant 1.000000e+00 : f32
    %sub3A_18 = vector.broadcast %sub3A_17 : f32 to vector<512x4096xf32>
    %sub3A_19 = arith.subf %mul3A_16, %sub3A_18 : vector<512x4096xf32>
    %logistic3A = arith.negf %sub3A_19 : vector<512x4096xf32>
    %logistic3A_20 = math.exp %logistic3A : vector<512x4096xf32>
    %logistic3A_21 = arith.constant 1.000000e+00 : f32
    %logistic3A_22 = vector.broadcast %logistic3A_21 : f32 to vector<512x4096xf32>
    %logistic3A_23 = arith.addf %logistic3A_22, %logistic3A_20 : vector<512x4096xf32>
    %logistic3A_24 = arith.divf %logistic3A_22, %logistic3A_23 : vector<512x4096xf32>
    %iota3A = tpu.iota {dimensions = array<i32: 0>} : vector<512x4096xi32>
    %mul3A_25 = arith.constant 512 : i32
    %mul3A_26 = arith.muli %arg0, %mul3A_25 : i32
    %add3A_27 = vector.broadcast %mul3A_26 : i32 to vector<512x4096xi32>
    %add3A_28 = arith.addi %iota3A, %add3A_27 : vector<512x4096xi32>
    %iota3A_29 = tpu.iota {dimensions = array<i32: 1>} : vector<512x4096xi32>
    %eq3A = arith.cmpi eq, %add3A_28, %iota3A_29 : vector<512x4096xi32>
    %jit3A = arith.constant 0.000000e+00 : f32
    %broadcast_in_dim3A = vector.broadcast %jit3A : f32 to vector<512x4096xf32>
    %select_n3A = arith.select %eq3A, %broadcast_in_dim3A, %logistic3A_24 : vector<512x4096xi1>, vector<512x4096xf32>
    %swap3A = arith.constant 0 : index
    %swap3A_30 = arith.constant 0 : index
    %swap3A_31 = vector.load %arg3[%swap3A, %swap3A_30] : memref<512x4096xf32, #tpu.memory_space<vmem>>, vector<512x4096xf32>
    tpu.vector_store %arg3[%swap3A, %swap3A_30], %select_n3A {strides = array<i32>} : memref<512x4096xf32, #tpu.memory_space<vmem>>, vector<512x4096xf32>,
    return
  }
  func.func @transform_0(%arg0: i32) -> (i32, i32) {
    %c0_i32 = arith.constant 0 : i32
    %c0_i32_0 = arith.constant 0 : i32
    return %arg0, %c0_i32 : i32, i32
  }
  func.func @transform_1(%arg0: i32) -> (i32, i32) {
    %c0_i32 = arith.constant 0 : i32
    %c0_i32_0 = arith.constant 0 : i32
    %c0_i32_1 = arith.constant 0 : i32
    return %c0_i32, %c0_i32_0 : i32, i32
  }
  func.func @transform_2(%arg0: i32) -> (i32, i32) {
    %c0_i32 = arith.constant 0 : i32
    %c0_i32_0 = arith.constant 0 : i32
    return %arg0, %c0_i32 : i32, i32
  }
}

</mosaic_0001>

<sc_bundles>
// kernel: kernel.8.cloned.1.call-start
scs
__scs_entry_jumppad:
0x0: {  	(pc) =	sbr.rel $0x88, $3  }
0x1: {  	(tag) =	ssettag $0x0;
	lr =	simm.s32 $0x1  }
0x2: {  	[smem:$0x3F8E] =	sst lr;
	_ =	strace $0xD0000000  }
0x3: {  	_ = 	snop  }
0x4: {  	_ = 	snop  }
0x5: {  	_ = 	snop  }
0x6: {  	_ = 	snop  }
0x7: {  	_ = 	snop  }
__scs_overlays_trampoline_lowered:
0x8: {  	[smem:$0x3F9D] =	sst s0  }
0x9: {  	[smem:$0x3F9E] =	sst s1  }
0xa: {  	[smem:$0x3F9F] =	sst s2  }
0xb: {  	[smem:$0x3FA0] =	sst s3  }
0xc: {  	[smem:$0x3FA1] =	sst s4  }
0xd: {  	[smem:$0x3FA2] =	sst s5  }
0xe: {  	[smem:$0x3FA3] =	sst s6  }
0xf: {  	[smem:$0x3FA4] =	sst s7  }
0x10: {  	[smem:$0x3FA5] =	sst s8  }
0x11: {  	[smem:$0x3FA6] =	sst s9;
	s0 =	simm.s32 @!p0 $0x0  }
0x12: {  	s1 =	sld [smem:$0x3F8C];
	s0 =	simm.s32 @p0 $0x1  }
0x13: {  	[smem:$0x3FA7] =	sst s0;
	s0 =	simm.s32 @!p1 $0x0  }
0x14: {  	s2 =	sld [smem:$0x3F8B];
	s0 =	simm.s32 @p1 $0x1  }
0x15: {  	[smem:$0x3FA8] =	sst s0;
	s0 =	simm.s32 @!p2 $0x0  }
0x16: {  	s3 =	sld [smem:$0x3FDB];
	s0 =	simm.s32 @p2 $0x1  }
0x17: {  	s4 =	simm.s32 $0x1BF5;
	[smem:$0x3FAA] =	sst s0  }
0x18: {  	s0 =	sld [smem:$0x3F8D];
	_ =	swait.ge [sflag:s4], $0x0  }
0x19: {  	s7 =	sld [smem:$0x3F8E]  }
0x1a: {  	s8 =	sadd.s32 $0xFFFFE003, lr  }
0x1b: {  	s9 =	sadd.s32 $0xFFFFFEF7, lr;
	s5 =	simm.s32 $0xFFFFFFFF;
	p2 =	slt.u32 s8, $0xFFFFF086  }
0x1c: {  	p1 =	slt.u32 s9, $0xF7A;
	s5 =	simm.s32 @!p2 $0x0  }
0x1d: {  	s5 =	simm.s32 @p1 $0x1;
	p0 =	seq.s32 s7, s2  }
0x1e: {  	s7 =	smul.u32 @!p0 $0xF7A, s2;
	p2 =	seq.s32 @!p0 s5, $0x0  }
0x1f: {  	s9 =	smul.u32 $0xF7A, s1;
	s8 =	simm.s32 @!p0 $0x1BF5;
	p2 =	por !p2, p0  }
0x20: {  	[sflag:s8] =	ssyncset.s32 @!p0 $0xFFFFF086;
	s6 =	sadd.s32 @!p0 s3, s7;
	s7 =	simm.s32 @!p0 $0x108  }
0x21: {  	s3 =	sadd.s32 s3, s9;
	s6 =	sadd.s32 @!p0 $0x88, s6;
	s7 =	simm.s32 @p2 $0x1082  }
0x22: {  	[simem:s7], [sflag:s8] =	dma.local @!p0 [hbm:s6], $0xF7A  }
0x23: {  	s9 =	sor.u32 $0xD0000000, s2;
	s6 =	simm.s32 $0x108;
	_ =	swait.ge @!p0 [sflag:s8], $0x0  }
0x24: {  	s3 =	sadd.s32 $0x88, s3;
	s6 =	simm.s32 @!p1 $0x1082;
	[sflag:s4] =	ssyncset.s32 $0xFFFFF086  }
0x25: {  	[simem:s6], [sflag:s4] =	dma.local [hbm:s3], $0xF7A  }
0x26: {  	[smem:$0x3F8E] =	sst s1;
	(tag) =	ssettag s2;
	_ =	strace s9  }
0x27: {  	s1 =	sld [smem:$0x3F9E]  }
0x28: {  	s2 =	sld [smem:$0x3F9F]  }
0x29: {  	s4 =	sld [smem:$0x3FA1]  }
0x2a: {  	p0 =	seq.s32 s5, $0x0;
	s5 =	sld [smem:$0x3FA2]  }
0x2b: {  	s6 =	sld [smem:$0x3FA3]  }
0x2c: {  	s7 =	sld [smem:$0x3FA4]  }
0x2d: {  	s3 =	simm.s32 $0x108;
	s8 =	sld [smem:$0x3FA5]  }
0x2e: {  	s3 =	simm.s32 @!p0 $0x1082;
	s9 =	sld [smem:$0x3FA6]  }
0x2f: {  	lr =	sadd.s32 s0, s3;
	s0 =	sld [smem:$0x3F9D]  }
0x30: {  	s3 =	sld [smem:$0x3FA0]  }
0x31: {  	[smem:$0x3FA9] =	sst s10  }
0x32: {  	s10 =	sld [smem:$0x3FA7];
	_ =	sdelay $0x3  }
0x33: {  	p0 =	seq.s32 s10, $0x1;
	s10 =	sld [smem:$0x3FA9];
	_ =	sdelay $0x3  }
0x34: {  	[smem:$0x3FA9] =	sst s10  }
0x35: {  	s10 =	sld [smem:$0x3FA8];
	_ =	sdelay $0x3  }
0x36: {  	p1 =	seq.s32 s10, $0x1;
	s10 =	sld [smem:$0x3FA9];
	_ =	sdelay $0x3  }
0x37: {  	[smem:$0x3FA9] =	sst s10  }
0x38: {  	s10 =	sld [smem:$0x3FAA]  }
0x39: {  	_ = 	snop;
	(pc) =	sbr.ind lr, $3  }
0x3a: {  	_ = 	snop  }
0x3b: {  	_ = 	snop  }
0x3c: {  	p2 =	seq.s32 s10, $0x1;
	s10 =	sld [smem:$0x3FA9]  }
0x3d: {  	_ =	shalt  }
0x3e: {  	_ =	shalt  }
0x3f: {  	_ =	shalt  }
0x40: {  	_ =	shalt  }
0x41: {  	_ =	shalt  }
0x42: {  	_ =	shalt  }
0x43: {  	_ =	shalt  }
0x44: {  	_ =	shalt  }
0x45: {  	_ =	shalt  }
0x46: {  	_ =	shalt  }
0x47: {  	_ =	shalt  }
0x48: {  	_ =	shalt  }
0x49: {  	_ =	shalt  }
0x4a: {  	_ =	shalt  }
0x4b: {  	_ =	shalt  }
0x4c: {  	_ =	shalt  }
0x4d: {  	_ =	shalt  }
0x4e: {  	_ =	shalt  }
0x4f: {  	_ =	shalt  }
0x50: {  	_ =	shalt  }
0x51: {  	_ =	shalt  }
0x52: {  	_ =	shalt  }
0x53: {  	_ =	shalt  }
0x54: {  	_ =	shalt  }
0x55: {  	_ =	shalt  }
0x56: {  	_ =	shalt  }
0x57: {  	_ =	shalt  }
0x58: {  	_ =	shalt  }
0x59: {  	_ =	shalt  }
0x5a: {  	_ =	shalt  }
0x5b: {  	_ =	shalt  }
0x5c: {  	_ =	shalt  }
0x5d: {  	_ =	shalt  }
0x5e: {  	_ =	shalt  }
0x5f: {  	_ =	shalt  }
0x60: {  	_ =	shalt  }
0x61: {  	_ =	shalt  }
0x62: {  	_ =	shalt  }
0x63: {  	_ =	shalt  }
0x64: {  	_ =	shalt  }
0x65: {  	_ =	shalt  }
0x66: {  	_ =	shalt  }
0x67: {  	_ =	shalt  }
0x68: {  	_ =	shalt  }
0x69: {  	_ =	shalt  }
0x6a: {  	_ =	shalt  }
0x6b: {  	_ =	shalt  }
0x6c: {  	_ =	shalt  }
0x6d: {  	_ =	shalt  }
0x6e: {  	_ =	shalt  }
0x6f: {  	_ =	shalt  }
0x70: {  	_ =	shalt  }
0x71: {  	_ =	shalt  }
0x72: {  	_ =	shalt  }
0x73: {  	_ =	shalt  }
0x74: {  	_ =	shalt  }
0x75: {  	_ =	shalt  }
0x76: {  	_ =	shalt  }
0x77: {  	_ =	shalt  }
0x78: {  	_ =	shalt  }
0x79: {  	_ =	shalt  }
0x7a: {  	_ =	shalt  }
0x7b: {  	_ =	shalt  }
0x7c: {  	_ =	shalt  }
0x7d: {  	_ =	shalt  }
0x7e: {  	_ =	shalt  }
0x7f: {  	_ =	shalt  }
0x80: {  	_ =	shalt  }
0x81: {  	_ =	shalt  }
0x82: {  	_ =	shalt  }
0x83: {  	_ =	shalt  }
0x84: {  	_ =	shalt  }
0x85: {  	_ =	shalt  }
0x86: {  	_ =	shalt  }
0x87: {  	_ =	shalt  }
.Lfunc_end0:
.L_simem_size_0:
called_computation_lowered:
.L_overlay_start_0:
0x88: {  	s2 =	sld [smem:$0x3FD9]  }
0x89: {  	s3 =	sld [smem:$0x3FFE];
	_ =	sdelay $0x1  }
0x8a: {  	s1 =	srdreg.scid  }
0x8b: {  	s0 =	sand.u32 $0x1, s1  }
0x8c: {  	s14 =	sshll.u32 s0, $0xA;
	s2 =	sadd.s32 s3, s2  }
0x8d: {  	s2 =	sadd.s32 s2, s14  }
0x8e: {  	[smem:$0x3FB5] =	sst s2  }
0x8f: {  	_ = 	snop  }
0x90: {  	s2 =	sld [smem:$0x3FD0];
	_ =	sdelay $0x2  }
0x91: {  	s4 =	simm.s32 $0xA;
	s5 =	simm.s32 $0x10;
	s15 =	sld [smem:$0x3FC8]  }
0x92: {  	[smem:s5], [sflag:s4] =	dma.local [hbm:s2], $0x1  }
0x93: {  	_ =	swait.eq [sflag:s4], $0x1  }
0x94: {  	s16 =	sld [smem:$0x12];
	[sflag:s4] =	ssyncset.done $0x0  }
0x95: {  	s17 =	sld [smem:$0x13];
	[sflag:s4] =	ssyncadd.s32 $0xFFFFFFFF  }
0x96: {  	s18 =	sld [smem:$0x14];
	(tm) =	ssettm $0x1  }
0x97: {  	s6 =	sld [smem:$0x3FFB];
	_ =	sdelay $0x3  }
0x98: {  	_ =	strace s6  }
0x99: {  	s6 =	sld [smem:$0x3FFC];
	_ =	sdelay $0x3  }
0x9a: {  	_ =	strace s6  }
0x9b: {  	s6 =	sld [smem:$0x3FFD];
	_ =	sdelay $0x3  }
0x9c: {  	_ =	strace s6  }
0x9d: {  	_ =	strace $0x8FFFFFFF  }
0x9e: {  	s19 =	sld [smem:$0x3FDB];
	_ =	sdelay $0x1  }
0x9f: {  	s7 =	simm.s32 $_scs_section_size  }
0xa0: {  	s8 =	simm.s32 $_size__tile_overlayer_lowered;
	s9 =	simm.s32 $_tile_overlayer_lowered  }
0xa1: {  	s22 =	simm.s32 $0x1BFF;
	s21 =	sshll.u32 s9, $0x1;
	s6 =	sadd.s32 s7, s19  }
0xa2: {  	s10 =	simm.s32 $0x0;
	s20 =	sshll.u32 s8, $0x1;
	s8 =	sadd.s32 s21, s6  }
0xa3: {  	[timem:s10], [sflag:s22] =	dma.local [hbm:s8], s20  }
0xa4: {  	_ =	swait.ge [sflag:s22], s20  }
0xa5: {  	s7 =	ssub.s32 $0x0, s20;
	[sflag:s22] =	ssyncset.done $0x0  }
0xa6: {  	[sflag:s22] =	ssyncadd.s32 s7;
	_ =	sdelay $0x1  }
0xa7: {  	s23 =	simm.s32 $0x1B8B  }
0xa8: {  	_ =	swait.ge [sflag:s23], $0x1  }
0xa9: {  	[sflag:s23] =	ssyncset.done $0x0  }
0xaa: {  	s25 =	simm.s32 $0x1B8E;
	s24 =	sld [smem:$0x3FFE];
	[sflag:s23] =	ssyncadd.s32 $0xFFFFFFFF  }
0xab: {  	s26 =	simm.s32 $execute0_lowered;
	[smem:$0x3FD2] =	sst s25  }
0xac: {  	s8 =	sshll.u32 s26, $0x1;
	_ =	strace $0x80000046;
	[dreg:$0x1] =	wrdreg $0xFFFFFFFF  }
0xad: {  	s28 =	simm.s32 $_size_execute0_lowered;
	s6 =	sadd.s32 s6, s8;
	[dreg:$0x0] =	wrdreg $0x0  }
0xae: {  	s8 =	sshll.u32 s28, $0x1;
	[dreg:$0x2] =	wrdreg s6  }
0xaf: {  	[dreg:$0x3] =	wrdreg s8  }
0xb0: {  	[dreg:$0x4] =	wrdreg $0xC0  }
0xb1: {  	_ =	task [dreg:s10], $0x5FFFF  }
0xb2: {  	[dreg:$0x1] =	wrdreg $0xFFFFFFFF  }
0xb3: {  	[dreg:$0x0] =	wrdreg $0x60  }
0xb4: {  	[dreg:$0x2] =	wrdreg s16  }
0xb5: {  	[dreg:$0x3] =	wrdreg s18  }
0xb6: {  	[dreg:$0x4] =	wrdreg s15  }
0xb7: {  	[dreg:$0x5] =	wrdreg s24  }
0xb8: {  	[dreg:$0x6] =	wrdreg s17  }
0xb9: {  	[dreg:$0x7] =	wrdreg $0x103000  }
0xba: {  	[dreg:$0x8] =	wrdreg $0x9  }
0xbb: {  	_ =	task.clear_ibuf [dreg:s10], $0x9FFFF;
	_ =	strace $0x90000046  }
0xbc: {  	s29 =	simm.s32 $0x9;
	_ =	strace $0x80000048  }
0xbd: {  	_ =	swait.ge [sflag:s29], $0x1  }
0xbe: {  	[sflag:s29] =	ssyncadd.s32 $0xFFFFFFFF  }
0xbf: {  	_ =	strace $0x90000048  }
0xc0: {  	_ =	sfence  }
0xc1: {  	s30 =	sld [smem:$0x0];
	_ =	sdelay $0x2  }
0xc2: {  	s31 =	sshll.u32 s1, $0xD;
	s1 =	sshrl.u32 s1, $0x2  }
0xc3: {  	s3 =	sand.u32 $0x4000, s31;
	s1 =	sadd.s32 s1, s30  }
0xc4: {  	s0 =	sor.u32 s3, s0;
	s1 =	sshll.u32 s1, $0x11  }
0xc5: {  	s0 =	sor.u32 s1, s0  }
0xc6: {  	s0 =	sadd.s32 $0x8F2B, s0  }
0xc7: {  	[sflag:s0] =	ssyncadd.remote.s32 $0x1  }
0xc8: {  	_ =	sfence.sel $0xFFFF  }
0xc9: {  	[dreg:$0x0] =	wrdreg $0xFFFFFFFF;
	(pc) =	sbr.abs _section_cstart, $3  }
0xca: {  	[dreg:$0x1] =	wrdreg $0xFFFFFFFF  }
0xcb: {  	_ =	task.clear_ibuf [dreg:s10], $0x2FFFF;
	_ =	strace $0x9FFFFFFF  }
0xcc: {  	(tm) =	ssettm $0x7FFFFFFF  }
0xcd: {  	_ =	shalt  }
tec
execute0_lowered:
.L_overlay_start_1:
0x0: {  	(tag) =	ssettag $0x1  }
0x1: {  	s1 =	rddreg [dreg:$0x0]  }
0x2: {  	s2 =	rddreg [dreg:$0x1]  }
0x3: {  	s11 =	rddreg [dreg:$0x2]  }
0x4: {  	s0 =	rddreg [dreg:$0x3]  }
0x5: {  	s3 =	rddreg [dreg:$0x4]  }
0x6: {  	s4 =	rddreg [dreg:$0x5];
	s5 =	simm.s32 $0x0  }
0x7: {  	s6 =	srdreg.scid;
	s12 =	stileid.u32;
	s30 =	simm.s32 $0x6  }
0x8: {  	s28 =	simm.s32 $0x180;
	[smem:$0x7FF] =	sst s5;
	s6 =	sand.u32 $0x1, s6  }
0x9: {  	s7 =	sadd.s32 $0x3E00, s0;
	s9 =	sshll.u32 s12, $0xF;
	s16 =	sshll.u32 s12, $0xD  }
0xa: {  	s13 =	sadd.s32 $0x10, s11;
	s29 =	sshll.u32 s12, $0xC;
	s12 =	simm.s32 $0x5  }
0xb: {  	_ =	strace $0x80000047;
	s8 =	ssub.s32 $0x2, s6;
	s15 =	sadd.s32 s9, s4  }
0xc: {  	s10 =	sshll.u32 s6, $0xC;
	s6 =	sshll.u32 s6, $0x10;
	s3 =	sadd.s32 s3, s29  }
0xd: {  	s14 =	sshrl.u32 s8, $0x1;
	s17 =	sadd.s32 $0x2000, s15;
	s18 =	sor.u32 s10, s16  }
0xe: {  	s20 =	sadd.s32 $0x4000, s15;
	s21 =	sadd.s32 $0x6000, s15;
	[dreg:$0x7] =	wrdreg s15  }
0xf: {  	s3 =	sadd.s32 s6, s3;
	s6 =	simm.s32 $0x1;
	[dreg:$0x8] =	wrdreg s17  }
0x10: {  	s16 =	simm.s32 $0x2;
	s0 =	ssub.s32 s8, s14;
	[dreg:$0x9] =	wrdreg s20  }
0x11: {  	[dreg:$0xa] =	wrdreg s21;
	s22 =	sshrl.u32 s18, $0x2;
	s14 =	sadd.s32 $0x8, s11  }
0x12: {  	s25 =	sshll.u32 s18, $0x3;
	s19 =	sor.u32 $0x80, s18;
	s21 =	sor.u32 $0xFC0, s18  }
0x13: {  	[dreg:$0x10] =	wrdreg s3;
	s17 =	simm.s32 $0x4;
	s23 =	sadd.s32 s11, s22  }
0x14: {  	s24 =	sadd.s32 s22, s13;
	s9 =	sadd.s32 s22, s14;
	s26 =	sadd.s32 s2, s25  }
0x15: {  	s20 =	sadd.s32 s7, s25;
	s0 =	smax.u32 s0, $0x1;
	[dreg:$0xc] =	wrdreg s24  }
0x16: {  	s25 =	sor.u32 $0x40, s18;
	s22 =	simm.s32 $0xC;
	[dreg:$0xd] =	wrdreg s9  }
.Ltmp0:
0x17: {  	s11 =	simm.s32 $0xB;
	[dreg:$0xb] =	wrdreg s23;
	(pc) =	sbr.rel .LBB2_1-.Ltmp0, $4  }
0x18: {  	s10 =	sadd.s32 $0x18, s23;
	s23 =	sor.u32 $0xC0, s18;
	[dreg:$0x11] =	wrdreg s0  }
0x19: {  	[dreg:$0xf] =	wrdreg s26;
	s31 =	sadd.s32 $0x200, s26;
	s9 =	simm.s32 $0x40  }
0x1a: {  	s26 =	simm.s32 $0x3;
	s18 =	simm.s32 $0x7;
	[dreg:$0xe] =	wrdreg s10  }
0x1b: {  	v0 =	vimm.f32 $0.0e+00;
	v1 =	vimm.f32 $1.000000000e+00;
	s0 =	simm.s32 $0x0;
	[dreg:$0x12] =	wrdreg s31;
	s10 =	simm.s32 $0x9  }
.LBB2_14:
0x1c: {  	s0 =	simm.s32 $0x8  }
0x1d: {  	_ =	swait.ge [sflag:s0], $0x2000  }
0x1e: {  	[sflag:s0] =	ssyncset.done $0x0  }
0x1f: {  	s24 =	simm.s32 $0xA;
	[sflag:s0] =	ssyncadd.s32 $0xFFFFE000  }
0x20: {  	_ =	swait.ge [sflag:s24], $0x1000  }
0x21: {  	[sflag:s24] =	ssyncset.done $0x0  }
0x22: {  	[sflag:s24] =	ssyncadd.s32 $0xFFFFF000  }
0x23: {  	_ =	swait.ge [sflag:s10], $0x2000  }
0x24: {  	[sflag:s10] =	ssyncset.done $0x0  }
0x25: {  	[sflag:s10] =	ssyncadd.s32 $0xFFFFE000  }
0x26: {  	_ =	swait.ge [sflag:s11], $0x1000  }
0x27: {  	[sflag:s11] =	ssyncset.done $0x0  }
0x28: {  	[sflag:s11] =	ssyncadd.s32 $0xFFFFF000  }
0x29: {  	s3 =	stileid.u32;
	[bflag:$0x0] =	sbarrier.arrive $0xFFFF  }
0x2a: {  	s3 =	sshll.u32 s3, $0x6;
	s15 =	rddreg [dreg:$0x7]  }
0x2b: {  	s3 =	sor.u32 $0x1C0C, s3;
	s22 =	rddreg [dreg:$0x10];
	s8 =	sshrl.u32 s15, $0x3  }
0x2c: {  	[hbm:s22], [sflag:s3] =	dma.local [spmem:s8], $0x1000  }
0x2d: {  	s22 =	simm.s32 $0xC  }
0x2e: {  	_ =	swait.ge [sflag:s22], $0x1000  }
0x2f: {  	s29 =	rddreg [dreg:$0x13]  }
0x30: {  	s31 =	rddreg [dreg:$0x11];
	s0 =	sadd.s32 $0x1, s29  }
0x31: {  	p0 =	sne.s32 s0, s31  }
.Ltmp1:
0x32: {  	_ = 	snop;
	(pc) =	sbr.rel @!p0 .LBB2_15-.Ltmp1, $3  }
0x33: {  	_ =	sdelay $0x1  }
0x34: {  	[sflag:s22] =	ssyncset.done $0x0  }
0x35: {  	[sflag:s22] =	ssyncadd.s32 $0xFFFFF000  }
.LBB2_1:
0x36: {  	[dreg:$0x13] =	wrdreg s0;
	s3 =	simm.s32 $0x0;
	s8 =	simm.s32 $0x200  }
.LBB2_2:
0x37: {  	p0 =	sne.s32 s8, $0x7E00;
	[tilespmem:s3+$0xC370] =	vst v0  }
0x38: {  	[tilespmem:s3+$0xC300] =	vst v0  }
0x39: {  	[tilespmem:s3+$0xC310] =	vst v0  }
.Ltmp2:
0x3a: {  	[tilespmem:s3+$0xC320] =	vst v0;
	(pc) =	sbr.rel @p0 .LBB2_2-.Ltmp2, $4  }
0x3b: {  	[tilespmem:s3+$0xC330] =	vst v0  }
0x3c: {  	[tilespmem:s3+$0xC340] =	vst v0  }
0x3d: {  	[tilespmem:s3+$0xC350] =	vst v0  }
0x3e: {  	[tilespmem:s3+$0xC360] =	vst v0;
	s3 =	sshra.s32 s8, $0x2;
	s8 =	sadd.s32 $0x200, s8  }
0x3f: {  	[tilespmem:s3+$0xC370] =	vst v0  }
0x40: {  	[tilespmem:s3+$0xC300] =	vst v0  }
0x41: {  	[tilespmem:s3+$0xC310] =	vst v0  }
0x42: {  	[tilespmem:s3+$0xC320] =	vst v0  }
0x43: {  	[tilespmem:s3+$0xC330] =	vst v0  }
0x44: {  	[tilespmem:s3+$0xC340] =	vst v0  }
0x45: {  	[tilespmem:s3+$0xC350] =	vst v0  }
0x46: {  	[tilespmem:s3+$0xC360] =	vst v0;
	s0 =	simm.s32 $0xC300  }
0x47: {  	[spmem:s15] =	stream.linear.scatter [tilespmem:s0], [sflag:$0xC], $0x2000, $0x38;
	[tilespmem:$0x18300] =	vst v63  }
0x48: {  	_ =	swait.ge [sflag:s22], $0x2000  }
0x49: {  	[sflag:s22] =	ssyncset.done $0x0  }
0x4a: {  	s24 =	rddreg [dreg:$0x8];
	[sflag:s22] =	ssyncadd.s32 $0xFFFFE000  }
0x4b: {  	[spmem:s24] =	stream.linear.scatter [tilespmem:s0], [sflag:$0xC], $0x2000, $0x38;
	[tilespmem:$0x18300] =	vst v63  }
0x4c: {  	_ =	swait.ge [sflag:s22], $0x2000  }
0x4d: {  	[sflag:s22] =	ssyncset.done $0x0  }
0x4e: {  	s29 =	rddreg [dreg:$0x9];
	[sflag:s22] =	ssyncadd.s32 $0xFFFFE000  }
0x4f: {  	[spmem:s29] =	stream.linear.scatter [tilespmem:s0], [sflag:$0xC], $0x2000, $0x38;
	[tilespmem:$0x18300] =	vst v63  }
0x50: {  	_ =	swait.ge [sflag:s22], $0x2000  }
0x51: {  	[sflag:s22] =	ssyncset.done $0x0  }
0x52: {  	s31 =	rddreg [dreg:$0xa];
	[sflag:s22] =	ssyncadd.s32 $0xFFFFE000  }
0x53: {  	[spmem:s31] =	stream.linear.scatter [tilespmem:s0], [sflag:$0xC], $0x2000, $0x38;
	[tilespmem:$0x18300] =	vst v63  }
0x54: {  	_ =	swait.ge [sflag:s22], $0x2000  }
0x55: {  	[sflag:s22] =	ssyncset.done $0x0  }
0x56: {  	s8 =	simm.s32 $0x200;
	s3 =	simm.s32 $0x0;
	[sflag:s22] =	ssyncadd.s32 $0xFFFFE000  }
.LBB2_4:
0x57: {  	p0 =	sne.s32 s8, $0x7E00;
	[tilespmem:s3+$0xE370] =	vst v0;
	s15 =	smov.u32 s8;
	s8 =	sadd.s32 $0x200, s8  }
.Ltmp3:
0x58: {  	[tilespmem:s3+$0xE360] =	vst v0;
	(pc) =	sbr.rel @p0 .LBB2_4-.Ltmp3, $4  }
0x59: {  	[tilespmem:s3+$0xE350] =	vst v0  }
0x5a: {  	[tilespmem:s3+$0xC340] =	vst v1  }
0x5b: {  	[tilespmem:s3+$0xE340] =	vst v1  }
0x5c: {  	s3 =	sshra.s32 s15, $0x2  }
0x5d: {  	[tilespmem:s3+$0xE370] =	vst v0  }
0x5e: {  	[tilespmem:s3+$0xE360] =	vst v0  }
0x5f: {  	[tilespmem:s3+$0xE350] =	vst v0  }
0x60: {  	[tilespmem:s3+$0xC340] =	vst v1  }
0x61: {  	[tilespmem:s3+$0xE340] =	vst v1  }
0x62: {  	[bflag:$0x0] =	sbarrier.arrive $0xFFFF  }
0x63: {  	s15 =	simm.s32 $0x0;
	s24 =	rddreg [dreg:$0xb]  }
0x64: {  	[tilespmem:s15], [sflag:$0x1] =	stream.linear.gather [hbm4b:s24+s15], $0x40, $0x38;
	[tilespmem:$0x18300] =	vst v63  }
0x65: {  	s8 =	simm.s32 $0x100;
	s29 =	rddreg [dreg:$0xc]  }
0x66: {  	[tilespmem:s8], [sflag:$0x1] =	stream.linear.gather [hbm4b:s29+s15], $0x40, $0x38;
	[tilespmem:$0x18300] =	vst v63  }
0x67: {  	s22 =	simm.s32 $0x80;
	s31 =	rddreg [dreg:$0xd]  }
0x68: {  	[tilespmem:s22], [sflag:$0x1] =	stream.linear.gather [hbm4b:s31+s15], $0x40, $0x38;
	[tilespmem:$0x18300] =	vst v63  }
0x69: {  	s0 =	rddreg [dreg:$0xe];
	s24 =	simm.s32 $0x180  }
0x6a: {  	[tilespmem:s24], [sflag:$0x1] =	stream.linear.gather [hbm4b:s0+s15], $0x40, $0x38;
	[tilespmem:$0x18300] =	vst v63  }
0x6b: {  	_ =	swait.ge [sflag:s6], $0x40  }
0x6c: {  	[sflag:s6] =	ssyncset.done $0x0  }
0x6d: {  	[sflag:s6] =	ssyncadd.s32 $0xFFFFFFC0  }
0x6e: {  	_ =	swait.ge [sflag:s6], $0x40  }
0x6f: {  	[sflag:s6] =	ssyncset.done $0x0  }
0x70: {  	[sflag:s6] =	ssyncadd.s32 $0xFFFFFFC0  }
0x71: {  	_ =	swait.ge [sflag:s6], $0x40  }
0x72: {  	[sflag:s6] =	ssyncset.done $0x0  }
0x73: {  	[sflag:s6] =	ssyncadd.s32 $0xFFFFFFC0  }
0x74: {  	_ =	swait.ge [sflag:s6], $0x40  }
0x75: {  	[sflag:s6] =	ssyncset.done $0x0  }
0x76: {  	s0 =	simm.s32 $0x300;
	[sflag:s6] =	ssyncadd.s32 $0xFFFFFFC0  }
0x77: {  	[tilespmem:s0], [sflag:$0x2] =	stream.indirect.gather [hbm4b:s1+s9], $0x80, s15, s9, $0xb8;
	[tilespmem:$0x18300] =	vst v63  }
0x78: {  	s3 =	simm.s32 $0x4300  }
0x79: {  	[tilespmem:s3], [sflag:$0x4] =	stream.indirect.gather [hbm4b:s1+s9], $0x80, s8, s9, $0xb8;
	[tilespmem:$0x18300] =	vst v63  }
0x7a: {  	s31 =	simm.s32 $0x8300;
	s29 =	rddreg [dreg:$0xf]  }
0x7b: {  	[tilespmem:s31], [sflag:$0x6] =	stream.linear.gather [hbm4b:s29+s15], $0x1000, $0x38;
	[tilespmem:$0x18300] =	vst v63  }
0x7c: {  	s8 =	simm.s32 $0x2300  }
0x7d: {  	[tilespmem:s8], [sflag:$0x3] =	stream.indirect.gather [hbm4b:s1+s9], $0x80, s22, s9, $0xb8;
	[tilespmem:$0x18300] =	vst v63  }
0x7e: {  	s22 =	simm.s32 $0x6300  }
0x7f: {  	[tilespmem:s22], [sflag:$0x5] =	stream.indirect.gather [hbm4b:s1+s9], $0x80, s24, s9, $0xb8;
	[tilespmem:$0x18300] =	vst v63  }
0x80: {  	s0 =	simm.s32 $0x80;
	s29 =	rddreg [dreg:$0x12];
	s31 =	simm.s32 $0x9300  }
0x81: {  	[tilespmem:s31], [sflag:$0x7] =	stream.linear.gather [hbm4b:s29+s15], $0x1000, $0x38;
	[tilespmem:$0x18300] =	vst v63  }
.LBB2_6:
0x82: {  	p0 =	seq.s32 s15, $0x0  }
0x83: {  	s3 =	simm.s32 @!p0 $0x8  }
0x84: {  	_ =	swait.ge @!p0 [sflag:s3], $0x2000  }
0x85: {  	[sflag:s3] =	ssyncset.done @!p0 $0x0  }
0x86: {  	[sflag:s3] =	ssyncadd.s32 @!p0 $0xFFFFE000;
	s3 =	simm.s32 @!p0 $0xA  }
0x87: {  	_ =	swait.ge @!p0 [sflag:s3], $0x1000  }
0x88: {  	[sflag:s3] =	ssyncset.done @!p0 $0x0  }
0x89: {  	[sflag:s3] =	ssyncadd.s32 @!p0 $0xFFFFF000  }
0x8a: {  	_ =	swait.ge [sflag:s16], $0x2000  }
0x8b: {  	[sflag:s16] =	ssyncset.done $0x0  }
0x8c: {  	[sflag:s16] =	ssyncadd.s32 $0xFFFFE000  }
0x8d: {  	_ =	swait.ge [sflag:s17], $0x2000  }
0x8e: {  	[sflag:s17] =	ssyncset.done $0x0  }
0x8f: {  	[sflag:s17] =	ssyncadd.s32 $0xFFFFE000  }
0x90: {  	_ =	swait.ge [sflag:s30], $0x1000  }
0x91: {  	[sflag:s30] =	ssyncset.done $0x0  }
0x92: {  	[sflag:s30] =	ssyncadd.s32 $0xFFFFF000  }
0x93: {  	v2 =	vld [tilespmem:$0x0]  }
0x94: {  	v3 =	vld [tilespmem:$0x10]  }
0x95: {  	v4 =	vld [tilespmem:$0x20]  }
0x96: {  	v5 =	vld [tilespmem:$0x30];
	_ =	sdelay $0x1  }
0x97: {  	s22 =	sshll.u32 s15, $0x7;
	p0 =	seq.s32 s15, $0x1F;
	[tilespmem:$0x200] =	vst v2  }
0x98: {  	s24 =	sadd.s32 @!p0 s22, s19;
	[tilespmem:$0x210] =	vst v3  }
0x99: {  	s3 =	sshrl.u32 @!p0 s24, $0x2;
	s8 =	rddreg [dreg:$0x2];
	[tilespmem:$0x220] =	vst v4  }
0x9a: {  	s29 =	simm.s32 @!p0 $0x0;
	s8 =	sadd.s32 @!p0 s8, s3;
	[tilespmem:$0x230] =	vst v5  }
0x9b: {  	[tilespmem:s29], [sflag:$0x1] =	stream.linear.gather @!p0 [hbm4b:s8+s29], $0x40, $0x38;
	[tilespmem:$0x18300] =	vst v63  }
0x9c: {  	s3 =	sadd.s32 @!p0 s3, s13;
	s8 =	simm.s32 @!p0 $0x100  }
0x9d: {  	[tilespmem:s8], [sflag:$0x1] =	stream.linear.gather @!p0 [hbm4b:s3+s29], $0x40, $0x38;
	[tilespmem:$0x18300] =	vst v63  }
0x9e: {  	s8 =	simm.s32 $0x8B00;
	s29 =	simm.s32 $0xAB00;
	s3 =	simm.s32 $0x0  }
.LBB2_7:
0x9f: {  	s31 =	sshra.s32 s3, $0x2  }
0xa0: {  	v2 =	vld [tilespmem:s31+$0x300]  }
0xa1: {  	v3 =	vld [tilespmem:s31+$0x4340];
	_ =	sdelay $0x1  }
0xa2: {  	v4 =	vld [tilespmem:s8+$0xFFFFF800];
	_ =	sdelay $0x2  }
0xa3: {  	v2 =	vadd.f32 v3, v2;
	_ =	sdelay $0x1  }
0xa4: {  	v2 =	vadd.f32 v4, v2;
	_ =	sdelay $0x1  }
0xa5: {  	v2 =	vmax.f32 v2, $0.0e+00  }
0xa6: {  	[tilespmem:s31+$0xC300] =	vst v2  }
0xa7: {  	[tilespmem:s29+$0xFFFFF800] =	vst v2  }
0xa8: {  	v2 =	vld [tilespmem:s31+$0x310]  }
0xa9: {  	v3 =	vld [tilespmem:s31+$0x4350];
	_ =	sdelay $0x1  }
0xaa: {  	v33 =	vld [tilespmem:s8+$0xFFFFF810];
	_ =	sdelay $0x2  }
0xab: {  	v2 =	vadd.f32 v3, v2;
	_ =	sdelay $0x1  }
0xac: {  	v2 =	vadd.f32 v33, v2;
	_ =	sdelay $0x1  }
0xad: {  	v2 =	vmax.f32 v2, $0.0e+00  }
0xae: {  	[tilespmem:s31+$0xC310] =	vst v2  }
0xaf: {  	[tilespmem:s29+$0xFFFFF810] =	vst v2  }
0xb0: {  	v2 =	vld [tilespmem:s31+$0x320]  }
0xb1: {  	v3 =	vld [tilespmem:s31+$0x4360];
	_ =	sdelay $0x1  }
0xb2: {  	v34 =	vld [tilespmem:s8+$0xFFFFF820];
	_ =	sdelay $0x2  }
0xb3: {  	v2 =	vadd.f32 v3, v2;
	_ =	sdelay $0x1  }
0xb4: {  	v2 =	vadd.f32 v34, v2;
	_ =	sdelay $0x1  }
0xb5: {  	v2 =	vmax.f32 v2, $0.0e+00  }
0xb6: {  	[tilespmem:s31+$0xC320] =	vst v2  }
0xb7: {  	[tilespmem:s29+$0xFFFFF820] =	vst v2  }
0xb8: {  	v2 =	vld [tilespmem:s31+$0x330]  }
0xb9: {  	v3 =	vld [tilespmem:s31+$0x4370];
	_ =	sdelay $0x1  }
0xba: {  	v35 =	vld [tilespmem:s8+$0xFFFFF830];
	_ =	sdelay $0x2  }
0xbb: {  	v2 =	vadd.f32 v3, v2;
	_ =	sdelay $0x1  }
0xbc: {  	v2 =	vadd.f32 v35, v2;
	_ =	sdelay $0x1  }
0xbd: {  	v2 =	vmax.f32 v2, $0.0e+00  }
0xbe: {  	[tilespmem:s31+$0xC330] =	vst v2  }
0xbf: {  	[tilespmem:s29+$0xFFFFF830] =	vst v2  }
0xc0: {  	v2 =	vld [tilespmem:s31+$0x380]  }
0xc1: {  	v3 =	vld [tilespmem:s31+$0x43C0];
	_ =	sdelay $0x1  }
0xc2: {  	v36 =	vld [tilespmem:s8+$0xFFFFF840];
	_ =	sdelay $0x2  }
0xc3: {  	v2 =	vadd.f32 v3, v2;
	_ =	sdelay $0x1  }
0xc4: {  	v2 =	vadd.f32 v36, v2;
	_ =	sdelay $0x1  }
0xc5: {  	v2 =	vmax.f32 v2, $0.0e+00  }
0xc6: {  	[tilespmem:s31+$0xC380] =	vst v2  }
0xc7: {  	[tilespmem:s29+$0xFFFFF840] =	vst v2  }
0xc8: {  	v2 =	vld [tilespmem:s31+$0x390]  }
0xc9: {  	v3 =	vld [tilespmem:s31+$0x43D0];
	_ =	sdelay $0x1  }
0xca: {  	v37 =	vld [tilespmem:s8+$0xFFFFF850];
	_ =	sdelay $0x2  }
0xcb: {  	v2 =	vadd.f32 v3, v2;
	_ =	sdelay $0x1  }
0xcc: {  	v2 =	vadd.f32 v37, v2;
	_ =	sdelay $0x1  }
0xcd: {  	v2 =	vmax.f32 v2, $0.0e+00  }
0xce: {  	[tilespmem:s31+$0xC390] =	vst v2  }
0xcf: {  	[tilespmem:s29+$0xFFFFF850] =	vst v2  }
0xd0: {  	v2 =	vld [tilespmem:s31+$0x3A0]  }
0xd1: {  	v3 =	vld [tilespmem:s31+$0x43E0];
	_ =	sdelay $0x1  }
0xd2: {  	v38 =	vld [tilespmem:s8+$0xFFFFF860];
	_ =	sdelay $0x2  }
0xd3: {  	v2 =	vadd.f32 v3, v2;
	_ =	sdelay $0x1  }
0xd4: {  	v2 =	vadd.f32 v38, v2;
	_ =	sdelay $0x1  }
0xd5: {  	v2 =	vmax.f32 v2, $0.0e+00  }
0xd6: {  	[tilespmem:s31+$0xC3A0] =	vst v2  }
0xd7: {  	[tilespmem:s29+$0xFFFFF860] =	vst v2  }
0xd8: {  	v2 =	vld [tilespmem:s31+$0x3B0]  }
0xd9: {  	v3 =	vld [tilespmem:s31+$0x43F0];
	_ =	sdelay $0x1  }
0xda: {  	v39 =	vld [tilespmem:s8+$0xFFFFF870];
	_ =	sdelay $0x2  }
0xdb: {  	v2 =	vadd.f32 v3, v2;
	_ =	sdelay $0x1  }
0xdc: {  	v2 =	vadd.f32 v39, v2;
	_ =	sdelay $0x1  }
0xdd: {  	v2 =	vmax.f32 v2, $0.0e+00  }
0xde: {  	[tilespmem:s31+$0xC3B0] =	vst v2  }
0xdf: {  	[tilespmem:s29+$0xFFFFF870] =	vst v2  }
0xe0: {  	v2 =	vld [tilespmem:s31+$0x400]  }
0xe1: {  	v3 =	vld [tilespmem:s31+$0x4440];
	_ =	sdelay $0x1  }
0xe2: {  	v40 =	vld [tilespmem:s8+$0xFFFFFC00];
	_ =	sdelay $0x2  }
0xe3: {  	v2 =	vadd.f32 v3, v2;
	_ =	sdelay $0x1  }
0xe4: {  	v2 =	vadd.f32 v40, v2;
	_ =	sdelay $0x1  }
0xe5: {  	v2 =	vmax.f32 v2, $0.0e+00  }
0xe6: {  	[tilespmem:s31+$0xC400] =	vst v2  }
0xe7: {  	[tilespmem:s29+$0xFFFFFC00] =	vst v2  }
0xe8: {  	v2 =	vld [tilespmem:s31+$0x410]  }
0xe9: {  	v3 =	vld [tilespmem:s31+$0x4450];
	_ =	sdelay $0x1  }
0xea: {  	v41 =	vld [tilespmem:s8+$0xFFFFFC10];
	_ =	sdelay $0x2  }
0xeb: {  	v2 =	vadd.f32 v3, v2;
	_ =	sdelay $0x1  }
0xec: {  	v2 =	vadd.f32 v41, v2;
	_ =	sdelay $0x1  }
0xed: {  	v2 =	vmax.f32 v2, $0.0e+00  }
0xee: {  	[tilespmem:s31+$0xC410] =	vst v2  }
0xef: {  	[tilespmem:s29+$0xFFFFFC10] =	vst v2  }
0xf0: {  	v2 =	vld [tilespmem:s31+$0x420]  }
0xf1: {  	v3 =	vld [tilespmem:s31+$0x4460];
	_ =	sdelay $0x1  }
0xf2: {  	v42 =	vld [tilespmem:s8+$0xFFFFFC20];
	_ =	sdelay $0x2  }
0xf3: {  	v2 =	vadd.f32 v3, v2;
	_ =	sdelay $0x1  }
0xf4: {  	v2 =	vadd.f32 v42, v2;
	_ =	sdelay $0x1  }
0xf5: {  	v2 =	vmax.f32 v2, $0.0e+00  }
0xf6: {  	[tilespmem:s31+$0xC420] =	vst v2  }
0xf7: {  	[tilespmem:s29+$0xFFFFFC20] =	vst v2  }
0xf8: {  	v2 =	vld [tilespmem:s31+$0x430]  }
0xf9: {  	v3 =	vld [tilespmem:s31+$0x4470];
	_ =	sdelay $0x1  }
0xfa: {  	v43 =	vld [tilespmem:s8+$0xFFFFFC30];
	_ =	sdelay $0x2  }
0xfb: {  	v2 =	vadd.f32 v3, v2;
	_ =	sdelay $0x1  }
0xfc: {  	v2 =	vadd.f32 v43, v2;
	_ =	sdelay $0x1  }
0xfd: {  	v2 =	vmax.f32 v2, $0.0e+00  }
0xfe: {  	[tilespmem:s31+$0xC430] =	vst v2  }
0xff: {  	[tilespmem:s29+$0xFFFFFC30] =	vst v2  }
0x100: {  	v2 =	vld [tilespmem:s31+$0x480]  }
0x101: {  	v3 =	vld [tilespmem:s31+$0x44C0];
	_ =	sdelay $0x1  }
0x102: {  	v44 =	vld [tilespmem:s8+$0xFFFFFC40];
	_ =	sdelay $0x2  }
0x103: {  	v2 =	vadd.f32 v3, v2;
	_ =	sdelay $0x1  }
0x104: {  	v2 =	vadd.f32 v44, v2;
	_ =	sdelay $0x1  }
0x105: {  	v2 =	vmax.f32 v2, $0.0e+00  }
0x106: {  	[tilespmem:s31+$0xC480] =	vst v2  }
0x107: {  	[tilespmem:s29+$0xFFFFFC40] =	vst v2  }
0x108: {  	v2 =	vld [tilespmem:s31+$0x490]  }
0x109: {  	v3 =	vld [tilespmem:s31+$0x44D0];
	_ =	sdelay $0x1  }
0x10a: {  	v45 =	vld [tilespmem:s8+$0xFFFFFC50];
	_ =	sdelay $0x2  }
0x10b: {  	v2 =	vadd.f32 v3, v2;
	_ =	sdelay $0x1  }
0x10c: {  	v2 =	vadd.f32 v45, v2;
	_ =	sdelay $0x1  }
0x10d: {  	v2 =	vmax.f32 v2, $0.0e+00  }
0x10e: {  	[tilespmem:s31+$0xC490] =	vst v2  }
0x10f: {  	[tilespmem:s29+$0xFFFFFC50] =	vst v2  }
0x110: {  	v2 =	vld [tilespmem:s31+$0x4A0]  }
0x111: {  	v3 =	vld [tilespmem:s31+$0x44E0];
	_ =	sdelay $0x1  }
0x112: {  	v46 =	vld [tilespmem:s8+$0xFFFFFC60];
	_ =	sdelay $0x2  }
0x113: {  	v2 =	vadd.f32 v3, v2;
	_ =	sdelay $0x1  }
0x114: {  	v2 =	vadd.f32 v46, v2;
	_ =	sdelay $0x1  }
0x115: {  	v2 =	vmax.f32 v2, $0.0e+00  }
0x116: {  	[tilespmem:s31+$0xC4A0] =	vst v2  }
0x117: {  	[tilespmem:s29+$0xFFFFFC60] =	vst v2  }
0x118: {  	v2 =	vld [tilespmem:s31+$0x4B0]  }
0x119: {  	v3 =	vld [tilespmem:s31+$0x44F0];
	_ =	sdelay $0x1  }
0x11a: {  	v47 =	vld [tilespmem:s8+$0xFFFFFC70];
	_ =	sdelay $0x2  }
0x11b: {  	v2 =	vadd.f32 v3, v2;
	_ =	sdelay $0x1  }
0x11c: {  	v2 =	vadd.f32 v47, v2;
	_ =	sdelay $0x1  }
0x11d: {  	v2 =	vmax.f32 v2, $0.0e+00  }
0x11e: {  	[tilespmem:s31+$0xC4B0] =	vst v2  }
0x11f: {  	[tilespmem:s29+$0xFFFFFC70] =	vst v2  }
0x120: {  	v2 =	vld [tilespmem:s31+$0x500]  }
0x121: {  	v3 =	vld [tilespmem:s31+$0x4540];
	_ =	sdelay $0x1  }
0x122: {  	v48 =	vld [tilespmem:s8+$0x0];
	_ =	sdelay $0x2  }
0x123: {  	v2 =	vadd.f32 v3, v2;
	_ =	sdelay $0x1  }
0x124: {  	v2 =	vadd.f32 v48, v2;
	_ =	sdelay $0x1  }
0x125: {  	v2 =	vmax.f32 v2, $0.0e+00  }
0x126: {  	[tilespmem:s31+$0xC500] =	vst v2  }
0x127: {  	[tilespmem:s29+$0x0] =	vst v2  }
0x128: {  	v2 =	vld [tilespmem:s31+$0x510]  }
0x129: {  	v3 =	vld [tilespmem:s31+$0x4550];
	_ =	sdelay $0x1  }
0x12a: {  	v49 =	vld [tilespmem:s8+$0x10];
	_ =	sdelay $0x2  }
0x12b: {  	v2 =	vadd.f32 v3, v2;
	_ =	sdelay $0x1  }
0x12c: {  	v2 =	vadd.f32 v49, v2;
	_ =	sdelay $0x1  }
0x12d: {  	v2 =	vmax.f32 v2, $0.0e+00  }
0x12e: {  	[tilespmem:s31+$0xC510] =	vst v2  }
0x12f: {  	[tilespmem:s29+$0x10] =	vst v2  }
0x130: {  	v2 =	vld [tilespmem:s31+$0x520]  }
0x131: {  	v3 =	vld [tilespmem:s31+$0x4560];
	_ =	sdelay $0x1  }
0x132: {  	v50 =	vld [tilespmem:s8+$0x20];
	_ =	sdelay $0x2  }
0x133: {  	v2 =	vadd.f32 v3, v2;
	_ =	sdelay $0x1  }
0x134: {  	v2 =	vadd.f32 v50, v2;
	_ =	sdelay $0x1  }
0x135: {  	v2 =	vmax.f32 v2, $0.0e+00  }
0x136: {  	[tilespmem:s31+$0xC520] =	vst v2  }
0x137: {  	[tilespmem:s29+$0x20] =	vst v2  }
0x138: {  	v2 =	vld [tilespmem:s31+$0x530]  }
0x139: {  	v3 =	vld [tilespmem:s31+$0x4570];
	_ =	sdelay $0x1  }
0x13a: {  	v51 =	vld [tilespmem:s8+$0x30];
	_ =	sdelay $0x2  }
0x13b: {  	v2 =	vadd.f32 v3, v2;
	_ =	sdelay $0x1  }
0x13c: {  	v2 =	vadd.f32 v51, v2;
	_ =	sdelay $0x1  }
0x13d: {  	v2 =	vmax.f32 v2, $0.0e+00  }
0x13e: {  	[tilespmem:s31+$0xC530] =	vst v2  }
0x13f: {  	[tilespmem:s29+$0x30] =	vst v2  }
0x140: {  	v2 =	vld [tilespmem:s31+$0x580]  }
0x141: {  	v3 =	vld [tilespmem:s31+$0x45C0];
	_ =	sdelay $0x1  }
0x142: {  	v52 =	vld [tilespmem:s8+$0x40];
	_ =	sdelay $0x2  }
0x143: {  	v2 =	vadd.f32 v3, v2;
	_ =	sdelay $0x1  }
0x144: {  	v2 =	vadd.f32 v52, v2;
	_ =	sdelay $0x1  }
0x145: {  	v2 =	vmax.f32 v2, $0.0e+00  }
0x146: {  	[tilespmem:s31+$0xC580] =	vst v2  }
0x147: {  	[tilespmem:s29+$0x40] =	vst v2  }
0x148: {  	v2 =	vld [tilespmem:s31+$0x590]  }
0x149: {  	v3 =	vld [tilespmem:s31+$0x45D0];
	_ =	sdelay $0x1  }
0x14a: {  	v53 =	vld [tilespmem:s8+$0x50];
	_ =	sdelay $0x2  }
0x14b: {  	v2 =	vadd.f32 v3, v2;
	_ =	sdelay $0x1  }
0x14c: {  	v2 =	vadd.f32 v53, v2;
	_ =	sdelay $0x1  }
0x14d: {  	v2 =	vmax.f32 v2, $0.0e+00  }
0x14e: {  	[tilespmem:s31+$0xC590] =	vst v2  }
0x14f: {  	[tilespmem:s29+$0x50] =	vst v2  }
0x150: {  	v2 =	vld [tilespmem:s31+$0x5A0]  }
0x151: {  	v3 =	vld [tilespmem:s31+$0x45E0];
	_ =	sdelay $0x1  }
0x152: {  	v54 =	vld [tilespmem:s8+$0x60];
	_ =	sdelay $0x2  }
0x153: {  	v2 =	vadd.f32 v3, v2;
	_ =	sdelay $0x1  }
0x154: {  	v2 =	vadd.f32 v54, v2;
	_ =	sdelay $0x1  }
0x155: {  	v2 =	vmax.f32 v2, $0.0e+00  }
0x156: {  	[tilespmem:s31+$0xC5A0] =	vst v2  }
0x157: {  	[tilespmem:s29+$0x60] =	vst v2  }
0x158: {  	v2 =	vld [tilespmem:s31+$0x5B0]  }
0x159: {  	v3 =	vld [tilespmem:s31+$0x45F0];
	_ =	sdelay $0x1  }
0x15a: {  	v55 =	vld [tilespmem:s8+$0x70];
	_ =	sdelay $0x2  }
0x15b: {  	v2 =	vadd.f32 v3, v2;
	_ =	sdelay $0x1  }
0x15c: {  	v2 =	vadd.f32 v55, v2;
	_ =	sdelay $0x1  }
0x15d: {  	v2 =	vmax.f32 v2, $0.0e+00  }
0x15e: {  	[tilespmem:s31+$0xC5B0] =	vst v2  }
0x15f: {  	[tilespmem:s29+$0x70] =	vst v2  }
0x160: {  	v2 =	vld [tilespmem:s31+$0x600]  }
0x161: {  	v3 =	vld [tilespmem:s31+$0x4640];
	_ =	sdelay $0x1  }
0x162: {  	v56 =	vld [tilespmem:s8+$0x400];
	_ =	sdelay $0x2  }
0x163: {  	v2 =	vadd.f32 v3, v2;
	_ =	sdelay $0x1  }
0x164: {  	v2 =	vadd.f32 v56, v2;
	_ =	sdelay $0x1  }
0x165: {  	v2 =	vmax.f32 v2, $0.0e+00  }
0x166: {  	[tilespmem:s31+$0xC600] =	vst v2  }
0x167: {  	[tilespmem:s29+$0x400] =	vst v2  }
0x168: {  	v2 =	vld [tilespmem:s31+$0x610]  }
0x169: {  	v3 =	vld [tilespmem:s31+$0x4650];
	_ =	sdelay $0x1  }
0x16a: {  	v57 =	vld [tilespmem:s8+$0x410];
	_ =	sdelay $0x2  }
0x16b: {  	v2 =	vadd.f32 v3, v2;
	_ =	sdelay $0x1  }
0x16c: {  	v2 =	vadd.f32 v57, v2;
	_ =	sdelay $0x1  }
0x16d: {  	v2 =	vmax.f32 v2, $0.0e+00  }
0x16e: {  	[tilespmem:s31+$0xC610] =	vst v2  }
0x16f: {  	[tilespmem:s29+$0x410] =	vst v2  }
0x170: {  	v2 =	vld [tilespmem:s31+$0x620]  }
0x171: {  	v3 =	vld [tilespmem:s31+$0x4660];
	_ =	sdelay $0x1  }
0x172: {  	v58 =	vld [tilespmem:s8+$0x420];
	_ =	sdelay $0x2  }
0x173: {  	v2 =	vadd.f32 v3, v2;
	_ =	sdelay $0x1  }
0x174: {  	v2 =	vadd.f32 v58, v2;
	_ =	sdelay $0x1  }
0x175: {  	v2 =	vmax.f32 v2, $0.0e+00  }
0x176: {  	[tilespmem:s31+$0xC620] =	vst v2  }
0x177: {  	[tilespmem:s29+$0x420] =	vst v2  }
0x178: {  	v2 =	vld [tilespmem:s31+$0x630]  }
0x179: {  	v3 =	vld [tilespmem:s31+$0x4670];
	_ =	sdelay $0x1  }
0x17a: {  	v59 =	vld [tilespmem:s8+$0x430];
	_ =	sdelay $0x2  }
0x17b: {  	v2 =	vadd.f32 v3, v2;
	_ =	sdelay $0x1  }
0x17c: {  	v2 =	vadd.f32 v59, v2;
	_ =	sdelay $0x1  }
0x17d: {  	v2 =	vmax.f32 v2, $0.0e+00  }
0x17e: {  	[tilespmem:s31+$0xC630] =	vst v2  }
0x17f: {  	[tilespmem:s29+$0x430] =	vst v2  }
0x180: {  	v2 =	vld [tilespmem:s31+$0x680]  }
0x181: {  	v3 =	vld [tilespmem:s31+$0x46C0];
	_ =	sdelay $0x1  }
0x182: {  	v60 =	vld [tilespmem:s8+$0x440];
	_ =	sdelay $0x2  }
0x183: {  	v2 =	vadd.f32 v3, v2;
	_ =	sdelay $0x1  }
0x184: {  	v2 =	vadd.f32 v60, v2;
	_ =	sdelay $0x1  }
0x185: {  	v2 =	vmax.f32 v2, $0.0e+00  }
0x186: {  	[tilespmem:s31+$0xC680] =	vst v2  }
0x187: {  	[tilespmem:s29+$0x440] =	vst v2  }
0x188: {  	v2 =	vld [tilespmem:s31+$0x690]  }
0x189: {  	v3 =	vld [tilespmem:s31+$0x46D0];
	_ =	sdelay $0x1  }
0x18a: {  	v61 =	vld [tilespmem:s8+$0x450];
	_ =	sdelay $0x2  }
0x18b: {  	v2 =	vadd.f32 v3, v2;
	_ =	sdelay $0x1  }
0x18c: {  	v2 =	vadd.f32 v61, v2;
	_ =	sdelay $0x1  }
0x18d: {  	v2 =	vmax.f32 v2, $0.0e+00  }
0x18e: {  	[tilespmem:s31+$0xC690] =	vst v2  }
0x18f: {  	[tilespmem:s29+$0x450] =	vst v2  }
0x190: {  	v2 =	vld [tilespmem:s31+$0x6A0]  }
0x191: {  	v3 =	vld [tilespmem:s31+$0x46E0];
	_ =	sdelay $0x1  }
0x192: {  	v62 =	vld [tilespmem:s8+$0x460];
	_ =	sdelay $0x2  }
0x193: {  	v2 =	vadd.f32 v3, v2;
	_ =	sdelay $0x1  }
0x194: {  	v2 =	vadd.f32 v62, v2;
	_ =	sdelay $0x1  }
0x195: {  	v2 =	vmax.f32 v2, $0.0e+00  }
0x196: {  	[tilespmem:s31+$0xC6A0] =	vst v2  }
0x197: {  	[tilespmem:s29+$0x460] =	vst v2  }
0x198: {  	v2 =	vld [tilespmem:s31+$0x6B0]  }
0x199: {  	v3 =	vld [tilespmem:s31+$0x46F0];
	_ =	sdelay $0x1  }
0x19a: {  	v63 =	vld [tilespmem:s8+$0x470];
	_ =	sdelay $0x2  }
0x19b: {  	v2 =	vadd.f32 v3, v2  }
0x19c: {  	p1 =	sne.s32 s3, $0x7000  }
.Ltmp4:
0x19d: {  	v2 =	vadd.f32 v63, v2;
	(pc) =	sbr.rel @p1 .LBB2_7-.Ltmp4, $4  }
0x19e: {  	_ = 	snop  }
0x19f: {  	v2 =	vmax.f32 v2, $0.0e+00  }
0x1a0: {  	[tilespmem:s31+$0xC6B0] =	vst v2  }
0x1a1: {  	s3 =	sadd.s32 $0x1000, s3;
	s8 =	sadd.s32 $0x80, s8;
	[tilespmem:s29+$0x470] =	vst v2;
	s29 =	sadd.s32 $0x80, s29  }
0x1a2: {  	s3 =	simm.s32 $0xC300;
	s8 =	simm.s32 $0x200;
	s29 =	sshll.u32 s15, $0xA  }
0x1a3: {  	[spmem:s4] =	stream.indirect.scatter.add.f32 [tilespmem:s3], [sflag:$0x8], $0x80, s8, s9, $0xb8;
	[tilespmem:$0x18300] =	vst v63  }
0x1a4: {  	s31 =	simm.s32 $0xA300;
	s3 =	sadd.s32 s29, s20  }
0x1a5: {  	[hbm4b:s3+s5] =	stream.linear.scatter [tilespmem:s31], [sflag:$0xA], $0x1000, $0x38;
	[tilespmem:$0x18300] =	vst v63  }
0x1a6: {  	s3 =	simm.s32 @!p0 $0x1  }
0x1a7: {  	_ =	swait.ge @!p0 [sflag:s3], $0x40  }
0x1a8: {  	[sflag:s3] =	ssyncset.done @!p0 $0x0  }
0x1a9: {  	[sflag:s3] =	ssyncadd.s32 @!p0 $0xFFFFFFC0  }
0x1aa: {  	_ =	swait.ge @!p0 [sflag:s3], $0x40  }
0x1ab: {  	p1 =	seq.s32 @!p0 s15, $0x0;
	s8 =	simm.s32 @!p0 $0x40;
	[sflag:s3] =	ssyncset.done @!p0 $0x0  }
0x1ac: {  	s29 =	simm.s32 @!p0 $0x300;
	[sflag:s3] =	ssyncadd.s32 @!p0 $0xFFFFFFC0;
	s3 =	simm.s32 @!p0 $0x0  }
0x1ad: {  	[tilespmem:s29], [sflag:$0x2] =	stream.indirect.gather @!p0 [hbm4b:s1+s8], $0x80, s3, s8, $0xb8;
	[tilespmem:$0x18300] =	vst v63  }
0x1ae: {  	p1 =	por p0, !p1;
	s31 =	simm.s32 @!p0 $0x4300;
	s29 =	simm.s32 @!p0 $0x100  }
0x1af: {  	[tilespmem:s31], [sflag:$0x4] =	stream.indirect.gather @!p0 [hbm4b:s1+s8], $0x80, s29, s8, $0xb8;
	[tilespmem:$0x18300] =	vst v63  }
.Ltmp5:
0x1b0: {  	_ = 	snop;
	(pc) =	sbr.rel @!p1 .LBB2_10-.Ltmp5, $4  }
0x1b1: {  	s8 =	sshll.u32 @!p0 s24, $0x3  }
0x1b2: {  	s24 =	simm.s32 @!p0 $0x8300;
	s8 =	sadd.s32 @!p0 s2, s8  }
0x1b3: {  	[tilespmem:s24], [sflag:$0x6] =	stream.linear.gather @!p0 [hbm4b:s8+s3], $0x1000, $0x38;
	[tilespmem:$0x18300] =	vst v63  }
0x1b4: {  	s24 =	sor.u32 @!p0 s25, s22  }
0x1b5: {  	_ =	swait.ge [sflag:s10], $0x2000  }
0x1b6: {  	[sflag:s10] =	ssyncset.done $0x0  }
0x1b7: {  	[sflag:s10] =	ssyncadd.s32 $0xFFFFE000  }
0x1b8: {  	_ =	swait.ge [sflag:s11], $0x1000  }
0x1b9: {  	[sflag:s11] =	ssyncset.done $0x0  }
0x1ba: {  	s24 =	smov.u32 @p0 s21;
	[sflag:s11] =	ssyncadd.s32 $0xFFFFF000  }
.LBB2_10:
0x1bb: {  	_ =	swait.ge [sflag:s26], $0x2000  }
0x1bc: {  	[sflag:s26] =	ssyncset.done $0x0  }
0x1bd: {  	[sflag:s26] =	ssyncadd.s32 $0xFFFFE000  }
0x1be: {  	_ =	swait.ge [sflag:s12], $0x2000  }
0x1bf: {  	[sflag:s12] =	ssyncset.done $0x0  }
0x1c0: {  	[sflag:s12] =	ssyncadd.s32 $0xFFFFE000  }
0x1c1: {  	_ =	swait.ge [sflag:s18], $0x1000  }
0x1c2: {  	[sflag:s18] =	ssyncset.done $0x0  }
0x1c3: {  	[sflag:s18] =	ssyncadd.s32 $0xFFFFF000  }
0x1c4: {  	v2 =	vld [tilespmem:$0x80]  }
0x1c5: {  	v3 =	vld [tilespmem:$0x90]  }
0x1c6: {  	v4 =	vld [tilespmem:$0xA0]  }
0x1c7: {  	v5 =	vld [tilespmem:$0xB0];
	_ =	sdelay $0x1  }
0x1c8: {  	s8 =	sadd.s32 @!p0 s22, s23;
	[tilespmem:$0x280] =	vst v2  }
0x1c9: {  	s8 =	sshrl.u32 @!p0 s8, $0x2;
	[tilespmem:$0x290] =	vst v3  }
0x1ca: {  	s29 =	sand.u32 @!p0 $0xFFE0, s8;
	[tilespmem:$0x2A0] =	vst v4  }
0x1cb: {  	s31 =	simm.s32 @!p0 $0x80;
	s29 =	sadd.s32 @!p0 s29, s14;
	[tilespmem:$0x2B0] =	vst v5  }
0x1cc: {  	[tilespmem:s31], [sflag:$0x1] =	stream.linear.gather @!p0 [hbm4b:s29+s3], $0x40, $0x38;
	[tilespmem:$0x18300] =	vst v63  }
0x1cd: {  	s8 =	sadd.s32 @!p0 s8, s14;
	s29 =	simm.s32 @!p0 $0x180  }
0x1ce: {  	[tilespmem:s29], [sflag:$0x1] =	stream.linear.gather @!p0 [hbm4b:s8+s3], $0x40, $0x38;
	[tilespmem:$0x18300] =	vst v63  }
0x1cf: {  	s8 =	simm.s32 $0x0;
	s29 =	simm.s32 $0xBF70;
	s3 =	simm.s32 $0x9F70  }
.LBB2_11:
0x1d0: {  	s31 =	sshra.s32 s8, $0x2  }
0x1d1: {  	v2 =	vld [tilespmem:s31+$0x2300]  }
0x1d2: {  	v3 =	vld [tilespmem:s31+$0x6340];
	_ =	sdelay $0x1  }
0x1d3: {  	v4 =	vld [tilespmem:s3+$0xFFFFF390];
	_ =	sdelay $0x2  }
0x1d4: {  	v2 =	vadd.f32 v3, v2;
	_ =	sdelay $0x1  }
0x1d5: {  	v2 =	vadd.f32 v4, v2;
	_ =	sdelay $0x1  }
0x1d6: {  	v2 =	vmax.f32 v2, $0.0e+00  }
0x1d7: {  	[tilespmem:s31+$0xE300] =	vst v2  }
0x1d8: {  	[tilespmem:s29+$0xFFFFF390] =	vst v2  }
0x1d9: {  	v2 =	vld [tilespmem:s31+$0x2310]  }
0x1da: {  	v3 =	vld [tilespmem:s31+$0x6350];
	_ =	sdelay $0x1  }
0x1db: {  	v33 =	vld [tilespmem:s3+$0xFFFFF3A0];
	_ =	sdelay $0x2  }
0x1dc: {  	v2 =	vadd.f32 v3, v2;
	_ =	sdelay $0x1  }
0x1dd: {  	v2 =	vadd.f32 v33, v2;
	_ =	sdelay $0x1  }
0x1de: {  	v2 =	vmax.f32 v2, $0.0e+00  }
0x1df: {  	[tilespmem:s31+$0xE310] =	vst v2  }
0x1e0: {  	[tilespmem:s29+$0xFFFFF3A0] =	vst v2  }
0x1e1: {  	v2 =	vld [tilespmem:s31+$0x2320]  }
0x1e2: {  	v3 =	vld [tilespmem:s31+$0x6360];
	_ =	sdelay $0x1  }
0x1e3: {  	v34 =	vld [tilespmem:s3+$0xFFFFF3B0];
	_ =	sdelay $0x2  }
0x1e4: {  	v2 =	vadd.f32 v3, v2;
	_ =	sdelay $0x1  }
0x1e5: {  	v2 =	vadd.f32 v34, v2;
	_ =	sdelay $0x1  }
0x1e6: {  	v2 =	vmax.f32 v2, $0.0e+00  }
0x1e7: {  	[tilespmem:s31+$0xE320] =	vst v2  }
0x1e8: {  	[tilespmem:s29+$0xFFFFF3B0] =	vst v2  }
0x1e9: {  	v2 =	vld [tilespmem:s31+$0x2330]  }
0x1ea: {  	v3 =	vld [tilespmem:s31+$0x6370];
	_ =	sdelay $0x1  }
0x1eb: {  	v35 =	vld [tilespmem:s3+$0xFFFFF3C0];
	_ =	sdelay $0x2  }
0x1ec: {  	v2 =	vadd.f32 v3, v2;
	_ =	sdelay $0x1  }
0x1ed: {  	v2 =	vadd.f32 v35, v2;
	_ =	sdelay $0x1  }
0x1ee: {  	v2 =	vmax.f32 v2, $0.0e+00  }
0x1ef: {  	[tilespmem:s31+$0xE330] =	vst v2  }
0x1f0: {  	[tilespmem:s29+$0xFFFFF3C0] =	vst v2  }
0x1f1: {  	v2 =	vld [tilespmem:s31+$0x2380]  }
0x1f2: {  	v3 =	vld [tilespmem:s31+$0x63C0];
	_ =	sdelay $0x1  }
0x1f3: {  	v36 =	vld [tilespmem:s3+$0xFFFFF3D0];
	_ =	sdelay $0x2  }
0x1f4: {  	v2 =	vadd.f32 v3, v2;
	_ =	sdelay $0x1  }
0x1f5: {  	v2 =	vadd.f32 v36, v2;
	_ =	sdelay $0x1  }
0x1f6: {  	v2 =	vmax.f32 v2, $0.0e+00  }
0x1f7: {  	[tilespmem:s31+$0xE380] =	vst v2  }
0x1f8: {  	[tilespmem:s29+$0xFFFFF3D0] =	vst v2  }
0x1f9: {  	v2 =	vld [tilespmem:s31+$0x2390]  }
0x1fa: {  	v3 =	vld [tilespmem:s31+$0x63D0];
	_ =	sdelay $0x1  }
0x1fb: {  	v37 =	vld [tilespmem:s3+$0xFFFFF3E0];
	_ =	sdelay $0x2  }
0x1fc: {  	v2 =	vadd.f32 v3, v2;
	_ =	sdelay $0x1  }
0x1fd: {  	v2 =	vadd.f32 v37, v2;
	_ =	sdelay $0x1  }
0x1fe: {  	v2 =	vmax.f32 v2, $0.0e+00  }
0x1ff: {  	[tilespmem:s31+$0xE390] =	vst v2  }
0x200: {  	[tilespmem:s29+$0xFFFFF3E0] =	vst v2  }
0x201: {  	v2 =	vld [tilespmem:s31+$0x23A0]  }
0x202: {  	v3 =	vld [tilespmem:s31+$0x63E0];
	_ =	sdelay $0x1  }
0x203: {  	v38 =	vld [tilespmem:s3+$0xFFFFF3F0];
	_ =	sdelay $0x2  }
0x204: {  	v2 =	vadd.f32 v3, v2;
	_ =	sdelay $0x1  }
0x205: {  	v2 =	vadd.f32 v38, v2;
	_ =	sdelay $0x1  }
0x206: {  	v2 =	vmax.f32 v2, $0.0e+00  }
0x207: {  	[tilespmem:s31+$0xE3A0] =	vst v2  }
0x208: {  	[tilespmem:s29+$0xFFFFF3F0] =	vst v2  }
0x209: {  	v2 =	vld [tilespmem:s31+$0x23B0]  }
0x20a: {  	v3 =	vld [tilespmem:s31+$0x63F0];
	_ =	sdelay $0x1  }
0x20b: {  	v39 =	vld [tilespmem:s3+$0xFFFFF400];
	_ =	sdelay $0x2  }
0x20c: {  	v2 =	vadd.f32 v3, v2;
	_ =	sdelay $0x1  }
0x20d: {  	v2 =	vadd.f32 v39, v2;
	_ =	sdelay $0x1  }
0x20e: {  	v2 =	vmax.f32 v2, $0.0e+00  }
0x20f: {  	[tilespmem:s31+$0xE3B0] =	vst v2  }
0x210: {  	[tilespmem:s29+$0xFFFFF400] =	vst v2  }
0x211: {  	v2 =	vld [tilespmem:s31+$0x2400]  }
0x212: {  	v3 =	vld [tilespmem:s31+$0x6440];
	_ =	sdelay $0x1  }
0x213: {  	v40 =	vld [tilespmem:s3+$0xFFFFF790];
	_ =	sdelay $0x2  }
0x214: {  	v2 =	vadd.f32 v3, v2;
	_ =	sdelay $0x1  }
0x215: {  	v2 =	vadd.f32 v40, v2;
	_ =	sdelay $0x1  }
0x216: {  	v2 =	vmax.f32 v2, $0.0e+00  }
0x217: {  	[tilespmem:s31+$0xE400] =	vst v2  }
0x218: {  	[tilespmem:s29+$0xFFFFF790] =	vst v2  }
0x219: {  	v2 =	vld [tilespmem:s31+$0x2410]  }
0x21a: {  	v3 =	vld [tilespmem:s31+$0x6450];
	_ =	sdelay $0x1  }
0x21b: {  	v41 =	vld [tilespmem:s3+$0xFFFFF7A0];
	_ =	sdelay $0x2  }
0x21c: {  	v2 =	vadd.f32 v3, v2;
	_ =	sdelay $0x1  }
0x21d: {  	v2 =	vadd.f32 v41, v2;
	_ =	sdelay $0x1  }
0x21e: {  	v2 =	vmax.f32 v2, $0.0e+00  }
0x21f: {  	[tilespmem:s31+$0xE410] =	vst v2  }
0x220: {  	[tilespmem:s29+$0xFFFFF7A0] =	vst v2  }
0x221: {  	v2 =	vld [tilespmem:s31+$0x2420]  }
0x222: {  	v3 =	vld [tilespmem:s31+$0x6460];
	_ =	sdelay $0x1  }
0x223: {  	v42 =	vld [tilespmem:s3+$0xFFFFF7B0];
	_ =	sdelay $0x2  }
0x224: {  	v2 =	vadd.f32 v3, v2;
	_ =	sdelay $0x1  }
0x225: {  	v2 =	vadd.f32 v42, v2;
	_ =	sdelay $0x1  }
0x226: {  	v2 =	vmax.f32 v2, $0.0e+00  }
0x227: {  	[tilespmem:s31+$0xE420] =	vst v2  }
0x228: {  	[tilespmem:s29+$0xFFFFF7B0] =	vst v2  }
0x229: {  	v2 =	vld [tilespmem:s31+$0x2430]  }
0x22a: {  	v3 =	vld [tilespmem:s31+$0x6470];
	_ =	sdelay $0x1  }
0x22b: {  	v43 =	vld [tilespmem:s3+$0xFFFFF7C0];
	_ =	sdelay $0x2  }
0x22c: {  	v2 =	vadd.f32 v3, v2;
	_ =	sdelay $0x1  }
0x22d: {  	v2 =	vadd.f32 v43, v2;
	_ =	sdelay $0x1  }
0x22e: {  	v2 =	vmax.f32 v2, $0.0e+00  }
0x22f: {  	[tilespmem:s31+$0xE430] =	vst v2  }
0x230: {  	[tilespmem:s29+$0xFFFFF7C0] =	vst v2  }
0x231: {  	v2 =	vld [tilespmem:s31+$0x2480]  }
0x232: {  	v3 =	vld [tilespmem:s31+$0x64C0];
	_ =	sdelay $0x1  }
0x233: {  	v44 =	vld [tilespmem:s3+$0xFFFFF7D0];
	_ =	sdelay $0x2  }
0x234: {  	v2 =	vadd.f32 v3, v2;
	_ =	sdelay $0x1  }
0x235: {  	v2 =	vadd.f32 v44, v2;
	_ =	sdelay $0x1  }
0x236: {  	v2 =	vmax.f32 v2, $0.0e+00  }
0x237: {  	[tilespmem:s31+$0xE480] =	vst v2  }
0x238: {  	[tilespmem:s29+$0xFFFFF7D0] =	vst v2  }
0x239: {  	v2 =	vld [tilespmem:s31+$0x2490]  }
0x23a: {  	v3 =	vld [tilespmem:s31+$0x64D0];
	_ =	sdelay $0x1  }
0x23b: {  	v45 =	vld [tilespmem:s3+$0xFFFFF7E0];
	_ =	sdelay $0x2  }
0x23c: {  	v2 =	vadd.f32 v3, v2;
	_ =	sdelay $0x1  }
0x23d: {  	v2 =	vadd.f32 v45, v2;
	_ =	sdelay $0x1  }
0x23e: {  	v2 =	vmax.f32 v2, $0.0e+00  }
0x23f: {  	[tilespmem:s31+$0xE490] =	vst v2  }
0x240: {  	[tilespmem:s29+$0xFFFFF7E0] =	vst v2  }
0x241: {  	v2 =	vld [tilespmem:s31+$0x24A0]  }
0x242: {  	v3 =	vld [tilespmem:s31+$0x64E0];
	_ =	sdelay $0x1  }
0x243: {  	v46 =	vld [tilespmem:s3+$0xFFFFF7F0];
	_ =	sdelay $0x2  }
0x244: {  	v2 =	vadd.f32 v3, v2;
	_ =	sdelay $0x1  }
0x245: {  	v2 =	vadd.f32 v46, v2;
	_ =	sdelay $0x1  }
0x246: {  	v2 =	vmax.f32 v2, $0.0e+00  }
0x247: {  	[tilespmem:s31+$0xE4A0] =	vst v2  }
0x248: {  	[tilespmem:s29+$0xFFFFF7F0] =	vst v2  }
0x249: {  	v2 =	vld [tilespmem:s31+$0x24B0]  }
0x24a: {  	v3 =	vld [tilespmem:s31+$0x64F0];
	_ =	sdelay $0x1  }
0x24b: {  	v47 =	vld [tilespmem:s3+$0xFFFFF800];
	_ =	sdelay $0x2  }
0x24c: {  	v2 =	vadd.f32 v3, v2;
	_ =	sdelay $0x1  }
0x24d: {  	v2 =	vadd.f32 v47, v2;
	_ =	sdelay $0x1  }
0x24e: {  	v2 =	vmax.f32 v2, $0.0e+00  }
0x24f: {  	[tilespmem:s31+$0xE4B0] =	vst v2  }
0x250: {  	[tilespmem:s29+$0xFFFFF800] =	vst v2  }
0x251: {  	v2 =	vld [tilespmem:s31+$0x2500]  }
0x252: {  	v3 =	vld [tilespmem:s31+$0x6540];
	_ =	sdelay $0x1  }
0x253: {  	v48 =	vld [tilespmem:s3+$0xFFFFFB90];
	_ =	sdelay $0x2  }
0x254: {  	v2 =	vadd.f32 v3, v2;
	_ =	sdelay $0x1  }
0x255: {  	v2 =	vadd.f32 v48, v2;
	_ =	sdelay $0x1  }
0x256: {  	v2 =	vmax.f32 v2, $0.0e+00  }
0x257: {  	[tilespmem:s31+$0xE500] =	vst v2  }
0x258: {  	[tilespmem:s29+$0xFFFFFB90] =	vst v2  }
0x259: {  	v2 =	vld [tilespmem:s31+$0x2510]  }
0x25a: {  	v3 =	vld [tilespmem:s31+$0x6550];
	_ =	sdelay $0x1  }
0x25b: {  	v49 =	vld [tilespmem:s3+$0xFFFFFBA0];
	_ =	sdelay $0x2  }
0x25c: {  	v2 =	vadd.f32 v3, v2;
	_ =	sdelay $0x1  }
0x25d: {  	v2 =	vadd.f32 v49, v2;
	_ =	sdelay $0x1  }
0x25e: {  	v2 =	vmax.f32 v2, $0.0e+00  }
0x25f: {  	[tilespmem:s31+$0xE510] =	vst v2  }
0x260: {  	[tilespmem:s29+$0xFFFFFBA0] =	vst v2  }
0x261: {  	v2 =	vld [tilespmem:s31+$0x2520]  }
0x262: {  	v3 =	vld [tilespmem:s31+$0x6560];
	_ =	sdelay $0x1  }
0x263: {  	v50 =	vld [tilespmem:s3+$0xFFFFFBB0];
	_ =	sdelay $0x2  }
0x264: {  	v2 =	vadd.f32 v3, v2;
	_ =	sdelay $0x1  }
0x265: {  	v2 =	vadd.f32 v50, v2;
	_ =	sdelay $0x1  }
0x266: {  	v2 =	vmax.f32 v2, $0.0e+00  }
0x267: {  	[tilespmem:s31+$0xE520] =	vst v2  }
0x268: {  	[tilespmem:s29+$0xFFFFFBB0] =	vst v2  }
0x269: {  	v2 =	vld [tilespmem:s31+$0x2530]  }
0x26a: {  	v3 =	vld [tilespmem:s31+$0x6570];
	_ =	sdelay $0x1  }
0x26b: {  	v51 =	vld [tilespmem:s3+$0xFFFFFBC0];
	_ =	sdelay $0x2  }
0x26c: {  	v2 =	vadd.f32 v3, v2;
	_ =	sdelay $0x1  }
0x26d: {  	v2 =	vadd.f32 v51, v2;
	_ =	sdelay $0x1  }
0x26e: {  	v2 =	vmax.f32 v2, $0.0e+00  }
0x26f: {  	[tilespmem:s31+$0xE530] =	vst v2  }
0x270: {  	[tilespmem:s29+$0xFFFFFBC0] =	vst v2  }
0x271: {  	v2 =	vld [tilespmem:s31+$0x2580]  }
0x272: {  	v3 =	vld [tilespmem:s31+$0x65C0];
	_ =	sdelay $0x1  }
0x273: {  	v52 =	vld [tilespmem:s3+$0xFFFFFBD0];
	_ =	sdelay $0x2  }
0x274: {  	v2 =	vadd.f32 v3, v2;
	_ =	sdelay $0x1  }
0x275: {  	v2 =	vadd.f32 v52, v2;
	_ =	sdelay $0x1  }
0x276: {  	v2 =	vmax.f32 v2, $0.0e+00  }
0x277: {  	[tilespmem:s31+$0xE580] =	vst v2  }
0x278: {  	[tilespmem:s29+$0xFFFFFBD0] =	vst v2  }
0x279: {  	v2 =	vld [tilespmem:s31+$0x2590]  }
0x27a: {  	v3 =	vld [tilespmem:s31+$0x65D0];
	_ =	sdelay $0x1  }
0x27b: {  	v53 =	vld [tilespmem:s3+$0xFFFFFBE0];
	_ =	sdelay $0x2  }
0x27c: {  	v2 =	vadd.f32 v3, v2;
	_ =	sdelay $0x1  }
0x27d: {  	v2 =	vadd.f32 v53, v2;
	_ =	sdelay $0x1  }
0x27e: {  	v2 =	vmax.f32 v2, $0.0e+00  }
0x27f: {  	[tilespmem:s31+$0xE590] =	vst v2  }
0x280: {  	[tilespmem:s29+$0xFFFFFBE0] =	vst v2  }
0x281: {  	v2 =	vld [tilespmem:s31+$0x25A0]  }
0x282: {  	v3 =	vld [tilespmem:s31+$0x65E0];
	_ =	sdelay $0x1  }
0x283: {  	v54 =	vld [tilespmem:s3+$0xFFFFFBF0];
	_ =	sdelay $0x2  }
0x284: {  	v2 =	vadd.f32 v3, v2;
	_ =	sdelay $0x1  }
0x285: {  	v2 =	vadd.f32 v54, v2;
	_ =	sdelay $0x1  }
0x286: {  	v2 =	vmax.f32 v2, $0.0e+00  }
0x287: {  	[tilespmem:s31+$0xE5A0] =	vst v2  }
0x288: {  	[tilespmem:s29+$0xFFFFFBF0] =	vst v2  }
0x289: {  	v2 =	vld [tilespmem:s31+$0x25B0]  }
0x28a: {  	v3 =	vld [tilespmem:s31+$0x65F0];
	_ =	sdelay $0x1  }
0x28b: {  	v55 =	vld [tilespmem:s3+$0xFFFFFC00];
	_ =	sdelay $0x2  }
0x28c: {  	v2 =	vadd.f32 v3, v2;
	_ =	sdelay $0x1  }
0x28d: {  	v2 =	vadd.f32 v55, v2;
	_ =	sdelay $0x1  }
0x28e: {  	v2 =	vmax.f32 v2, $0.0e+00  }
0x28f: {  	[tilespmem:s31+$0xE5B0] =	vst v2  }
0x290: {  	[tilespmem:s29+$0xFFFFFC00] =	vst v2  }
0x291: {  	v2 =	vld [tilespmem:s31+$0x2600]  }
0x292: {  	v3 =	vld [tilespmem:s31+$0x6640];
	_ =	sdelay $0x1  }
0x293: {  	v56 =	vld [tilespmem:s3+$0xFFFFFF90];
	_ =	sdelay $0x2  }
0x294: {  	v2 =	vadd.f32 v3, v2;
	_ =	sdelay $0x1  }
0x295: {  	v2 =	vadd.f32 v56, v2;
	_ =	sdelay $0x1  }
0x296: {  	v2 =	vmax.f32 v2, $0.0e+00  }
0x297: {  	[tilespmem:s31+$0xE600] =	vst v2  }
0x298: {  	[tilespmem:s29+$0xFFFFFF90] =	vst v2  }
0x299: {  	v2 =	vld [tilespmem:s31+$0x2610]  }
0x29a: {  	v3 =	vld [tilespmem:s31+$0x6650];
	_ =	sdelay $0x1  }
0x29b: {  	v57 =	vld [tilespmem:s3+$0xFFFFFFA0];
	_ =	sdelay $0x2  }
0x29c: {  	v2 =	vadd.f32 v3, v2;
	_ =	sdelay $0x1  }
0x29d: {  	v2 =	vadd.f32 v57, v2;
	_ =	sdelay $0x1  }
0x29e: {  	v2 =	vmax.f32 v2, $0.0e+00  }
0x29f: {  	[tilespmem:s31+$0xE610] =	vst v2  }
0x2a0: {  	[tilespmem:s29+$0xFFFFFFA0] =	vst v2  }
0x2a1: {  	v2 =	vld [tilespmem:s31+$0x2620]  }
0x2a2: {  	v3 =	vld [tilespmem:s31+$0x6660];
	_ =	sdelay $0x1  }
0x2a3: {  	v58 =	vld [tilespmem:s3+$0xFFFFFFB0];
	_ =	sdelay $0x2  }
0x2a4: {  	v2 =	vadd.f32 v3, v2;
	_ =	sdelay $0x1  }
0x2a5: {  	v2 =	vadd.f32 v58, v2;
	_ =	sdelay $0x1  }
0x2a6: {  	v2 =	vmax.f32 v2, $0.0e+00  }
0x2a7: {  	[tilespmem:s31+$0xE620] =	vst v2  }
0x2a8: {  	[tilespmem:s29+$0xFFFFFFB0] =	vst v2  }
0x2a9: {  	v2 =	vld [tilespmem:s31+$0x2630]  }
0x2aa: {  	v3 =	vld [tilespmem:s31+$0x6670];
	_ =	sdelay $0x1  }
0x2ab: {  	v59 =	vld [tilespmem:s3+$0xFFFFFFC0];
	_ =	sdelay $0x2  }
0x2ac: {  	v2 =	vadd.f32 v3, v2;
	_ =	sdelay $0x1  }
0x2ad: {  	v2 =	vadd.f32 v59, v2;
	_ =	sdelay $0x1  }
0x2ae: {  	v2 =	vmax.f32 v2, $0.0e+00  }
0x2af: {  	[tilespmem:s31+$0xE630] =	vst v2  }
0x2b0: {  	[tilespmem:s29+$0xFFFFFFC0] =	vst v2  }
0x2b1: {  	v2 =	vld [tilespmem:s31+$0x2680]  }
0x2b2: {  	v3 =	vld [tilespmem:s31+$0x66C0];
	_ =	sdelay $0x1  }
0x2b3: {  	v60 =	vld [tilespmem:s3+$0xFFFFFFD0];
	_ =	sdelay $0x2  }
0x2b4: {  	v2 =	vadd.f32 v3, v2;
	_ =	sdelay $0x1  }
0x2b5: {  	v2 =	vadd.f32 v60, v2;
	_ =	sdelay $0x1  }
0x2b6: {  	v2 =	vmax.f32 v2, $0.0e+00  }
0x2b7: {  	[tilespmem:s31+$0xE680] =	vst v2  }
0x2b8: {  	[tilespmem:s29+$0xFFFFFFD0] =	vst v2  }
0x2b9: {  	v2 =	vld [tilespmem:s31+$0x2690]  }
0x2ba: {  	v3 =	vld [tilespmem:s31+$0x66D0];
	_ =	sdelay $0x1  }
0x2bb: {  	v61 =	vld [tilespmem:s3+$0xFFFFFFE0];
	_ =	sdelay $0x2  }
0x2bc: {  	v2 =	vadd.f32 v3, v2;
	_ =	sdelay $0x1  }
0x2bd: {  	v2 =	vadd.f32 v61, v2;
	_ =	sdelay $0x1  }
0x2be: {  	v2 =	vmax.f32 v2, $0.0e+00  }
0x2bf: {  	[tilespmem:s31+$0xE690] =	vst v2  }
0x2c0: {  	[tilespmem:s29+$0xFFFFFFE0] =	vst v2  }
0x2c1: {  	v2 =	vld [tilespmem:s31+$0x26A0]  }
0x2c2: {  	v3 =	vld [tilespmem:s31+$0x66E0];
	_ =	sdelay $0x1  }
0x2c3: {  	v62 =	vld [tilespmem:s3+$0xFFFFFFF0];
	_ =	sdelay $0x2  }
0x2c4: {  	v2 =	vadd.f32 v3, v2;
	_ =	sdelay $0x1  }
0x2c5: {  	v2 =	vadd.f32 v62, v2;
	_ =	sdelay $0x1  }
0x2c6: {  	v2 =	vmax.f32 v2, $0.0e+00  }
0x2c7: {  	[tilespmem:s31+$0xE6A0] =	vst v2  }
0x2c8: {  	[tilespmem:s29+$0xFFFFFFF0] =	vst v2  }
0x2c9: {  	v2 =	vld [tilespmem:s31+$0x26B0]  }
0x2ca: {  	v3 =	vld [tilespmem:s31+$0x66F0];
	_ =	sdelay $0x1  }
0x2cb: {  	v63 =	vld [tilespmem:s3+$0x0];
	_ =	sdelay $0x2  }
0x2cc: {  	v2 =	vadd.f32 v3, v2  }
0x2cd: {  	p1 =	sne.s32 s8, $0x7000  }
.Ltmp6:
0x2ce: {  	v2 =	vadd.f32 v63, v2;
	(pc) =	sbr.rel @p1 .LBB2_11-.Ltmp6, $4  }
0x2cf: {  	_ = 	snop  }
0x2d0: {  	v2 =	vmax.f32 v2, $0.0e+00  }
0x2d1: {  	[tilespmem:s31+$0xE6B0] =	vst v2  }
0x2d2: {  	s8 =	sadd.s32 $0x1000, s8;
	s3 =	sadd.s32 $0x80, s3;
	[tilespmem:s29+$0x0] =	vst v2;
	s29 =	sadd.s32 $0x80, s29  }
.Ltmp7:
0x2d3: {  	(pc) =	sbr.rel @p0 .LBB2_14-.Ltmp7, $4  }
0x2d4: {  	s3 =	simm.s32 $0x280;
	s8 =	simm.s32 $0xE300;
	s29 =	sshll.u32 s24, $0x3  }
0x2d5: {  	[spmem:s4] =	stream.indirect.scatter.add.f32 [tilespmem:s8], [sflag:$0x9], $0x80, s3, s9, $0xb8;
	[tilespmem:$0x18300] =	vst v63  }
0x2d6: {  	s31 =	simm.s32 $0xB300;
	s3 =	sadd.s32 s7, s29  }
0x2d7: {  	[hbm4b:s3+s5] =	stream.linear.scatter [tilespmem:s31], [sflag:$0xB], $0x1000, $0x38;
	[tilespmem:$0x18300] =	vst v63  }
0x2d8: {  	_ =	swait.ge [sflag:s6], $0x40  }
0x2d9: {  	[sflag:s6] =	ssyncset.done $0x0  }
0x2da: {  	[sflag:s6] =	ssyncadd.s32 $0xFFFFFFC0  }
0x2db: {  	_ =	swait.ge [sflag:s6], $0x40  }
0x2dc: {  	[sflag:s6] =	ssyncset.done $0x0  }
0x2dd: {  	s3 =	simm.s32 $0x2300;
	[sflag:s6] =	ssyncadd.s32 $0xFFFFFFC0  }
0x2de: {  	[tilespmem:s3], [sflag:$0x3] =	stream.indirect.gather [hbm4b:s1+s9], $0x80, s0, s9, $0xb8;
	[tilespmem:$0x18300] =	vst v63  }
.Ltmp8:
0x2df: {  	s31 =	sadd.s32 s22, s23;
	(pc) =	sbr.rel .LBB2_6-.Ltmp8, $4  }
0x2e0: {  	s29 =	simm.s32 $0x6300;
	s3 =	sshll.u32 s31, $0x3  }
0x2e1: {  	[tilespmem:s29], [sflag:$0x5] =	stream.indirect.gather [hbm4b:s1+s9], $0x80, s28, s9, $0xb8;
	[tilespmem:$0x18300] =	vst v63  }
0x2e2: {  	s8 =	simm.s32 $0x9300;
	s15 =	sadd.s32 $0x1, s15;
	s3 =	sadd.s32 s2, s3  }
0x2e3: {  	[tilespmem:s8], [sflag:$0x7] =	stream.linear.gather [hbm4b:s3+s5], $0x1000, $0x38;
	[tilespmem:$0x18300] =	vst v63  }
.LBB2_15:
0x2e4: {  	_ =	sfence.sel $0x180000  }
0x2e5: {  	[bflag:$0x0] =	sbarrier.arrive $0xFFFF  }
0x2e6: {  	_ =	strace $0x90000047  }
0x2e7: {  	s0 =	stileid.u32;
	[bflag:$0x2] =	sbarrier.arrive $0xFFFF  }
0x2e8: {  	p0 =	sne.s32 s0, $0x0;
	s0 =	rddreg [dreg:$0x6]  }
0x2e9: {  	s0 =	sadd.s32 @!p0 $0x100000, s0  }
0x2ea: {  	[sflag:s0] =	ssyncadd.tile.s32 @!p0 $0x1;
	_ =	shalt  }
.Lfunc_end2:
_tile_overlayer_lowered:
.L_overlay_start_2:
0x2eb: {  	(tag) =	ssettag $0x2  }
0x2ec: {  	s0 =	rddreg [dreg:$0x0];
	s2 =	stileid.u32  }
0x2ed: {  	s1 =	rddreg [dreg:$0x1];
	p0 =	sne.s32 s2, $0x0  }
0x2ee: {  	s3 =	rddreg [dreg:$0x2];
	[bflag:$0x3] =	sbarrier.arrive $0xFFFF;
	s2 =	simm.s32 @!p0 $0x1C0C  }
0x2ef: {  	[timem:s3], [sflag:s2] =	dma.local @!p0 [hbm:s0], s1  }
0x2f0: {  	s0 =	simm.s32 @!p0 $0xC  }
0x2f1: {  	_ =	swait.ge @!p0 [sflag:s0], s1  }
0x2f2: {  	s1 =	ssub.s32 @!p0 $0x0, s1;
	[sflag:s0] =	ssyncset.done @!p0 $0x0  }
0x2f3: {  	[sflag:s0] =	ssyncadd.s32 @!p0 s1  }
0x2f4: {  	[bflag:$0x3] =	sbarrier.arrive $0xFFFF  }
0x2f5: {  	_ =	shalt  }

</sc_bundles>
